<compile_context>
chip_gen: v7x
topology: tpu7x:2x2x1
jax: 0.10.2.dev20260603
libtpu: 0.0.44.dev20260713+nightly
codegen_flags: <defaults>
</compile_context>

<pallas_src>
import jax
import jax.numpy as jnp
from jax import lax
from jax.experimental import pallas as pl
from jax.experimental.pallas import tpu as pltpu
from jax.experimental.pallas import tpu_sc as plsc

B = 4096
S = 200
D = 32
C = 20
V = 1000000
NC = 2
NS = 16
NW = NC * NS
ROWS_PER_W = B // NW
CH = S // 2

NU = V // 128
TAIL = V - NU * 128
U_PER_W = NU // NW
U_EXTRA = NU % NW

def _i16():
    return jnp.arange(16, dtype=jnp.int32)


N_ITERS = U_PER_W + 2


def _format_body(tT_hbm, tail_hbm, out_hbm, inb, outb, tailb, sems):
    wid = lax.axis_index("subcore") * NC + lax.axis_index("core")
    u0 = wid * U_PER_W + jnp.minimum(wid, U_EXTRA)
    I16 = _i16()

    def unit(i):
        return jnp.minimum(u0 + i, NU - 1)

    def fire(u, b):
        pltpu.async_copy(
            tT_hbm.at[pl.ds(0, D), pl.ds(128 * u, 128)],
            inb.at[b], sems.at[b])

    def wait_in(b):
        pltpu.make_async_copy(
            tT_hbm.at[pl.ds(0, D), pl.ds(0, 128)],
            inb.at[b], sems.at[b]).wait()

    def wait_out(b):
        pltpu.make_async_copy(
            outb.at[b], out_hbm.at[pl.ds(0, 32)], sems.at[2 + b]).wait()

    fire(unit(0), 0)

    @pl.loop(0, N_ITERS, step=2)
    def _(i0):
        for db in range(2):
            i = i0 + db
            u = unit(i)

            @pl.when(i + 1 < N_ITERS)
            def _(i=i, db=db):
                fire(unit(i + 1), 1 - db)

            wait_in(db)

            @pl.when(i >= 2)
            def _(db=db):
                wait_out(db)

            for d0 in (0, 16):
                dvec = I16 + d0

                @pl.loop(0, 128, step=16)
                def _(r0, db=db, d0=d0, dvec=dvec):
                    r0q = r0 >> 2
                    for g in range(0, 16, 4):
                        srcs = []
                        idxs = []
                        for k in range(g, g + 4):
                            perm = (I16 + k) & 15
                            gdst = (perm << 5) + dvec
                            srcs.append(plsc.load_gather(
                                inb.at[db], [dvec, perm + r0]))
                            idxs.append(((gdst >> 7) + r0q, gdst & 127))
                        for kk in range(4):
                            mj, mn = idxs[kk]
                            plsc.store_scatter(
                                outb.at[db], [mj, mn], srcs[kk])

            pltpu.async_copy(
                outb.at[db], out_hbm.at[pl.ds(32 * u, 32)], sems.at[2 + db])

    wait_out(0)
    wait_out(1)

    @pl.when(wid == 0)
    def _():
        pltpu.sync_copy(tail_hbm, tailb)
        pltpu.sync_copy(tailb, out_hbm.at[pl.ds(32 * NU, 16)])


NBUF = 8


def _pool_body(x_hbm, table_hbm, out_hbm, idx_v, rows_v, pooled_v, sems):
    wid = lax.axis_index("subcore") * NC + lax.axis_index("core")
    base = wid * ROWS_PER_W
    pltpu.sync_copy(x_hbm.at[pl.ds(base * 2, ROWS_PER_W * 2)], idx_v)

    def fire(r, b):
        pltpu.async_copy(
            table_hbm.at[idx_v.at[2 * r]],
            rows_v.at[b, pl.ds(0, CH)], sems.at[b])
        pltpu.async_copy(
            table_hbm.at[idx_v.at[2 * r + 1]],
            rows_v.at[b, pl.ds(CH, CH)], sems.at[b])

    def drain(b):
        pltpu.make_async_copy(
            table_hbm.at[pl.ds(0, S)], rows_v.at[b], sems.at[b]).wait()

    for b in range(NBUF):
        fire(b, b)

    @pl.loop(0, ROWS_PER_W, step=NBUF)
    def _(r0):
        for b in range(NBUF):
            drain(b)

            def red(j, acc):
                a0, a1, c0, c1 = acc
                j4 = 4 * j
                a0 = a0 + rows_v[b, j4, pl.ds(0, 16)]
                a1 = a1 + rows_v[b, j4, pl.ds(16, 16)]
                c0 = c0 + rows_v[b, j4 + 1, pl.ds(0, 16)]
                c1 = c1 + rows_v[b, j4 + 1, pl.ds(16, 16)]
                a0 = a0 + rows_v[b, j4 + 2, pl.ds(0, 16)]
                a1 = a1 + rows_v[b, j4 + 2, pl.ds(16, 16)]
                c0 = c0 + rows_v[b, j4 + 3, pl.ds(0, 16)]
                c1 = c1 + rows_v[b, j4 + 3, pl.ds(16, 16)]
                return (a0, a1, c0, c1)

            z = jnp.zeros((16,), jnp.float32)
            a0, a1, c0, c1 = lax.fori_loop(0, S // 4, red, (z, z, z, z))

            @pl.when(r0 < ROWS_PER_W - NBUF)
            def _():
                fire(r0 + NBUF + b, b)

            pooled_v[r0 + b, pl.ds(0, 16)] = a0 + c0
            pooled_v[r0 + b, pl.ds(16, 16)] = a1 + c1

    pltpu.sync_copy(pooled_v, out_hbm.at[pl.ds(base, ROWS_PER_W)])


def _linear_body(p_ref, w_ref, b_ref, o_ref):
    o_ref[...] = (
        jnp.dot(p_ref[...], w_ref[...], preferred_element_type=jnp.float32)
        + b_ref[...])


def kernel(x, table, W, b):
    x2 = x.astype(jnp.int32).reshape(B * 2, CH)
    mesh = plsc.VectorSubcoreMesh(
        core_axis_name="core", subcore_axis_name="subcore")

    tT = table.T
    tail = table[NU * 128:].reshape(16, 128)

    fmt = pl.kernel(
        _format_body,
        out_type=jax.ShapeDtypeStruct((V // 4, 128), jnp.float32),
        mesh=mesh,
        scratch_types=[
            pltpu.VMEM((2, 32, 128), jnp.float32),
            pltpu.VMEM((2, 32, 128), jnp.float32),
            pltpu.VMEM((16, 128), jnp.float32),
            pltpu.SemaphoreType.DMA((4,)),
        ],
        compiler_params=pltpu.CompilerParams(
            use_tc_tiling_on_sc=True, needs_layout_passes=False),
    )
    table_rm = fmt(tT, tail).reshape(V, D)

    pool = pl.kernel(
        _pool_body,
        out_type=jax.ShapeDtypeStruct((B, D), jnp.float32),
        mesh=mesh,
        scratch_types=[
            pltpu.VMEM((2 * ROWS_PER_W, CH), jnp.int32),
            pltpu.VMEM((NBUF, S, D), jnp.float32),
            pltpu.VMEM((ROWS_PER_W, D), jnp.float32),
            pltpu.SemaphoreType.DMA((NBUF,)),
        ],
        compiler_params=pltpu.CompilerParams(use_tc_tiling_on_sc=False),
    )
    pooled = pool(x2, table_rm)

    logits = pl.pallas_call(
        _linear_body,
        out_shape=jax.ShapeDtypeStruct((B, C), jnp.float32),
    )(pooled, W, b.reshape(1, C))
    return logits

# --- scband reference (transcript-rebuilt; emitter-appended) ---
"""Pipeline reference for scband-text-classifier-72129680769025 (READ-ONLY COPY).

The authoritative reference and input builder live on the scoring server;
editing this copy changes nothing except your own understanding.
"""

import jax, jax.numpy as jnp
import numpy as np

VOCAB = 1000000
EMBED_DIM = 32
NUM_CLASSES = 20
PADDING_IDX = 0
BATCH = 4096
SEQ = 200

def setup_inputs(seed: int = 0) -> dict:
    key = jax.random.key(seed)
    k1, k2, k3 = jax.random.split(key, 3)
    x = jax.random.randint(k1, (BATCH, SEQ), 0, VOCAB, dtype=jnp.int64 if jax.config.jax_enable_x64 else jnp.int32)
    table = jax.random.normal(k2, (VOCAB, EMBED_DIM), dtype=jnp.float32) * 0.02
    # nn.Embedding zeros out the padding_idx row at init
    table = table.at[PADDING_IDX].set(0.0)
    W = jax.random.normal(k3, (EMBED_DIM, NUM_CLASSES), dtype=jnp.float32) * 0.02
    b = jnp.zeros((NUM_CLASSES,), dtype=jnp.float32)
    return {"x": x, "table": table, "W": W, "b": b}

def reference(x, table, W, b):
    # embedding lookup with padding_idx semantics: padding positions contribute zero
    emb = table[x]  # [B, S, D] gather
    emb = jnp.where((x == PADDING_IDX)[..., None], 0.0, emb)
    pooled = jnp.sum(emb, axis=1)  # [B, D]
    logits = pooled @ W + b  # [B, C]
    return logits

if __name__ == "__main__":
    import jax
    _d = setup_inputs()
    print(jax.jit(kernel)(*tuple(_d.values())))

</pallas_src>

<mosaic_0001>
#map = affine_map<(d0, d1) -> (0, 0)>
module attributes {stable_mosaic.version = 14 : i64} {
  func.func @_pool_body(%arg0: i32, %arg1: i32, %arg2: memref<8192x100xi32, #tpu.memory_space<hbm>>, %arg3: memref<1000000x32xf32, #tpu.memory_space<hbm>>, %arg4: memref<4096x32xf32, #tpu.memory_space<hbm>>, %arg5: memref<256x100xi32, #tpu.memory_space<vmem>>, %arg6: memref<8x200x32xf32, #tpu.memory_space<vmem>>, %arg7: memref<128x32xf32, #tpu.memory_space<vmem>>, %arg8: memref<8x!tpu.dma_semaphore, #tpu.memory_space<semaphore_mem>>) attributes {dimension_semantics = [#tpu.dimension_semantics<core_parallel>, #tpu.dimension_semantics<subcore_parallel>], iteration_bounds = array<i64: 2, 16>, scalar_prefetch = 0 : i64, scratch_operands = 4 : i64, tpu.core_type = #tpu.core_type<sc_vector_subcore>, window_params = [{transform_indices = #map}, {transform_indices = #map}, {transform_indices = #map}]} {
    %mul3A = arith.constant 2 : i32
    %mul3A_0 = arith.muli %arg1, %mul3A : i32
    %add3A = arith.addi %mul3A_0, %arg0 : i32
    %mul3A_1 = arith.constant 128 : i32
    %mul3A_2 = arith.muli %add3A, %mul3A_1 : i32
    %mul3A_3 = arith.constant 2 : i32
    %mul3A_4 = arith.muli %mul3A_2, %mul3A_3 : i32
    "tpu.region"() ({
      %run_scoped3A = tpu.sem_alloc : memref<!tpu.dma_semaphore, #tpu.memory_space<semaphore_mem>>
      %dma_start3A_248 = arith.constant 0 : i32
      %dma_start3A_249 = tpu.memref_slice %arg2[%mul3A_4, %dma_start3A_248] : memref<8192x100xi32, #tpu.memory_space<hbm>> -> memref<256x100xi32, #tpu.memory_space<hbm>>
      %dma_start3A_250 = arith.constant 0 : i32
      %dma_start3A_251 = tpu.memref_slice %arg2[%mul3A_4, %dma_start3A_250] : memref<8192x100xi32, #tpu.memory_space<hbm>> -> memref<256x100xi32, #tpu.memory_space<hbm>>
      tpu.enqueue_dma source(%dma_start3A_251 : memref<256x100xi32, #tpu.memory_space<hbm>>) target(%arg5 : memref<256x100xi32, #tpu.memory_space<vmem>>) target_semaphore(%run_scoped3A : memref<!tpu.dma_semaphore, #tpu.memory_space<semaphore_mem>>)
      %dma_wait3A = arith.constant 0 : i32
      %dma_wait3A_252 = tpu.memref_slice %arg2[%mul3A_4, %dma_wait3A] : memref<8192x100xi32, #tpu.memory_space<hbm>> -> memref<256x100xi32, #tpu.memory_space<hbm>>
      %dma_wait3A_253 = arith.constant 0 : i32
      %dma_wait3A_254 = tpu.memref_slice %arg2[%mul3A_4, %dma_wait3A_253] : memref<8192x100xi32, #tpu.memory_space<hbm>> -> memref<256x100xi32, #tpu.memory_space<hbm>>
      tpu.wait_dma2 semaphore(%run_scoped3A : memref<!tpu.dma_semaphore, #tpu.memory_space<semaphore_mem>>) src(%dma_wait3A_254 : memref<256x100xi32, #tpu.memory_space<hbm>>) dst(%arg5 : memref<256x100xi32, #tpu.memory_space<vmem>>)
      tpu.yield
    }) : () -> ()
    %dma_start3A = arith.constant 0 : i32
    %dma_start3A_5 = arith.constant 0 : i32
    %dma_start3A_6 = arith.constant 0 : i32
    %dma_start3A_7 = arith.constant 0 : i32
    %dma_start3A_8 = arith.constant 0 : i32
    %dma_start3A_9 = tpu.memref_slice %arg6[%dma_start3A_5, %dma_start3A_7, %dma_start3A_8] : memref<8x200x32xf32, #tpu.memory_space<vmem>> -> memref<1x100x32xf32, #tpu.memory_space<vmem>>
    %dma_start3A_10 = tpu.memref_squeeze %dma_start3A_9 : memref<1x100x32xf32, #tpu.memory_space<vmem>> -> memref<100x32xf32, #tpu.memory_space<vmem>>
    %dma_start3A_11 = arith.constant 0 : i32
    %dma_start3A_12 = tpu.memref_slice %arg5[%dma_start3A, %dma_start3A_11] : memref<256x100xi32, #tpu.memory_space<vmem>> -> memref<1x100xi32, #tpu.memory_space<vmem>>
    %dma_start3A_13 = tpu.memref_squeeze %dma_start3A_12 : memref<1x100xi32, #tpu.memory_space<vmem>> -> memref<100xi32, #tpu.memory_space<vmem>>
    %dma_start3A_14 = arith.constant 0 : i32
    %dma_start3A_15 = arith.constant 0 : i32
    %dma_start3A_16 = tpu.memref_slice %arg3[%dma_start3A_14, %dma_start3A_15] : memref<1000000x32xf32, #tpu.memory_space<hbm>> -> memref<1000000x32xf32, #tpu.memory_space<hbm>>
    %dma_start3A_17 = tpu.memref_slice %arg8[%dma_start3A_6] : memref<8x!tpu.dma_semaphore, #tpu.memory_space<semaphore_mem>> -> memref<1x!tpu.dma_semaphore, #tpu.memory_space<semaphore_mem>>
    %dma_start3A_18 = tpu.memref_squeeze %dma_start3A_17 : memref<1x!tpu.dma_semaphore, #tpu.memory_space<semaphore_mem>> -> memref<!tpu.dma_semaphore, #tpu.memory_space<semaphore_mem>>
    tpu.enqueue_indirect_dma source(%dma_start3A_16 : memref<1000000x32xf32, #tpu.memory_space<hbm>>) target(%dma_start3A_10 : memref<100x32xf32, #tpu.memory_space<vmem>>) offsets(%dma_start3A_13 : memref<100xi32, #tpu.memory_space<vmem>>) semaphore(%dma_start3A_18 : memref<!tpu.dma_semaphore, #tpu.memory_space<semaphore_mem>>)
    %dma_start3A_19 = arith.constant 1 : i32
    %dma_start3A_20 = arith.constant 0 : i32
    %dma_start3A_21 = arith.constant 0 : i32
    %dma_start3A_22 = arith.constant 100 : i32
    %dma_start3A_23 = arith.constant 0 : i32
    %dma_start3A_24 = tpu.memref_slice %arg6[%dma_start3A_20, %dma_start3A_22, %dma_start3A_23] : memref<8x200x32xf32, #tpu.memory_space<vmem>> -> memref<1x100x32xf32, #tpu.memory_space<vmem>>
    %dma_start3A_25 = tpu.memref_squeeze %dma_start3A_24 : memref<1x100x32xf32, #tpu.memory_space<vmem>> -> memref<100x32xf32, #tpu.memory_space<vmem>>
    %dma_start3A_26 = arith.constant 0 : i32
    %dma_start3A_27 = tpu.memref_slice %arg5[%dma_start3A_19, %dma_start3A_26] : memref<256x100xi32, #tpu.memory_space<vmem>> -> memref<1x100xi32, #tpu.memory_space<vmem>>
    %dma_start3A_28 = tpu.memref_squeeze %dma_start3A_27 : memref<1x100xi32, #tpu.memory_space<vmem>> -> memref<100xi32, #tpu.memory_space<vmem>>
    %dma_start3A_29 = arith.constant 0 : i32
    %dma_start3A_30 = arith.constant 0 : i32
    %dma_start3A_31 = tpu.memref_slice %arg3[%dma_start3A_29, %dma_start3A_30] : memref<1000000x32xf32, #tpu.memory_space<hbm>> -> memref<1000000x32xf32, #tpu.memory_space<hbm>>
    %dma_start3A_32 = tpu.memref_slice %arg8[%dma_start3A_21] : memref<8x!tpu.dma_semaphore, #tpu.memory_space<semaphore_mem>> -> memref<1x!tpu.dma_semaphore, #tpu.memory_space<semaphore_mem>>
    %dma_start3A_33 = tpu.memref_squeeze %dma_start3A_32 : memref<1x!tpu.dma_semaphore, #tpu.memory_space<semaphore_mem>> -> memref<!tpu.dma_semaphore, #tpu.memory_space<semaphore_mem>>
    tpu.enqueue_indirect_dma source(%dma_start3A_31 : memref<1000000x32xf32, #tpu.memory_space<hbm>>) target(%dma_start3A_25 : memref<100x32xf32, #tpu.memory_space<vmem>>) offsets(%dma_start3A_28 : memref<100xi32, #tpu.memory_space<vmem>>) semaphore(%dma_start3A_33 : memref<!tpu.dma_semaphore, #tpu.memory_space<semaphore_mem>>)
    %dma_start3A_34 = arith.constant 2 : i32
    %dma_start3A_35 = arith.constant 1 : i32
    %dma_start3A_36 = arith.constant 1 : i32
    %dma_start3A_37 = arith.constant 0 : i32
    %dma_start3A_38 = arith.constant 0 : i32
    %dma_start3A_39 = tpu.memref_slice %arg6[%dma_start3A_35, %dma_start3A_37, %dma_start3A_38] : memref<8x200x32xf32, #tpu.memory_space<vmem>> -> memref<1x100x32xf32, #tpu.memory_space<vmem>>
    %dma_start3A_40 = tpu.memref_squeeze %dma_start3A_39 : memref<1x100x32xf32, #tpu.memory_space<vmem>> -> memref<100x32xf32, #tpu.memory_space<vmem>>
    %dma_start3A_41 = arith.constant 0 : i32
    %dma_start3A_42 = tpu.memref_slice %arg5[%dma_start3A_34, %dma_start3A_41] : memref<256x100xi32, #tpu.memory_space<vmem>> -> memref<1x100xi32, #tpu.memory_space<vmem>>
    %dma_start3A_43 = tpu.memref_squeeze %dma_start3A_42 : memref<1x100xi32, #tpu.memory_space<vmem>> -> memref<100xi32, #tpu.memory_space<vmem>>
    %dma_start3A_44 = arith.constant 0 : i32
    %dma_start3A_45 = arith.constant 0 : i32
    %dma_start3A_46 = tpu.memref_slice %arg3[%dma_start3A_44, %dma_start3A_45] : memref<1000000x32xf32, #tpu.memory_space<hbm>> -> memref<1000000x32xf32, #tpu.memory_space<hbm>>
    %dma_start3A_47 = tpu.memref_slice %arg8[%dma_start3A_36] : memref<8x!tpu.dma_semaphore, #tpu.memory_space<semaphore_mem>> -> memref<1x!tpu.dma_semaphore, #tpu.memory_space<semaphore_mem>>
    %dma_start3A_48 = tpu.memref_squeeze %dma_start3A_47 : memref<1x!tpu.dma_semaphore, #tpu.memory_space<semaphore_mem>> -> memref<!tpu.dma_semaphore, #tpu.memory_space<semaphore_mem>>
    tpu.enqueue_indirect_dma source(%dma_start3A_46 : memref<1000000x32xf32, #tpu.memory_space<hbm>>) target(%dma_start3A_40 : memref<100x32xf32, #tpu.memory_space<vmem>>) offsets(%dma_start3A_43 : memref<100xi32, #tpu.memory_space<vmem>>) semaphore(%dma_start3A_48 : memref<!tpu.dma_semaphore, #tpu.memory_space<semaphore_mem>>)
    %dma_start3A_49 = arith.constant 3 : i32
    %dma_start3A_50 = arith.constant 1 : i32
    %dma_start3A_51 = arith.constant 1 : i32
    %dma_start3A_52 = arith.constant 100 : i32
    %dma_start3A_53 = arith.constant 0 : i32
    %dma_start3A_54 = tpu.memref_slice %arg6[%dma_start3A_50, %dma_start3A_52, %dma_start3A_53] : memref<8x200x32xf32, #tpu.memory_space<vmem>> -> memref<1x100x32xf32, #tpu.memory_space<vmem>>
    %dma_start3A_55 = tpu.memref_squeeze %dma_start3A_54 : memref<1x100x32xf32, #tpu.memory_space<vmem>> -> memref<100x32xf32, #tpu.memory_space<vmem>>
    %dma_start3A_56 = arith.constant 0 : i32
    %dma_start3A_57 = tpu.memref_slice %arg5[%dma_start3A_49, %dma_start3A_56] : memref<256x100xi32, #tpu.memory_space<vmem>> -> memref<1x100xi32, #tpu.memory_space<vmem>>
    %dma_start3A_58 = tpu.memref_squeeze %dma_start3A_57 : memref<1x100xi32, #tpu.memory_space<vmem>> -> memref<100xi32, #tpu.memory_space<vmem>>
    %dma_start3A_59 = arith.constant 0 : i32
    %dma_start3A_60 = arith.constant 0 : i32
    %dma_start3A_61 = tpu.memref_slice %arg3[%dma_start3A_59, %dma_start3A_60] : memref<1000000x32xf32, #tpu.memory_space<hbm>> -> memref<1000000x32xf32, #tpu.memory_space<hbm>>
    %dma_start3A_62 = tpu.memref_slice %arg8[%dma_start3A_51] : memref<8x!tpu.dma_semaphore, #tpu.memory_space<semaphore_mem>> -> memref<1x!tpu.dma_semaphore, #tpu.memory_space<semaphore_mem>>
    %dma_start3A_63 = tpu.memref_squeeze %dma_start3A_62 : memref<1x!tpu.dma_semaphore, #tpu.memory_space<semaphore_mem>> -> memref<!tpu.dma_semaphore, #tpu.memory_space<semaphore_mem>>
    tpu.enqueue_indirect_dma source(%dma_start3A_61 : memref<1000000x32xf32, #tpu.memory_space<hbm>>) target(%dma_start3A_55 : memref<100x32xf32, #tpu.memory_space<vmem>>) offsets(%dma_start3A_58 : memref<100xi32, #tpu.memory_space<vmem>>) semaphore(%dma_start3A_63 : memref<!tpu.dma_semaphore, #tpu.memory_space<semaphore_mem>>)
    %dma_start3A_64 = arith.constant 4 : i32
    %dma_start3A_65 = arith.constant 2 : i32
    %dma_start3A_66 = arith.constant 2 : i32
    %dma_start3A_67 = arith.constant 0 : i32
    %dma_start3A_68 = arith.constant 0 : i32
    %dma_start3A_69 = tpu.memref_slice %arg6[%dma_start3A_65, %dma_start3A_67, %dma_start3A_68] : memref<8x200x32xf32, #tpu.memory_space<vmem>> -> memref<1x100x32xf32, #tpu.memory_space<vmem>>
    %dma_start3A_70 = tpu.memref_squeeze %dma_start3A_69 : memref<1x100x32xf32, #tpu.memory_space<vmem>> -> memref<100x32xf32, #tpu.memory_space<vmem>>
    %dma_start3A_71 = arith.constant 0 : i32
    %dma_start3A_72 = tpu.memref_slice %arg5[%dma_start3A_64, %dma_start3A_71] : memref<256x100xi32, #tpu.memory_space<vmem>> -> memref<1x100xi32, #tpu.memory_space<vmem>>
    %dma_start3A_73 = tpu.memref_squeeze %dma_start3A_72 : memref<1x100xi32, #tpu.memory_space<vmem>> -> memref<100xi32, #tpu.memory_space<vmem>>
    %dma_start3A_74 = arith.constant 0 : i32
    %dma_start3A_75 = arith.constant 0 : i32
    %dma_start3A_76 = tpu.memref_slice %arg3[%dma_start3A_74, %dma_start3A_75] : memref<1000000x32xf32, #tpu.memory_space<hbm>> -> memref<1000000x32xf32, #tpu.memory_space<hbm>>
    %dma_start3A_77 = tpu.memref_slice %arg8[%dma_start3A_66] : memref<8x!tpu.dma_semaphore, #tpu.memory_space<semaphore_mem>> -> memref<1x!tpu.dma_semaphore, #tpu.memory_space<semaphore_mem>>
    %dma_start3A_78 = tpu.memref_squeeze %dma_start3A_77 : memref<1x!tpu.dma_semaphore, #tpu.memory_space<semaphore_mem>> -> memref<!tpu.dma_semaphore, #tpu.memory_space<semaphore_mem>>
    tpu.enqueue_indirect_dma source(%dma_start3A_76 : memref<1000000x32xf32, #tpu.memory_space<hbm>>) target(%dma_start3A_70 : memref<100x32xf32, #tpu.memory_space<vmem>>) offsets(%dma_start3A_73 : memref<100xi32, #tpu.memory_space<vmem>>) semaphore(%dma_start3A_78 : memref<!tpu.dma_semaphore, #tpu.memory_space<semaphore_mem>>)
    %dma_start3A_79 = arith.constant 5 : i32
    %dma_start3A_80 = arith.constant 2 : i32
    %dma_start3A_81 = arith.constant 2 : i32
    %dma_start3A_82 = arith.constant 100 : i32
    %dma_start3A_83 = arith.constant 0 : i32
    %dma_start3A_84 = tpu.memref_slice %arg6[%dma_start3A_80, %dma_start3A_82, %dma_start3A_83] : memref<8x200x32xf32, #tpu.memory_space<vmem>> -> memref<1x100x32xf32, #tpu.memory_space<vmem>>
    %dma_start3A_85 = tpu.memref_squeeze %dma_start3A_84 : memref<1x100x32xf32, #tpu.memory_space<vmem>> -> memref<100x32xf32, #tpu.memory_space<vmem>>
    %dma_start3A_86 = arith.constant 0 : i32
    %dma_start3A_87 = tpu.memref_slice %arg5[%dma_start3A_79, %dma_start3A_86] : memref<256x100xi32, #tpu.memory_space<vmem>> -> memref<1x100xi32, #tpu.memory_space<vmem>>
    %dma_start3A_88 = tpu.memref_squeeze %dma_start3A_87 : memref<1x100xi32, #tpu.memory_space<vmem>> -> memref<100xi32, #tpu.memory_space<vmem>>
    %dma_start3A_89 = arith.constant 0 : i32
    %dma_start3A_90 = arith.constant 0 : i32
    %dma_start3A_91 = tpu.memref_slice %arg3[%dma_start3A_89, %dma_start3A_90] : memref<1000000x32xf32, #tpu.memory_space<hbm>> -> memref<1000000x32xf32, #tpu.memory_space<hbm>>
    %dma_start3A_92 = tpu.memref_slice %arg8[%dma_start3A_81] : memref<8x!tpu.dma_semaphore, #tpu.memory_space<semaphore_mem>> -> memref<1x!tpu.dma_semaphore, #tpu.memory_space<semaphore_mem>>
    %dma_start3A_93 = tpu.memref_squeeze %dma_start3A_92 : memref<1x!tpu.dma_semaphore, #tpu.memory_space<semaphore_mem>> -> memref<!tpu.dma_semaphore, #tpu.memory_space<semaphore_mem>>
    tpu.enqueue_indirect_dma source(%dma_start3A_91 : memref<1000000x32xf32, #tpu.memory_space<hbm>>) target(%dma_start3A_85 : memref<100x32xf32, #tpu.memory_space<vmem>>) offsets(%dma_start3A_88 : memref<100xi32, #tpu.memory_space<vmem>>) semaphore(%dma_start3A_93 : memref<!tpu.dma_semaphore, #tpu.memory_space<semaphore_mem>>)
    %dma_start3A_94 = arith.constant 6 : i32
    %dma_start3A_95 = arith.constant 3 : i32
    %dma_start3A_96 = arith.constant 3 : i32
    %dma_start3A_97 = arith.constant 0 : i32
    %dma_start3A_98 = arith.constant 0 : i32
    %dma_start3A_99 = tpu.memref_slice %arg6[%dma_start3A_95, %dma_start3A_97, %dma_start3A_98] : memref<8x200x32xf32, #tpu.memory_space<vmem>> -> memref<1x100x32xf32, #tpu.memory_space<vmem>>
    %dma_start3A_100 = tpu.memref_squeeze %dma_start3A_99 : memref<1x100x32xf32, #tpu.memory_space<vmem>> -> memref<100x32xf32, #tpu.memory_space<vmem>>
    %dma_start3A_101 = arith.constant 0 : i32
    %dma_start3A_102 = tpu.memref_slice %arg5[%dma_start3A_94, %dma_start3A_101] : memref<256x100xi32, #tpu.memory_space<vmem>> -> memref<1x100xi32, #tpu.memory_space<vmem>>
    %dma_start3A_103 = tpu.memref_squeeze %dma_start3A_102 : memref<1x100xi32, #tpu.memory_space<vmem>> -> memref<100xi32, #tpu.memory_space<vmem>>
    %dma_start3A_104 = arith.constant 0 : i32
    %dma_start3A_105 = arith.constant 0 : i32
    %dma_start3A_106 = tpu.memref_slice %arg3[%dma_start3A_104, %dma_start3A_105] : memref<1000000x32xf32, #tpu.memory_space<hbm>> -> memref<1000000x32xf32, #tpu.memory_space<hbm>>
    %dma_start3A_107 = tpu.memref_slice %arg8[%dma_start3A_96] : memref<8x!tpu.dma_semaphore, #tpu.memory_space<semaphore_mem>> -> memref<1x!tpu.dma_semaphore, #tpu.memory_space<semaphore_mem>>
    %dma_start3A_108 = tpu.memref_squeeze %dma_start3A_107 : memref<1x!tpu.dma_semaphore, #tpu.memory_space<semaphore_mem>> -> memref<!tpu.dma_semaphore, #tpu.memory_space<semaphore_mem>>
    tpu.enqueue_indirect_dma source(%dma_start3A_106 : memref<1000000x32xf32, #tpu.memory_space<hbm>>) target(%dma_start3A_100 : memref<100x32xf32, #tpu.memory_space<vmem>>) offsets(%dma_start3A_103 : memref<100xi32, #tpu.memory_space<vmem>>) semaphore(%dma_start3A_108 : memref<!tpu.dma_semaphore, #tpu.memory_space<semaphore_mem>>)
    %dma_start3A_109 = arith.constant 7 : i32
    %dma_start3A_110 = arith.constant 3 : i32
    %dma_start3A_111 = arith.constant 3 : i32
    %dma_start3A_112 = arith.constant 100 : i32
    %dma_start3A_113 = arith.constant 0 : i32
    %dma_start3A_114 = tpu.memref_slice %arg6[%dma_start3A_110, %dma_start3A_112, %dma_start3A_113] : memref<8x200x32xf32, #tpu.memory_space<vmem>> -> memref<1x100x32xf32, #tpu.memory_space<vmem>>
    %dma_start3A_115 = tpu.memref_squeeze %dma_start3A_114 : memref<1x100x32xf32, #tpu.memory_space<vmem>> -> memref<100x32xf32, #tpu.memory_space<vmem>>
    %dma_start3A_116 = arith.constant 0 : i32
    %dma_start3A_117 = tpu.memref_slice %arg5[%dma_start3A_109, %dma_start3A_116] : memref<256x100xi32, #tpu.memory_space<vmem>> -> memref<1x100xi32, #tpu.memory_space<vmem>>
    %dma_start3A_118 = tpu.memref_squeeze %dma_start3A_117 : memref<1x100xi32, #tpu.memory_space<vmem>> -> memref<100xi32, #tpu.memory_space<vmem>>
    %dma_start3A_119 = arith.constant 0 : i32
    %dma_start3A_120 = arith.constant 0 : i32
    %dma_start3A_121 = tpu.memref_slice %arg3[%dma_start3A_119, %dma_start3A_120] : memref<1000000x32xf32, #tpu.memory_space<hbm>> -> memref<1000000x32xf32, #tpu.memory_space<hbm>>
    %dma_start3A_122 = tpu.memref_slice %arg8[%dma_start3A_111] : memref<8x!tpu.dma_semaphore, #tpu.memory_space<semaphore_mem>> -> memref<1x!tpu.dma_semaphore, #tpu.memory_space<semaphore_mem>>
    %dma_start3A_123 = tpu.memref_squeeze %dma_start3A_122 : memref<1x!tpu.dma_semaphore, #tpu.memory_space<semaphore_mem>> -> memref<!tpu.dma_semaphore, #tpu.memory_space<semaphore_mem>>
    tpu.enqueue_indirect_dma source(%dma_start3A_121 : memref<1000000x32xf32, #tpu.memory_space<hbm>>) target(%dma_start3A_115 : memref<100x32xf32, #tpu.memory_space<vmem>>) offsets(%dma_start3A_118 : memref<100xi32, #tpu.memory_space<vmem>>) semaphore(%dma_start3A_123 : memref<!tpu.dma_semaphore, #tpu.memory_space<semaphore_mem>>)
    %dma_start3A_124 = arith.constant 8 : i32
    %dma_start3A_125 = arith.constant 4 : i32
    %dma_start3A_126 = arith.constant 4 : i32
    %dma_start3A_127 = arith.constant 0 : i32
    %dma_start3A_128 = arith.constant 0 : i32
    %dma_start3A_129 = tpu.memref_slice %arg6[%dma_start3A_125, %dma_start3A_127, %dma_start3A_128] : memref<8x200x32xf32, #tpu.memory_space<vmem>> -> memref<1x100x32xf32, #tpu.memory_space<vmem>>
    %dma_start3A_130 = tpu.memref_squeeze %dma_start3A_129 : memref<1x100x32xf32, #tpu.memory_space<vmem>> -> memref<100x32xf32, #tpu.memory_space<vmem>>
    %dma_start3A_131 = arith.constant 0 : i32
    %dma_start3A_132 = tpu.memref_slice %arg5[%dma_start3A_124, %dma_start3A_131] : memref<256x100xi32, #tpu.memory_space<vmem>> -> memref<1x100xi32, #tpu.memory_space<vmem>>
    %dma_start3A_133 = tpu.memref_squeeze %dma_start3A_132 : memref<1x100xi32, #tpu.memory_space<vmem>> -> memref<100xi32, #tpu.memory_space<vmem>>
    %dma_start3A_134 = arith.constant 0 : i32
    %dma_start3A_135 = arith.constant 0 : i32
    %dma_start3A_136 = tpu.memref_slice %arg3[%dma_start3A_134, %dma_start3A_135] : memref<1000000x32xf32, #tpu.memory_space<hbm>> -> memref<1000000x32xf32, #tpu.memory_space<hbm>>
    %dma_start3A_137 = tpu.memref_slice %arg8[%dma_start3A_126] : memref<8x!tpu.dma_semaphore, #tpu.memory_space<semaphore_mem>> -> memref<1x!tpu.dma_semaphore, #tpu.memory_space<semaphore_mem>>
    %dma_start3A_138 = tpu.memref_squeeze %dma_start3A_137 : memref<1x!tpu.dma_semaphore, #tpu.memory_space<semaphore_mem>> -> memref<!tpu.dma_semaphore, #tpu.memory_space<semaphore_mem>>
    tpu.enqueue_indirect_dma source(%dma_start3A_136 : memref<1000000x32xf32, #tpu.memory_space<hbm>>) target(%dma_start3A_130 : memref<100x32xf32, #tpu.memory_space<vmem>>) offsets(%dma_start3A_133 : memref<100xi32, #tpu.memory_space<vmem>>) semaphore(%dma_start3A_138 : memref<!tpu.dma_semaphore, #tpu.memory_space<semaphore_mem>>)
    %dma_start3A_139 = arith.constant 9 : i32
    %dma_start3A_140 = arith.constant 4 : i32
    %dma_start3A_141 = arith.constant 4 : i32
    %dma_start3A_142 = arith.constant 100 : i32
    %dma_start3A_143 = arith.constant 0 : i32
    %dma_start3A_144 = tpu.memref_slice %arg6[%dma_start3A_140, %dma_start3A_142, %dma_start3A_143] : memref<8x200x32xf32, #tpu.memory_space<vmem>> -> memref<1x100x32xf32, #tpu.memory_space<vmem>>
    %dma_start3A_145 = tpu.memref_squeeze %dma_start3A_144 : memref<1x100x32xf32, #tpu.memory_space<vmem>> -> memref<100x32xf32, #tpu.memory_space<vmem>>
    %dma_start3A_146 = arith.constant 0 : i32
    %dma_start3A_147 = tpu.memref_slice %arg5[%dma_start3A_139, %dma_start3A_146] : memref<256x100xi32, #tpu.memory_space<vmem>> -> memref<1x100xi32, #tpu.memory_space<vmem>>
    %dma_start3A_148 = tpu.memref_squeeze %dma_start3A_147 : memref<1x100xi32, #tpu.memory_space<vmem>> -> memref<100xi32, #tpu.memory_space<vmem>>
    %dma_start3A_149 = arith.constant 0 : i32
    %dma_start3A_150 = arith.constant 0 : i32
    %dma_start3A_151 = tpu.memref_slice %arg3[%dma_start3A_149, %dma_start3A_150] : memref<1000000x32xf32, #tpu.memory_space<hbm>> -> memref<1000000x32xf32, #tpu.memory_space<hbm>>
    %dma_start3A_152 = tpu.memref_slice %arg8[%dma_start3A_141] : memref<8x!tpu.dma_semaphore, #tpu.memory_space<semaphore_mem>> -> memref<1x!tpu.dma_semaphore, #tpu.memory_space<semaphore_mem>>
    %dma_start3A_153 = tpu.memref_squeeze %dma_start3A_152 : memref<1x!tpu.dma_semaphore, #tpu.memory_space<semaphore_mem>> -> memref<!tpu.dma_semaphore, #tpu.memory_space<semaphore_mem>>
    tpu.enqueue_indirect_dma source(%dma_start3A_151 : memref<1000000x32xf32, #tpu.memory_space<hbm>>) target(%dma_start3A_145 : memref<100x32xf32, #tpu.memory_space<vmem>>) offsets(%dma_start3A_148 : memref<100xi32, #tpu.memory_space<vmem>>) semaphore(%dma_start3A_153 : memref<!tpu.dma_semaphore, #tpu.memory_space<semaphore_mem>>)
    %dma_start3A_154 = arith.constant 10 : i32
    %dma_start3A_155 = arith.constant 5 : i32
    %dma_start3A_156 = arith.constant 5 : i32
    %dma_start3A_157 = arith.constant 0 : i32
    %dma_start3A_158 = arith.constant 0 : i32
    %dma_start3A_159 = tpu.memref_slice %arg6[%dma_start3A_155, %dma_start3A_157, %dma_start3A_158] : memref<8x200x32xf32, #tpu.memory_space<vmem>> -> memref<1x100x32xf32, #tpu.memory_space<vmem>>
    %dma_start3A_160 = tpu.memref_squeeze %dma_start3A_159 : memref<1x100x32xf32, #tpu.memory_space<vmem>> -> memref<100x32xf32, #tpu.memory_space<vmem>>
    %dma_start3A_161 = arith.constant 0 : i32
    %dma_start3A_162 = tpu.memref_slice %arg5[%dma_start3A_154, %dma_start3A_161] : memref<256x100xi32, #tpu.memory_space<vmem>> -> memref<1x100xi32, #tpu.memory_space<vmem>>
    %dma_start3A_163 = tpu.memref_squeeze %dma_start3A_162 : memref<1x100xi32, #tpu.memory_space<vmem>> -> memref<100xi32, #tpu.memory_space<vmem>>
    %dma_start3A_164 = arith.constant 0 : i32
    %dma_start3A_165 = arith.constant 0 : i32
    %dma_start3A_166 = tpu.memref_slice %arg3[%dma_start3A_164, %dma_start3A_165] : memref<1000000x32xf32, #tpu.memory_space<hbm>> -> memref<1000000x32xf32, #tpu.memory_space<hbm>>
    %dma_start3A_167 = tpu.memref_slice %arg8[%dma_start3A_156] : memref<8x!tpu.dma_semaphore, #tpu.memory_space<semaphore_mem>> -> memref<1x!tpu.dma_semaphore, #tpu.memory_space<semaphore_mem>>
    %dma_start3A_168 = tpu.memref_squeeze %dma_start3A_167 : memref<1x!tpu.dma_semaphore, #tpu.memory_space<semaphore_mem>> -> memref<!tpu.dma_semaphore, #tpu.memory_space<semaphore_mem>>
    tpu.enqueue_indirect_dma source(%dma_start3A_166 : memref<1000000x32xf32, #tpu.memory_space<hbm>>) target(%dma_start3A_160 : memref<100x32xf32, #tpu.memory_space<vmem>>) offsets(%dma_start3A_163 : memref<100xi32, #tpu.memory_space<vmem>>) semaphore(%dma_start3A_168 : memref<!tpu.dma_semaphore, #tpu.memory_space<semaphore_mem>>)
    %dma_start3A_169 = arith.constant 11 : i32
    %dma_start3A_170 = arith.constant 5 : i32
    %dma_start3A_171 = arith.constant 5 : i32
    %dma_start3A_172 = arith.constant 100 : i32
    %dma_start3A_173 = arith.constant 0 : i32
    %dma_start3A_174 = tpu.memref_slice %arg6[%dma_start3A_170, %dma_start3A_172, %dma_start3A_173] : memref<8x200x32xf32, #tpu.memory_space<vmem>> -> memref<1x100x32xf32, #tpu.memory_space<vmem>>
    %dma_start3A_175 = tpu.memref_squeeze %dma_start3A_174 : memref<1x100x32xf32, #tpu.memory_space<vmem>> -> memref<100x32xf32, #tpu.memory_space<vmem>>
    %dma_start3A_176 = arith.constant 0 : i32
    %dma_start3A_177 = tpu.memref_slice %arg5[%dma_start3A_169, %dma_start3A_176] : memref<256x100xi32, #tpu.memory_space<vmem>> -> memref<1x100xi32, #tpu.memory_space<vmem>>
    %dma_start3A_178 = tpu.memref_squeeze %dma_start3A_177 : memref<1x100xi32, #tpu.memory_space<vmem>> -> memref<100xi32, #tpu.memory_space<vmem>>
    %dma_start3A_179 = arith.constant 0 : i32
    %dma_start3A_180 = arith.constant 0 : i32
    %dma_start3A_181 = tpu.memref_slice %arg3[%dma_start3A_179, %dma_start3A_180] : memref<1000000x32xf32, #tpu.memory_space<hbm>> -> memref<1000000x32xf32, #tpu.memory_space<hbm>>
    %dma_start3A_182 = tpu.memref_slice %arg8[%dma_start3A_171] : memref<8x!tpu.dma_semaphore, #tpu.memory_space<semaphore_mem>> -> memref<1x!tpu.dma_semaphore, #tpu.memory_space<semaphore_mem>>
    %dma_start3A_183 = tpu.memref_squeeze %dma_start3A_182 : memref<1x!tpu.dma_semaphore, #tpu.memory_space<semaphore_mem>> -> memref<!tpu.dma_semaphore, #tpu.memory_space<semaphore_mem>>
    tpu.enqueue_indirect_dma source(%dma_start3A_181 : memref<1000000x32xf32, #tpu.memory_space<hbm>>) target(%dma_start3A_175 : memref<100x32xf32, #tpu.memory_space<vmem>>) offsets(%dma_start3A_178 : memref<100xi32, #tpu.memory_space<vmem>>) semaphore(%dma_start3A_183 : memref<!tpu.dma_semaphore, #tpu.memory_space<semaphore_mem>>)
    %dma_start3A_184 = arith.constant 12 : i32
    %dma_start3A_185 = arith.constant 6 : i32
    %dma_start3A_186 = arith.constant 6 : i32
    %dma_start3A_187 = arith.constant 0 : i32
    %dma_start3A_188 = arith.constant 0 : i32
    %dma_start3A_189 = tpu.memref_slice %arg6[%dma_start3A_185, %dma_start3A_187, %dma_start3A_188] : memref<8x200x32xf32, #tpu.memory_space<vmem>> -> memref<1x100x32xf32, #tpu.memory_space<vmem>>
    %dma_start3A_190 = tpu.memref_squeeze %dma_start3A_189 : memref<1x100x32xf32, #tpu.memory_space<vmem>> -> memref<100x32xf32, #tpu.memory_space<vmem>>
    %dma_start3A_191 = arith.constant 0 : i32
    %dma_start3A_192 = tpu.memref_slice %arg5[%dma_start3A_184, %dma_start3A_191] : memref<256x100xi32, #tpu.memory_space<vmem>> -> memref<1x100xi32, #tpu.memory_space<vmem>>
    %dma_start3A_193 = tpu.memref_squeeze %dma_start3A_192 : memref<1x100xi32, #tpu.memory_space<vmem>> -> memref<100xi32, #tpu.memory_space<vmem>>
    %dma_start3A_194 = arith.constant 0 : i32
    %dma_start3A_195 = arith.constant 0 : i32
    %dma_start3A_196 = tpu.memref_slice %arg3[%dma_start3A_194, %dma_start3A_195] : memref<1000000x32xf32, #tpu.memory_space<hbm>> -> memref<1000000x32xf32, #tpu.memory_space<hbm>>
    %dma_start3A_197 = tpu.memref_slice %arg8[%dma_start3A_186] : memref<8x!tpu.dma_semaphore, #tpu.memory_space<semaphore_mem>> -> memref<1x!tpu.dma_semaphore, #tpu.memory_space<semaphore_mem>>
    %dma_start3A_198 = tpu.memref_squeeze %dma_start3A_197 : memref<1x!tpu.dma_semaphore, #tpu.memory_space<semaphore_mem>> -> memref<!tpu.dma_semaphore, #tpu.memory_space<semaphore_mem>>
    tpu.enqueue_indirect_dma source(%dma_start3A_196 : memref<1000000x32xf32, #tpu.memory_space<hbm>>) target(%dma_start3A_190 : memref<100x32xf32, #tpu.memory_space<vmem>>) offsets(%dma_start3A_193 : memref<100xi32, #tpu.memory_space<vmem>>) semaphore(%dma_start3A_198 : memref<!tpu.dma_semaphore, #tpu.memory_space<semaphore_mem>>)
    %dma_start3A_199 = arith.constant 13 : i32
    %dma_start3A_200 = arith.constant 6 : i32
    %dma_start3A_201 = arith.constant 6 : i32
    %dma_start3A_202 = arith.constant 100 : i32
    %dma_start3A_203 = arith.constant 0 : i32
    %dma_start3A_204 = tpu.memref_slice %arg6[%dma_start3A_200, %dma_start3A_202, %dma_start3A_203] : memref<8x200x32xf32, #tpu.memory_space<vmem>> -> memref<1x100x32xf32, #tpu.memory_space<vmem>>
    %dma_start3A_205 = tpu.memref_squeeze %dma_start3A_204 : memref<1x100x32xf32, #tpu.memory_space<vmem>> -> memref<100x32xf32, #tpu.memory_space<vmem>>
    %dma_start3A_206 = arith.constant 0 : i32
    %dma_start3A_207 = tpu.memref_slice %arg5[%dma_start3A_199, %dma_start3A_206] : memref<256x100xi32, #tpu.memory_space<vmem>> -> memref<1x100xi32, #tpu.memory_space<vmem>>
    %dma_start3A_208 = tpu.memref_squeeze %dma_start3A_207 : memref<1x100xi32, #tpu.memory_space<vmem>> -> memref<100xi32, #tpu.memory_space<vmem>>
    %dma_start3A_209 = arith.constant 0 : i32
    %dma_start3A_210 = arith.constant 0 : i32
    %dma_start3A_211 = tpu.memref_slice %arg3[%dma_start3A_209, %dma_start3A_210] : memref<1000000x32xf32, #tpu.memory_space<hbm>> -> memref<1000000x32xf32, #tpu.memory_space<hbm>>
    %dma_start3A_212 = tpu.memref_slice %arg8[%dma_start3A_201] : memref<8x!tpu.dma_semaphore, #tpu.memory_space<semaphore_mem>> -> memref<1x!tpu.dma_semaphore, #tpu.memory_space<semaphore_mem>>
    %dma_start3A_213 = tpu.memref_squeeze %dma_start3A_212 : memref<1x!tpu.dma_semaphore, #tpu.memory_space<semaphore_mem>> -> memref<!tpu.dma_semaphore, #tpu.memory_space<semaphore_mem>>
    tpu.enqueue_indirect_dma source(%dma_start3A_211 : memref<1000000x32xf32, #tpu.memory_space<hbm>>) target(%dma_start3A_205 : memref<100x32xf32, #tpu.memory_space<vmem>>) offsets(%dma_start3A_208 : memref<100xi32, #tpu.memory_space<vmem>>) semaphore(%dma_start3A_213 : memref<!tpu.dma_semaphore, #tpu.memory_space<semaphore_mem>>)
    %dma_start3A_214 = arith.constant 14 : i32
    %dma_start3A_215 = arith.constant 7 : i32
    %dma_start3A_216 = arith.constant 7 : i32
    %dma_start3A_217 = arith.constant 0 : i32
    %dma_start3A_218 = arith.constant 0 : i32
    %dma_start3A_219 = tpu.memref_slice %arg6[%dma_start3A_215, %dma_start3A_217, %dma_start3A_218] : memref<8x200x32xf32, #tpu.memory_space<vmem>> -> memref<1x100x32xf32, #tpu.memory_space<vmem>>
    %dma_start3A_220 = tpu.memref_squeeze %dma_start3A_219 : memref<1x100x32xf32, #tpu.memory_space<vmem>> -> memref<100x32xf32, #tpu.memory_space<vmem>>
    %dma_start3A_221 = arith.constant 0 : i32
    %dma_start3A_222 = tpu.memref_slice %arg5[%dma_start3A_214, %dma_start3A_221] : memref<256x100xi32, #tpu.memory_space<vmem>> -> memref<1x100xi32, #tpu.memory_space<vmem>>
    %dma_start3A_223 = tpu.memref_squeeze %dma_start3A_222 : memref<1x100xi32, #tpu.memory_space<vmem>> -> memref<100xi32, #tpu.memory_space<vmem>>
    %dma_start3A_224 = arith.constant 0 : i32
    %dma_start3A_225 = arith.constant 0 : i32
    %dma_start3A_226 = tpu.memref_slice %arg3[%dma_start3A_224, %dma_start3A_225] : memref<1000000x32xf32, #tpu.memory_space<hbm>> -> memref<1000000x32xf32, #tpu.memory_space<hbm>>
    %dma_start3A_227 = tpu.memref_slice %arg8[%dma_start3A_216] : memref<8x!tpu.dma_semaphore, #tpu.memory_space<semaphore_mem>> -> memref<1x!tpu.dma_semaphore, #tpu.memory_space<semaphore_mem>>
    %dma_start3A_228 = tpu.memref_squeeze %dma_start3A_227 : memref<1x!tpu.dma_semaphore, #tpu.memory_space<semaphore_mem>> -> memref<!tpu.dma_semaphore, #tpu.memory_space<semaphore_mem>>
    tpu.enqueue_indirect_dma source(%dma_start3A_226 : memref<1000000x32xf32, #tpu.memory_space<hbm>>) target(%dma_start3A_220 : memref<100x32xf32, #tpu.memory_space<vmem>>) offsets(%dma_start3A_223 : memref<100xi32, #tpu.memory_space<vmem>>) semaphore(%dma_start3A_228 : memref<!tpu.dma_semaphore, #tpu.memory_space<semaphore_mem>>)
    %dma_start3A_229 = arith.constant 15 : i32
    %dma_start3A_230 = arith.constant 7 : i32
    %dma_start3A_231 = arith.constant 7 : i32
    %dma_start3A_232 = arith.constant 100 : i32
    %dma_start3A_233 = arith.constant 0 : i32
    %dma_start3A_234 = tpu.memref_slice %arg6[%dma_start3A_230, %dma_start3A_232, %dma_start3A_233] : memref<8x200x32xf32, #tpu.memory_space<vmem>> -> memref<1x100x32xf32, #tpu.memory_space<vmem>>
    %dma_start3A_235 = tpu.memref_squeeze %dma_start3A_234 : memref<1x100x32xf32, #tpu.memory_space<vmem>> -> memref<100x32xf32, #tpu.memory_space<vmem>>
    %dma_start3A_236 = arith.constant 0 : i32
    %dma_start3A_237 = tpu.memref_slice %arg5[%dma_start3A_229, %dma_start3A_236] : memref<256x100xi32, #tpu.memory_space<vmem>> -> memref<1x100xi32, #tpu.memory_space<vmem>>
    %dma_start3A_238 = tpu.memref_squeeze %dma_start3A_237 : memref<1x100xi32, #tpu.memory_space<vmem>> -> memref<100xi32, #tpu.memory_space<vmem>>
    %dma_start3A_239 = arith.constant 0 : i32
    %dma_start3A_240 = arith.constant 0 : i32
    %dma_start3A_241 = tpu.memref_slice %arg3[%dma_start3A_239, %dma_start3A_240] : memref<1000000x32xf32, #tpu.memory_space<hbm>> -> memref<1000000x32xf32, #tpu.memory_space<hbm>>
    %dma_start3A_242 = tpu.memref_slice %arg8[%dma_start3A_231] : memref<8x!tpu.dma_semaphore, #tpu.memory_space<semaphore_mem>> -> memref<1x!tpu.dma_semaphore, #tpu.memory_space<semaphore_mem>>
    %dma_start3A_243 = tpu.memref_squeeze %dma_start3A_242 : memref<1x!tpu.dma_semaphore, #tpu.memory_space<semaphore_mem>> -> memref<!tpu.dma_semaphore, #tpu.memory_space<semaphore_mem>>
    tpu.enqueue_indirect_dma source(%dma_start3A_241 : memref<1000000x32xf32, #tpu.memory_space<hbm>>) target(%dma_start3A_235 : memref<100x32xf32, #tpu.memory_space<vmem>>) offsets(%dma_start3A_238 : memref<100xi32, #tpu.memory_space<vmem>>) semaphore(%dma_start3A_243 : memref<!tpu.dma_semaphore, #tpu.memory_space<semaphore_mem>>)
    %scan3A = arith.constant 0 : i32
    %scan3A_244 = arith.constant 16 : i32
    %scan3A_245 = arith.addi %scan3A, %scan3A_244 : i32
    %scan3A_246 = arith.constant 1 : i32
    scf.for %scan3A_248 = %scan3A to %scan3A_245 step %scan3A_246  : i32 {
      %mul3A_249 = arith.constant 8 : i32
      %mul3A_250 = arith.muli %scan3A_248, %mul3A_249 : i32
      %add3A_251 = arith.constant 0 : i32
      %add3A_252 = arith.addi %add3A_251, %mul3A_250 : i32
      %dma_wait3A = arith.constant 0 : i32
      %dma_wait3A_253 = arith.constant 0 : i32
      %dma_wait3A_254 = arith.constant 0 : i32
      %dma_wait3A_255 = arith.constant 0 : i32
      %dma_wait3A_256 = tpu.memref_slice %arg6[%dma_wait3A, %dma_wait3A_254, %dma_wait3A_255] : memref<8x200x32xf32, #tpu.memory_space<vmem>> -> memref<1x200x32xf32, #tpu.memory_space<vmem>>
      %dma_wait3A_257 = tpu.memref_squeeze %dma_wait3A_256 : memref<1x200x32xf32, #tpu.memory_space<vmem>> -> memref<200x32xf32, #tpu.memory_space<vmem>>
      %dma_wait3A_258 = arith.constant 0 : i32
      %dma_wait3A_259 = arith.constant 0 : i32
      %dma_wait3A_260 = tpu.memref_slice %arg3[%dma_wait3A_258, %dma_wait3A_259] : memref<1000000x32xf32, #tpu.memory_space<hbm>> -> memref<200x32xf32, #tpu.memory_space<hbm>>
      %dma_wait3A_261 = tpu.memref_slice %arg8[%dma_wait3A_253] : memref<8x!tpu.dma_semaphore, #tpu.memory_space<semaphore_mem>> -> memref<1x!tpu.dma_semaphore, #tpu.memory_space<semaphore_mem>>
      %dma_wait3A_262 = tpu.memref_squeeze %dma_wait3A_261 : memref<1x!tpu.dma_semaphore, #tpu.memory_space<semaphore_mem>> -> memref<!tpu.dma_semaphore, #tpu.memory_space<semaphore_mem>>
      %dma_wait3A_263 = arith.constant 0 : i32
      %dma_wait3A_264 = arith.constant 0 : i32
      %dma_wait3A_265 = tpu.memref_slice %arg6[%dma_wait3A, %dma_wait3A_263, %dma_wait3A_264] : memref<8x200x32xf32, #tpu.memory_space<vmem>> -> memref<1x200x32xf32, #tpu.memory_space<vmem>>
      %dma_wait3A_266 = tpu.memref_squeeze %dma_wait3A_265 : memref<1x200x32xf32, #tpu.memory_space<vmem>> -> memref<200x32xf32, #tpu.memory_space<vmem>>
      %dma_wait3A_267 = arith.constant 0 : i32
      %dma_wait3A_268 = arith.constant 0 : i32
      %dma_wait3A_269 = tpu.memref_slice %arg3[%dma_wait3A_267, %dma_wait3A_268] : memref<1000000x32xf32, #tpu.memory_space<hbm>> -> memref<200x32xf32, #tpu.memory_space<hbm>>
      tpu.wait_dma2 semaphore(%dma_wait3A_262 : memref<!tpu.dma_semaphore, #tpu.memory_space<semaphore_mem>>) src(%dma_wait3A_269 : memref<200x32xf32, #tpu.memory_space<hbm>>) dst(%dma_wait3A_266 : memref<200x32xf32, #tpu.memory_space<vmem>>)
      %broadcast_in_dim3A = arith.constant 0.000000e+00 : f32
      %broadcast_in_dim3A_270 = vector.broadcast %broadcast_in_dim3A : f32 to vector<16xf32>
      %scan3A_271 = arith.constant 0 : i32
      %scan3A_272 = arith.constant 50 : i32
      %scan3A_273 = arith.addi %scan3A_271, %scan3A_272 : i32
      %scan3A_274 = arith.constant 1 : i32
      %scan3A_275:4 = scf.for %scan3A_623 = %scan3A_271 to %scan3A_273 step %scan3A_274 iter_args(%scan3A_624 = %broadcast_in_dim3A_270, %scan3A_625 = %broadcast_in_dim3A_270, %scan3A_626 = %broadcast_in_dim3A_270, %scan3A_627 = %broadcast_in_dim3A_270) -> (vector<16xf32>, vector<16xf32>, vector<16xf32>, vector<16xf32>)  : i32 {
        %mul3A_628 = arith.constant 4 : i32
        %mul3A_629 = arith.muli %mul3A_628, %scan3A_623 : i32
        %get3A = arith.constant 0 : i32
        %get3A_630 = arith.index_cast %get3A : i32 to index
        %get3A_631 = arith.index_cast %mul3A_629 : i32 to index
        %get3A_632 = arith.constant 0 : index
        %get3A_633 = tpu.vector_load %arg6[%get3A_630, %get3A_631, %get3A_632] {strides = array<i32>} : memref<8x200x32xf32, #tpu.memory_space<vmem>>, vector<1x1x16xf32>,
        %get3A_634 = vector.shape_cast %get3A_633 : vector<1x1x16xf32> to vector<16xf32>
        %add3A_635 = arith.addf %scan3A_624, %get3A_634 : vector<16xf32>
        %get3A_636 = arith.constant 0 : i32
        %get3A_637 = arith.index_cast %get3A_636 : i32 to index
        %get3A_638 = arith.index_cast %mul3A_629 : i32 to index
        %get3A_639 = arith.constant 16 : index
        %get3A_640 = tpu.vector_load %arg6[%get3A_637, %get3A_638, %get3A_639] {strides = array<i32>} : memref<8x200x32xf32, #tpu.memory_space<vmem>>, vector<1x1x16xf32>,
        %get3A_641 = vector.shape_cast %get3A_640 : vector<1x1x16xf32> to vector<16xf32>
        %add3A_642 = arith.addf %scan3A_625, %get3A_641 : vector<16xf32>
        %add3A_643 = arith.constant 1 : i32
        %add3A_644 = arith.addi %mul3A_629, %add3A_643 : i32
        %get3A_645 = arith.constant 0 : i32
        %get3A_646 = arith.index_cast %get3A_645 : i32 to index
        %get3A_647 = arith.index_cast %add3A_644 : i32 to index
        %get3A_648 = arith.constant 0 : index
        %get3A_649 = tpu.vector_load %arg6[%get3A_646, %get3A_647, %get3A_648] {strides = array<i32>} : memref<8x200x32xf32, #tpu.memory_space<vmem>>, vector<1x1x16xf32>,
        %get3A_650 = vector.shape_cast %get3A_649 : vector<1x1x16xf32> to vector<16xf32>
        %add3A_651 = arith.addf %scan3A_626, %get3A_650 : vector<16xf32>
        %add3A_652 = arith.constant 1 : i32
        %add3A_653 = arith.addi %mul3A_629, %add3A_652 : i32
        %get3A_654 = arith.constant 0 : i32
        %get3A_655 = arith.index_cast %get3A_654 : i32 to index
        %get3A_656 = arith.index_cast %add3A_653 : i32 to index
        %get3A_657 = arith.constant 16 : index
        %get3A_658 = tpu.vector_load %arg6[%get3A_655, %get3A_656, %get3A_657] {strides = array<i32>} : memref<8x200x32xf32, #tpu.memory_space<vmem>>, vector<1x1x16xf32>,
        %get3A_659 = vector.shape_cast %get3A_658 : vector<1x1x16xf32> to vector<16xf32>
        %add3A_660 = arith.addf %scan3A_627, %get3A_659 : vector<16xf32>
        %add3A_661 = arith.constant 2 : i32
        %add3A_662 = arith.addi %mul3A_629, %add3A_661 : i32
        %get3A_663 = arith.constant 0 : i32
        %get3A_664 = arith.index_cast %get3A_663 : i32 to index
        %get3A_665 = arith.index_cast %add3A_662 : i32 to index
        %get3A_666 = arith.constant 0 : index
        %get3A_667 = tpu.vector_load %arg6[%get3A_664, %get3A_665, %get3A_666] {strides = array<i32>} : memref<8x200x32xf32, #tpu.memory_space<vmem>>, vector<1x1x16xf32>,
        %get3A_668 = vector.shape_cast %get3A_667 : vector<1x1x16xf32> to vector<16xf32>
        %add3A_669 = arith.addf %add3A_635, %get3A_668 : vector<16xf32>
        %add3A_670 = arith.constant 2 : i32
        %add3A_671 = arith.addi %mul3A_629, %add3A_670 : i32
        %get3A_672 = arith.constant 0 : i32
        %get3A_673 = arith.index_cast %get3A_672 : i32 to index
        %get3A_674 = arith.index_cast %add3A_671 : i32 to index
        %get3A_675 = arith.constant 16 : index
        %get3A_676 = tpu.vector_load %arg6[%get3A_673, %get3A_674, %get3A_675] {strides = array<i32>} : memref<8x200x32xf32, #tpu.memory_space<vmem>>, vector<1x1x16xf32>,
        %get3A_677 = vector.shape_cast %get3A_676 : vector<1x1x16xf32> to vector<16xf32>
        %add3A_678 = arith.addf %add3A_642, %get3A_677 : vector<16xf32>
        %add3A_679 = arith.constant 3 : i32
        %add3A_680 = arith.addi %mul3A_629, %add3A_679 : i32
        %get3A_681 = arith.constant 0 : i32
        %get3A_682 = arith.index_cast %get3A_681 : i32 to index
        %get3A_683 = arith.index_cast %add3A_680 : i32 to index
        %get3A_684 = arith.constant 0 : index
        %get3A_685 = tpu.vector_load %arg6[%get3A_682, %get3A_683, %get3A_684] {strides = array<i32>} : memref<8x200x32xf32, #tpu.memory_space<vmem>>, vector<1x1x16xf32>,
        %get3A_686 = vector.shape_cast %get3A_685 : vector<1x1x16xf32> to vector<16xf32>
        %add3A_687 = arith.addf %add3A_651, %get3A_686 : vector<16xf32>
        %add3A_688 = arith.constant 3 : i32
        %add3A_689 = arith.addi %mul3A_629, %add3A_688 : i32
        %get3A_690 = arith.constant 0 : i32
        %get3A_691 = arith.index_cast %get3A_690 : i32 to index
        %get3A_692 = arith.index_cast %add3A_689 : i32 to index
        %get3A_693 = arith.constant 16 : index
        %get3A_694 = tpu.vector_load %arg6[%get3A_691, %get3A_692, %get3A_693] {strides = array<i32>} : memref<8x200x32xf32, #tpu.memory_space<vmem>>, vector<1x1x16xf32>,
        %get3A_695 = vector.shape_cast %get3A_694 : vector<1x1x16xf32> to vector<16xf32>
        %add3A_696 = arith.addf %add3A_660, %get3A_695 : vector<16xf32>
        scf.yield %add3A_669, %add3A_678, %add3A_687, %add3A_696 : vector<16xf32>, vector<16xf32>, vector<16xf32>, vector<16xf32>
      }
      %scan3A_276 = arith.constant 50 : i32
      %lt3A = arith.constant 120 : i32
      %lt3A_277 = arith.cmpi slt, %add3A_252, %lt3A : i32
      %convert_element_type3A = arith.extui %lt3A_277 : i1 to i32
      %cond3A = arith.constant 0 : i32
      %cond3A_278 = arith.cmpi ne, %convert_element_type3A, %cond3A : i32
      scf.if %cond3A_278 {
        %add3A_623 = arith.constant 8 : i32
        %add3A_624 = arith.addi %add3A_252, %add3A_623 : i32
        %add3A_625 = arith.constant 0 : i32
        %add3A_626 = arith.addi %add3A_624, %add3A_625 : i32
        %mul3A_627 = arith.constant 2 : i32
        %mul3A_628 = arith.muli %mul3A_627, %add3A_626 : i32
        %dma_start3A_629 = arith.constant 0 : i32
        %dma_start3A_630 = arith.constant 0 : i32
        %dma_start3A_631 = arith.constant 0 : i32
        %dma_start3A_632 = arith.constant 0 : i32
        %dma_start3A_633 = tpu.memref_slice %arg6[%dma_start3A_629, %dma_start3A_631, %dma_start3A_632] : memref<8x200x32xf32, #tpu.memory_space<vmem>> -> memref<1x100x32xf32, #tpu.memory_space<vmem>>
        %dma_start3A_634 = tpu.memref_squeeze %dma_start3A_633 : memref<1x100x32xf32, #tpu.memory_space<vmem>> -> memref<100x32xf32, #tpu.memory_space<vmem>>
        %dma_start3A_635 = arith.constant 0 : i32
        %dma_start3A_636 = tpu.memref_slice %arg5[%mul3A_628, %dma_start3A_635] : memref<256x100xi32, #tpu.memory_space<vmem>> -> memref<1x100xi32, #tpu.memory_space<vmem>>
        %dma_start3A_637 = tpu.memref_squeeze %dma_start3A_636 : memref<1x100xi32, #tpu.memory_space<vmem>> -> memref<100xi32, #tpu.memory_space<vmem>>
        %dma_start3A_638 = arith.constant 0 : i32
        %dma_start3A_639 = arith.constant 0 : i32
        %dma_start3A_640 = tpu.memref_slice %arg3[%dma_start3A_638, %dma_start3A_639] : memref<1000000x32xf32, #tpu.memory_space<hbm>> -> memref<1000000x32xf32, #tpu.memory_space<hbm>>
        %dma_start3A_641 = tpu.memref_slice %arg8[%dma_start3A_630] : memref<8x!tpu.dma_semaphore, #tpu.memory_space<semaphore_mem>> -> memref<1x!tpu.dma_semaphore, #tpu.memory_space<semaphore_mem>>
        %dma_start3A_642 = tpu.memref_squeeze %dma_start3A_641 : memref<1x!tpu.dma_semaphore, #tpu.memory_space<semaphore_mem>> -> memref<!tpu.dma_semaphore, #tpu.memory_space<semaphore_mem>>
        tpu.enqueue_indirect_dma source(%dma_start3A_640 : memref<1000000x32xf32, #tpu.memory_space<hbm>>) target(%dma_start3A_634 : memref<100x32xf32, #tpu.memory_space<vmem>>) offsets(%dma_start3A_637 : memref<100xi32, #tpu.memory_space<vmem>>) semaphore(%dma_start3A_642 : memref<!tpu.dma_semaphore, #tpu.memory_space<semaphore_mem>>)
        %mul3A_643 = arith.constant 2 : i32
        %mul3A_644 = arith.muli %mul3A_643, %add3A_626 : i32
        %add3A_645 = arith.constant 1 : i32
        %add3A_646 = arith.addi %mul3A_644, %add3A_645 : i32
        %dma_start3A_647 = arith.constant 0 : i32
        %dma_start3A_648 = arith.constant 0 : i32
        %dma_start3A_649 = arith.constant 100 : i32
        %dma_start3A_650 = arith.constant 0 : i32
        %dma_start3A_651 = tpu.memref_slice %arg6[%dma_start3A_647, %dma_start3A_649, %dma_start3A_650] : memref<8x200x32xf32, #tpu.memory_space<vmem>> -> memref<1x100x32xf32, #tpu.memory_space<vmem>>
        %dma_start3A_652 = tpu.memref_squeeze %dma_start3A_651 : memref<1x100x32xf32, #tpu.memory_space<vmem>> -> memref<100x32xf32, #tpu.memory_space<vmem>>
        %dma_start3A_653 = arith.constant 0 : i32
        %dma_start3A_654 = tpu.memref_slice %arg5[%add3A_646, %dma_start3A_653] : memref<256x100xi32, #tpu.memory_space<vmem>> -> memref<1x100xi32, #tpu.memory_space<vmem>>
        %dma_start3A_655 = tpu.memref_squeeze %dma_start3A_654 : memref<1x100xi32, #tpu.memory_space<vmem>> -> memref<100xi32, #tpu.memory_space<vmem>>
        %dma_start3A_656 = arith.constant 0 : i32
        %dma_start3A_657 = arith.constant 0 : i32
        %dma_start3A_658 = tpu.memref_slice %arg3[%dma_start3A_656, %dma_start3A_657] : memref<1000000x32xf32, #tpu.memory_space<hbm>> -> memref<1000000x32xf32, #tpu.memory_space<hbm>>
        %dma_start3A_659 = tpu.memref_slice %arg8[%dma_start3A_648] : memref<8x!tpu.dma_semaphore, #tpu.memory_space<semaphore_mem>> -> memref<1x!tpu.dma_semaphore, #tpu.memory_space<semaphore_mem>>
        %dma_start3A_660 = tpu.memref_squeeze %dma_start3A_659 : memref<1x!tpu.dma_semaphore, #tpu.memory_space<semaphore_mem>> -> memref<!tpu.dma_semaphore, #tpu.memory_space<semaphore_mem>>
        tpu.enqueue_indirect_dma source(%dma_start3A_658 : memref<1000000x32xf32, #tpu.memory_space<hbm>>) target(%dma_start3A_652 : memref<100x32xf32, #tpu.memory_space<vmem>>) offsets(%dma_start3A_655 : memref<100xi32, #tpu.memory_space<vmem>>) semaphore(%dma_start3A_660 : memref<!tpu.dma_semaphore, #tpu.memory_space<semaphore_mem>>)
      } else {
      }
      %add3A_279 = arith.addf %scan3A_275#0, %scan3A_275#2 : vector<16xf32>
      %add3A_280 = arith.constant 0 : i32
      %add3A_281 = arith.addi %add3A_252, %add3A_280 : i32
      %swap3A = arith.index_cast %add3A_281 : i32 to index
      %swap3A_282 = arith.constant 0 : index
      %swap3A_283 = tpu.vector_load %arg7[%swap3A, %swap3A_282] {strides = array<i32>} : memref<128x32xf32, #tpu.memory_space<vmem>>, vector<1x16xf32>,
      %swap3A_284 = vector.shape_cast %swap3A_283 : vector<1x16xf32> to vector<16xf32>
      %swap3A_285 = vector.shape_cast %add3A_279 : vector<16xf32> to vector<1x16xf32>
      tpu.vector_store %arg7[%swap3A, %swap3A_282], %swap3A_285 {strides = array<i32>} : memref<128x32xf32, #tpu.memory_space<vmem>>, vector<1x16xf32>,
      %add3A_286 = arith.addf %scan3A_275#1, %scan3A_275#3 : vector<16xf32>
      %add3A_287 = arith.constant 0 : i32
      %add3A_288 = arith.addi %add3A_252, %add3A_287 : i32
      %swap3A_289 = arith.index_cast %add3A_288 : i32 to index
      %swap3A_290 = arith.constant 16 : index
      %swap3A_291 = tpu.vector_load %arg7[%swap3A_289, %swap3A_290] {strides = array<i32>} : memref<128x32xf32, #tpu.memory_space<vmem>>, vector<1x16xf32>,
      %swap3A_292 = vector.shape_cast %swap3A_291 : vector<1x16xf32> to vector<16xf32>
      %swap3A_293 = vector.shape_cast %add3A_286 : vector<16xf32> to vector<1x16xf32>
      tpu.vector_store %arg7[%swap3A_289, %swap3A_290], %swap3A_293 {strides = array<i32>} : memref<128x32xf32, #tpu.memory_space<vmem>>, vector<1x16xf32>,
      %dma_wait3A_294 = arith.constant 1 : i32
      %dma_wait3A_295 = arith.constant 1 : i32
      %dma_wait3A_296 = arith.constant 0 : i32
      %dma_wait3A_297 = arith.constant 0 : i32
      %dma_wait3A_298 = tpu.memref_slice %arg6[%dma_wait3A_294, %dma_wait3A_296, %dma_wait3A_297] : memref<8x200x32xf32, #tpu.memory_space<vmem>> -> memref<1x200x32xf32, #tpu.memory_space<vmem>>
      %dma_wait3A_299 = tpu.memref_squeeze %dma_wait3A_298 : memref<1x200x32xf32, #tpu.memory_space<vmem>> -> memref<200x32xf32, #tpu.memory_space<vmem>>
      %dma_wait3A_300 = arith.constant 0 : i32
      %dma_wait3A_301 = arith.constant 0 : i32
      %dma_wait3A_302 = tpu.memref_slice %arg3[%dma_wait3A_300, %dma_wait3A_301] : memref<1000000x32xf32, #tpu.memory_space<hbm>> -> memref<200x32xf32, #tpu.memory_space<hbm>>
      %dma_wait3A_303 = tpu.memref_slice %arg8[%dma_wait3A_295] : memref<8x!tpu.dma_semaphore, #tpu.memory_space<semaphore_mem>> -> memref<1x!tpu.dma_semaphore, #tpu.memory_space<semaphore_mem>>
      %dma_wait3A_304 = tpu.memref_squeeze %dma_wait3A_303 : memref<1x!tpu.dma_semaphore, #tpu.memory_space<semaphore_mem>> -> memref<!tpu.dma_semaphore, #tpu.memory_space<semaphore_mem>>
      %dma_wait3A_305 = arith.constant 0 : i32
      %dma_wait3A_306 = arith.constant 0 : i32
      %dma_wait3A_307 = tpu.memref_slice %arg6[%dma_wait3A_294, %dma_wait3A_305, %dma_wait3A_306] : memref<8x200x32xf32, #tpu.memory_space<vmem>> -> memref<1x200x32xf32, #tpu.memory_space<vmem>>
      %dma_wait3A_308 = tpu.memref_squeeze %dma_wait3A_307 : memref<1x200x32xf32, #tpu.memory_space<vmem>> -> memref<200x32xf32, #tpu.memory_space<vmem>>
      %dma_wait3A_309 = arith.constant 0 : i32
      %dma_wait3A_310 = arith.constant 0 : i32
      %dma_wait3A_311 = tpu.memref_slice %arg3[%dma_wait3A_309, %dma_wait3A_310] : memref<1000000x32xf32, #tpu.memory_space<hbm>> -> memref<200x32xf32, #tpu.memory_space<hbm>>
      tpu.wait_dma2 semaphore(%dma_wait3A_304 : memref<!tpu.dma_semaphore, #tpu.memory_space<semaphore_mem>>) src(%dma_wait3A_311 : memref<200x32xf32, #tpu.memory_space<hbm>>) dst(%dma_wait3A_308 : memref<200x32xf32, #tpu.memory_space<vmem>>)
      %broadcast_in_dim3A_312 = arith.constant 0.000000e+00 : f32
      %broadcast_in_dim3A_313 = vector.broadcast %broadcast_in_dim3A_312 : f32 to vector<16xf32>
      %scan3A_314 = arith.constant 0 : i32
      %scan3A_315 = arith.constant 50 : i32
      %scan3A_316 = arith.addi %scan3A_314, %scan3A_315 : i32
      %scan3A_317 = arith.constant 1 : i32
      %scan3A_318:4 = scf.for %scan3A_623 = %scan3A_314 to %scan3A_316 step %scan3A_317 iter_args(%scan3A_624 = %broadcast_in_dim3A_313, %scan3A_625 = %broadcast_in_dim3A_313, %scan3A_626 = %broadcast_in_dim3A_313, %scan3A_627 = %broadcast_in_dim3A_313) -> (vector<16xf32>, vector<16xf32>, vector<16xf32>, vector<16xf32>)  : i32 {
        %mul3A_628 = arith.constant 4 : i32
        %mul3A_629 = arith.muli %mul3A_628, %scan3A_623 : i32
        %get3A = arith.constant 1 : i32
        %get3A_630 = arith.index_cast %get3A : i32 to index
        %get3A_631 = arith.index_cast %mul3A_629 : i32 to index
        %get3A_632 = arith.constant 0 : index
        %get3A_633 = tpu.vector_load %arg6[%get3A_630, %get3A_631, %get3A_632] {strides = array<i32>} : memref<8x200x32xf32, #tpu.memory_space<vmem>>, vector<1x1x16xf32>,
        %get3A_634 = vector.shape_cast %get3A_633 : vector<1x1x16xf32> to vector<16xf32>
        %add3A_635 = arith.addf %scan3A_624, %get3A_634 : vector<16xf32>
        %get3A_636 = arith.constant 1 : i32
        %get3A_637 = arith.index_cast %get3A_636 : i32 to index
        %get3A_638 = arith.index_cast %mul3A_629 : i32 to index
        %get3A_639 = arith.constant 16 : index
        %get3A_640 = tpu.vector_load %arg6[%get3A_637, %get3A_638, %get3A_639] {strides = array<i32>} : memref<8x200x32xf32, #tpu.memory_space<vmem>>, vector<1x1x16xf32>,
        %get3A_641 = vector.shape_cast %get3A_640 : vector<1x1x16xf32> to vector<16xf32>
        %add3A_642 = arith.addf %scan3A_625, %get3A_641 : vector<16xf32>
        %add3A_643 = arith.constant 1 : i32
        %add3A_644 = arith.addi %mul3A_629, %add3A_643 : i32
        %get3A_645 = arith.constant 1 : i32
        %get3A_646 = arith.index_cast %get3A_645 : i32 to index
        %get3A_647 = arith.index_cast %add3A_644 : i32 to index
        %get3A_648 = arith.constant 0 : index
        %get3A_649 = tpu.vector_load %arg6[%get3A_646, %get3A_647, %get3A_648] {strides = array<i32>} : memref<8x200x32xf32, #tpu.memory_space<vmem>>, vector<1x1x16xf32>,
        %get3A_650 = vector.shape_cast %get3A_649 : vector<1x1x16xf32> to vector<16xf32>
        %add3A_651 = arith.addf %scan3A_626, %get3A_650 : vector<16xf32>
        %add3A_652 = arith.constant 1 : i32
        %add3A_653 = arith.addi %mul3A_629, %add3A_652 : i32
        %get3A_654 = arith.constant 1 : i32
        %get3A_655 = arith.index_cast %get3A_654 : i32 to index
        %get3A_656 = arith.index_cast %add3A_653 : i32 to index
        %get3A_657 = arith.constant 16 : index
        %get3A_658 = tpu.vector_load %arg6[%get3A_655, %get3A_656, %get3A_657] {strides = array<i32>} : memref<8x200x32xf32, #tpu.memory_space<vmem>>, vector<1x1x16xf32>,
        %get3A_659 = vector.shape_cast %get3A_658 : vector<1x1x16xf32> to vector<16xf32>
        %add3A_660 = arith.addf %scan3A_627, %get3A_659 : vector<16xf32>
        %add3A_661 = arith.constant 2 : i32
        %add3A_662 = arith.addi %mul3A_629, %add3A_661 : i32
        %get3A_663 = arith.constant 1 : i32
        %get3A_664 = arith.index_cast %get3A_663 : i32 to index
        %get3A_665 = arith.index_cast %add3A_662 : i32 to index
        %get3A_666 = arith.constant 0 : index
        %get3A_667 = tpu.vector_load %arg6[%get3A_664, %get3A_665, %get3A_666] {strides = array<i32>} : memref<8x200x32xf32, #tpu.memory_space<vmem>>, vector<1x1x16xf32>,
        %get3A_668 = vector.shape_cast %get3A_667 : vector<1x1x16xf32> to vector<16xf32>
        %add3A_669 = arith.addf %add3A_635, %get3A_668 : vector<16xf32>
        %add3A_670 = arith.constant 2 : i32
        %add3A_671 = arith.addi %mul3A_629, %add3A_670 : i32
        %get3A_672 = arith.constant 1 : i32
        %get3A_673 = arith.index_cast %get3A_672 : i32 to index
        %get3A_674 = arith.index_cast %add3A_671 : i32 to index
        %get3A_675 = arith.constant 16 : index
        %get3A_676 = tpu.vector_load %arg6[%get3A_673, %get3A_674, %get3A_675] {strides = array<i32>} : memref<8x200x32xf32, #tpu.memory_space<vmem>>, vector<1x1x16xf32>,
        %get3A_677 = vector.shape_cast %get3A_676 : vector<1x1x16xf32> to vector<16xf32>
        %add3A_678 = arith.addf %add3A_642, %get3A_677 : vector<16xf32>
        %add3A_679 = arith.constant 3 : i32
        %add3A_680 = arith.addi %mul3A_629, %add3A_679 : i32
        %get3A_681 = arith.constant 1 : i32
        %get3A_682 = arith.index_cast %get3A_681 : i32 to index
        %get3A_683 = arith.index_cast %add3A_680 : i32 to index
        %get3A_684 = arith.constant 0 : index
        %get3A_685 = tpu.vector_load %arg6[%get3A_682, %get3A_683, %get3A_684] {strides = array<i32>} : memref<8x200x32xf32, #tpu.memory_space<vmem>>, vector<1x1x16xf32>,
        %get3A_686 = vector.shape_cast %get3A_685 : vector<1x1x16xf32> to vector<16xf32>
        %add3A_687 = arith.addf %add3A_651, %get3A_686 : vector<16xf32>
        %add3A_688 = arith.constant 3 : i32
        %add3A_689 = arith.addi %mul3A_629, %add3A_688 : i32
        %get3A_690 = arith.constant 1 : i32
        %get3A_691 = arith.index_cast %get3A_690 : i32 to index
        %get3A_692 = arith.index_cast %add3A_689 : i32 to index
        %get3A_693 = arith.constant 16 : index
        %get3A_694 = tpu.vector_load %arg6[%get3A_691, %get3A_692, %get3A_693] {strides = array<i32>} : memref<8x200x32xf32, #tpu.memory_space<vmem>>, vector<1x1x16xf32>,
        %get3A_695 = vector.shape_cast %get3A_694 : vector<1x1x16xf32> to vector<16xf32>
        %add3A_696 = arith.addf %add3A_660, %get3A_695 : vector<16xf32>
        scf.yield %add3A_669, %add3A_678, %add3A_687, %add3A_696 : vector<16xf32>, vector<16xf32>, vector<16xf32>, vector<16xf32>
      }
      %scan3A_319 = arith.constant 50 : i32
      %lt3A_320 = arith.constant 120 : i32
      %lt3A_321 = arith.cmpi slt, %add3A_252, %lt3A_320 : i32
      %convert_element_type3A_322 = arith.extui %lt3A_321 : i1 to i32
      %cond3A_323 = arith.constant 0 : i32
      %cond3A_324 = arith.cmpi ne, %convert_element_type3A_322, %cond3A_323 : i32
      scf.if %cond3A_324 {
        %add3A_623 = arith.constant 8 : i32
        %add3A_624 = arith.addi %add3A_252, %add3A_623 : i32
        %add3A_625 = arith.constant 1 : i32
        %add3A_626 = arith.addi %add3A_624, %add3A_625 : i32
        %mul3A_627 = arith.constant 2 : i32
        %mul3A_628 = arith.muli %mul3A_627, %add3A_626 : i32
        %dma_start3A_629 = arith.constant 1 : i32
        %dma_start3A_630 = arith.constant 1 : i32
        %dma_start3A_631 = arith.constant 0 : i32
        %dma_start3A_632 = arith.constant 0 : i32
        %dma_start3A_633 = tpu.memref_slice %arg6[%dma_start3A_629, %dma_start3A_631, %dma_start3A_632] : memref<8x200x32xf32, #tpu.memory_space<vmem>> -> memref<1x100x32xf32, #tpu.memory_space<vmem>>
        %dma_start3A_634 = tpu.memref_squeeze %dma_start3A_633 : memref<1x100x32xf32, #tpu.memory_space<vmem>> -> memref<100x32xf32, #tpu.memory_space<vmem>>
        %dma_start3A_635 = arith.constant 0 : i32
        %dma_start3A_636 = tpu.memref_slice %arg5[%mul3A_628, %dma_start3A_635] : memref<256x100xi32, #tpu.memory_space<vmem>> -> memref<1x100xi32, #tpu.memory_space<vmem>>
        %dma_start3A_637 = tpu.memref_squeeze %dma_start3A_636 : memref<1x100xi32, #tpu.memory_space<vmem>> -> memref<100xi32, #tpu.memory_space<vmem>>
        %dma_start3A_638 = arith.constant 0 : i32
        %dma_start3A_639 = arith.constant 0 : i32
        %dma_start3A_640 = tpu.memref_slice %arg3[%dma_start3A_638, %dma_start3A_639] : memref<1000000x32xf32, #tpu.memory_space<hbm>> -> memref<1000000x32xf32, #tpu.memory_space<hbm>>
        %dma_start3A_641 = tpu.memref_slice %arg8[%dma_start3A_630] : memref<8x!tpu.dma_semaphore, #tpu.memory_space<semaphore_mem>> -> memref<1x!tpu.dma_semaphore, #tpu.memory_space<semaphore_mem>>
        %dma_start3A_642 = tpu.memref_squeeze %dma_start3A_641 : memref<1x!tpu.dma_semaphore, #tpu.memory_space<semaphore_mem>> -> memref<!tpu.dma_semaphore, #tpu.memory_space<semaphore_mem>>
        tpu.enqueue_indirect_dma source(%dma_start3A_640 : memref<1000000x32xf32, #tpu.memory_space<hbm>>) target(%dma_start3A_634 : memref<100x32xf32, #tpu.memory_space<vmem>>) offsets(%dma_start3A_637 : memref<100xi32, #tpu.memory_space<vmem>>) semaphore(%dma_start3A_642 : memref<!tpu.dma_semaphore, #tpu.memory_space<semaphore_mem>>)
        %mul3A_643 = arith.constant 2 : i32
        %mul3A_644 = arith.muli %mul3A_643, %add3A_626 : i32
        %add3A_645 = arith.constant 1 : i32
        %add3A_646 = arith.addi %mul3A_644, %add3A_645 : i32
        %dma_start3A_647 = arith.constant 1 : i32
        %dma_start3A_648 = arith.constant 1 : i32
        %dma_start3A_649 = arith.constant 100 : i32
        %dma_start3A_650 = arith.constant 0 : i32
        %dma_start3A_651 = tpu.memref_slice %arg6[%dma_start3A_647, %dma_start3A_649, %dma_start3A_650] : memref<8x200x32xf32, #tpu.memory_space<vmem>> -> memref<1x100x32xf32, #tpu.memory_space<vmem>>
        %dma_start3A_652 = tpu.memref_squeeze %dma_start3A_651 : memref<1x100x32xf32, #tpu.memory_space<vmem>> -> memref<100x32xf32, #tpu.memory_space<vmem>>
        %dma_start3A_653 = arith.constant 0 : i32
        %dma_start3A_654 = tpu.memref_slice %arg5[%add3A_646, %dma_start3A_653] : memref<256x100xi32, #tpu.memory_space<vmem>> -> memref<1x100xi32, #tpu.memory_space<vmem>>
        %dma_start3A_655 = tpu.memref_squeeze %dma_start3A_654 : memref<1x100xi32, #tpu.memory_space<vmem>> -> memref<100xi32, #tpu.memory_space<vmem>>
        %dma_start3A_656 = arith.constant 0 : i32
        %dma_start3A_657 = arith.constant 0 : i32
        %dma_start3A_658 = tpu.memref_slice %arg3[%dma_start3A_656, %dma_start3A_657] : memref<1000000x32xf32, #tpu.memory_space<hbm>> -> memref<1000000x32xf32, #tpu.memory_space<hbm>>
        %dma_start3A_659 = tpu.memref_slice %arg8[%dma_start3A_648] : memref<8x!tpu.dma_semaphore, #tpu.memory_space<semaphore_mem>> -> memref<1x!tpu.dma_semaphore, #tpu.memory_space<semaphore_mem>>
        %dma_start3A_660 = tpu.memref_squeeze %dma_start3A_659 : memref<1x!tpu.dma_semaphore, #tpu.memory_space<semaphore_mem>> -> memref<!tpu.dma_semaphore, #tpu.memory_space<semaphore_mem>>
        tpu.enqueue_indirect_dma source(%dma_start3A_658 : memref<1000000x32xf32, #tpu.memory_space<hbm>>) target(%dma_start3A_652 : memref<100x32xf32, #tpu.memory_space<vmem>>) offsets(%dma_start3A_655 : memref<100xi32, #tpu.memory_space<vmem>>) semaphore(%dma_start3A_660 : memref<!tpu.dma_semaphore, #tpu.memory_space<semaphore_mem>>)
      } else {
      }
      %add3A_325 = arith.addf %scan3A_318#0, %scan3A_318#2 : vector<16xf32>
      %add3A_326 = arith.constant 1 : i32
      %add3A_327 = arith.addi %add3A_252, %add3A_326 : i32
      %swap3A_328 = arith.index_cast %add3A_327 : i32 to index
      %swap3A_329 = arith.constant 0 : index
      %swap3A_330 = tpu.vector_load %arg7[%swap3A_328, %swap3A_329] {strides = array<i32>} : memref<128x32xf32, #tpu.memory_space<vmem>>, vector<1x16xf32>,
      %swap3A_331 = vector.shape_cast %swap3A_330 : vector<1x16xf32> to vector<16xf32>
      %swap3A_332 = vector.shape_cast %add3A_325 : vector<16xf32> to vector<1x16xf32>
      tpu.vector_store %arg7[%swap3A_328, %swap3A_329], %swap3A_332 {strides = array<i32>} : memref<128x32xf32, #tpu.memory_space<vmem>>, vector<1x16xf32>,
      %add3A_333 = arith.addf %scan3A_318#1, %scan3A_318#3 : vector<16xf32>
      %add3A_334 = arith.constant 1 : i32
      %add3A_335 = arith.addi %add3A_252, %add3A_334 : i32
      %swap3A_336 = arith.index_cast %add3A_335 : i32 to index
      %swap3A_337 = arith.constant 16 : index
      %swap3A_338 = tpu.vector_load %arg7[%swap3A_336, %swap3A_337] {strides = array<i32>} : memref<128x32xf32, #tpu.memory_space<vmem>>, vector<1x16xf32>,
      %swap3A_339 = vector.shape_cast %swap3A_338 : vector<1x16xf32> to vector<16xf32>
      %swap3A_340 = vector.shape_cast %add3A_333 : vector<16xf32> to vector<1x16xf32>
      tpu.vector_store %arg7[%swap3A_336, %swap3A_337], %swap3A_340 {strides = array<i32>} : memref<128x32xf32, #tpu.memory_space<vmem>>, vector<1x16xf32>,
      %dma_wait3A_341 = arith.constant 2 : i32
      %dma_wait3A_342 = arith.constant 2 : i32
      %dma_wait3A_343 = arith.constant 0 : i32
      %dma_wait3A_344 = arith.constant 0 : i32
      %dma_wait3A_345 = tpu.memref_slice %arg6[%dma_wait3A_341, %dma_wait3A_343, %dma_wait3A_344] : memref<8x200x32xf32, #tpu.memory_space<vmem>> -> memref<1x200x32xf32, #tpu.memory_space<vmem>>
      %dma_wait3A_346 = tpu.memref_squeeze %dma_wait3A_345 : memref<1x200x32xf32, #tpu.memory_space<vmem>> -> memref<200x32xf32, #tpu.memory_space<vmem>>
      %dma_wait3A_347 = arith.constant 0 : i32
      %dma_wait3A_348 = arith.constant 0 : i32
      %dma_wait3A_349 = tpu.memref_slice %arg3[%dma_wait3A_347, %dma_wait3A_348] : memref<1000000x32xf32, #tpu.memory_space<hbm>> -> memref<200x32xf32, #tpu.memory_space<hbm>>
      %dma_wait3A_350 = tpu.memref_slice %arg8[%dma_wait3A_342] : memref<8x!tpu.dma_semaphore, #tpu.memory_space<semaphore_mem>> -> memref<1x!tpu.dma_semaphore, #tpu.memory_space<semaphore_mem>>
      %dma_wait3A_351 = tpu.memref_squeeze %dma_wait3A_350 : memref<1x!tpu.dma_semaphore, #tpu.memory_space<semaphore_mem>> -> memref<!tpu.dma_semaphore, #tpu.memory_space<semaphore_mem>>
      %dma_wait3A_352 = arith.constant 0 : i32
      %dma_wait3A_353 = arith.constant 0 : i32
      %dma_wait3A_354 = tpu.memref_slice %arg6[%dma_wait3A_341, %dma_wait3A_352, %dma_wait3A_353] : memref<8x200x32xf32, #tpu.memory_space<vmem>> -> memref<1x200x32xf32, #tpu.memory_space<vmem>>
      %dma_wait3A_355 = tpu.memref_squeeze %dma_wait3A_354 : memref<1x200x32xf32, #tpu.memory_space<vmem>> -> memref<200x32xf32, #tpu.memory_space<vmem>>
      %dma_wait3A_356 = arith.constant 0 : i32
      %dma_wait3A_357 = arith.constant 0 : i32
      %dma_wait3A_358 = tpu.memref_slice %arg3[%dma_wait3A_356, %dma_wait3A_357] : memref<1000000x32xf32, #tpu.memory_space<hbm>> -> memref<200x32xf32, #tpu.memory_space<hbm>>
      tpu.wait_dma2 semaphore(%dma_wait3A_351 : memref<!tpu.dma_semaphore, #tpu.memory_space<semaphore_mem>>) src(%dma_wait3A_358 : memref<200x32xf32, #tpu.memory_space<hbm>>) dst(%dma_wait3A_355 : memref<200x32xf32, #tpu.memory_space<vmem>>)
      %broadcast_in_dim3A_359 = arith.constant 0.000000e+00 : f32
      %broadcast_in_dim3A_360 = vector.broadcast %broadcast_in_dim3A_359 : f32 to vector<16xf32>
      %scan3A_361 = arith.constant 0 : i32
      %scan3A_362 = arith.constant 50 : i32
      %scan3A_363 = arith.addi %scan3A_361, %scan3A_362 : i32
      %scan3A_364 = arith.constant 1 : i32
      %scan3A_365:4 = scf.for %scan3A_623 = %scan3A_361 to %scan3A_363 step %scan3A_364 iter_args(%scan3A_624 = %broadcast_in_dim3A_360, %scan3A_625 = %broadcast_in_dim3A_360, %scan3A_626 = %broadcast_in_dim3A_360, %scan3A_627 = %broadcast_in_dim3A_360) -> (vector<16xf32>, vector<16xf32>, vector<16xf32>, vector<16xf32>)  : i32 {
        %mul3A_628 = arith.constant 4 : i32
        %mul3A_629 = arith.muli %mul3A_628, %scan3A_623 : i32
        %get3A = arith.constant 2 : i32
        %get3A_630 = arith.index_cast %get3A : i32 to index
        %get3A_631 = arith.index_cast %mul3A_629 : i32 to index
        %get3A_632 = arith.constant 0 : index
        %get3A_633 = tpu.vector_load %arg6[%get3A_630, %get3A_631, %get3A_632] {strides = array<i32>} : memref<8x200x32xf32, #tpu.memory_space<vmem>>, vector<1x1x16xf32>,
        %get3A_634 = vector.shape_cast %get3A_633 : vector<1x1x16xf32> to vector<16xf32>
        %add3A_635 = arith.addf %scan3A_624, %get3A_634 : vector<16xf32>
        %get3A_636 = arith.constant 2 : i32
        %get3A_637 = arith.index_cast %get3A_636 : i32 to index
        %get3A_638 = arith.index_cast %mul3A_629 : i32 to index
        %get3A_639 = arith.constant 16 : index
        %get3A_640 = tpu.vector_load %arg6[%get3A_637, %get3A_638, %get3A_639] {strides = array<i32>} : memref<8x200x32xf32, #tpu.memory_space<vmem>>, vector<1x1x16xf32>,
        %get3A_641 = vector.shape_cast %get3A_640 : vector<1x1x16xf32> to vector<16xf32>
        %add3A_642 = arith.addf %scan3A_625, %get3A_641 : vector<16xf32>
        %add3A_643 = arith.constant 1 : i32
        %add3A_644 = arith.addi %mul3A_629, %add3A_643 : i32
        %get3A_645 = arith.constant 2 : i32
        %get3A_646 = arith.index_cast %get3A_645 : i32 to index
        %get3A_647 = arith.index_cast %add3A_644 : i32 to index
        %get3A_648 = arith.constant 0 : index
        %get3A_649 = tpu.vector_load %arg6[%get3A_646, %get3A_647, %get3A_648] {strides = array<i32>} : memref<8x200x32xf32, #tpu.memory_space<vmem>>, vector<1x1x16xf32>,
        %get3A_650 = vector.shape_cast %get3A_649 : vector<1x1x16xf32> to vector<16xf32>
        %add3A_651 = arith.addf %scan3A_626, %get3A_650 : vector<16xf32>
        %add3A_652 = arith.constant 1 : i32
        %add3A_653 = arith.addi %mul3A_629, %add3A_652 : i32
        %get3A_654 = arith.constant 2 : i32
        %get3A_655 = arith.index_cast %get3A_654 : i32 to index
        %get3A_656 = arith.index_cast %add3A_653 : i32 to index
        %get3A_657 = arith.constant 16 : index
        %get3A_658 = tpu.vector_load %arg6[%get3A_655, %get3A_656, %get3A_657] {strides = array<i32>} : memref<8x200x32xf32, #tpu.memory_space<vmem>>, vector<1x1x16xf32>,
        %get3A_659 = vector.shape_cast %get3A_658 : vector<1x1x16xf32> to vector<16xf32>
        %add3A_660 = arith.addf %scan3A_627, %get3A_659 : vector<16xf32>
        %add3A_661 = arith.constant 2 : i32
        %add3A_662 = arith.addi %mul3A_629, %add3A_661 : i32
        %get3A_663 = arith.constant 2 : i32
        %get3A_664 = arith.index_cast %get3A_663 : i32 to index
        %get3A_665 = arith.index_cast %add3A_662 : i32 to index
        %get3A_666 = arith.constant 0 : index
        %get3A_667 = tpu.vector_load %arg6[%get3A_664, %get3A_665, %get3A_666] {strides = array<i32>} : memref<8x200x32xf32, #tpu.memory_space<vmem>>, vector<1x1x16xf32>,
        %get3A_668 = vector.shape_cast %get3A_667 : vector<1x1x16xf32> to vector<16xf32>
        %add3A_669 = arith.addf %add3A_635, %get3A_668 : vector<16xf32>
        %add3A_670 = arith.constant 2 : i32
        %add3A_671 = arith.addi %mul3A_629, %add3A_670 : i32
        %get3A_672 = arith.constant 2 : i32
        %get3A_673 = arith.index_cast %get3A_672 : i32 to index
        %get3A_674 = arith.index_cast %add3A_671 : i32 to index
        %get3A_675 = arith.constant 16 : index
        %get3A_676 = tpu.vector_load %arg6[%get3A_673, %get3A_674, %get3A_675] {strides = array<i32>} : memref<8x200x32xf32, #tpu.memory_space<vmem>>, vector<1x1x16xf32>,
        %get3A_677 = vector.shape_cast %get3A_676 : vector<1x1x16xf32> to vector<16xf32>
        %add3A_678 = arith.addf %add3A_642, %get3A_677 : vector<16xf32>
        %add3A_679 = arith.constant 3 : i32
        %add3A_680 = arith.addi %mul3A_629, %add3A_679 : i32
        %get3A_681 = arith.constant 2 : i32
        %get3A_682 = arith.index_cast %get3A_681 : i32 to index
        %get3A_683 = arith.index_cast %add3A_680 : i32 to index
        %get3A_684 = arith.constant 0 : index
        %get3A_685 = tpu.vector_load %arg6[%get3A_682, %get3A_683, %get3A_684] {strides = array<i32>} : memref<8x200x32xf32, #tpu.memory_space<vmem>>, vector<1x1x16xf32>,
        %get3A_686 = vector.shape_cast %get3A_685 : vector<1x1x16xf32> to vector<16xf32>
        %add3A_687 = arith.addf %add3A_651, %get3A_686 : vector<16xf32>
        %add3A_688 = arith.constant 3 : i32
        %add3A_689 = arith.addi %mul3A_629, %add3A_688 : i32
        %get3A_690 = arith.constant 2 : i32
        %get3A_691 = arith.index_cast %get3A_690 : i32 to index
        %get3A_692 = arith.index_cast %add3A_689 : i32 to index
        %get3A_693 = arith.constant 16 : index
        %get3A_694 = tpu.vector_load %arg6[%get3A_691, %get3A_692, %get3A_693] {strides = array<i32>} : memref<8x200x32xf32, #tpu.memory_space<vmem>>, vector<1x1x16xf32>,
        %get3A_695 = vector.shape_cast %get3A_694 : vector<1x1x16xf32> to vector<16xf32>
        %add3A_696 = arith.addf %add3A_660, %get3A_695 : vector<16xf32>
        scf.yield %add3A_669, %add3A_678, %add3A_687, %add3A_696 : vector<16xf32>, vector<16xf32>, vector<16xf32>, vector<16xf32>
      }
      %scan3A_366 = arith.constant 50 : i32
      %lt3A_367 = arith.constant 120 : i32
      %lt3A_368 = arith.cmpi slt, %add3A_252, %lt3A_367 : i32
      %convert_element_type3A_369 = arith.extui %lt3A_368 : i1 to i32
      %cond3A_370 = arith.constant 0 : i32
      %cond3A_371 = arith.cmpi ne, %convert_element_type3A_369, %cond3A_370 : i32
      scf.if %cond3A_371 {
        %add3A_623 = arith.constant 8 : i32
        %add3A_624 = arith.addi %add3A_252, %add3A_623 : i32
        %add3A_625 = arith.constant 2 : i32
        %add3A_626 = arith.addi %add3A_624, %add3A_625 : i32
        %mul3A_627 = arith.constant 2 : i32
        %mul3A_628 = arith.muli %mul3A_627, %add3A_626 : i32
        %dma_start3A_629 = arith.constant 2 : i32
        %dma_start3A_630 = arith.constant 2 : i32
        %dma_start3A_631 = arith.constant 0 : i32
        %dma_start3A_632 = arith.constant 0 : i32
        %dma_start3A_633 = tpu.memref_slice %arg6[%dma_start3A_629, %dma_start3A_631, %dma_start3A_632] : memref<8x200x32xf32, #tpu.memory_space<vmem>> -> memref<1x100x32xf32, #tpu.memory_space<vmem>>
        %dma_start3A_634 = tpu.memref_squeeze %dma_start3A_633 : memref<1x100x32xf32, #tpu.memory_space<vmem>> -> memref<100x32xf32, #tpu.memory_space<vmem>>
        %dma_start3A_635 = arith.constant 0 : i32
        %dma_start3A_636 = tpu.memref_slice %arg5[%mul3A_628, %dma_start3A_635] : memref<256x100xi32, #tpu.memory_space<vmem>> -> memref<1x100xi32, #tpu.memory_space<vmem>>
        %dma_start3A_637 = tpu.memref_squeeze %dma_start3A_636 : memref<1x100xi32, #tpu.memory_space<vmem>> -> memref<100xi32, #tpu.memory_space<vmem>>
        %dma_start3A_638 = arith.constant 0 : i32
        %dma_start3A_639 = arith.constant 0 : i32
        %dma_start3A_640 = tpu.memref_slice %arg3[%dma_start3A_638, %dma_start3A_639] : memref<1000000x32xf32, #tpu.memory_space<hbm>> -> memref<1000000x32xf32, #tpu.memory_space<hbm>>
        %dma_start3A_641 = tpu.memref_slice %arg8[%dma_start3A_630] : memref<8x!tpu.dma_semaphore, #tpu.memory_space<semaphore_mem>> -> memref<1x!tpu.dma_semaphore, #tpu.memory_space<semaphore_mem>>
        %dma_start3A_642 = tpu.memref_squeeze %dma_start3A_641 : memref<1x!tpu.dma_semaphore, #tpu.memory_space<semaphore_mem>> -> memref<!tpu.dma_semaphore, #tpu.memory_space<semaphore_mem>>
        tpu.enqueue_indirect_dma source(%dma_start3A_640 : memref<1000000x32xf32, #tpu.memory_space<hbm>>) target(%dma_start3A_634 : memref<100x32xf32, #tpu.memory_space<vmem>>) offsets(%dma_start3A_637 : memref<100xi32, #tpu.memory_space<vmem>>) semaphore(%dma_start3A_642 : memref<!tpu.dma_semaphore, #tpu.memory_space<semaphore_mem>>)
        %mul3A_643 = arith.constant 2 : i32
        %mul3A_644 = arith.muli %mul3A_643, %add3A_626 : i32
        %add3A_645 = arith.constant 1 : i32
        %add3A_646 = arith.addi %mul3A_644, %add3A_645 : i32
        %dma_start3A_647 = arith.constant 2 : i32
        %dma_start3A_648 = arith.constant 2 : i32
        %dma_start3A_649 = arith.constant 100 : i32
        %dma_start3A_650 = arith.constant 0 : i32
        %dma_start3A_651 = tpu.memref_slice %arg6[%dma_start3A_647, %dma_start3A_649, %dma_start3A_650] : memref<8x200x32xf32, #tpu.memory_space<vmem>> -> memref<1x100x32xf32, #tpu.memory_space<vmem>>
        %dma_start3A_652 = tpu.memref_squeeze %dma_start3A_651 : memref<1x100x32xf32, #tpu.memory_space<vmem>> -> memref<100x32xf32, #tpu.memory_space<vmem>>
        %dma_start3A_653 = arith.constant 0 : i32
        %dma_start3A_654 = tpu.memref_slice %arg5[%add3A_646, %dma_start3A_653] : memref<256x100xi32, #tpu.memory_space<vmem>> -> memref<1x100xi32, #tpu.memory_space<vmem>>
        %dma_start3A_655 = tpu.memref_squeeze %dma_start3A_654 : memref<1x100xi32, #tpu.memory_space<vmem>> -> memref<100xi32, #tpu.memory_space<vmem>>
        %dma_start3A_656 = arith.constant 0 : i32
        %dma_start3A_657 = arith.constant 0 : i32
        %dma_start3A_658 = tpu.memref_slice %arg3[%dma_start3A_656, %dma_start3A_657] : memref<1000000x32xf32, #tpu.memory_space<hbm>> -> memref<1000000x32xf32, #tpu.memory_space<hbm>>
        %dma_start3A_659 = tpu.memref_slice %arg8[%dma_start3A_648] : memref<8x!tpu.dma_semaphore, #tpu.memory_space<semaphore_mem>> -> memref<1x!tpu.dma_semaphore, #tpu.memory_space<semaphore_mem>>
        %dma_start3A_660 = tpu.memref_squeeze %dma_start3A_659 : memref<1x!tpu.dma_semaphore, #tpu.memory_space<semaphore_mem>> -> memref<!tpu.dma_semaphore, #tpu.memory_space<semaphore_mem>>
        tpu.enqueue_indirect_dma source(%dma_start3A_658 : memref<1000000x32xf32, #tpu.memory_space<hbm>>) target(%dma_start3A_652 : memref<100x32xf32, #tpu.memory_space<vmem>>) offsets(%dma_start3A_655 : memref<100xi32, #tpu.memory_space<vmem>>) semaphore(%dma_start3A_660 : memref<!tpu.dma_semaphore, #tpu.memory_space<semaphore_mem>>)
      } else {
      }
      %add3A_372 = arith.addf %scan3A_365#0, %scan3A_365#2 : vector<16xf32>
      %add3A_373 = arith.constant 2 : i32
      %add3A_374 = arith.addi %add3A_252, %add3A_373 : i32
      %swap3A_375 = arith.index_cast %add3A_374 : i32 to index
      %swap3A_376 = arith.constant 0 : index
      %swap3A_377 = tpu.vector_load %arg7[%swap3A_375, %swap3A_376] {strides = array<i32>} : memref<128x32xf32, #tpu.memory_space<vmem>>, vector<1x16xf32>,
      %swap3A_378 = vector.shape_cast %swap3A_377 : vector<1x16xf32> to vector<16xf32>
      %swap3A_379 = vector.shape_cast %add3A_372 : vector<16xf32> to vector<1x16xf32>
      tpu.vector_store %arg7[%swap3A_375, %swap3A_376], %swap3A_379 {strides = array<i32>} : memref<128x32xf32, #tpu.memory_space<vmem>>, vector<1x16xf32>,
      %add3A_380 = arith.addf %scan3A_365#1, %scan3A_365#3 : vector<16xf32>
      %add3A_381 = arith.constant 2 : i32
      %add3A_382 = arith.addi %add3A_252, %add3A_381 : i32
      %swap3A_383 = arith.index_cast %add3A_382 : i32 to index
      %swap3A_384 = arith.constant 16 : index
      %swap3A_385 = tpu.vector_load %arg7[%swap3A_383, %swap3A_384] {strides = array<i32>} : memref<128x32xf32, #tpu.memory_space<vmem>>, vector<1x16xf32>,
      %swap3A_386 = vector.shape_cast %swap3A_385 : vector<1x16xf32> to vector<16xf32>
      %swap3A_387 = vector.shape_cast %add3A_380 : vector<16xf32> to vector<1x16xf32>
      tpu.vector_store %arg7[%swap3A_383, %swap3A_384], %swap3A_387 {strides = array<i32>} : memref<128x32xf32, #tpu.memory_space<vmem>>, vector<1x16xf32>,
      %dma_wait3A_388 = arith.constant 3 : i32
      %dma_wait3A_389 = arith.constant 3 : i32
      %dma_wait3A_390 = arith.constant 0 : i32
      %dma_wait3A_391 = arith.constant 0 : i32
      %dma_wait3A_392 = tpu.memref_slice %arg6[%dma_wait3A_388, %dma_wait3A_390, %dma_wait3A_391] : memref<8x200x32xf32, #tpu.memory_space<vmem>> -> memref<1x200x32xf32, #tpu.memory_space<vmem>>
      %dma_wait3A_393 = tpu.memref_squeeze %dma_wait3A_392 : memref<1x200x32xf32, #tpu.memory_space<vmem>> -> memref<200x32xf32, #tpu.memory_space<vmem>>
      %dma_wait3A_394 = arith.constant 0 : i32
      %dma_wait3A_395 = arith.constant 0 : i32
      %dma_wait3A_396 = tpu.memref_slice %arg3[%dma_wait3A_394, %dma_wait3A_395] : memref<1000000x32xf32, #tpu.memory_space<hbm>> -> memref<200x32xf32, #tpu.memory_space<hbm>>
      %dma_wait3A_397 = tpu.memref_slice %arg8[%dma_wait3A_389] : memref<8x!tpu.dma_semaphore, #tpu.memory_space<semaphore_mem>> -> memref<1x!tpu.dma_semaphore, #tpu.memory_space<semaphore_mem>>
      %dma_wait3A_398 = tpu.memref_squeeze %dma_wait3A_397 : memref<1x!tpu.dma_semaphore, #tpu.memory_space<semaphore_mem>> -> memref<!tpu.dma_semaphore, #tpu.memory_space<semaphore_mem>>
      %dma_wait3A_399 = arith.constant 0 : i32
      %dma_wait3A_400 = arith.constant 0 : i32
      %dma_wait3A_401 = tpu.memref_slice %arg6[%dma_wait3A_388, %dma_wait3A_399, %dma_wait3A_400] : memref<8x200x32xf32, #tpu.memory_space<vmem>> -> memref<1x200x32xf32, #tpu.memory_space<vmem>>
      %dma_wait3A_402 = tpu.memref_squeeze %dma_wait3A_401 : memref<1x200x32xf32, #tpu.memory_space<vmem>> -> memref<200x32xf32, #tpu.memory_space<vmem>>
      %dma_wait3A_403 = arith.constant 0 : i32
      %dma_wait3A_404 = arith.constant 0 : i32
      %dma_wait3A_405 = tpu.memref_slice %arg3[%dma_wait3A_403, %dma_wait3A_404] : memref<1000000x32xf32, #tpu.memory_space<hbm>> -> memref<200x32xf32, #tpu.memory_space<hbm>>
      tpu.wait_dma2 semaphore(%dma_wait3A_398 : memref<!tpu.dma_semaphore, #tpu.memory_space<semaphore_mem>>) src(%dma_wait3A_405 : memref<200x32xf32, #tpu.memory_space<hbm>>) dst(%dma_wait3A_402 : memref<200x32xf32, #tpu.memory_space<vmem>>)
      %broadcast_in_dim3A_406 = arith.constant 0.000000e+00 : f32
      %broadcast_in_dim3A_407 = vector.broadcast %broadcast_in_dim3A_406 : f32 to vector<16xf32>
      %scan3A_408 = arith.constant 0 : i32
      %scan3A_409 = arith.constant 50 : i32
      %scan3A_410 = arith.addi %scan3A_408, %scan3A_409 : i32
      %scan3A_411 = arith.constant 1 : i32
      %scan3A_412:4 = scf.for %scan3A_623 = %scan3A_408 to %scan3A_410 step %scan3A_411 iter_args(%scan3A_624 = %broadcast_in_dim3A_407, %scan3A_625 = %broadcast_in_dim3A_407, %scan3A_626 = %broadcast_in_dim3A_407, %scan3A_627 = %broadcast_in_dim3A_407) -> (vector<16xf32>, vector<16xf32>, vector<16xf32>, vector<16xf32>)  : i32 {
        %mul3A_628 = arith.constant 4 : i32
        %mul3A_629 = arith.muli %mul3A_628, %scan3A_623 : i32
        %get3A = arith.constant 3 : i32
        %get3A_630 = arith.index_cast %get3A : i32 to index
        %get3A_631 = arith.index_cast %mul3A_629 : i32 to index
        %get3A_632 = arith.constant 0 : index
        %get3A_633 = tpu.vector_load %arg6[%get3A_630, %get3A_631, %get3A_632] {strides = array<i32>} : memref<8x200x32xf32, #tpu.memory_space<vmem>>, vector<1x1x16xf32>,
        %get3A_634 = vector.shape_cast %get3A_633 : vector<1x1x16xf32> to vector<16xf32>
        %add3A_635 = arith.addf %scan3A_624, %get3A_634 : vector<16xf32>
        %get3A_636 = arith.constant 3 : i32
        %get3A_637 = arith.index_cast %get3A_636 : i32 to index
        %get3A_638 = arith.index_cast %mul3A_629 : i32 to index
        %get3A_639 = arith.constant 16 : index
        %get3A_640 = tpu.vector_load %arg6[%get3A_637, %get3A_638, %get3A_639] {strides = array<i32>} : memref<8x200x32xf32, #tpu.memory_space<vmem>>, vector<1x1x16xf32>,
        %get3A_641 = vector.shape_cast %get3A_640 : vector<1x1x16xf32> to vector<16xf32>
        %add3A_642 = arith.addf %scan3A_625, %get3A_641 : vector<16xf32>
        %add3A_643 = arith.constant 1 : i32
        %add3A_644 = arith.addi %mul3A_629, %add3A_643 : i32
        %get3A_645 = arith.constant 3 : i32
        %get3A_646 = arith.index_cast %get3A_645 : i32 to index
        %get3A_647 = arith.index_cast %add3A_644 : i32 to index
        %get3A_648 = arith.constant 0 : index
        %get3A_649 = tpu.vector_load %arg6[%get3A_646, %get3A_647, %get3A_648] {strides = array<i32>} : memref<8x200x32xf32, #tpu.memory_space<vmem>>, vector<1x1x16xf32>,
        %get3A_650 = vector.shape_cast %get3A_649 : vector<1x1x16xf32> to vector<16xf32>
        %add3A_651 = arith.addf %scan3A_626, %get3A_650 : vector<16xf32>
        %add3A_652 = arith.constant 1 : i32
        %add3A_653 = arith.addi %mul3A_629, %add3A_652 : i32
        %get3A_654 = arith.constant 3 : i32
        %get3A_655 = arith.index_cast %get3A_654 : i32 to index
        %get3A_656 = arith.index_cast %add3A_653 : i32 to index
        %get3A_657 = arith.constant 16 : index
        %get3A_658 = tpu.vector_load %arg6[%get3A_655, %get3A_656, %get3A_657] {strides = array<i32>} : memref<8x200x32xf32, #tpu.memory_space<vmem>>, vector<1x1x16xf32>,
        %get3A_659 = vector.shape_cast %get3A_658 : vector<1x1x16xf32> to vector<16xf32>
        %add3A_660 = arith.addf %scan3A_627, %get3A_659 : vector<16xf32>
        %add3A_661 = arith.constant 2 : i32
        %add3A_662 = arith.addi %mul3A_629, %add3A_661 : i32
        %get3A_663 = arith.constant 3 : i32
        %get3A_664 = arith.index_cast %get3A_663 : i32 to index
        %get3A_665 = arith.index_cast %add3A_662 : i32 to index
        %get3A_666 = arith.constant 0 : index
        %get3A_667 = tpu.vector_load %arg6[%get3A_664, %get3A_665, %get3A_666] {strides = array<i32>} : memref<8x200x32xf32, #tpu.memory_space<vmem>>, vector<1x1x16xf32>,
        %get3A_668 = vector.shape_cast %get3A_667 : vector<1x1x16xf32> to vector<16xf32>
        %add3A_669 = arith.addf %add3A_635, %get3A_668 : vector<16xf32>
        %add3A_670 = arith.constant 2 : i32
        %add3A_671 = arith.addi %mul3A_629, %add3A_670 : i32
        %get3A_672 = arith.constant 3 : i32
        %get3A_673 = arith.index_cast %get3A_672 : i32 to index
        %get3A_674 = arith.index_cast %add3A_671 : i32 to index
        %get3A_675 = arith.constant 16 : index
        %get3A_676 = tpu.vector_load %arg6[%get3A_673, %get3A_674, %get3A_675] {strides = array<i32>} : memref<8x200x32xf32, #tpu.memory_space<vmem>>, vector<1x1x16xf32>,
        %get3A_677 = vector.shape_cast %get3A_676 : vector<1x1x16xf32> to vector<16xf32>
        %add3A_678 = arith.addf %add3A_642, %get3A_677 : vector<16xf32>
        %add3A_679 = arith.constant 3 : i32
        %add3A_680 = arith.addi %mul3A_629, %add3A_679 : i32
        %get3A_681 = arith.constant 3 : i32
        %get3A_682 = arith.index_cast %get3A_681 : i32 to index
        %get3A_683 = arith.index_cast %add3A_680 : i32 to index
        %get3A_684 = arith.constant 0 : index
        %get3A_685 = tpu.vector_load %arg6[%get3A_682, %get3A_683, %get3A_684] {strides = array<i32>} : memref<8x200x32xf32, #tpu.memory_space<vmem>>, vector<1x1x16xf32>,
        %get3A_686 = vector.shape_cast %get3A_685 : vector<1x1x16xf32> to vector<16xf32>
        %add3A_687 = arith.addf %add3A_651, %get3A_686 : vector<16xf32>
        %add3A_688 = arith.constant 3 : i32
        %add3A_689 = arith.addi %mul3A_629, %add3A_688 : i32
        %get3A_690 = arith.constant 3 : i32
        %get3A_691 = arith.index_cast %get3A_690 : i32 to index
        %get3A_692 = arith.index_cast %add3A_689 : i32 to index
        %get3A_693 = arith.constant 16 : index
        %get3A_694 = tpu.vector_load %arg6[%get3A_691, %get3A_692, %get3A_693] {strides = array<i32>} : memref<8x200x32xf32, #tpu.memory_space<vmem>>, vector<1x1x16xf32>,
        %get3A_695 = vector.shape_cast %get3A_694 : vector<1x1x16xf32> to vector<16xf32>
        %add3A_696 = arith.addf %add3A_660, %get3A_695 : vector<16xf32>
        scf.yield %add3A_669, %add3A_678, %add3A_687, %add3A_696 : vector<16xf32>, vector<16xf32>, vector<16xf32>, vector<16xf32>
      }
      %scan3A_413 = arith.constant 50 : i32
      %lt3A_414 = arith.constant 120 : i32
      %lt3A_415 = arith.cmpi slt, %add3A_252, %lt3A_414 : i32
      %convert_element_type3A_416 = arith.extui %lt3A_415 : i1 to i32
      %cond3A_417 = arith.constant 0 : i32
      %cond3A_418 = arith.cmpi ne, %convert_element_type3A_416, %cond3A_417 : i32
      scf.if %cond3A_418 {
        %add3A_623 = arith.constant 8 : i32
        %add3A_624 = arith.addi %add3A_252, %add3A_623 : i32
        %add3A_625 = arith.constant 3 : i32
        %add3A_626 = arith.addi %add3A_624, %add3A_625 : i32
        %mul3A_627 = arith.constant 2 : i32
        %mul3A_628 = arith.muli %mul3A_627, %add3A_626 : i32
        %dma_start3A_629 = arith.constant 3 : i32
        %dma_start3A_630 = arith.constant 3 : i32
        %dma_start3A_631 = arith.constant 0 : i32
        %dma_start3A_632 = arith.constant 0 : i32
        %dma_start3A_633 = tpu.memref_slice %arg6[%dma_start3A_629, %dma_start3A_631, %dma_start3A_632] : memref<8x200x32xf32, #tpu.memory_space<vmem>> -> memref<1x100x32xf32, #tpu.memory_space<vmem>>
        %dma_start3A_634 = tpu.memref_squeeze %dma_start3A_633 : memref<1x100x32xf32, #tpu.memory_space<vmem>> -> memref<100x32xf32, #tpu.memory_space<vmem>>
        %dma_start3A_635 = arith.constant 0 : i32
        %dma_start3A_636 = tpu.memref_slice %arg5[%mul3A_628, %dma_start3A_635] : memref<256x100xi32, #tpu.memory_space<vmem>> -> memref<1x100xi32, #tpu.memory_space<vmem>>
        %dma_start3A_637 = tpu.memref_squeeze %dma_start3A_636 : memref<1x100xi32, #tpu.memory_space<vmem>> -> memref<100xi32, #tpu.memory_space<vmem>>
        %dma_start3A_638 = arith.constant 0 : i32
        %dma_start3A_639 = arith.constant 0 : i32
        %dma_start3A_640 = tpu.memref_slice %arg3[%dma_start3A_638, %dma_start3A_639] : memref<1000000x32xf32, #tpu.memory_space<hbm>> -> memref<1000000x32xf32, #tpu.memory_space<hbm>>
        %dma_start3A_641 = tpu.memref_slice %arg8[%dma_start3A_630] : memref<8x!tpu.dma_semaphore, #tpu.memory_space<semaphore_mem>> -> memref<1x!tpu.dma_semaphore, #tpu.memory_space<semaphore_mem>>
        %dma_start3A_642 = tpu.memref_squeeze %dma_start3A_641 : memref<1x!tpu.dma_semaphore, #tpu.memory_space<semaphore_mem>> -> memref<!tpu.dma_semaphore, #tpu.memory_space<semaphore_mem>>
        tpu.enqueue_indirect_dma source(%dma_start3A_640 : memref<1000000x32xf32, #tpu.memory_space<hbm>>) target(%dma_start3A_634 : memref<100x32xf32, #tpu.memory_space<vmem>>) offsets(%dma_start3A_637 : memref<100xi32, #tpu.memory_space<vmem>>) semaphore(%dma_start3A_642 : memref<!tpu.dma_semaphore, #tpu.memory_space<semaphore_mem>>)
        %mul3A_643 = arith.constant 2 : i32
        %mul3A_644 = arith.muli %mul3A_643, %add3A_626 : i32
        %add3A_645 = arith.constant 1 : i32
        %add3A_646 = arith.addi %mul3A_644, %add3A_645 : i32
        %dma_start3A_647 = arith.constant 3 : i32
        %dma_start3A_648 = arith.constant 3 : i32
        %dma_start3A_649 = arith.constant 100 : i32
        %dma_start3A_650 = arith.constant 0 : i32
        %dma_start3A_651 = tpu.memref_slice %arg6[%dma_start3A_647, %dma_start3A_649, %dma_start3A_650] : memref<8x200x32xf32, #tpu.memory_space<vmem>> -> memref<1x100x32xf32, #tpu.memory_space<vmem>>
        %dma_start3A_652 = tpu.memref_squeeze %dma_start3A_651 : memref<1x100x32xf32, #tpu.memory_space<vmem>> -> memref<100x32xf32, #tpu.memory_space<vmem>>
        %dma_start3A_653 = arith.constant 0 : i32
        %dma_start3A_654 = tpu.memref_slice %arg5[%add3A_646, %dma_start3A_653] : memref<256x100xi32, #tpu.memory_space<vmem>> -> memref<1x100xi32, #tpu.memory_space<vmem>>
        %dma_start3A_655 = tpu.memref_squeeze %dma_start3A_654 : memref<1x100xi32, #tpu.memory_space<vmem>> -> memref<100xi32, #tpu.memory_space<vmem>>
        %dma_start3A_656 = arith.constant 0 : i32
        %dma_start3A_657 = arith.constant 0 : i32
        %dma_start3A_658 = tpu.memref_slice %arg3[%dma_start3A_656, %dma_start3A_657] : memref<1000000x32xf32, #tpu.memory_space<hbm>> -> memref<1000000x32xf32, #tpu.memory_space<hbm>>
        %dma_start3A_659 = tpu.memref_slice %arg8[%dma_start3A_648] : memref<8x!tpu.dma_semaphore, #tpu.memory_space<semaphore_mem>> -> memref<1x!tpu.dma_semaphore, #tpu.memory_space<semaphore_mem>>
        %dma_start3A_660 = tpu.memref_squeeze %dma_start3A_659 : memref<1x!tpu.dma_semaphore, #tpu.memory_space<semaphore_mem>> -> memref<!tpu.dma_semaphore, #tpu.memory_space<semaphore_mem>>
        tpu.enqueue_indirect_dma source(%dma_start3A_658 : memref<1000000x32xf32, #tpu.memory_space<hbm>>) target(%dma_start3A_652 : memref<100x32xf32, #tpu.memory_space<vmem>>) offsets(%dma_start3A_655 : memref<100xi32, #tpu.memory_space<vmem>>) semaphore(%dma_start3A_660 : memref<!tpu.dma_semaphore, #tpu.memory_space<semaphore_mem>>)
      } else {
      }
      %add3A_419 = arith.addf %scan3A_412#0, %scan3A_412#2 : vector<16xf32>
      %add3A_420 = arith.constant 3 : i32
      %add3A_421 = arith.addi %add3A_252, %add3A_420 : i32
      %swap3A_422 = arith.index_cast %add3A_421 : i32 to index
      %swap3A_423 = arith.constant 0 : index
      %swap3A_424 = tpu.vector_load %arg7[%swap3A_422, %swap3A_423] {strides = array<i32>} : memref<128x32xf32, #tpu.memory_space<vmem>>, vector<1x16xf32>,
      %swap3A_425 = vector.shape_cast %swap3A_424 : vector<1x16xf32> to vector<16xf32>
      %swap3A_426 = vector.shape_cast %add3A_419 : vector<16xf32> to vector<1x16xf32>
      tpu.vector_store %arg7[%swap3A_422, %swap3A_423], %swap3A_426 {strides = array<i32>} : memref<128x32xf32, #tpu.memory_space<vmem>>, vector<1x16xf32>,
      %add3A_427 = arith.addf %scan3A_412#1, %scan3A_412#3 : vector<16xf32>
      %add3A_428 = arith.constant 3 : i32
      %add3A_429 = arith.addi %add3A_252, %add3A_428 : i32
      %swap3A_430 = arith.index_cast %add3A_429 : i32 to index
      %swap3A_431 = arith.constant 16 : index
      %swap3A_432 = tpu.vector_load %arg7[%swap3A_430, %swap3A_431] {strides = array<i32>} : memref<128x32xf32, #tpu.memory_space<vmem>>, vector<1x16xf32>,
      %swap3A_433 = vector.shape_cast %swap3A_432 : vector<1x16xf32> to vector<16xf32>
      %swap3A_434 = vector.shape_cast %add3A_427 : vector<16xf32> to vector<1x16xf32>
      tpu.vector_store %arg7[%swap3A_430, %swap3A_431], %swap3A_434 {strides = array<i32>} : memref<128x32xf32, #tpu.memory_space<vmem>>, vector<1x16xf32>,
      %dma_wait3A_435 = arith.constant 4 : i32
      %dma_wait3A_436 = arith.constant 4 : i32
      %dma_wait3A_437 = arith.constant 0 : i32
      %dma_wait3A_438 = arith.constant 0 : i32
      %dma_wait3A_439 = tpu.memref_slice %arg6[%dma_wait3A_435, %dma_wait3A_437, %dma_wait3A_438] : memref<8x200x32xf32, #tpu.memory_space<vmem>> -> memref<1x200x32xf32, #tpu.memory_space<vmem>>
      %dma_wait3A_440 = tpu.memref_squeeze %dma_wait3A_439 : memref<1x200x32xf32, #tpu.memory_space<vmem>> -> memref<200x32xf32, #tpu.memory_space<vmem>>
      %dma_wait3A_441 = arith.constant 0 : i32
      %dma_wait3A_442 = arith.constant 0 : i32
      %dma_wait3A_443 = tpu.memref_slice %arg3[%dma_wait3A_441, %dma_wait3A_442] : memref<1000000x32xf32, #tpu.memory_space<hbm>> -> memref<200x32xf32, #tpu.memory_space<hbm>>
      %dma_wait3A_444 = tpu.memref_slice %arg8[%dma_wait3A_436] : memref<8x!tpu.dma_semaphore, #tpu.memory_space<semaphore_mem>> -> memref<1x!tpu.dma_semaphore, #tpu.memory_space<semaphore_mem>>
      %dma_wait3A_445 = tpu.memref_squeeze %dma_wait3A_444 : memref<1x!tpu.dma_semaphore, #tpu.memory_space<semaphore_mem>> -> memref<!tpu.dma_semaphore, #tpu.memory_space<semaphore_mem>>
      %dma_wait3A_446 = arith.constant 0 : i32
      %dma_wait3A_447 = arith.constant 0 : i32
      %dma_wait3A_448 = tpu.memref_slice %arg6[%dma_wait3A_435, %dma_wait3A_446, %dma_wait3A_447] : memref<8x200x32xf32, #tpu.memory_space<vmem>> -> memref<1x200x32xf32, #tpu.memory_space<vmem>>
      %dma_wait3A_449 = tpu.memref_squeeze %dma_wait3A_448 : memref<1x200x32xf32, #tpu.memory_space<vmem>> -> memref<200x32xf32, #tpu.memory_space<vmem>>
      %dma_wait3A_450 = arith.constant 0 : i32
      %dma_wait3A_451 = arith.constant 0 : i32
      %dma_wait3A_452 = tpu.memref_slice %arg3[%dma_wait3A_450, %dma_wait3A_451] : memref<1000000x32xf32, #tpu.memory_space<hbm>> -> memref<200x32xf32, #tpu.memory_space<hbm>>
      tpu.wait_dma2 semaphore(%dma_wait3A_445 : memref<!tpu.dma_semaphore, #tpu.memory_space<semaphore_mem>>) src(%dma_wait3A_452 : memref<200x32xf32, #tpu.memory_space<hbm>>) dst(%dma_wait3A_449 : memref<200x32xf32, #tpu.memory_space<vmem>>)
      %broadcast_in_dim3A_453 = arith.constant 0.000000e+00 : f32
      %broadcast_in_dim3A_454 = vector.broadcast %broadcast_in_dim3A_453 : f32 to vector<16xf32>
      %scan3A_455 = arith.constant 0 : i32
      %scan3A_456 = arith.constant 50 : i32
      %scan3A_457 = arith.addi %scan3A_455, %scan3A_456 : i32
      %scan3A_458 = arith.constant 1 : i32
      %scan3A_459:4 = scf.for %scan3A_623 = %scan3A_455 to %scan3A_457 step %scan3A_458 iter_args(%scan3A_624 = %broadcast_in_dim3A_454, %scan3A_625 = %broadcast_in_dim3A_454, %scan3A_626 = %broadcast_in_dim3A_454, %scan3A_627 = %broadcast_in_dim3A_454) -> (vector<16xf32>, vector<16xf32>, vector<16xf32>, vector<16xf32>)  : i32 {
        %mul3A_628 = arith.constant 4 : i32
        %mul3A_629 = arith.muli %mul3A_628, %scan3A_623 : i32
        %get3A = arith.constant 4 : i32
        %get3A_630 = arith.index_cast %get3A : i32 to index
        %get3A_631 = arith.index_cast %mul3A_629 : i32 to index
        %get3A_632 = arith.constant 0 : index
        %get3A_633 = tpu.vector_load %arg6[%get3A_630, %get3A_631, %get3A_632] {strides = array<i32>} : memref<8x200x32xf32, #tpu.memory_space<vmem>>, vector<1x1x16xf32>,
        %get3A_634 = vector.shape_cast %get3A_633 : vector<1x1x16xf32> to vector<16xf32>
        %add3A_635 = arith.addf %scan3A_624, %get3A_634 : vector<16xf32>
        %get3A_636 = arith.constant 4 : i32
        %get3A_637 = arith.index_cast %get3A_636 : i32 to index
        %get3A_638 = arith.index_cast %mul3A_629 : i32 to index
        %get3A_639 = arith.constant 16 : index
        %get3A_640 = tpu.vector_load %arg6[%get3A_637, %get3A_638, %get3A_639] {strides = array<i32>} : memref<8x200x32xf32, #tpu.memory_space<vmem>>, vector<1x1x16xf32>,
        %get3A_641 = vector.shape_cast %get3A_640 : vector<1x1x16xf32> to vector<16xf32>
        %add3A_642 = arith.addf %scan3A_625, %get3A_641 : vector<16xf32>
        %add3A_643 = arith.constant 1 : i32
        %add3A_644 = arith.addi %mul3A_629, %add3A_643 : i32
        %get3A_645 = arith.constant 4 : i32
        %get3A_646 = arith.index_cast %get3A_645 : i32 to index
        %get3A_647 = arith.index_cast %add3A_644 : i32 to index
        %get3A_648 = arith.constant 0 : index
        %get3A_649 = tpu.vector_load %arg6[%get3A_646, %get3A_647, %get3A_648] {strides = array<i32>} : memref<8x200x32xf32, #tpu.memory_space<vmem>>, vector<1x1x16xf32>,
        %get3A_650 = vector.shape_cast %get3A_649 : vector<1x1x16xf32> to vector<16xf32>
        %add3A_651 = arith.addf %scan3A_626, %get3A_650 : vector<16xf32>
        %add3A_652 = arith.constant 1 : i32
        %add3A_653 = arith.addi %mul3A_629, %add3A_652 : i32
        %get3A_654 = arith.constant 4 : i32
        %get3A_655 = arith.index_cast %get3A_654 : i32 to index
        %get3A_656 = arith.index_cast %add3A_653 : i32 to index
        %get3A_657 = arith.constant 16 : index
        %get3A_658 = tpu.vector_load %arg6[%get3A_655, %get3A_656, %get3A_657] {strides = array<i32>} : memref<8x200x32xf32, #tpu.memory_space<vmem>>, vector<1x1x16xf32>,
        %get3A_659 = vector.shape_cast %get3A_658 : vector<1x1x16xf32> to vector<16xf32>
        %add3A_660 = arith.addf %scan3A_627, %get3A_659 : vector<16xf32>
        %add3A_661 = arith.constant 2 : i32
        %add3A_662 = arith.addi %mul3A_629, %add3A_661 : i32
        %get3A_663 = arith.constant 4 : i32
        %get3A_664 = arith.index_cast %get3A_663 : i32 to index
        %get3A_665 = arith.index_cast %add3A_662 : i32 to index
        %get3A_666 = arith.constant 0 : index
        %get3A_667 = tpu.vector_load %arg6[%get3A_664, %get3A_665, %get3A_666] {strides = array<i32>} : memref<8x200x32xf32, #tpu.memory_space<vmem>>, vector<1x1x16xf32>,
        %get3A_668 = vector.shape_cast %get3A_667 : vector<1x1x16xf32> to vector<16xf32>
        %add3A_669 = arith.addf %add3A_635, %get3A_668 : vector<16xf32>
        %add3A_670 = arith.constant 2 : i32
        %add3A_671 = arith.addi %mul3A_629, %add3A_670 : i32
        %get3A_672 = arith.constant 4 : i32
        %get3A_673 = arith.index_cast %get3A_672 : i32 to index
        %get3A_674 = arith.index_cast %add3A_671 : i32 to index
        %get3A_675 = arith.constant 16 : index
        %get3A_676 = tpu.vector_load %arg6[%get3A_673, %get3A_674, %get3A_675] {strides = array<i32>} : memref<8x200x32xf32, #tpu.memory_space<vmem>>, vector<1x1x16xf32>,
        %get3A_677 = vector.shape_cast %get3A_676 : vector<1x1x16xf32> to vector<16xf32>
        %add3A_678 = arith.addf %add3A_642, %get3A_677 : vector<16xf32>
        %add3A_679 = arith.constant 3 : i32
        %add3A_680 = arith.addi %mul3A_629, %add3A_679 : i32
        %get3A_681 = arith.constant 4 : i32
        %get3A_682 = arith.index_cast %get3A_681 : i32 to index
        %get3A_683 = arith.index_cast %add3A_680 : i32 to index
        %get3A_684 = arith.constant 0 : index
        %get3A_685 = tpu.vector_load %arg6[%get3A_682, %get3A_683, %get3A_684] {strides = array<i32>} : memref<8x200x32xf32, #tpu.memory_space<vmem>>, vector<1x1x16xf32>,
        %get3A_686 = vector.shape_cast %get3A_685 : vector<1x1x16xf32> to vector<16xf32>
        %add3A_687 = arith.addf %add3A_651, %get3A_686 : vector<16xf32>
        %add3A_688 = arith.constant 3 : i32
        %add3A_689 = arith.addi %mul3A_629, %add3A_688 : i32
        %get3A_690 = arith.constant 4 : i32
        %get3A_691 = arith.index_cast %get3A_690 : i32 to index
        %get3A_692 = arith.index_cast %add3A_689 : i32 to index
        %get3A_693 = arith.constant 16 : index
        %get3A_694 = tpu.vector_load %arg6[%get3A_691, %get3A_692, %get3A_693] {strides = array<i32>} : memref<8x200x32xf32, #tpu.memory_space<vmem>>, vector<1x1x16xf32>,
        %get3A_695 = vector.shape_cast %get3A_694 : vector<1x1x16xf32> to vector<16xf32>
        %add3A_696 = arith.addf %add3A_660, %get3A_695 : vector<16xf32>
        scf.yield %add3A_669, %add3A_678, %add3A_687, %add3A_696 : vector<16xf32>, vector<16xf32>, vector<16xf32>, vector<16xf32>
      }
      %scan3A_460 = arith.constant 50 : i32
      %lt3A_461 = arith.constant 120 : i32
      %lt3A_462 = arith.cmpi slt, %add3A_252, %lt3A_461 : i32
      %convert_element_type3A_463 = arith.extui %lt3A_462 : i1 to i32
      %cond3A_464 = arith.constant 0 : i32
      %cond3A_465 = arith.cmpi ne, %convert_element_type3A_463, %cond3A_464 : i32
      scf.if %cond3A_465 {
        %add3A_623 = arith.constant 8 : i32
        %add3A_624 = arith.addi %add3A_252, %add3A_623 : i32
        %add3A_625 = arith.constant 4 : i32
        %add3A_626 = arith.addi %add3A_624, %add3A_625 : i32
        %mul3A_627 = arith.constant 2 : i32
        %mul3A_628 = arith.muli %mul3A_627, %add3A_626 : i32
        %dma_start3A_629 = arith.constant 4 : i32
        %dma_start3A_630 = arith.constant 4 : i32
        %dma_start3A_631 = arith.constant 0 : i32
        %dma_start3A_632 = arith.constant 0 : i32
        %dma_start3A_633 = tpu.memref_slice %arg6[%dma_start3A_629, %dma_start3A_631, %dma_start3A_632] : memref<8x200x32xf32, #tpu.memory_space<vmem>> -> memref<1x100x32xf32, #tpu.memory_space<vmem>>
        %dma_start3A_634 = tpu.memref_squeeze %dma_start3A_633 : memref<1x100x32xf32, #tpu.memory_space<vmem>> -> memref<100x32xf32, #tpu.memory_space<vmem>>
        %dma_start3A_635 = arith.constant 0 : i32
        %dma_start3A_636 = tpu.memref_slice %arg5[%mul3A_628, %dma_start3A_635] : memref<256x100xi32, #tpu.memory_space<vmem>> -> memref<1x100xi32, #tpu.memory_space<vmem>>
        %dma_start3A_637 = tpu.memref_squeeze %dma_start3A_636 : memref<1x100xi32, #tpu.memory_space<vmem>> -> memref<100xi32, #tpu.memory_space<vmem>>
        %dma_start3A_638 = arith.constant 0 : i32
        %dma_start3A_639 = arith.constant 0 : i32
        %dma_start3A_640 = tpu.memref_slice %arg3[%dma_start3A_638, %dma_start3A_639] : memref<1000000x32xf32, #tpu.memory_space<hbm>> -> memref<1000000x32xf32, #tpu.memory_space<hbm>>
        %dma_start3A_641 = tpu.memref_slice %arg8[%dma_start3A_630] : memref<8x!tpu.dma_semaphore, #tpu.memory_space<semaphore_mem>> -> memref<1x!tpu.dma_semaphore, #tpu.memory_space<semaphore_mem>>
        %dma_start3A_642 = tpu.memref_squeeze %dma_start3A_641 : memref<1x!tpu.dma_semaphore, #tpu.memory_space<semaphore_mem>> -> memref<!tpu.dma_semaphore, #tpu.memory_space<semaphore_mem>>
        tpu.enqueue_indirect_dma source(%dma_start3A_640 : memref<1000000x32xf32, #tpu.memory_space<hbm>>) target(%dma_start3A_634 : memref<100x32xf32, #tpu.memory_space<vmem>>) offsets(%dma_start3A_637 : memref<100xi32, #tpu.memory_space<vmem>>) semaphore(%dma_start3A_642 : memref<!tpu.dma_semaphore, #tpu.memory_space<semaphore_mem>>)
        %mul3A_643 = arith.constant 2 : i32
        %mul3A_644 = arith.muli %mul3A_643, %add3A_626 : i32
        %add3A_645 = arith.constant 1 : i32
        %add3A_646 = arith.addi %mul3A_644, %add3A_645 : i32
        %dma_start3A_647 = arith.constant 4 : i32
        %dma_start3A_648 = arith.constant 4 : i32
        %dma_start3A_649 = arith.constant 100 : i32
        %dma_start3A_650 = arith.constant 0 : i32
        %dma_start3A_651 = tpu.memref_slice %arg6[%dma_start3A_647, %dma_start3A_649, %dma_start3A_650] : memref<8x200x32xf32, #tpu.memory_space<vmem>> -> memref<1x100x32xf32, #tpu.memory_space<vmem>>
        %dma_start3A_652 = tpu.memref_squeeze %dma_start3A_651 : memref<1x100x32xf32, #tpu.memory_space<vmem>> -> memref<100x32xf32, #tpu.memory_space<vmem>>
        %dma_start3A_653 = arith.constant 0 : i32
        %dma_start3A_654 = tpu.memref_slice %arg5[%add3A_646, %dma_start3A_653] : memref<256x100xi32, #tpu.memory_space<vmem>> -> memref<1x100xi32, #tpu.memory_space<vmem>>
        %dma_start3A_655 = tpu.memref_squeeze %dma_start3A_654 : memref<1x100xi32, #tpu.memory_space<vmem>> -> memref<100xi32, #tpu.memory_space<vmem>>
        %dma_start3A_656 = arith.constant 0 : i32
        %dma_start3A_657 = arith.constant 0 : i32
        %dma_start3A_658 = tpu.memref_slice %arg3[%dma_start3A_656, %dma_start3A_657] : memref<1000000x32xf32, #tpu.memory_space<hbm>> -> memref<1000000x32xf32, #tpu.memory_space<hbm>>
        %dma_start3A_659 = tpu.memref_slice %arg8[%dma_start3A_648] : memref<8x!tpu.dma_semaphore, #tpu.memory_space<semaphore_mem>> -> memref<1x!tpu.dma_semaphore, #tpu.memory_space<semaphore_mem>>
        %dma_start3A_660 = tpu.memref_squeeze %dma_start3A_659 : memref<1x!tpu.dma_semaphore, #tpu.memory_space<semaphore_mem>> -> memref<!tpu.dma_semaphore, #tpu.memory_space<semaphore_mem>>
        tpu.enqueue_indirect_dma source(%dma_start3A_658 : memref<1000000x32xf32, #tpu.memory_space<hbm>>) target(%dma_start3A_652 : memref<100x32xf32, #tpu.memory_space<vmem>>) offsets(%dma_start3A_655 : memref<100xi32, #tpu.memory_space<vmem>>) semaphore(%dma_start3A_660 : memref<!tpu.dma_semaphore, #tpu.memory_space<semaphore_mem>>)
      } else {
      }
      %add3A_466 = arith.addf %scan3A_459#0, %scan3A_459#2 : vector<16xf32>
      %add3A_467 = arith.constant 4 : i32
      %add3A_468 = arith.addi %add3A_252, %add3A_467 : i32
      %swap3A_469 = arith.index_cast %add3A_468 : i32 to index
      %swap3A_470 = arith.constant 0 : index
      %swap3A_471 = tpu.vector_load %arg7[%swap3A_469, %swap3A_470] {strides = array<i32>} : memref<128x32xf32, #tpu.memory_space<vmem>>, vector<1x16xf32>,
      %swap3A_472 = vector.shape_cast %swap3A_471 : vector<1x16xf32> to vector<16xf32>
      %swap3A_473 = vector.shape_cast %add3A_466 : vector<16xf32> to vector<1x16xf32>
      tpu.vector_store %arg7[%swap3A_469, %swap3A_470], %swap3A_473 {strides = array<i32>} : memref<128x32xf32, #tpu.memory_space<vmem>>, vector<1x16xf32>,
      %add3A_474 = arith.addf %scan3A_459#1, %scan3A_459#3 : vector<16xf32>
      %add3A_475 = arith.constant 4 : i32
      %add3A_476 = arith.addi %add3A_252, %add3A_475 : i32
      %swap3A_477 = arith.index_cast %add3A_476 : i32 to index
      %swap3A_478 = arith.constant 16 : index
      %swap3A_479 = tpu.vector_load %arg7[%swap3A_477, %swap3A_478] {strides = array<i32>} : memref<128x32xf32, #tpu.memory_space<vmem>>, vector<1x16xf32>,
      %swap3A_480 = vector.shape_cast %swap3A_479 : vector<1x16xf32> to vector<16xf32>
      %swap3A_481 = vector.shape_cast %add3A_474 : vector<16xf32> to vector<1x16xf32>
      tpu.vector_store %arg7[%swap3A_477, %swap3A_478], %swap3A_481 {strides = array<i32>} : memref<128x32xf32, #tpu.memory_space<vmem>>, vector<1x16xf32>,
      %dma_wait3A_482 = arith.constant 5 : i32
      %dma_wait3A_483 = arith.constant 5 : i32
      %dma_wait3A_484 = arith.constant 0 : i32
      %dma_wait3A_485 = arith.constant 0 : i32
      %dma_wait3A_486 = tpu.memref_slice %arg6[%dma_wait3A_482, %dma_wait3A_484, %dma_wait3A_485] : memref<8x200x32xf32, #tpu.memory_space<vmem>> -> memref<1x200x32xf32, #tpu.memory_space<vmem>>
      %dma_wait3A_487 = tpu.memref_squeeze %dma_wait3A_486 : memref<1x200x32xf32, #tpu.memory_space<vmem>> -> memref<200x32xf32, #tpu.memory_space<vmem>>
      %dma_wait3A_488 = arith.constant 0 : i32
      %dma_wait3A_489 = arith.constant 0 : i32
      %dma_wait3A_490 = tpu.memref_slice %arg3[%dma_wait3A_488, %dma_wait3A_489] : memref<1000000x32xf32, #tpu.memory_space<hbm>> -> memref<200x32xf32, #tpu.memory_space<hbm>>
      %dma_wait3A_491 = tpu.memref_slice %arg8[%dma_wait3A_483] : memref<8x!tpu.dma_semaphore, #tpu.memory_space<semaphore_mem>> -> memref<1x!tpu.dma_semaphore, #tpu.memory_space<semaphore_mem>>
      %dma_wait3A_492 = tpu.memref_squeeze %dma_wait3A_491 : memref<1x!tpu.dma_semaphore, #tpu.memory_space<semaphore_mem>> -> memref<!tpu.dma_semaphore, #tpu.memory_space<semaphore_mem>>
      %dma_wait3A_493 = arith.constant 0 : i32
      %dma_wait3A_494 = arith.constant 0 : i32
      %dma_wait3A_495 = tpu.memref_slice %arg6[%dma_wait3A_482, %dma_wait3A_493, %dma_wait3A_494] : memref<8x200x32xf32, #tpu.memory_space<vmem>> -> memref<1x200x32xf32, #tpu.memory_space<vmem>>
      %dma_wait3A_496 = tpu.memref_squeeze %dma_wait3A_495 : memref<1x200x32xf32, #tpu.memory_space<vmem>> -> memref<200x32xf32, #tpu.memory_space<vmem>>
      %dma_wait3A_497 = arith.constant 0 : i32
      %dma_wait3A_498 = arith.constant 0 : i32
      %dma_wait3A_499 = tpu.memref_slice %arg3[%dma_wait3A_497, %dma_wait3A_498] : memref<1000000x32xf32, #tpu.memory_space<hbm>> -> memref<200x32xf32, #tpu.memory_space<hbm>>
      tpu.wait_dma2 semaphore(%dma_wait3A_492 : memref<!tpu.dma_semaphore, #tpu.memory_space<semaphore_mem>>) src(%dma_wait3A_499 : memref<200x32xf32, #tpu.memory_space<hbm>>) dst(%dma_wait3A_496 : memref<200x32xf32, #tpu.memory_space<vmem>>)
      %broadcast_in_dim3A_500 = arith.constant 0.000000e+00 : f32
      %broadcast_in_dim3A_501 = vector.broadcast %broadcast_in_dim3A_500 : f32 to vector<16xf32>
      %scan3A_502 = arith.constant 0 : i32
      %scan3A_503 = arith.constant 50 : i32
      %scan3A_504 = arith.addi %scan3A_502, %scan3A_503 : i32
      %scan3A_505 = arith.constant 1 : i32
      %scan3A_506:4 = scf.for %scan3A_623 = %scan3A_502 to %scan3A_504 step %scan3A_505 iter_args(%scan3A_624 = %broadcast_in_dim3A_501, %scan3A_625 = %broadcast_in_dim3A_501, %scan3A_626 = %broadcast_in_dim3A_501, %scan3A_627 = %broadcast_in_dim3A_501) -> (vector<16xf32>, vector<16xf32>, vector<16xf32>, vector<16xf32>)  : i32 {
        %mul3A_628 = arith.constant 4 : i32
        %mul3A_629 = arith.muli %mul3A_628, %scan3A_623 : i32
        %get3A = arith.constant 5 : i32
        %get3A_630 = arith.index_cast %get3A : i32 to index
        %get3A_631 = arith.index_cast %mul3A_629 : i32 to index
        %get3A_632 = arith.constant 0 : index
        %get3A_633 = tpu.vector_load %arg6[%get3A_630, %get3A_631, %get3A_632] {strides = array<i32>} : memref<8x200x32xf32, #tpu.memory_space<vmem>>, vector<1x1x16xf32>,
        %get3A_634 = vector.shape_cast %get3A_633 : vector<1x1x16xf32> to vector<16xf32>
        %add3A_635 = arith.addf %scan3A_624, %get3A_634 : vector<16xf32>
        %get3A_636 = arith.constant 5 : i32
        %get3A_637 = arith.index_cast %get3A_636 : i32 to index
        %get3A_638 = arith.index_cast %mul3A_629 : i32 to index
        %get3A_639 = arith.constant 16 : index
        %get3A_640 = tpu.vector_load %arg6[%get3A_637, %get3A_638, %get3A_639] {strides = array<i32>} : memref<8x200x32xf32, #tpu.memory_space<vmem>>, vector<1x1x16xf32>,
        %get3A_641 = vector.shape_cast %get3A_640 : vector<1x1x16xf32> to vector<16xf32>
        %add3A_642 = arith.addf %scan3A_625, %get3A_641 : vector<16xf32>
        %add3A_643 = arith.constant 1 : i32
        %add3A_644 = arith.addi %mul3A_629, %add3A_643 : i32
        %get3A_645 = arith.constant 5 : i32
        %get3A_646 = arith.index_cast %get3A_645 : i32 to index
        %get3A_647 = arith.index_cast %add3A_644 : i32 to index
        %get3A_648 = arith.constant 0 : index
        %get3A_649 = tpu.vector_load %arg6[%get3A_646, %get3A_647, %get3A_648] {strides = array<i32>} : memref<8x200x32xf32, #tpu.memory_space<vmem>>, vector<1x1x16xf32>,
        %get3A_650 = vector.shape_cast %get3A_649 : vector<1x1x16xf32> to vector<16xf32>
        %add3A_651 = arith.addf %scan3A_626, %get3A_650 : vector<16xf32>
        %add3A_652 = arith.constant 1 : i32
        %add3A_653 = arith.addi %mul3A_629, %add3A_652 : i32
        %get3A_654 = arith.constant 5 : i32
        %get3A_655 = arith.index_cast %get3A_654 : i32 to index
        %get3A_656 = arith.index_cast %add3A_653 : i32 to index
        %get3A_657 = arith.constant 16 : index
        %get3A_658 = tpu.vector_load %arg6[%get3A_655, %get3A_656, %get3A_657] {strides = array<i32>} : memref<8x200x32xf32, #tpu.memory_space<vmem>>, vector<1x1x16xf32>,
        %get3A_659 = vector.shape_cast %get3A_658 : vector<1x1x16xf32> to vector<16xf32>
        %add3A_660 = arith.addf %scan3A_627, %get3A_659 : vector<16xf32>
        %add3A_661 = arith.constant 2 : i32
        %add3A_662 = arith.addi %mul3A_629, %add3A_661 : i32
        %get3A_663 = arith.constant 5 : i32
        %get3A_664 = arith.index_cast %get3A_663 : i32 to index
        %get3A_665 = arith.index_cast %add3A_662 : i32 to index
        %get3A_666 = arith.constant 0 : index
        %get3A_667 = tpu.vector_load %arg6[%get3A_664, %get3A_665, %get3A_666] {strides = array<i32>} : memref<8x200x32xf32, #tpu.memory_space<vmem>>, vector<1x1x16xf32>,
        %get3A_668 = vector.shape_cast %get3A_667 : vector<1x1x16xf32> to vector<16xf32>
        %add3A_669 = arith.addf %add3A_635, %get3A_668 : vector<16xf32>
        %add3A_670 = arith.constant 2 : i32
        %add3A_671 = arith.addi %mul3A_629, %add3A_670 : i32
        %get3A_672 = arith.constant 5 : i32
        %get3A_673 = arith.index_cast %get3A_672 : i32 to index
        %get3A_674 = arith.index_cast %add3A_671 : i32 to index
        %get3A_675 = arith.constant 16 : index
        %get3A_676 = tpu.vector_load %arg6[%get3A_673, %get3A_674, %get3A_675] {strides = array<i32>} : memref<8x200x32xf32, #tpu.memory_space<vmem>>, vector<1x1x16xf32>,
        %get3A_677 = vector.shape_cast %get3A_676 : vector<1x1x16xf32> to vector<16xf32>
        %add3A_678 = arith.addf %add3A_642, %get3A_677 : vector<16xf32>
        %add3A_679 = arith.constant 3 : i32
        %add3A_680 = arith.addi %mul3A_629, %add3A_679 : i32
        %get3A_681 = arith.constant 5 : i32
        %get3A_682 = arith.index_cast %get3A_681 : i32 to index
        %get3A_683 = arith.index_cast %add3A_680 : i32 to index
        %get3A_684 = arith.constant 0 : index
        %get3A_685 = tpu.vector_load %arg6[%get3A_682, %get3A_683, %get3A_684] {strides = array<i32>} : memref<8x200x32xf32, #tpu.memory_space<vmem>>, vector<1x1x16xf32>,
        %get3A_686 = vector.shape_cast %get3A_685 : vector<1x1x16xf32> to vector<16xf32>
        %add3A_687 = arith.addf %add3A_651, %get3A_686 : vector<16xf32>
        %add3A_688 = arith.constant 3 : i32
        %add3A_689 = arith.addi %mul3A_629, %add3A_688 : i32
        %get3A_690 = arith.constant 5 : i32
        %get3A_691 = arith.index_cast %get3A_690 : i32 to index
        %get3A_692 = arith.index_cast %add3A_689 : i32 to index
        %get3A_693 = arith.constant 16 : index
        %get3A_694 = tpu.vector_load %arg6[%get3A_691, %get3A_692, %get3A_693] {strides = array<i32>} : memref<8x200x32xf32, #tpu.memory_space<vmem>>, vector<1x1x16xf32>,
        %get3A_695 = vector.shape_cast %get3A_694 : vector<1x1x16xf32> to vector<16xf32>
        %add3A_696 = arith.addf %add3A_660, %get3A_695 : vector<16xf32>
        scf.yield %add3A_669, %add3A_678, %add3A_687, %add3A_696 : vector<16xf32>, vector<16xf32>, vector<16xf32>, vector<16xf32>
      }
      %scan3A_507 = arith.constant 50 : i32
      %lt3A_508 = arith.constant 120 : i32
      %lt3A_509 = arith.cmpi slt, %add3A_252, %lt3A_508 : i32
      %convert_element_type3A_510 = arith.extui %lt3A_509 : i1 to i32
      %cond3A_511 = arith.constant 0 : i32
      %cond3A_512 = arith.cmpi ne, %convert_element_type3A_510, %cond3A_511 : i32
      scf.if %cond3A_512 {
        %add3A_623 = arith.constant 8 : i32
        %add3A_624 = arith.addi %add3A_252, %add3A_623 : i32
        %add3A_625 = arith.constant 5 : i32
        %add3A_626 = arith.addi %add3A_624, %add3A_625 : i32
        %mul3A_627 = arith.constant 2 : i32
        %mul3A_628 = arith.muli %mul3A_627, %add3A_626 : i32
        %dma_start3A_629 = arith.constant 5 : i32
        %dma_start3A_630 = arith.constant 5 : i32
        %dma_start3A_631 = arith.constant 0 : i32
        %dma_start3A_632 = arith.constant 0 : i32
        %dma_start3A_633 = tpu.memref_slice %arg6[%dma_start3A_629, %dma_start3A_631, %dma_start3A_632] : memref<8x200x32xf32, #tpu.memory_space<vmem>> -> memref<1x100x32xf32, #tpu.memory_space<vmem>>
        %dma_start3A_634 = tpu.memref_squeeze %dma_start3A_633 : memref<1x100x32xf32, #tpu.memory_space<vmem>> -> memref<100x32xf32, #tpu.memory_space<vmem>>
        %dma_start3A_635 = arith.constant 0 : i32
        %dma_start3A_636 = tpu.memref_slice %arg5[%mul3A_628, %dma_start3A_635] : memref<256x100xi32, #tpu.memory_space<vmem>> -> memref<1x100xi32, #tpu.memory_space<vmem>>
        %dma_start3A_637 = tpu.memref_squeeze %dma_start3A_636 : memref<1x100xi32, #tpu.memory_space<vmem>> -> memref<100xi32, #tpu.memory_space<vmem>>
        %dma_start3A_638 = arith.constant 0 : i32
        %dma_start3A_639 = arith.constant 0 : i32
        %dma_start3A_640 = tpu.memref_slice %arg3[%dma_start3A_638, %dma_start3A_639] : memref<1000000x32xf32, #tpu.memory_space<hbm>> -> memref<1000000x32xf32, #tpu.memory_space<hbm>>
        %dma_start3A_641 = tpu.memref_slice %arg8[%dma_start3A_630] : memref<8x!tpu.dma_semaphore, #tpu.memory_space<semaphore_mem>> -> memref<1x!tpu.dma_semaphore, #tpu.memory_space<semaphore_mem>>
        %dma_start3A_642 = tpu.memref_squeeze %dma_start3A_641 : memref<1x!tpu.dma_semaphore, #tpu.memory_space<semaphore_mem>> -> memref<!tpu.dma_semaphore, #tpu.memory_space<semaphore_mem>>
        tpu.enqueue_indirect_dma source(%dma_start3A_640 : memref<1000000x32xf32, #tpu.memory_space<hbm>>) target(%dma_start3A_634 : memref<100x32xf32, #tpu.memory_space<vmem>>) offsets(%dma_start3A_637 : memref<100xi32, #tpu.memory_space<vmem>>) semaphore(%dma_start3A_642 : memref<!tpu.dma_semaphore, #tpu.memory_space<semaphore_mem>>)
        %mul3A_643 = arith.constant 2 : i32
        %mul3A_644 = arith.muli %mul3A_643, %add3A_626 : i32
        %add3A_645 = arith.constant 1 : i32
        %add3A_646 = arith.addi %mul3A_644, %add3A_645 : i32
        %dma_start3A_647 = arith.constant 5 : i32
        %dma_start3A_648 = arith.constant 5 : i32
        %dma_start3A_649 = arith.constant 100 : i32
        %dma_start3A_650 = arith.constant 0 : i32
        %dma_start3A_651 = tpu.memref_slice %arg6[%dma_start3A_647, %dma_start3A_649, %dma_start3A_650] : memref<8x200x32xf32, #tpu.memory_space<vmem>> -> memref<1x100x32xf32, #tpu.memory_space<vmem>>
        %dma_start3A_652 = tpu.memref_squeeze %dma_start3A_651 : memref<1x100x32xf32, #tpu.memory_space<vmem>> -> memref<100x32xf32, #tpu.memory_space<vmem>>
        %dma_start3A_653 = arith.constant 0 : i32
        %dma_start3A_654 = tpu.memref_slice %arg5[%add3A_646, %dma_start3A_653] : memref<256x100xi32, #tpu.memory_space<vmem>> -> memref<1x100xi32, #tpu.memory_space<vmem>>
        %dma_start3A_655 = tpu.memref_squeeze %dma_start3A_654 : memref<1x100xi32, #tpu.memory_space<vmem>> -> memref<100xi32, #tpu.memory_space<vmem>>
        %dma_start3A_656 = arith.constant 0 : i32
        %dma_start3A_657 = arith.constant 0 : i32
        %dma_start3A_658 = tpu.memref_slice %arg3[%dma_start3A_656, %dma_start3A_657] : memref<1000000x32xf32, #tpu.memory_space<hbm>> -> memref<1000000x32xf32, #tpu.memory_space<hbm>>
        %dma_start3A_659 = tpu.memref_slice %arg8[%dma_start3A_648] : memref<8x!tpu.dma_semaphore, #tpu.memory_space<semaphore_mem>> -> memref<1x!tpu.dma_semaphore, #tpu.memory_space<semaphore_mem>>
        %dma_start3A_660 = tpu.memref_squeeze %dma_start3A_659 : memref<1x!tpu.dma_semaphore, #tpu.memory_space<semaphore_mem>> -> memref<!tpu.dma_semaphore, #tpu.memory_space<semaphore_mem>>
        tpu.enqueue_indirect_dma source(%dma_start3A_658 : memref<1000000x32xf32, #tpu.memory_space<hbm>>) target(%dma_start3A_652 : memref<100x32xf32, #tpu.memory_space<vmem>>) offsets(%dma_start3A_655 : memref<100xi32, #tpu.memory_space<vmem>>) semaphore(%dma_start3A_660 : memref<!tpu.dma_semaphore, #tpu.memory_space<semaphore_mem>>)
      } else {
      }
      %add3A_513 = arith.addf %scan3A_506#0, %scan3A_506#2 : vector<16xf32>
      %add3A_514 = arith.constant 5 : i32
      %add3A_515 = arith.addi %add3A_252, %add3A_514 : i32
      %swap3A_516 = arith.index_cast %add3A_515 : i32 to index
      %swap3A_517 = arith.constant 0 : index
      %swap3A_518 = tpu.vector_load %arg7[%swap3A_516, %swap3A_517] {strides = array<i32>} : memref<128x32xf32, #tpu.memory_space<vmem>>, vector<1x16xf32>,
      %swap3A_519 = vector.shape_cast %swap3A_518 : vector<1x16xf32> to vector<16xf32>
      %swap3A_520 = vector.shape_cast %add3A_513 : vector<16xf32> to vector<1x16xf32>
      tpu.vector_store %arg7[%swap3A_516, %swap3A_517], %swap3A_520 {strides = array<i32>} : memref<128x32xf32, #tpu.memory_space<vmem>>, vector<1x16xf32>,
      %add3A_521 = arith.addf %scan3A_506#1, %scan3A_506#3 : vector<16xf32>
      %add3A_522 = arith.constant 5 : i32
      %add3A_523 = arith.addi %add3A_252, %add3A_522 : i32
      %swap3A_524 = arith.index_cast %add3A_523 : i32 to index
      %swap3A_525 = arith.constant 16 : index
      %swap3A_526 = tpu.vector_load %arg7[%swap3A_524, %swap3A_525] {strides = array<i32>} : memref<128x32xf32, #tpu.memory_space<vmem>>, vector<1x16xf32>,
      %swap3A_527 = vector.shape_cast %swap3A_526 : vector<1x16xf32> to vector<16xf32>
      %swap3A_528 = vector.shape_cast %add3A_521 : vector<16xf32> to vector<1x16xf32>
      tpu.vector_store %arg7[%swap3A_524, %swap3A_525], %swap3A_528 {strides = array<i32>} : memref<128x32xf32, #tpu.memory_space<vmem>>, vector<1x16xf32>,
      %dma_wait3A_529 = arith.constant 6 : i32
      %dma_wait3A_530 = arith.constant 6 : i32
      %dma_wait3A_531 = arith.constant 0 : i32
      %dma_wait3A_532 = arith.constant 0 : i32
      %dma_wait3A_533 = tpu.memref_slice %arg6[%dma_wait3A_529, %dma_wait3A_531, %dma_wait3A_532] : memref<8x200x32xf32, #tpu.memory_space<vmem>> -> memref<1x200x32xf32, #tpu.memory_space<vmem>>
      %dma_wait3A_534 = tpu.memref_squeeze %dma_wait3A_533 : memref<1x200x32xf32, #tpu.memory_space<vmem>> -> memref<200x32xf32, #tpu.memory_space<vmem>>
      %dma_wait3A_535 = arith.constant 0 : i32
      %dma_wait3A_536 = arith.constant 0 : i32
      %dma_wait3A_537 = tpu.memref_slice %arg3[%dma_wait3A_535, %dma_wait3A_536] : memref<1000000x32xf32, #tpu.memory_space<hbm>> -> memref<200x32xf32, #tpu.memory_space<hbm>>
      %dma_wait3A_538 = tpu.memref_slice %arg8[%dma_wait3A_530] : memref<8x!tpu.dma_semaphore, #tpu.memory_space<semaphore_mem>> -> memref<1x!tpu.dma_semaphore, #tpu.memory_space<semaphore_mem>>
      %dma_wait3A_539 = tpu.memref_squeeze %dma_wait3A_538 : memref<1x!tpu.dma_semaphore, #tpu.memory_space<semaphore_mem>> -> memref<!tpu.dma_semaphore, #tpu.memory_space<semaphore_mem>>
      %dma_wait3A_540 = arith.constant 0 : i32
      %dma_wait3A_541 = arith.constant 0 : i32
      %dma_wait3A_542 = tpu.memref_slice %arg6[%dma_wait3A_529, %dma_wait3A_540, %dma_wait3A_541] : memref<8x200x32xf32, #tpu.memory_space<vmem>> -> memref<1x200x32xf32, #tpu.memory_space<vmem>>
      %dma_wait3A_543 = tpu.memref_squeeze %dma_wait3A_542 : memref<1x200x32xf32, #tpu.memory_space<vmem>> -> memref<200x32xf32, #tpu.memory_space<vmem>>
      %dma_wait3A_544 = arith.constant 0 : i32
      %dma_wait3A_545 = arith.constant 0 : i32
      %dma_wait3A_546 = tpu.memref_slice %arg3[%dma_wait3A_544, %dma_wait3A_545] : memref<1000000x32xf32, #tpu.memory_space<hbm>> -> memref<200x32xf32, #tpu.memory_space<hbm>>
      tpu.wait_dma2 semaphore(%dma_wait3A_539 : memref<!tpu.dma_semaphore, #tpu.memory_space<semaphore_mem>>) src(%dma_wait3A_546 : memref<200x32xf32, #tpu.memory_space<hbm>>) dst(%dma_wait3A_543 : memref<200x32xf32, #tpu.memory_space<vmem>>)
      %broadcast_in_dim3A_547 = arith.constant 0.000000e+00 : f32
      %broadcast_in_dim3A_548 = vector.broadcast %broadcast_in_dim3A_547 : f32 to vector<16xf32>
      %scan3A_549 = arith.constant 0 : i32
      %scan3A_550 = arith.constant 50 : i32
      %scan3A_551 = arith.addi %scan3A_549, %scan3A_550 : i32
      %scan3A_552 = arith.constant 1 : i32
      %scan3A_553:4 = scf.for %scan3A_623 = %scan3A_549 to %scan3A_551 step %scan3A_552 iter_args(%scan3A_624 = %broadcast_in_dim3A_548, %scan3A_625 = %broadcast_in_dim3A_548, %scan3A_626 = %broadcast_in_dim3A_548, %scan3A_627 = %broadcast_in_dim3A_548) -> (vector<16xf32>, vector<16xf32>, vector<16xf32>, vector<16xf32>)  : i32 {
        %mul3A_628 = arith.constant 4 : i32
        %mul3A_629 = arith.muli %mul3A_628, %scan3A_623 : i32
        %get3A = arith.constant 6 : i32
        %get3A_630 = arith.index_cast %get3A : i32 to index
        %get3A_631 = arith.index_cast %mul3A_629 : i32 to index
        %get3A_632 = arith.constant 0 : index
        %get3A_633 = tpu.vector_load %arg6[%get3A_630, %get3A_631, %get3A_632] {strides = array<i32>} : memref<8x200x32xf32, #tpu.memory_space<vmem>>, vector<1x1x16xf32>,
        %get3A_634 = vector.shape_cast %get3A_633 : vector<1x1x16xf32> to vector<16xf32>
        %add3A_635 = arith.addf %scan3A_624, %get3A_634 : vector<16xf32>
        %get3A_636 = arith.constant 6 : i32
        %get3A_637 = arith.index_cast %get3A_636 : i32 to index
        %get3A_638 = arith.index_cast %mul3A_629 : i32 to index
        %get3A_639 = arith.constant 16 : index
        %get3A_640 = tpu.vector_load %arg6[%get3A_637, %get3A_638, %get3A_639] {strides = array<i32>} : memref<8x200x32xf32, #tpu.memory_space<vmem>>, vector<1x1x16xf32>,
        %get3A_641 = vector.shape_cast %get3A_640 : vector<1x1x16xf32> to vector<16xf32>
        %add3A_642 = arith.addf %scan3A_625, %get3A_641 : vector<16xf32>
        %add3A_643 = arith.constant 1 : i32
        %add3A_644 = arith.addi %mul3A_629, %add3A_643 : i32
        %get3A_645 = arith.constant 6 : i32
        %get3A_646 = arith.index_cast %get3A_645 : i32 to index
        %get3A_647 = arith.index_cast %add3A_644 : i32 to index
        %get3A_648 = arith.constant 0 : index
        %get3A_649 = tpu.vector_load %arg6[%get3A_646, %get3A_647, %get3A_648] {strides = array<i32>} : memref<8x200x32xf32, #tpu.memory_space<vmem>>, vector<1x1x16xf32>,
        %get3A_650 = vector.shape_cast %get3A_649 : vector<1x1x16xf32> to vector<16xf32>
        %add3A_651 = arith.addf %scan3A_626, %get3A_650 : vector<16xf32>
        %add3A_652 = arith.constant 1 : i32
        %add3A_653 = arith.addi %mul3A_629, %add3A_652 : i32
        %get3A_654 = arith.constant 6 : i32
        %get3A_655 = arith.index_cast %get3A_654 : i32 to index
        %get3A_656 = arith.index_cast %add3A_653 : i32 to index
        %get3A_657 = arith.constant 16 : index
        %get3A_658 = tpu.vector_load %arg6[%get3A_655, %get3A_656, %get3A_657] {strides = array<i32>} : memref<8x200x32xf32, #tpu.memory_space<vmem>>, vector<1x1x16xf32>,
        %get3A_659 = vector.shape_cast %get3A_658 : vector<1x1x16xf32> to vector<16xf32>
        %add3A_660 = arith.addf %scan3A_627, %get3A_659 : vector<16xf32>
        %add3A_661 = arith.constant 2 : i32
        %add3A_662 = arith.addi %mul3A_629, %add3A_661 : i32
        %get3A_663 = arith.constant 6 : i32
        %get3A_664 = arith.index_cast %get3A_663 : i32 to index
        %get3A_665 = arith.index_cast %add3A_662 : i32 to index
        %get3A_666 = arith.constant 0 : index
        %get3A_667 = tpu.vector_load %arg6[%get3A_664, %get3A_665, %get3A_666] {strides = array<i32>} : memref<8x200x32xf32, #tpu.memory_space<vmem>>, vector<1x1x16xf32>,
        %get3A_668 = vector.shape_cast %get3A_667 : vector<1x1x16xf32> to vector<16xf32>
        %add3A_669 = arith.addf %add3A_635, %get3A_668 : vector<16xf32>
        %add3A_670 = arith.constant 2 : i32
        %add3A_671 = arith.addi %mul3A_629, %add3A_670 : i32
        %get3A_672 = arith.constant 6 : i32
        %get3A_673 = arith.index_cast %get3A_672 : i32 to index
        %get3A_674 = arith.index_cast %add3A_671 : i32 to index
        %get3A_675 = arith.constant 16 : index
        %get3A_676 = tpu.vector_load %arg6[%get3A_673, %get3A_674, %get3A_675] {strides = array<i32>} : memref<8x200x32xf32, #tpu.memory_space<vmem>>, vector<1x1x16xf32>,
        %get3A_677 = vector.shape_cast %get3A_676 : vector<1x1x16xf32> to vector<16xf32>
        %add3A_678 = arith.addf %add3A_642, %get3A_677 : vector<16xf32>
        %add3A_679 = arith.constant 3 : i32
        %add3A_680 = arith.addi %mul3A_629, %add3A_679 : i32
        %get3A_681 = arith.constant 6 : i32
        %get3A_682 = arith.index_cast %get3A_681 : i32 to index
        %get3A_683 = arith.index_cast %add3A_680 : i32 to index
        %get3A_684 = arith.constant 0 : index
        %get3A_685 = tpu.vector_load %arg6[%get3A_682, %get3A_683, %get3A_684] {strides = array<i32>} : memref<8x200x32xf32, #tpu.memory_space<vmem>>, vector<1x1x16xf32>,
        %get3A_686 = vector.shape_cast %get3A_685 : vector<1x1x16xf32> to vector<16xf32>
        %add3A_687 = arith.addf %add3A_651, %get3A_686 : vector<16xf32>
        %add3A_688 = arith.constant 3 : i32
        %add3A_689 = arith.addi %mul3A_629, %add3A_688 : i32
        %get3A_690 = arith.constant 6 : i32
        %get3A_691 = arith.index_cast %get3A_690 : i32 to index
        %get3A_692 = arith.index_cast %add3A_689 : i32 to index
        %get3A_693 = arith.constant 16 : index
        %get3A_694 = tpu.vector_load %arg6[%get3A_691, %get3A_692, %get3A_693] {strides = array<i32>} : memref<8x200x32xf32, #tpu.memory_space<vmem>>, vector<1x1x16xf32>,
        %get3A_695 = vector.shape_cast %get3A_694 : vector<1x1x16xf32> to vector<16xf32>
        %add3A_696 = arith.addf %add3A_660, %get3A_695 : vector<16xf32>
        scf.yield %add3A_669, %add3A_678, %add3A_687, %add3A_696 : vector<16xf32>, vector<16xf32>, vector<16xf32>, vector<16xf32>
      }
      %scan3A_554 = arith.constant 50 : i32
      %lt3A_555 = arith.constant 120 : i32
      %lt3A_556 = arith.cmpi slt, %add3A_252, %lt3A_555 : i32
      %convert_element_type3A_557 = arith.extui %lt3A_556 : i1 to i32
      %cond3A_558 = arith.constant 0 : i32
      %cond3A_559 = arith.cmpi ne, %convert_element_type3A_557, %cond3A_558 : i32
      scf.if %cond3A_559 {
        %add3A_623 = arith.constant 8 : i32
        %add3A_624 = arith.addi %add3A_252, %add3A_623 : i32
        %add3A_625 = arith.constant 6 : i32
        %add3A_626 = arith.addi %add3A_624, %add3A_625 : i32
        %mul3A_627 = arith.constant 2 : i32
        %mul3A_628 = arith.muli %mul3A_627, %add3A_626 : i32
        %dma_start3A_629 = arith.constant 6 : i32
        %dma_start3A_630 = arith.constant 6 : i32
        %dma_start3A_631 = arith.constant 0 : i32
        %dma_start3A_632 = arith.constant 0 : i32
        %dma_start3A_633 = tpu.memref_slice %arg6[%dma_start3A_629, %dma_start3A_631, %dma_start3A_632] : memref<8x200x32xf32, #tpu.memory_space<vmem>> -> memref<1x100x32xf32, #tpu.memory_space<vmem>>
        %dma_start3A_634 = tpu.memref_squeeze %dma_start3A_633 : memref<1x100x32xf32, #tpu.memory_space<vmem>> -> memref<100x32xf32, #tpu.memory_space<vmem>>
        %dma_start3A_635 = arith.constant 0 : i32
        %dma_start3A_636 = tpu.memref_slice %arg5[%mul3A_628, %dma_start3A_635] : memref<256x100xi32, #tpu.memory_space<vmem>> -> memref<1x100xi32, #tpu.memory_space<vmem>>
        %dma_start3A_637 = tpu.memref_squeeze %dma_start3A_636 : memref<1x100xi32, #tpu.memory_space<vmem>> -> memref<100xi32, #tpu.memory_space<vmem>>
        %dma_start3A_638 = arith.constant 0 : i32
        %dma_start3A_639 = arith.constant 0 : i32
        %dma_start3A_640 = tpu.memref_slice %arg3[%dma_start3A_638, %dma_start3A_639] : memref<1000000x32xf32, #tpu.memory_space<hbm>> -> memref<1000000x32xf32, #tpu.memory_space<hbm>>
        %dma_start3A_641 = tpu.memref_slice %arg8[%dma_start3A_630] : memref<8x!tpu.dma_semaphore, #tpu.memory_space<semaphore_mem>> -> memref<1x!tpu.dma_semaphore, #tpu.memory_space<semaphore_mem>>
        %dma_start3A_642 = tpu.memref_squeeze %dma_start3A_641 : memref<1x!tpu.dma_semaphore, #tpu.memory_space<semaphore_mem>> -> memref<!tpu.dma_semaphore, #tpu.memory_space<semaphore_mem>>
        tpu.enqueue_indirect_dma source(%dma_start3A_640 : memref<1000000x32xf32, #tpu.memory_space<hbm>>) target(%dma_start3A_634 : memref<100x32xf32, #tpu.memory_space<vmem>>) offsets(%dma_start3A_637 : memref<100xi32, #tpu.memory_space<vmem>>) semaphore(%dma_start3A_642 : memref<!tpu.dma_semaphore, #tpu.memory_space<semaphore_mem>>)
        %mul3A_643 = arith.constant 2 : i32
        %mul3A_644 = arith.muli %mul3A_643, %add3A_626 : i32
        %add3A_645 = arith.constant 1 : i32
        %add3A_646 = arith.addi %mul3A_644, %add3A_645 : i32
        %dma_start3A_647 = arith.constant 6 : i32
        %dma_start3A_648 = arith.constant 6 : i32
        %dma_start3A_649 = arith.constant 100 : i32
        %dma_start3A_650 = arith.constant 0 : i32
        %dma_start3A_651 = tpu.memref_slice %arg6[%dma_start3A_647, %dma_start3A_649, %dma_start3A_650] : memref<8x200x32xf32, #tpu.memory_space<vmem>> -> memref<1x100x32xf32, #tpu.memory_space<vmem>>
        %dma_start3A_652 = tpu.memref_squeeze %dma_start3A_651 : memref<1x100x32xf32, #tpu.memory_space<vmem>> -> memref<100x32xf32, #tpu.memory_space<vmem>>
        %dma_start3A_653 = arith.constant 0 : i32
        %dma_start3A_654 = tpu.memref_slice %arg5[%add3A_646, %dma_start3A_653] : memref<256x100xi32, #tpu.memory_space<vmem>> -> memref<1x100xi32, #tpu.memory_space<vmem>>
        %dma_start3A_655 = tpu.memref_squeeze %dma_start3A_654 : memref<1x100xi32, #tpu.memory_space<vmem>> -> memref<100xi32, #tpu.memory_space<vmem>>
        %dma_start3A_656 = arith.constant 0 : i32
        %dma_start3A_657 = arith.constant 0 : i32
        %dma_start3A_658 = tpu.memref_slice %arg3[%dma_start3A_656, %dma_start3A_657] : memref<1000000x32xf32, #tpu.memory_space<hbm>> -> memref<1000000x32xf32, #tpu.memory_space<hbm>>
        %dma_start3A_659 = tpu.memref_slice %arg8[%dma_start3A_648] : memref<8x!tpu.dma_semaphore, #tpu.memory_space<semaphore_mem>> -> memref<1x!tpu.dma_semaphore, #tpu.memory_space<semaphore_mem>>
        %dma_start3A_660 = tpu.memref_squeeze %dma_start3A_659 : memref<1x!tpu.dma_semaphore, #tpu.memory_space<semaphore_mem>> -> memref<!tpu.dma_semaphore, #tpu.memory_space<semaphore_mem>>
        tpu.enqueue_indirect_dma source(%dma_start3A_658 : memref<1000000x32xf32, #tpu.memory_space<hbm>>) target(%dma_start3A_652 : memref<100x32xf32, #tpu.memory_space<vmem>>) offsets(%dma_start3A_655 : memref<100xi32, #tpu.memory_space<vmem>>) semaphore(%dma_start3A_660 : memref<!tpu.dma_semaphore, #tpu.memory_space<semaphore_mem>>)
      } else {
      }
      %add3A_560 = arith.addf %scan3A_553#0, %scan3A_553#2 : vector<16xf32>
      %add3A_561 = arith.constant 6 : i32
      %add3A_562 = arith.addi %add3A_252, %add3A_561 : i32
      %swap3A_563 = arith.index_cast %add3A_562 : i32 to index
      %swap3A_564 = arith.constant 0 : index
      %swap3A_565 = tpu.vector_load %arg7[%swap3A_563, %swap3A_564] {strides = array<i32>} : memref<128x32xf32, #tpu.memory_space<vmem>>, vector<1x16xf32>,
      %swap3A_566 = vector.shape_cast %swap3A_565 : vector<1x16xf32> to vector<16xf32>
      %swap3A_567 = vector.shape_cast %add3A_560 : vector<16xf32> to vector<1x16xf32>
      tpu.vector_store %arg7[%swap3A_563, %swap3A_564], %swap3A_567 {strides = array<i32>} : memref<128x32xf32, #tpu.memory_space<vmem>>, vector<1x16xf32>,
      %add3A_568 = arith.addf %scan3A_553#1, %scan3A_553#3 : vector<16xf32>
      %add3A_569 = arith.constant 6 : i32
      %add3A_570 = arith.addi %add3A_252, %add3A_569 : i32
      %swap3A_571 = arith.index_cast %add3A_570 : i32 to index
      %swap3A_572 = arith.constant 16 : index
      %swap3A_573 = tpu.vector_load %arg7[%swap3A_571, %swap3A_572] {strides = array<i32>} : memref<128x32xf32, #tpu.memory_space<vmem>>, vector<1x16xf32>,
      %swap3A_574 = vector.shape_cast %swap3A_573 : vector<1x16xf32> to vector<16xf32>
      %swap3A_575 = vector.shape_cast %add3A_568 : vector<16xf32> to vector<1x16xf32>
      tpu.vector_store %arg7[%swap3A_571, %swap3A_572], %swap3A_575 {strides = array<i32>} : memref<128x32xf32, #tpu.memory_space<vmem>>, vector<1x16xf32>,
      %dma_wait3A_576 = arith.constant 7 : i32
      %dma_wait3A_577 = arith.constant 7 : i32
      %dma_wait3A_578 = arith.constant 0 : i32
      %dma_wait3A_579 = arith.constant 0 : i32
      %dma_wait3A_580 = tpu.memref_slice %arg6[%dma_wait3A_576, %dma_wait3A_578, %dma_wait3A_579] : memref<8x200x32xf32, #tpu.memory_space<vmem>> -> memref<1x200x32xf32, #tpu.memory_space<vmem>>
      %dma_wait3A_581 = tpu.memref_squeeze %dma_wait3A_580 : memref<1x200x32xf32, #tpu.memory_space<vmem>> -> memref<200x32xf32, #tpu.memory_space<vmem>>
      %dma_wait3A_582 = arith.constant 0 : i32
      %dma_wait3A_583 = arith.constant 0 : i32
      %dma_wait3A_584 = tpu.memref_slice %arg3[%dma_wait3A_582, %dma_wait3A_583] : memref<1000000x32xf32, #tpu.memory_space<hbm>> -> memref<200x32xf32, #tpu.memory_space<hbm>>
      %dma_wait3A_585 = tpu.memref_slice %arg8[%dma_wait3A_577] : memref<8x!tpu.dma_semaphore, #tpu.memory_space<semaphore_mem>> -> memref<1x!tpu.dma_semaphore, #tpu.memory_space<semaphore_mem>>
      %dma_wait3A_586 = tpu.memref_squeeze %dma_wait3A_585 : memref<1x!tpu.dma_semaphore, #tpu.memory_space<semaphore_mem>> -> memref<!tpu.dma_semaphore, #tpu.memory_space<semaphore_mem>>
      %dma_wait3A_587 = arith.constant 0 : i32
      %dma_wait3A_588 = arith.constant 0 : i32
      %dma_wait3A_589 = tpu.memref_slice %arg6[%dma_wait3A_576, %dma_wait3A_587, %dma_wait3A_588] : memref<8x200x32xf32, #tpu.memory_space<vmem>> -> memref<1x200x32xf32, #tpu.memory_space<vmem>>
      %dma_wait3A_590 = tpu.memref_squeeze %dma_wait3A_589 : memref<1x200x32xf32, #tpu.memory_space<vmem>> -> memref<200x32xf32, #tpu.memory_space<vmem>>
      %dma_wait3A_591 = arith.constant 0 : i32
      %dma_wait3A_592 = arith.constant 0 : i32
      %dma_wait3A_593 = tpu.memref_slice %arg3[%dma_wait3A_591, %dma_wait3A_592] : memref<1000000x32xf32, #tpu.memory_space<hbm>> -> memref<200x32xf32, #tpu.memory_space<hbm>>
      tpu.wait_dma2 semaphore(%dma_wait3A_586 : memref<!tpu.dma_semaphore, #tpu.memory_space<semaphore_mem>>) src(%dma_wait3A_593 : memref<200x32xf32, #tpu.memory_space<hbm>>) dst(%dma_wait3A_590 : memref<200x32xf32, #tpu.memory_space<vmem>>)
      %broadcast_in_dim3A_594 = arith.constant 0.000000e+00 : f32
      %broadcast_in_dim3A_595 = vector.broadcast %broadcast_in_dim3A_594 : f32 to vector<16xf32>
      %scan3A_596 = arith.constant 0 : i32
      %scan3A_597 = arith.constant 50 : i32
      %scan3A_598 = arith.addi %scan3A_596, %scan3A_597 : i32
      %scan3A_599 = arith.constant 1 : i32
      %scan3A_600:4 = scf.for %scan3A_623 = %scan3A_596 to %scan3A_598 step %scan3A_599 iter_args(%scan3A_624 = %broadcast_in_dim3A_595, %scan3A_625 = %broadcast_in_dim3A_595, %scan3A_626 = %broadcast_in_dim3A_595, %scan3A_627 = %broadcast_in_dim3A_595) -> (vector<16xf32>, vector<16xf32>, vector<16xf32>, vector<16xf32>)  : i32 {
        %mul3A_628 = arith.constant 4 : i32
        %mul3A_629 = arith.muli %mul3A_628, %scan3A_623 : i32
        %get3A = arith.constant 7 : i32
        %get3A_630 = arith.index_cast %get3A : i32 to index
        %get3A_631 = arith.index_cast %mul3A_629 : i32 to index
        %get3A_632 = arith.constant 0 : index
        %get3A_633 = tpu.vector_load %arg6[%get3A_630, %get3A_631, %get3A_632] {strides = array<i32>} : memref<8x200x32xf32, #tpu.memory_space<vmem>>, vector<1x1x16xf32>,
        %get3A_634 = vector.shape_cast %get3A_633 : vector<1x1x16xf32> to vector<16xf32>
        %add3A_635 = arith.addf %scan3A_624, %get3A_634 : vector<16xf32>
        %get3A_636 = arith.constant 7 : i32
        %get3A_637 = arith.index_cast %get3A_636 : i32 to index
        %get3A_638 = arith.index_cast %mul3A_629 : i32 to index
        %get3A_639 = arith.constant 16 : index
        %get3A_640 = tpu.vector_load %arg6[%get3A_637, %get3A_638, %get3A_639] {strides = array<i32>} : memref<8x200x32xf32, #tpu.memory_space<vmem>>, vector<1x1x16xf32>,
        %get3A_641 = vector.shape_cast %get3A_640 : vector<1x1x16xf32> to vector<16xf32>
        %add3A_642 = arith.addf %scan3A_625, %get3A_641 : vector<16xf32>
        %add3A_643 = arith.constant 1 : i32
        %add3A_644 = arith.addi %mul3A_629, %add3A_643 : i32
        %get3A_645 = arith.constant 7 : i32
        %get3A_646 = arith.index_cast %get3A_645 : i32 to index
        %get3A_647 = arith.index_cast %add3A_644 : i32 to index
        %get3A_648 = arith.constant 0 : index
        %get3A_649 = tpu.vector_load %arg6[%get3A_646, %get3A_647, %get3A_648] {strides = array<i32>} : memref<8x200x32xf32, #tpu.memory_space<vmem>>, vector<1x1x16xf32>,
        %get3A_650 = vector.shape_cast %get3A_649 : vector<1x1x16xf32> to vector<16xf32>
        %add3A_651 = arith.addf %scan3A_626, %get3A_650 : vector<16xf32>
        %add3A_652 = arith.constant 1 : i32
        %add3A_653 = arith.addi %mul3A_629, %add3A_652 : i32
        %get3A_654 = arith.constant 7 : i32
        %get3A_655 = arith.index_cast %get3A_654 : i32 to index
        %get3A_656 = arith.index_cast %add3A_653 : i32 to index
        %get3A_657 = arith.constant 16 : index
        %get3A_658 = tpu.vector_load %arg6[%get3A_655, %get3A_656, %get3A_657] {strides = array<i32>} : memref<8x200x32xf32, #tpu.memory_space<vmem>>, vector<1x1x16xf32>,
        %get3A_659 = vector.shape_cast %get3A_658 : vector<1x1x16xf32> to vector<16xf32>
        %add3A_660 = arith.addf %scan3A_627, %get3A_659 : vector<16xf32>
        %add3A_661 = arith.constant 2 : i32
        %add3A_662 = arith.addi %mul3A_629, %add3A_661 : i32
        %get3A_663 = arith.constant 7 : i32
        %get3A_664 = arith.index_cast %get3A_663 : i32 to index
        %get3A_665 = arith.index_cast %add3A_662 : i32 to index
        %get3A_666 = arith.constant 0 : index
        %get3A_667 = tpu.vector_load %arg6[%get3A_664, %get3A_665, %get3A_666] {strides = array<i32>} : memref<8x200x32xf32, #tpu.memory_space<vmem>>, vector<1x1x16xf32>,
        %get3A_668 = vector.shape_cast %get3A_667 : vector<1x1x16xf32> to vector<16xf32>
        %add3A_669 = arith.addf %add3A_635, %get3A_668 : vector<16xf32>
        %add3A_670 = arith.constant 2 : i32
        %add3A_671 = arith.addi %mul3A_629, %add3A_670 : i32
        %get3A_672 = arith.constant 7 : i32
        %get3A_673 = arith.index_cast %get3A_672 : i32 to index
        %get3A_674 = arith.index_cast %add3A_671 : i32 to index
        %get3A_675 = arith.constant 16 : index
        %get3A_676 = tpu.vector_load %arg6[%get3A_673, %get3A_674, %get3A_675] {strides = array<i32>} : memref<8x200x32xf32, #tpu.memory_space<vmem>>, vector<1x1x16xf32>,
        %get3A_677 = vector.shape_cast %get3A_676 : vector<1x1x16xf32> to vector<16xf32>
        %add3A_678 = arith.addf %add3A_642, %get3A_677 : vector<16xf32>
        %add3A_679 = arith.constant 3 : i32
        %add3A_680 = arith.addi %mul3A_629, %add3A_679 : i32
        %get3A_681 = arith.constant 7 : i32
        %get3A_682 = arith.index_cast %get3A_681 : i32 to index
        %get3A_683 = arith.index_cast %add3A_680 : i32 to index
        %get3A_684 = arith.constant 0 : index
        %get3A_685 = tpu.vector_load %arg6[%get3A_682, %get3A_683, %get3A_684] {strides = array<i32>} : memref<8x200x32xf32, #tpu.memory_space<vmem>>, vector<1x1x16xf32>,
        %get3A_686 = vector.shape_cast %get3A_685 : vector<1x1x16xf32> to vector<16xf32>
        %add3A_687 = arith.addf %add3A_651, %get3A_686 : vector<16xf32>
        %add3A_688 = arith.constant 3 : i32
        %add3A_689 = arith.addi %mul3A_629, %add3A_688 : i32
        %get3A_690 = arith.constant 7 : i32
        %get3A_691 = arith.index_cast %get3A_690 : i32 to index
        %get3A_692 = arith.index_cast %add3A_689 : i32 to index
        %get3A_693 = arith.constant 16 : index
        %get3A_694 = tpu.vector_load %arg6[%get3A_691, %get3A_692, %get3A_693] {strides = array<i32>} : memref<8x200x32xf32, #tpu.memory_space<vmem>>, vector<1x1x16xf32>,
        %get3A_695 = vector.shape_cast %get3A_694 : vector<1x1x16xf32> to vector<16xf32>
        %add3A_696 = arith.addf %add3A_660, %get3A_695 : vector<16xf32>
        scf.yield %add3A_669, %add3A_678, %add3A_687, %add3A_696 : vector<16xf32>, vector<16xf32>, vector<16xf32>, vector<16xf32>
      }
      %scan3A_601 = arith.constant 50 : i32
      %lt3A_602 = arith.constant 120 : i32
      %lt3A_603 = arith.cmpi slt, %add3A_252, %lt3A_602 : i32
      %convert_element_type3A_604 = arith.extui %lt3A_603 : i1 to i32
      %cond3A_605 = arith.constant 0 : i32
      %cond3A_606 = arith.cmpi ne, %convert_element_type3A_604, %cond3A_605 : i32
      scf.if %cond3A_606 {
        %add3A_623 = arith.constant 8 : i32
        %add3A_624 = arith.addi %add3A_252, %add3A_623 : i32
        %add3A_625 = arith.constant 7 : i32
        %add3A_626 = arith.addi %add3A_624, %add3A_625 : i32
        %mul3A_627 = arith.constant 2 : i32
        %mul3A_628 = arith.muli %mul3A_627, %add3A_626 : i32
        %dma_start3A_629 = arith.constant 7 : i32
        %dma_start3A_630 = arith.constant 7 : i32
        %dma_start3A_631 = arith.constant 0 : i32
        %dma_start3A_632 = arith.constant 0 : i32
        %dma_start3A_633 = tpu.memref_slice %arg6[%dma_start3A_629, %dma_start3A_631, %dma_start3A_632] : memref<8x200x32xf32, #tpu.memory_space<vmem>> -> memref<1x100x32xf32, #tpu.memory_space<vmem>>
        %dma_start3A_634 = tpu.memref_squeeze %dma_start3A_633 : memref<1x100x32xf32, #tpu.memory_space<vmem>> -> memref<100x32xf32, #tpu.memory_space<vmem>>
        %dma_start3A_635 = arith.constant 0 : i32
        %dma_start3A_636 = tpu.memref_slice %arg5[%mul3A_628, %dma_start3A_635] : memref<256x100xi32, #tpu.memory_space<vmem>> -> memref<1x100xi32, #tpu.memory_space<vmem>>
        %dma_start3A_637 = tpu.memref_squeeze %dma_start3A_636 : memref<1x100xi32, #tpu.memory_space<vmem>> -> memref<100xi32, #tpu.memory_space<vmem>>
        %dma_start3A_638 = arith.constant 0 : i32
        %dma_start3A_639 = arith.constant 0 : i32
        %dma_start3A_640 = tpu.memref_slice %arg3[%dma_start3A_638, %dma_start3A_639] : memref<1000000x32xf32, #tpu.memory_space<hbm>> -> memref<1000000x32xf32, #tpu.memory_space<hbm>>
        %dma_start3A_641 = tpu.memref_slice %arg8[%dma_start3A_630] : memref<8x!tpu.dma_semaphore, #tpu.memory_space<semaphore_mem>> -> memref<1x!tpu.dma_semaphore, #tpu.memory_space<semaphore_mem>>
        %dma_start3A_642 = tpu.memref_squeeze %dma_start3A_641 : memref<1x!tpu.dma_semaphore, #tpu.memory_space<semaphore_mem>> -> memref<!tpu.dma_semaphore, #tpu.memory_space<semaphore_mem>>
        tpu.enqueue_indirect_dma source(%dma_start3A_640 : memref<1000000x32xf32, #tpu.memory_space<hbm>>) target(%dma_start3A_634 : memref<100x32xf32, #tpu.memory_space<vmem>>) offsets(%dma_start3A_637 : memref<100xi32, #tpu.memory_space<vmem>>) semaphore(%dma_start3A_642 : memref<!tpu.dma_semaphore, #tpu.memory_space<semaphore_mem>>)
        %mul3A_643 = arith.constant 2 : i32
        %mul3A_644 = arith.muli %mul3A_643, %add3A_626 : i32
        %add3A_645 = arith.constant 1 : i32
        %add3A_646 = arith.addi %mul3A_644, %add3A_645 : i32
        %dma_start3A_647 = arith.constant 7 : i32
        %dma_start3A_648 = arith.constant 7 : i32
        %dma_start3A_649 = arith.constant 100 : i32
        %dma_start3A_650 = arith.constant 0 : i32
        %dma_start3A_651 = tpu.memref_slice %arg6[%dma_start3A_647, %dma_start3A_649, %dma_start3A_650] : memref<8x200x32xf32, #tpu.memory_space<vmem>> -> memref<1x100x32xf32, #tpu.memory_space<vmem>>
        %dma_start3A_652 = tpu.memref_squeeze %dma_start3A_651 : memref<1x100x32xf32, #tpu.memory_space<vmem>> -> memref<100x32xf32, #tpu.memory_space<vmem>>
        %dma_start3A_653 = arith.constant 0 : i32
        %dma_start3A_654 = tpu.memref_slice %arg5[%add3A_646, %dma_start3A_653] : memref<256x100xi32, #tpu.memory_space<vmem>> -> memref<1x100xi32, #tpu.memory_space<vmem>>
        %dma_start3A_655 = tpu.memref_squeeze %dma_start3A_654 : memref<1x100xi32, #tpu.memory_space<vmem>> -> memref<100xi32, #tpu.memory_space<vmem>>
        %dma_start3A_656 = arith.constant 0 : i32
        %dma_start3A_657 = arith.constant 0 : i32
        %dma_start3A_658 = tpu.memref_slice %arg3[%dma_start3A_656, %dma_start3A_657] : memref<1000000x32xf32, #tpu.memory_space<hbm>> -> memref<1000000x32xf32, #tpu.memory_space<hbm>>
        %dma_start3A_659 = tpu.memref_slice %arg8[%dma_start3A_648] : memref<8x!tpu.dma_semaphore, #tpu.memory_space<semaphore_mem>> -> memref<1x!tpu.dma_semaphore, #tpu.memory_space<semaphore_mem>>
        %dma_start3A_660 = tpu.memref_squeeze %dma_start3A_659 : memref<1x!tpu.dma_semaphore, #tpu.memory_space<semaphore_mem>> -> memref<!tpu.dma_semaphore, #tpu.memory_space<semaphore_mem>>
        tpu.enqueue_indirect_dma source(%dma_start3A_658 : memref<1000000x32xf32, #tpu.memory_space<hbm>>) target(%dma_start3A_652 : memref<100x32xf32, #tpu.memory_space<vmem>>) offsets(%dma_start3A_655 : memref<100xi32, #tpu.memory_space<vmem>>) semaphore(%dma_start3A_660 : memref<!tpu.dma_semaphore, #tpu.memory_space<semaphore_mem>>)
      } else {
      }
      %add3A_607 = arith.addf %scan3A_600#0, %scan3A_600#2 : vector<16xf32>
      %add3A_608 = arith.constant 7 : i32
      %add3A_609 = arith.addi %add3A_252, %add3A_608 : i32
      %swap3A_610 = arith.index_cast %add3A_609 : i32 to index
      %swap3A_611 = arith.constant 0 : index
      %swap3A_612 = tpu.vector_load %arg7[%swap3A_610, %swap3A_611] {strides = array<i32>} : memref<128x32xf32, #tpu.memory_space<vmem>>, vector<1x16xf32>,
      %swap3A_613 = vector.shape_cast %swap3A_612 : vector<1x16xf32> to vector<16xf32>
      %swap3A_614 = vector.shape_cast %add3A_607 : vector<16xf32> to vector<1x16xf32>
      tpu.vector_store %arg7[%swap3A_610, %swap3A_611], %swap3A_614 {strides = array<i32>} : memref<128x32xf32, #tpu.memory_space<vmem>>, vector<1x16xf32>,
      %add3A_615 = arith.addf %scan3A_600#1, %scan3A_600#3 : vector<16xf32>
      %add3A_616 = arith.constant 7 : i32
      %add3A_617 = arith.addi %add3A_252, %add3A_616 : i32
      %swap3A_618 = arith.index_cast %add3A_617 : i32 to index
      %swap3A_619 = arith.constant 16 : index
      %swap3A_620 = tpu.vector_load %arg7[%swap3A_618, %swap3A_619] {strides = array<i32>} : memref<128x32xf32, #tpu.memory_space<vmem>>, vector<1x16xf32>,
      %swap3A_621 = vector.shape_cast %swap3A_620 : vector<1x16xf32> to vector<16xf32>
      %swap3A_622 = vector.shape_cast %add3A_615 : vector<16xf32> to vector<1x16xf32>
      tpu.vector_store %arg7[%swap3A_618, %swap3A_619], %swap3A_622 {strides = array<i32>} : memref<128x32xf32, #tpu.memory_space<vmem>>, vector<1x16xf32>,
    }
    %scan3A_247 = arith.constant 16 : i32
    "tpu.region"() ({
      %run_scoped3A = tpu.sem_alloc : memref<!tpu.dma_semaphore, #tpu.memory_space<semaphore_mem>>
      %dma_start3A_248 = arith.constant 0 : i32
      %dma_start3A_249 = tpu.memref_slice %arg4[%mul3A_2, %dma_start3A_248] : memref<4096x32xf32, #tpu.memory_space<hbm>> -> memref<128x32xf32, #tpu.memory_space<hbm>>
      %dma_start3A_250 = arith.constant 0 : i32
      %dma_start3A_251 = tpu.memref_slice %arg4[%mul3A_2, %dma_start3A_250] : memref<4096x32xf32, #tpu.memory_space<hbm>> -> memref<128x32xf32, #tpu.memory_space<hbm>>
      tpu.enqueue_dma source(%arg7 : memref<128x32xf32, #tpu.memory_space<vmem>>) target(%dma_start3A_251 : memref<128x32xf32, #tpu.memory_space<hbm>>) target_semaphore(%run_scoped3A : memref<!tpu.dma_semaphore, #tpu.memory_space<semaphore_mem>>)
      %dma_wait3A = arith.constant 0 : i32
      %dma_wait3A_252 = tpu.memref_slice %arg4[%mul3A_2, %dma_wait3A] : memref<4096x32xf32, #tpu.memory_space<hbm>> -> memref<128x32xf32, #tpu.memory_space<hbm>>
      %dma_wait3A_253 = arith.constant 0 : i32
      %dma_wait3A_254 = tpu.memref_slice %arg4[%mul3A_2, %dma_wait3A_253] : memref<4096x32xf32, #tpu.memory_space<hbm>> -> memref<128x32xf32, #tpu.memory_space<hbm>>
      tpu.wait_dma2 semaphore(%run_scoped3A : memref<!tpu.dma_semaphore, #tpu.memory_space<semaphore_mem>>) src(%arg7 : memref<128x32xf32, #tpu.memory_space<vmem>>) dst(%dma_wait3A_254 : memref<128x32xf32, #tpu.memory_space<hbm>>)
      tpu.yield
    }) : () -> ()
    return
  }
}

#map = affine_map<(d0, d1) -> (0, 0)>
module attributes {stable_mosaic.version = 14 : i64} {
  func.func @_format_body(%arg0: i32, %arg1: i32, %arg2: memref<32x1000000xf32, #tpu.memory_space<hbm>>, %arg3: memref<16x128xf32, #tpu.memory_space<hbm>>, %arg4: memref<250000x128xf32, #tpu.memory_space<hbm>>, %arg5: memref<2x32x128xf32, #tpu.memory_space<vmem>>, %arg6: memref<2x32x128xf32, #tpu.memory_space<vmem>>, %arg7: memref<16x128xf32, #tpu.memory_space<vmem>>, %arg8: memref<4x!tpu.dma_semaphore, #tpu.memory_space<semaphore_mem>>) attributes {dimension_semantics = [#tpu.dimension_semantics<core_parallel>, #tpu.dimension_semantics<subcore_parallel>], iteration_bounds = array<i64: 2, 16>, scalar_prefetch = 0 : i64, scratch_operands = 4 : i64, tpu.core_type = #tpu.core_type<sc_vector_subcore>, window_params = [{transform_indices = #map}, {transform_indices = #map}, {transform_indices = #map}]} {
    %mul3A = arith.constant 2 : i32
    %mul3A_0 = arith.muli %arg1, %mul3A : i32
    %add3A = arith.addi %mul3A_0, %arg0 : i32
    %mul3A_1 = arith.constant 244 : i32
    %mul3A_2 = arith.muli %add3A, %mul3A_1 : i32
    %min3A = arith.constant 4 : i32
    %min3A_3 = arith.minsi %add3A, %min3A : i32
    %add3A_4 = arith.addi %mul3A_2, %min3A_3 : i32
    %iota3A = tpu.iota {dimensions = array<i32: 0>} : vector<16xi32>
    %add3A_5 = arith.constant 0 : i32
    %add3A_6 = arith.addi %add3A_4, %add3A_5 : i32
    %min3A_7 = arith.constant 7811 : i32
    %min3A_8 = arith.minsi %add3A_6, %min3A_7 : i32
    %mul3A_9 = arith.constant 128 : i32
    %mul3A_10 = arith.muli %mul3A_9, %min3A_8 : i32
    %dma_start3A = arith.constant 0 : i32
    %dma_start3A_11 = arith.constant 0 : i32
    %dma_start3A_12 = arith.constant 0 : i32
    %dma_start3A_13 = arith.constant 0 : i32
    %dma_start3A_14 = tpu.memref_slice %arg5[%dma_start3A, %dma_start3A_12, %dma_start3A_13] : memref<2x32x128xf32, #tpu.memory_space<vmem>> -> memref<1x32x128xf32, #tpu.memory_space<vmem>>
    %dma_start3A_15 = tpu.memref_squeeze %dma_start3A_14 : memref<1x32x128xf32, #tpu.memory_space<vmem>> -> memref<32x128xf32, #tpu.memory_space<vmem>>
    %dma_start3A_16 = arith.constant 0 : i32
    %dma_start3A_17 = tpu.memref_slice %arg2[%dma_start3A_16, %mul3A_10] : memref<32x1000000xf32, #tpu.memory_space<hbm>> -> memref<32x128xf32, #tpu.memory_space<hbm>>
    %dma_start3A_18 = tpu.memref_slice %arg8[%dma_start3A_11] : memref<4x!tpu.dma_semaphore, #tpu.memory_space<semaphore_mem>> -> memref<1x!tpu.dma_semaphore, #tpu.memory_space<semaphore_mem>>
    %dma_start3A_19 = tpu.memref_squeeze %dma_start3A_18 : memref<1x!tpu.dma_semaphore, #tpu.memory_space<semaphore_mem>> -> memref<!tpu.dma_semaphore, #tpu.memory_space<semaphore_mem>>
    %dma_start3A_20 = arith.constant 0 : i32
    %dma_start3A_21 = arith.constant 0 : i32
    %dma_start3A_22 = tpu.memref_slice %arg5[%dma_start3A, %dma_start3A_20, %dma_start3A_21] : memref<2x32x128xf32, #tpu.memory_space<vmem>> -> memref<1x32x128xf32, #tpu.memory_space<vmem>>
    %dma_start3A_23 = tpu.memref_squeeze %dma_start3A_22 : memref<1x32x128xf32, #tpu.memory_space<vmem>> -> memref<32x128xf32, #tpu.memory_space<vmem>>
    %dma_start3A_24 = arith.constant 0 : i32
    %dma_start3A_25 = tpu.memref_slice %arg2[%dma_start3A_24, %mul3A_10] : memref<32x1000000xf32, #tpu.memory_space<hbm>> -> memref<32x128xf32, #tpu.memory_space<hbm>>
    tpu.enqueue_dma source(%dma_start3A_25 : memref<32x128xf32, #tpu.memory_space<hbm>>) target(%dma_start3A_23 : memref<32x128xf32, #tpu.memory_space<vmem>>) target_semaphore(%dma_start3A_19 : memref<!tpu.dma_semaphore, #tpu.memory_space<semaphore_mem>>)
    %scan3A = arith.constant 0 : i32
    %scan3A_26 = arith.constant 123 : i32
    %scan3A_27 = arith.addi %scan3A, %scan3A_26 : i32
    %scan3A_28 = arith.constant 1 : i32
    scf.for %scan3A_67 = %scan3A to %scan3A_27 step %scan3A_28  : i32 {
      %mul3A_68 = arith.constant 2 : i32
      %mul3A_69 = arith.muli %scan3A_67, %mul3A_68 : i32
      %add3A_70 = arith.constant 0 : i32
      %add3A_71 = arith.addi %add3A_70, %mul3A_69 : i32
      %add3A_72 = arith.constant 0 : i32
      %add3A_73 = arith.addi %add3A_71, %add3A_72 : i32
      %add3A_74 = arith.addi %add3A_4, %add3A_73 : i32
      %min3A_75 = arith.constant 7811 : i32
      %min3A_76 = arith.minsi %add3A_74, %min3A_75 : i32
      %add3A_77 = arith.constant 1 : i32
      %add3A_78 = arith.addi %add3A_73, %add3A_77 : i32
      %lt3A = arith.constant 246 : i32
      %lt3A_79 = arith.cmpi slt, %add3A_78, %lt3A : i32
      %convert_element_type3A_80 = arith.extui %lt3A_79 : i1 to i32
      %cond3A_81 = arith.constant 0 : i32
      %cond3A_82 = arith.cmpi ne, %convert_element_type3A_80, %cond3A_81 : i32
      scf.if %cond3A_82 {
        %add3A_208 = arith.constant 1 : i32
        %add3A_209 = arith.addi %add3A_73, %add3A_208 : i32
        %add3A_210 = arith.addi %add3A_4, %add3A_209 : i32
        %min3A_211 = arith.constant 7811 : i32
        %min3A_212 = arith.minsi %add3A_210, %min3A_211 : i32
        %mul3A_213 = arith.constant 128 : i32
        %mul3A_214 = arith.muli %mul3A_213, %min3A_212 : i32
        %dma_start3A_215 = arith.constant 1 : i32
        %dma_start3A_216 = arith.constant 1 : i32
        %dma_start3A_217 = arith.constant 0 : i32
        %dma_start3A_218 = arith.constant 0 : i32
        %dma_start3A_219 = tpu.memref_slice %arg5[%dma_start3A_215, %dma_start3A_217, %dma_start3A_218] : memref<2x32x128xf32, #tpu.memory_space<vmem>> -> memref<1x32x128xf32, #tpu.memory_space<vmem>>
        %dma_start3A_220 = tpu.memref_squeeze %dma_start3A_219 : memref<1x32x128xf32, #tpu.memory_space<vmem>> -> memref<32x128xf32, #tpu.memory_space<vmem>>
        %dma_start3A_221 = arith.constant 0 : i32
        %dma_start3A_222 = tpu.memref_slice %arg2[%dma_start3A_221, %mul3A_214] : memref<32x1000000xf32, #tpu.memory_space<hbm>> -> memref<32x128xf32, #tpu.memory_space<hbm>>
        %dma_start3A_223 = tpu.memref_slice %arg8[%dma_start3A_216] : memref<4x!tpu.dma_semaphore, #tpu.memory_space<semaphore_mem>> -> memref<1x!tpu.dma_semaphore, #tpu.memory_space<semaphore_mem>>
        %dma_start3A_224 = tpu.memref_squeeze %dma_start3A_223 : memref<1x!tpu.dma_semaphore, #tpu.memory_space<semaphore_mem>> -> memref<!tpu.dma_semaphore, #tpu.memory_space<semaphore_mem>>
        %dma_start3A_225 = arith.constant 0 : i32
        %dma_start3A_226 = arith.constant 0 : i32
        %dma_start3A_227 = tpu.memref_slice %arg5[%dma_start3A_215, %dma_start3A_225, %dma_start3A_226] : memref<2x32x128xf32, #tpu.memory_space<vmem>> -> memref<1x32x128xf32, #tpu.memory_space<vmem>>
        %dma_start3A_228 = tpu.memref_squeeze %dma_start3A_227 : memref<1x32x128xf32, #tpu.memory_space<vmem>> -> memref<32x128xf32, #tpu.memory_space<vmem>>
        %dma_start3A_229 = arith.constant 0 : i32
        %dma_start3A_230 = tpu.memref_slice %arg2[%dma_start3A_229, %mul3A_214] : memref<32x1000000xf32, #tpu.memory_space<hbm>> -> memref<32x128xf32, #tpu.memory_space<hbm>>
        tpu.enqueue_dma source(%dma_start3A_230 : memref<32x128xf32, #tpu.memory_space<hbm>>) target(%dma_start3A_228 : memref<32x128xf32, #tpu.memory_space<vmem>>) target_semaphore(%dma_start3A_224 : memref<!tpu.dma_semaphore, #tpu.memory_space<semaphore_mem>>)
      } else {
      }
      %dma_wait3A_83 = arith.constant 0 : i32
      %dma_wait3A_84 = arith.constant 0 : i32
      %dma_wait3A_85 = arith.constant 0 : i32
      %dma_wait3A_86 = arith.constant 0 : i32
      %dma_wait3A_87 = tpu.memref_slice %arg5[%dma_wait3A_83, %dma_wait3A_85, %dma_wait3A_86] : memref<2x32x128xf32, #tpu.memory_space<vmem>> -> memref<1x32x128xf32, #tpu.memory_space<vmem>>
      %dma_wait3A_88 = tpu.memref_squeeze %dma_wait3A_87 : memref<1x32x128xf32, #tpu.memory_space<vmem>> -> memref<32x128xf32, #tpu.memory_space<vmem>>
      %dma_wait3A_89 = arith.constant 0 : i32
      %dma_wait3A_90 = arith.constant 0 : i32
      %dma_wait3A_91 = tpu.memref_slice %arg2[%dma_wait3A_89, %dma_wait3A_90] : memref<32x1000000xf32, #tpu.memory_space<hbm>> -> memref<32x128xf32, #tpu.memory_space<hbm>>
      %dma_wait3A_92 = tpu.memref_slice %arg8[%dma_wait3A_84] : memref<4x!tpu.dma_semaphore, #tpu.memory_space<semaphore_mem>> -> memref<1x!tpu.dma_semaphore, #tpu.memory_space<semaphore_mem>>
      %dma_wait3A_93 = tpu.memref_squeeze %dma_wait3A_92 : memref<1x!tpu.dma_semaphore, #tpu.memory_space<semaphore_mem>> -> memref<!tpu.dma_semaphore, #tpu.memory_space<semaphore_mem>>
      %dma_wait3A_94 = arith.constant 0 : i32
      %dma_wait3A_95 = arith.constant 0 : i32
      %dma_wait3A_96 = tpu.memref_slice %arg5[%dma_wait3A_83, %dma_wait3A_94, %dma_wait3A_95] : memref<2x32x128xf32, #tpu.memory_space<vmem>> -> memref<1x32x128xf32, #tpu.memory_space<vmem>>
      %dma_wait3A_97 = tpu.memref_squeeze %dma_wait3A_96 : memref<1x32x128xf32, #tpu.memory_space<vmem>> -> memref<32x128xf32, #tpu.memory_space<vmem>>
      %dma_wait3A_98 = arith.constant 0 : i32
      %dma_wait3A_99 = arith.constant 0 : i32
      %dma_wait3A_100 = tpu.memref_slice %arg2[%dma_wait3A_98, %dma_wait3A_99] : memref<32x1000000xf32, #tpu.memory_space<hbm>> -> memref<32x128xf32, #tpu.memory_space<hbm>>
      tpu.wait_dma2 semaphore(%dma_wait3A_93 : memref<!tpu.dma_semaphore, #tpu.memory_space<semaphore_mem>>) src(%dma_wait3A_100 : memref<32x128xf32, #tpu.memory_space<hbm>>) dst(%dma_wait3A_97 : memref<32x128xf32, #tpu.memory_space<vmem>>)
      %ge3A = arith.constant 2 : i32
      %ge3A_101 = arith.cmpi sge, %add3A_73, %ge3A : i32
      %convert_element_type3A_102 = arith.extui %ge3A_101 : i1 to i32
      %cond3A_103 = arith.constant 0 : i32
      %cond3A_104 = arith.cmpi ne, %convert_element_type3A_102, %cond3A_103 : i32
      scf.if %cond3A_104 {
        %dma_wait3A_208 = arith.constant 0 : i32
        %dma_wait3A_209 = arith.constant 2 : i32
        %dma_wait3A_210 = arith.constant 0 : i32
        %dma_wait3A_211 = arith.constant 0 : i32
        %dma_wait3A_212 = tpu.memref_slice %arg6[%dma_wait3A_208, %dma_wait3A_210, %dma_wait3A_211] : memref<2x32x128xf32, #tpu.memory_space<vmem>> -> memref<1x32x128xf32, #tpu.memory_space<vmem>>
        %dma_wait3A_213 = tpu.memref_squeeze %dma_wait3A_212 : memref<1x32x128xf32, #tpu.memory_space<vmem>> -> memref<32x128xf32, #tpu.memory_space<vmem>>
        %dma_wait3A_214 = arith.constant 0 : i32
        %dma_wait3A_215 = arith.constant 0 : i32
        %dma_wait3A_216 = tpu.memref_slice %arg4[%dma_wait3A_214, %dma_wait3A_215] : memref<250000x128xf32, #tpu.memory_space<hbm>> -> memref<32x128xf32, #tpu.memory_space<hbm>>
        %dma_wait3A_217 = tpu.memref_slice %arg8[%dma_wait3A_209] : memref<4x!tpu.dma_semaphore, #tpu.memory_space<semaphore_mem>> -> memref<1x!tpu.dma_semaphore, #tpu.memory_space<semaphore_mem>>
        %dma_wait3A_218 = tpu.memref_squeeze %dma_wait3A_217 : memref<1x!tpu.dma_semaphore, #tpu.memory_space<semaphore_mem>> -> memref<!tpu.dma_semaphore, #tpu.memory_space<semaphore_mem>>
        %dma_wait3A_219 = arith.constant 0 : i32
        %dma_wait3A_220 = arith.constant 0 : i32
        %dma_wait3A_221 = tpu.memref_slice %arg4[%dma_wait3A_219, %dma_wait3A_220] : memref<250000x128xf32, #tpu.memory_space<hbm>> -> memref<32x128xf32, #tpu.memory_space<hbm>>
        %dma_wait3A_222 = arith.constant 0 : i32
        %dma_wait3A_223 = arith.constant 0 : i32
        %dma_wait3A_224 = tpu.memref_slice %arg6[%dma_wait3A_208, %dma_wait3A_222, %dma_wait3A_223] : memref<2x32x128xf32, #tpu.memory_space<vmem>> -> memref<1x32x128xf32, #tpu.memory_space<vmem>>
        %dma_wait3A_225 = tpu.memref_squeeze %dma_wait3A_224 : memref<1x32x128xf32, #tpu.memory_space<vmem>> -> memref<32x128xf32, #tpu.memory_space<vmem>>
        tpu.wait_dma2 semaphore(%dma_wait3A_218 : memref<!tpu.dma_semaphore, #tpu.memory_space<semaphore_mem>>) src(%dma_wait3A_225 : memref<32x128xf32, #tpu.memory_space<vmem>>) dst(%dma_wait3A_221 : memref<32x128xf32, #tpu.memory_space<hbm>>)
      } else {
      }
      %add3A_105 = arith.constant 0 : i32
      %add3A_106 = vector.broadcast %add3A_105 : i32 to vector<16xi32>
      %add3A_107 = arith.addi %iota3A, %add3A_106 : vector<16xi32>
      %scan3A_108 = arith.constant 0 : i32
      %scan3A_109 = arith.constant 8 : i32
      %scan3A_110 = arith.addi %scan3A_108, %scan3A_109 : i32
      %scan3A_111 = arith.constant 1 : i32
      scf.for %scan3A_208 = %scan3A_108 to %scan3A_110 step %scan3A_111  : i32 {
        %mul3A_209 = arith.constant 16 : i32
        %mul3A_210 = arith.muli %scan3A_208, %mul3A_209 : i32
        %add3A_211 = arith.constant 0 : i32
        %add3A_212 = arith.addi %add3A_211, %mul3A_210 : i32
        %shift_right_arithmetic3A = arith.constant 2 : i32
        %shift_right_arithmetic3A_213 = arith.shrsi %add3A_212, %shift_right_arithmetic3A : i32
        %add3A_214 = arith.constant 0 : i32
        %add3A_215 = vector.broadcast %add3A_214 : i32 to vector<16xi32>
        %add3A_216 = arith.addi %iota3A, %add3A_215 : vector<16xi32>
        %and3A = arith.constant 15 : i32
        %and3A_217 = vector.broadcast %and3A : i32 to vector<16xi32>
        %and3A_218 = arith.andi %add3A_216, %and3A_217 : vector<16xi32>
        %shift_left3A = arith.constant 5 : i32
        %shift_left3A_219 = vector.broadcast %shift_left3A : i32 to vector<16xi32>
        %shift_left3A_220 = arith.shli %and3A_218, %shift_left3A_219 : vector<16xi32>
        %add3A_221 = arith.addi %shift_left3A_220, %add3A_107 : vector<16xi32>
        %add3A_222 = vector.broadcast %add3A_212 : i32 to vector<16xi32>
        %add3A_223 = arith.addi %and3A_218, %add3A_222 : vector<16xi32>
        %gather3A = arith.constant 0 : i32
        %gather3A_224 = arith.constant 0 : i32
        %gather3A_225 = arith.constant 0 : i32
        %gather3A_226 = tpu.memref_slice %arg5[%gather3A, %gather3A_224, %gather3A_225] : memref<2x32x128xf32, #tpu.memory_space<vmem>> -> memref<1x32x128xf32, #tpu.memory_space<vmem>>
        %gather3A_227 = tpu.memref_squeeze %gather3A_226 : memref<1x32x128xf32, #tpu.memory_space<vmem>> -> memref<32x128xf32, #tpu.memory_space<vmem>>
        %gather3A_228 = tpu.vector_load_idx %gather3A_227[%add3A_107, %add3A_223] : memref<32x128xf32, #tpu.memory_space<vmem>>[vector<16xi32>, vector<16xi32>], vector<16xf32>,
        %shift_right_arithmetic3A_229 = arith.constant 7 : i32
        %shift_right_arithmetic3A_230 = vector.broadcast %shift_right_arithmetic3A_229 : i32 to vector<16xi32>
        %shift_right_arithmetic3A_231 = arith.shrsi %add3A_221, %shift_right_arithmetic3A_230 : vector<16xi32>
        %add3A_232 = vector.broadcast %shift_right_arithmetic3A_213 : i32 to vector<16xi32>
        %add3A_233 = arith.addi %shift_right_arithmetic3A_231, %add3A_232 : vector<16xi32>
        %and3A_234 = arith.constant 127 : i32
        %and3A_235 = vector.broadcast %and3A_234 : i32 to vector<16xi32>
        %and3A_236 = arith.andi %add3A_221, %and3A_235 : vector<16xi32>
        %add3A_237 = arith.constant 1 : i32
        %add3A_238 = vector.broadcast %add3A_237 : i32 to vector<16xi32>
        %add3A_239 = arith.addi %iota3A, %add3A_238 : vector<16xi32>
        %and3A_240 = arith.constant 15 : i32
        %and3A_241 = vector.broadcast %and3A_240 : i32 to vector<16xi32>
        %and3A_242 = arith.andi %add3A_239, %and3A_241 : vector<16xi32>
        %shift_left3A_243 = arith.constant 5 : i32
        %shift_left3A_244 = vector.broadcast %shift_left3A_243 : i32 to vector<16xi32>
        %shift_left3A_245 = arith.shli %and3A_242, %shift_left3A_244 : vector<16xi32>
        %add3A_246 = arith.addi %shift_left3A_245, %add3A_107 : vector<16xi32>
        %add3A_247 = vector.broadcast %add3A_212 : i32 to vector<16xi32>
        %add3A_248 = arith.addi %and3A_242, %add3A_247 : vector<16xi32>
        %gather3A_249 = arith.constant 0 : i32
        %gather3A_250 = arith.constant 0 : i32
        %gather3A_251 = arith.constant 0 : i32
        %gather3A_252 = tpu.memref_slice %arg5[%gather3A_249, %gather3A_250, %gather3A_251] : memref<2x32x128xf32, #tpu.memory_space<vmem>> -> memref<1x32x128xf32, #tpu.memory_space<vmem>>
        %gather3A_253 = tpu.memref_squeeze %gather3A_252 : memref<1x32x128xf32, #tpu.memory_space<vmem>> -> memref<32x128xf32, #tpu.memory_space<vmem>>
        %gather3A_254 = tpu.vector_load_idx %gather3A_253[%add3A_107, %add3A_248] : memref<32x128xf32, #tpu.memory_space<vmem>>[vector<16xi32>, vector<16xi32>], vector<16xf32>,
        %shift_right_arithmetic3A_255 = arith.constant 7 : i32
        %shift_right_arithmetic3A_256 = vector.broadcast %shift_right_arithmetic3A_255 : i32 to vector<16xi32>
        %shift_right_arithmetic3A_257 = arith.shrsi %add3A_246, %shift_right_arithmetic3A_256 : vector<16xi32>
        %add3A_258 = vector.broadcast %shift_right_arithmetic3A_213 : i32 to vector<16xi32>
        %add3A_259 = arith.addi %shift_right_arithmetic3A_257, %add3A_258 : vector<16xi32>
        %and3A_260 = arith.constant 127 : i32
        %and3A_261 = vector.broadcast %and3A_260 : i32 to vector<16xi32>
        %and3A_262 = arith.andi %add3A_246, %and3A_261 : vector<16xi32>
        %add3A_263 = arith.constant 2 : i32
        %add3A_264 = vector.broadcast %add3A_263 : i32 to vector<16xi32>
        %add3A_265 = arith.addi %iota3A, %add3A_264 : vector<16xi32>
        %and3A_266 = arith.constant 15 : i32
        %and3A_267 = vector.broadcast %and3A_266 : i32 to vector<16xi32>
        %and3A_268 = arith.andi %add3A_265, %and3A_267 : vector<16xi32>
        %shift_left3A_269 = arith.constant 5 : i32
        %shift_left3A_270 = vector.broadcast %shift_left3A_269 : i32 to vector<16xi32>
        %shift_left3A_271 = arith.shli %and3A_268, %shift_left3A_270 : vector<16xi32>
        %add3A_272 = arith.addi %shift_left3A_271, %add3A_107 : vector<16xi32>
        %add3A_273 = vector.broadcast %add3A_212 : i32 to vector<16xi32>
        %add3A_274 = arith.addi %and3A_268, %add3A_273 : vector<16xi32>
        %gather3A_275 = arith.constant 0 : i32
        %gather3A_276 = arith.constant 0 : i32
        %gather3A_277 = arith.constant 0 : i32
        %gather3A_278 = tpu.memref_slice %arg5[%gather3A_275, %gather3A_276, %gather3A_277] : memref<2x32x128xf32, #tpu.memory_space<vmem>> -> memref<1x32x128xf32, #tpu.memory_space<vmem>>
        %gather3A_279 = tpu.memref_squeeze %gather3A_278 : memref<1x32x128xf32, #tpu.memory_space<vmem>> -> memref<32x128xf32, #tpu.memory_space<vmem>>
        %gather3A_280 = tpu.vector_load_idx %gather3A_279[%add3A_107, %add3A_274] : memref<32x128xf32, #tpu.memory_space<vmem>>[vector<16xi32>, vector<16xi32>], vector<16xf32>,
        %shift_right_arithmetic3A_281 = arith.constant 7 : i32
        %shift_right_arithmetic3A_282 = vector.broadcast %shift_right_arithmetic3A_281 : i32 to vector<16xi32>
        %shift_right_arithmetic3A_283 = arith.shrsi %add3A_272, %shift_right_arithmetic3A_282 : vector<16xi32>
        %add3A_284 = vector.broadcast %shift_right_arithmetic3A_213 : i32 to vector<16xi32>
        %add3A_285 = arith.addi %shift_right_arithmetic3A_283, %add3A_284 : vector<16xi32>
        %and3A_286 = arith.constant 127 : i32
        %and3A_287 = vector.broadcast %and3A_286 : i32 to vector<16xi32>
        %and3A_288 = arith.andi %add3A_272, %and3A_287 : vector<16xi32>
        %add3A_289 = arith.constant 3 : i32
        %add3A_290 = vector.broadcast %add3A_289 : i32 to vector<16xi32>
        %add3A_291 = arith.addi %iota3A, %add3A_290 : vector<16xi32>
        %and3A_292 = arith.constant 15 : i32
        %and3A_293 = vector.broadcast %and3A_292 : i32 to vector<16xi32>
        %and3A_294 = arith.andi %add3A_291, %and3A_293 : vector<16xi32>
        %shift_left3A_295 = arith.constant 5 : i32
        %shift_left3A_296 = vector.broadcast %shift_left3A_295 : i32 to vector<16xi32>
        %shift_left3A_297 = arith.shli %and3A_294, %shift_left3A_296 : vector<16xi32>
        %add3A_298 = arith.addi %shift_left3A_297, %add3A_107 : vector<16xi32>
        %add3A_299 = vector.broadcast %add3A_212 : i32 to vector<16xi32>
        %add3A_300 = arith.addi %and3A_294, %add3A_299 : vector<16xi32>
        %gather3A_301 = arith.constant 0 : i32
        %gather3A_302 = arith.constant 0 : i32
        %gather3A_303 = arith.constant 0 : i32
        %gather3A_304 = tpu.memref_slice %arg5[%gather3A_301, %gather3A_302, %gather3A_303] : memref<2x32x128xf32, #tpu.memory_space<vmem>> -> memref<1x32x128xf32, #tpu.memory_space<vmem>>
        %gather3A_305 = tpu.memref_squeeze %gather3A_304 : memref<1x32x128xf32, #tpu.memory_space<vmem>> -> memref<32x128xf32, #tpu.memory_space<vmem>>
        %gather3A_306 = tpu.vector_load_idx %gather3A_305[%add3A_107, %add3A_300] : memref<32x128xf32, #tpu.memory_space<vmem>>[vector<16xi32>, vector<16xi32>], vector<16xf32>,
        %shift_right_arithmetic3A_307 = arith.constant 7 : i32
        %shift_right_arithmetic3A_308 = vector.broadcast %shift_right_arithmetic3A_307 : i32 to vector<16xi32>
        %shift_right_arithmetic3A_309 = arith.shrsi %add3A_298, %shift_right_arithmetic3A_308 : vector<16xi32>
        %add3A_310 = vector.broadcast %shift_right_arithmetic3A_213 : i32 to vector<16xi32>
        %add3A_311 = arith.addi %shift_right_arithmetic3A_309, %add3A_310 : vector<16xi32>
        %and3A_312 = arith.constant 127 : i32
        %and3A_313 = vector.broadcast %and3A_312 : i32 to vector<16xi32>
        %and3A_314 = arith.andi %add3A_298, %and3A_313 : vector<16xi32>
        %scatter3A = arith.constant 0 : i32
        %scatter3A_315 = arith.constant 0 : i32
        %scatter3A_316 = arith.constant 0 : i32
        %scatter3A_317 = tpu.memref_slice %arg6[%scatter3A, %scatter3A_315, %scatter3A_316] : memref<2x32x128xf32, #tpu.memory_space<vmem>> -> memref<1x32x128xf32, #tpu.memory_space<vmem>>
        %scatter3A_318 = tpu.memref_squeeze %scatter3A_317 : memref<1x32x128xf32, #tpu.memory_space<vmem>> -> memref<32x128xf32, #tpu.memory_space<vmem>>
        tpu.vector_store_idx %scatter3A_318[%add3A_233, %and3A_236], %gather3A_228 : memref<32x128xf32, #tpu.memory_space<vmem>>[vector<16xi32>, vector<16xi32>], vector<16xf32>,
        %scatter3A_319 = arith.constant 0 : i32
        %scatter3A_320 = arith.constant 0 : i32
        %scatter3A_321 = arith.constant 0 : i32
        %scatter3A_322 = tpu.memref_slice %arg6[%scatter3A_319, %scatter3A_320, %scatter3A_321] : memref<2x32x128xf32, #tpu.memory_space<vmem>> -> memref<1x32x128xf32, #tpu.memory_space<vmem>>
        %scatter3A_323 = tpu.memref_squeeze %scatter3A_322 : memref<1x32x128xf32, #tpu.memory_space<vmem>> -> memref<32x128xf32, #tpu.memory_space<vmem>>
        tpu.vector_store_idx %scatter3A_323[%add3A_259, %and3A_262], %gather3A_254 : memref<32x128xf32, #tpu.memory_space<vmem>>[vector<16xi32>, vector<16xi32>], vector<16xf32>,
        %scatter3A_324 = arith.constant 0 : i32
        %scatter3A_325 = arith.constant 0 : i32
        %scatter3A_326 = arith.constant 0 : i32
        %scatter3A_327 = tpu.memref_slice %arg6[%scatter3A_324, %scatter3A_325, %scatter3A_326] : memref<2x32x128xf32, #tpu.memory_space<vmem>> -> memref<1x32x128xf32, #tpu.memory_space<vmem>>
        %scatter3A_328 = tpu.memref_squeeze %scatter3A_327 : memref<1x32x128xf32, #tpu.memory_space<vmem>> -> memref<32x128xf32, #tpu.memory_space<vmem>>
        tpu.vector_store_idx %scatter3A_328[%add3A_285, %and3A_288], %gather3A_280 : memref<32x128xf32, #tpu.memory_space<vmem>>[vector<16xi32>, vector<16xi32>], vector<16xf32>,
        %scatter3A_329 = arith.constant 0 : i32
        %scatter3A_330 = arith.constant 0 : i32
        %scatter3A_331 = arith.constant 0 : i32
        %scatter3A_332 = tpu.memref_slice %arg6[%scatter3A_329, %scatter3A_330, %scatter3A_331] : memref<2x32x128xf32, #tpu.memory_space<vmem>> -> memref<1x32x128xf32, #tpu.memory_space<vmem>>
        %scatter3A_333 = tpu.memref_squeeze %scatter3A_332 : memref<1x32x128xf32, #tpu.memory_space<vmem>> -> memref<32x128xf32, #tpu.memory_space<vmem>>
        tpu.vector_store_idx %scatter3A_333[%add3A_311, %and3A_314], %gather3A_306 : memref<32x128xf32, #tpu.memory_space<vmem>>[vector<16xi32>, vector<16xi32>], vector<16xf32>,
        %add3A_334 = arith.constant 4 : i32
        %add3A_335 = vector.broadcast %add3A_334 : i32 to vector<16xi32>
        %add3A_336 = arith.addi %iota3A, %add3A_335 : vector<16xi32>
        %and3A_337 = arith.constant 15 : i32
        %and3A_338 = vector.broadcast %and3A_337 : i32 to vector<16xi32>
        %and3A_339 = arith.andi %add3A_336, %and3A_338 : vector<16xi32>
        %shift_left3A_340 = arith.constant 5 : i32
        %shift_left3A_341 = vector.broadcast %shift_left3A_340 : i32 to vector<16xi32>
        %shift_left3A_342 = arith.shli %and3A_339, %shift_left3A_341 : vector<16xi32>
        %add3A_343 = arith.addi %shift_left3A_342, %add3A_107 : vector<16xi32>
        %add3A_344 = vector.broadcast %add3A_212 : i32 to vector<16xi32>
        %add3A_345 = arith.addi %and3A_339, %add3A_344 : vector<16xi32>
        %gather3A_346 = arith.constant 0 : i32
        %gather3A_347 = arith.constant 0 : i32
        %gather3A_348 = arith.constant 0 : i32
        %gather3A_349 = tpu.memref_slice %arg5[%gather3A_346, %gather3A_347, %gather3A_348] : memref<2x32x128xf32, #tpu.memory_space<vmem>> -> memref<1x32x128xf32, #tpu.memory_space<vmem>>
        %gather3A_350 = tpu.memref_squeeze %gather3A_349 : memref<1x32x128xf32, #tpu.memory_space<vmem>> -> memref<32x128xf32, #tpu.memory_space<vmem>>
        %gather3A_351 = tpu.vector_load_idx %gather3A_350[%add3A_107, %add3A_345] : memref<32x128xf32, #tpu.memory_space<vmem>>[vector<16xi32>, vector<16xi32>], vector<16xf32>,
        %shift_right_arithmetic3A_352 = arith.constant 7 : i32
        %shift_right_arithmetic3A_353 = vector.broadcast %shift_right_arithmetic3A_352 : i32 to vector<16xi32>
        %shift_right_arithmetic3A_354 = arith.shrsi %add3A_343, %shift_right_arithmetic3A_353 : vector<16xi32>
        %add3A_355 = vector.broadcast %shift_right_arithmetic3A_213 : i32 to vector<16xi32>
        %add3A_356 = arith.addi %shift_right_arithmetic3A_354, %add3A_355 : vector<16xi32>
        %and3A_357 = arith.constant 127 : i32
        %and3A_358 = vector.broadcast %and3A_357 : i32 to vector<16xi32>
        %and3A_359 = arith.andi %add3A_343, %and3A_358 : vector<16xi32>
        %add3A_360 = arith.constant 5 : i32
        %add3A_361 = vector.broadcast %add3A_360 : i32 to vector<16xi32>
        %add3A_362 = arith.addi %iota3A, %add3A_361 : vector<16xi32>
        %and3A_363 = arith.constant 15 : i32
        %and3A_364 = vector.broadcast %and3A_363 : i32 to vector<16xi32>
        %and3A_365 = arith.andi %add3A_362, %and3A_364 : vector<16xi32>
        %shift_left3A_366 = arith.constant 5 : i32
        %shift_left3A_367 = vector.broadcast %shift_left3A_366 : i32 to vector<16xi32>
        %shift_left3A_368 = arith.shli %and3A_365, %shift_left3A_367 : vector<16xi32>
        %add3A_369 = arith.addi %shift_left3A_368, %add3A_107 : vector<16xi32>
        %add3A_370 = vector.broadcast %add3A_212 : i32 to vector<16xi32>
        %add3A_371 = arith.addi %and3A_365, %add3A_370 : vector<16xi32>
        %gather3A_372 = arith.constant 0 : i32
        %gather3A_373 = arith.constant 0 : i32
        %gather3A_374 = arith.constant 0 : i32
        %gather3A_375 = tpu.memref_slice %arg5[%gather3A_372, %gather3A_373, %gather3A_374] : memref<2x32x128xf32, #tpu.memory_space<vmem>> -> memref<1x32x128xf32, #tpu.memory_space<vmem>>
        %gather3A_376 = tpu.memref_squeeze %gather3A_375 : memref<1x32x128xf32, #tpu.memory_space<vmem>> -> memref<32x128xf32, #tpu.memory_space<vmem>>
        %gather3A_377 = tpu.vector_load_idx %gather3A_376[%add3A_107, %add3A_371] : memref<32x128xf32, #tpu.memory_space<vmem>>[vector<16xi32>, vector<16xi32>], vector<16xf32>,
        %shift_right_arithmetic3A_378 = arith.constant 7 : i32
        %shift_right_arithmetic3A_379 = vector.broadcast %shift_right_arithmetic3A_378 : i32 to vector<16xi32>
        %shift_right_arithmetic3A_380 = arith.shrsi %add3A_369, %shift_right_arithmetic3A_379 : vector<16xi32>
        %add3A_381 = vector.broadcast %shift_right_arithmetic3A_213 : i32 to vector<16xi32>
        %add3A_382 = arith.addi %shift_right_arithmetic3A_380, %add3A_381 : vector<16xi32>
        %and3A_383 = arith.constant 127 : i32
        %and3A_384 = vector.broadcast %and3A_383 : i32 to vector<16xi32>
        %and3A_385 = arith.andi %add3A_369, %and3A_384 : vector<16xi32>
        %add3A_386 = arith.constant 6 : i32
        %add3A_387 = vector.broadcast %add3A_386 : i32 to vector<16xi32>
        %add3A_388 = arith.addi %iota3A, %add3A_387 : vector<16xi32>
        %and3A_389 = arith.constant 15 : i32
        %and3A_390 = vector.broadcast %and3A_389 : i32 to vector<16xi32>
        %and3A_391 = arith.andi %add3A_388, %and3A_390 : vector<16xi32>
        %shift_left3A_392 = arith.constant 5 : i32
        %shift_left3A_393 = vector.broadcast %shift_left3A_392 : i32 to vector<16xi32>
        %shift_left3A_394 = arith.shli %and3A_391, %shift_left3A_393 : vector<16xi32>
        %add3A_395 = arith.addi %shift_left3A_394, %add3A_107 : vector<16xi32>
        %add3A_396 = vector.broadcast %add3A_212 : i32 to vector<16xi32>
        %add3A_397 = arith.addi %and3A_391, %add3A_396 : vector<16xi32>
        %gather3A_398 = arith.constant 0 : i32
        %gather3A_399 = arith.constant 0 : i32
        %gather3A_400 = arith.constant 0 : i32
        %gather3A_401 = tpu.memref_slice %arg5[%gather3A_398, %gather3A_399, %gather3A_400] : memref<2x32x128xf32, #tpu.memory_space<vmem>> -> memref<1x32x128xf32, #tpu.memory_space<vmem>>
        %gather3A_402 = tpu.memref_squeeze %gather3A_401 : memref<1x32x128xf32, #tpu.memory_space<vmem>> -> memref<32x128xf32, #tpu.memory_space<vmem>>
        %gather3A_403 = tpu.vector_load_idx %gather3A_402[%add3A_107, %add3A_397] : memref<32x128xf32, #tpu.memory_space<vmem>>[vector<16xi32>, vector<16xi32>], vector<16xf32>,
        %shift_right_arithmetic3A_404 = arith.constant 7 : i32
        %shift_right_arithmetic3A_405 = vector.broadcast %shift_right_arithmetic3A_404 : i32 to vector<16xi32>
        %shift_right_arithmetic3A_406 = arith.shrsi %add3A_395, %shift_right_arithmetic3A_405 : vector<16xi32>
        %add3A_407 = vector.broadcast %shift_right_arithmetic3A_213 : i32 to vector<16xi32>
        %add3A_408 = arith.addi %shift_right_arithmetic3A_406, %add3A_407 : vector<16xi32>
        %and3A_409 = arith.constant 127 : i32
        %and3A_410 = vector.broadcast %and3A_409 : i32 to vector<16xi32>
        %and3A_411 = arith.andi %add3A_395, %and3A_410 : vector<16xi32>
        %add3A_412 = arith.constant 7 : i32
        %add3A_413 = vector.broadcast %add3A_412 : i32 to vector<16xi32>
        %add3A_414 = arith.addi %iota3A, %add3A_413 : vector<16xi32>
        %and3A_415 = arith.constant 15 : i32
        %and3A_416 = vector.broadcast %and3A_415 : i32 to vector<16xi32>
        %and3A_417 = arith.andi %add3A_414, %and3A_416 : vector<16xi32>
        %shift_left3A_418 = arith.constant 5 : i32
        %shift_left3A_419 = vector.broadcast %shift_left3A_418 : i32 to vector<16xi32>
        %shift_left3A_420 = arith.shli %and3A_417, %shift_left3A_419 : vector<16xi32>
        %add3A_421 = arith.addi %shift_left3A_420, %add3A_107 : vector<16xi32>
        %add3A_422 = vector.broadcast %add3A_212 : i32 to vector<16xi32>
        %add3A_423 = arith.addi %and3A_417, %add3A_422 : vector<16xi32>
        %gather3A_424 = arith.constant 0 : i32
        %gather3A_425 = arith.constant 0 : i32
        %gather3A_426 = arith.constant 0 : i32
        %gather3A_427 = tpu.memref_slice %arg5[%gather3A_424, %gather3A_425, %gather3A_426] : memref<2x32x128xf32, #tpu.memory_space<vmem>> -> memref<1x32x128xf32, #tpu.memory_space<vmem>>
        %gather3A_428 = tpu.memref_squeeze %gather3A_427 : memref<1x32x128xf32, #tpu.memory_space<vmem>> -> memref<32x128xf32, #tpu.memory_space<vmem>>
        %gather3A_429 = tpu.vector_load_idx %gather3A_428[%add3A_107, %add3A_423] : memref<32x128xf32, #tpu.memory_space<vmem>>[vector<16xi32>, vector<16xi32>], vector<16xf32>,
        %shift_right_arithmetic3A_430 = arith.constant 7 : i32
        %shift_right_arithmetic3A_431 = vector.broadcast %shift_right_arithmetic3A_430 : i32 to vector<16xi32>
        %shift_right_arithmetic3A_432 = arith.shrsi %add3A_421, %shift_right_arithmetic3A_431 : vector<16xi32>
        %add3A_433 = vector.broadcast %shift_right_arithmetic3A_213 : i32 to vector<16xi32>
        %add3A_434 = arith.addi %shift_right_arithmetic3A_432, %add3A_433 : vector<16xi32>
        %and3A_435 = arith.constant 127 : i32
        %and3A_436 = vector.broadcast %and3A_435 : i32 to vector<16xi32>
        %and3A_437 = arith.andi %add3A_421, %and3A_436 : vector<16xi32>
        %scatter3A_438 = arith.constant 0 : i32
        %scatter3A_439 = arith.constant 0 : i32
        %scatter3A_440 = arith.constant 0 : i32
        %scatter3A_441 = tpu.memref_slice %arg6[%scatter3A_438, %scatter3A_439, %scatter3A_440] : memref<2x32x128xf32, #tpu.memory_space<vmem>> -> memref<1x32x128xf32, #tpu.memory_space<vmem>>
        %scatter3A_442 = tpu.memref_squeeze %scatter3A_441 : memref<1x32x128xf32, #tpu.memory_space<vmem>> -> memref<32x128xf32, #tpu.memory_space<vmem>>
        tpu.vector_store_idx %scatter3A_442[%add3A_356, %and3A_359], %gather3A_351 : memref<32x128xf32, #tpu.memory_space<vmem>>[vector<16xi32>, vector<16xi32>], vector<16xf32>,
        %scatter3A_443 = arith.constant 0 : i32
        %scatter3A_444 = arith.constant 0 : i32
        %scatter3A_445 = arith.constant 0 : i32
        %scatter3A_446 = tpu.memref_slice %arg6[%scatter3A_443, %scatter3A_444, %scatter3A_445] : memref<2x32x128xf32, #tpu.memory_space<vmem>> -> memref<1x32x128xf32, #tpu.memory_space<vmem>>
        %scatter3A_447 = tpu.memref_squeeze %scatter3A_446 : memref<1x32x128xf32, #tpu.memory_space<vmem>> -> memref<32x128xf32, #tpu.memory_space<vmem>>
        tpu.vector_store_idx %scatter3A_447[%add3A_382, %and3A_385], %gather3A_377 : memref<32x128xf32, #tpu.memory_space<vmem>>[vector<16xi32>, vector<16xi32>], vector<16xf32>,
        %scatter3A_448 = arith.constant 0 : i32
        %scatter3A_449 = arith.constant 0 : i32
        %scatter3A_450 = arith.constant 0 : i32
        %scatter3A_451 = tpu.memref_slice %arg6[%scatter3A_448, %scatter3A_449, %scatter3A_450] : memref<2x32x128xf32, #tpu.memory_space<vmem>> -> memref<1x32x128xf32, #tpu.memory_space<vmem>>
        %scatter3A_452 = tpu.memref_squeeze %scatter3A_451 : memref<1x32x128xf32, #tpu.memory_space<vmem>> -> memref<32x128xf32, #tpu.memory_space<vmem>>
        tpu.vector_store_idx %scatter3A_452[%add3A_408, %and3A_411], %gather3A_403 : memref<32x128xf32, #tpu.memory_space<vmem>>[vector<16xi32>, vector<16xi32>], vector<16xf32>,
        %scatter3A_453 = arith.constant 0 : i32
        %scatter3A_454 = arith.constant 0 : i32
        %scatter3A_455 = arith.constant 0 : i32
        %scatter3A_456 = tpu.memref_slice %arg6[%scatter3A_453, %scatter3A_454, %scatter3A_455] : memref<2x32x128xf32, #tpu.memory_space<vmem>> -> memref<1x32x128xf32, #tpu.memory_space<vmem>>
        %scatter3A_457 = tpu.memref_squeeze %scatter3A_456 : memref<1x32x128xf32, #tpu.memory_space<vmem>> -> memref<32x128xf32, #tpu.memory_space<vmem>>
        tpu.vector_store_idx %scatter3A_457[%add3A_434, %and3A_437], %gather3A_429 : memref<32x128xf32, #tpu.memory_space<vmem>>[vector<16xi32>, vector<16xi32>], vector<16xf32>,
        %add3A_458 = arith.constant 8 : i32
        %add3A_459 = vector.broadcast %add3A_458 : i32 to vector<16xi32>
        %add3A_460 = arith.addi %iota3A, %add3A_459 : vector<16xi32>
        %and3A_461 = arith.constant 15 : i32
        %and3A_462 = vector.broadcast %and3A_461 : i32 to vector<16xi32>
        %and3A_463 = arith.andi %add3A_460, %and3A_462 : vector<16xi32>
        %shift_left3A_464 = arith.constant 5 : i32
        %shift_left3A_465 = vector.broadcast %shift_left3A_464 : i32 to vector<16xi32>
        %shift_left3A_466 = arith.shli %and3A_463, %shift_left3A_465 : vector<16xi32>
        %add3A_467 = arith.addi %shift_left3A_466, %add3A_107 : vector<16xi32>
        %add3A_468 = vector.broadcast %add3A_212 : i32 to vector<16xi32>
        %add3A_469 = arith.addi %and3A_463, %add3A_468 : vector<16xi32>
        %gather3A_470 = arith.constant 0 : i32
        %gather3A_471 = arith.constant 0 : i32
        %gather3A_472 = arith.constant 0 : i32
        %gather3A_473 = tpu.memref_slice %arg5[%gather3A_470, %gather3A_471, %gather3A_472] : memref<2x32x128xf32, #tpu.memory_space<vmem>> -> memref<1x32x128xf32, #tpu.memory_space<vmem>>
        %gather3A_474 = tpu.memref_squeeze %gather3A_473 : memref<1x32x128xf32, #tpu.memory_space<vmem>> -> memref<32x128xf32, #tpu.memory_space<vmem>>
        %gather3A_475 = tpu.vector_load_idx %gather3A_474[%add3A_107, %add3A_469] : memref<32x128xf32, #tpu.memory_space<vmem>>[vector<16xi32>, vector<16xi32>], vector<16xf32>,
        %shift_right_arithmetic3A_476 = arith.constant 7 : i32
        %shift_right_arithmetic3A_477 = vector.broadcast %shift_right_arithmetic3A_476 : i32 to vector<16xi32>
        %shift_right_arithmetic3A_478 = arith.shrsi %add3A_467, %shift_right_arithmetic3A_477 : vector<16xi32>
        %add3A_479 = vector.broadcast %shift_right_arithmetic3A_213 : i32 to vector<16xi32>
        %add3A_480 = arith.addi %shift_right_arithmetic3A_478, %add3A_479 : vector<16xi32>
        %and3A_481 = arith.constant 127 : i32
        %and3A_482 = vector.broadcast %and3A_481 : i32 to vector<16xi32>
        %and3A_483 = arith.andi %add3A_467, %and3A_482 : vector<16xi32>
        %add3A_484 = arith.constant 9 : i32
        %add3A_485 = vector.broadcast %add3A_484 : i32 to vector<16xi32>
        %add3A_486 = arith.addi %iota3A, %add3A_485 : vector<16xi32>
        %and3A_487 = arith.constant 15 : i32
        %and3A_488 = vector.broadcast %and3A_487 : i32 to vector<16xi32>
        %and3A_489 = arith.andi %add3A_486, %and3A_488 : vector<16xi32>
        %shift_left3A_490 = arith.constant 5 : i32
        %shift_left3A_491 = vector.broadcast %shift_left3A_490 : i32 to vector<16xi32>
        %shift_left3A_492 = arith.shli %and3A_489, %shift_left3A_491 : vector<16xi32>
        %add3A_493 = arith.addi %shift_left3A_492, %add3A_107 : vector<16xi32>
        %add3A_494 = vector.broadcast %add3A_212 : i32 to vector<16xi32>
        %add3A_495 = arith.addi %and3A_489, %add3A_494 : vector<16xi32>
        %gather3A_496 = arith.constant 0 : i32
        %gather3A_497 = arith.constant 0 : i32
        %gather3A_498 = arith.constant 0 : i32
        %gather3A_499 = tpu.memref_slice %arg5[%gather3A_496, %gather3A_497, %gather3A_498] : memref<2x32x128xf32, #tpu.memory_space<vmem>> -> memref<1x32x128xf32, #tpu.memory_space<vmem>>
        %gather3A_500 = tpu.memref_squeeze %gather3A_499 : memref<1x32x128xf32, #tpu.memory_space<vmem>> -> memref<32x128xf32, #tpu.memory_space<vmem>>
        %gather3A_501 = tpu.vector_load_idx %gather3A_500[%add3A_107, %add3A_495] : memref<32x128xf32, #tpu.memory_space<vmem>>[vector<16xi32>, vector<16xi32>], vector<16xf32>,
        %shift_right_arithmetic3A_502 = arith.constant 7 : i32
        %shift_right_arithmetic3A_503 = vector.broadcast %shift_right_arithmetic3A_502 : i32 to vector<16xi32>
        %shift_right_arithmetic3A_504 = arith.shrsi %add3A_493, %shift_right_arithmetic3A_503 : vector<16xi32>
        %add3A_505 = vector.broadcast %shift_right_arithmetic3A_213 : i32 to vector<16xi32>
        %add3A_506 = arith.addi %shift_right_arithmetic3A_504, %add3A_505 : vector<16xi32>
        %and3A_507 = arith.constant 127 : i32
        %and3A_508 = vector.broadcast %and3A_507 : i32 to vector<16xi32>
        %and3A_509 = arith.andi %add3A_493, %and3A_508 : vector<16xi32>
        %add3A_510 = arith.constant 10 : i32
        %add3A_511 = vector.broadcast %add3A_510 : i32 to vector<16xi32>
        %add3A_512 = arith.addi %iota3A, %add3A_511 : vector<16xi32>
        %and3A_513 = arith.constant 15 : i32
        %and3A_514 = vector.broadcast %and3A_513 : i32 to vector<16xi32>
        %and3A_515 = arith.andi %add3A_512, %and3A_514 : vector<16xi32>
        %shift_left3A_516 = arith.constant 5 : i32
        %shift_left3A_517 = vector.broadcast %shift_left3A_516 : i32 to vector<16xi32>
        %shift_left3A_518 = arith.shli %and3A_515, %shift_left3A_517 : vector<16xi32>
        %add3A_519 = arith.addi %shift_left3A_518, %add3A_107 : vector<16xi32>
        %add3A_520 = vector.broadcast %add3A_212 : i32 to vector<16xi32>
        %add3A_521 = arith.addi %and3A_515, %add3A_520 : vector<16xi32>
        %gather3A_522 = arith.constant 0 : i32
        %gather3A_523 = arith.constant 0 : i32
        %gather3A_524 = arith.constant 0 : i32
        %gather3A_525 = tpu.memref_slice %arg5[%gather3A_522, %gather3A_523, %gather3A_524] : memref<2x32x128xf32, #tpu.memory_space<vmem>> -> memref<1x32x128xf32, #tpu.memory_space<vmem>>
        %gather3A_526 = tpu.memref_squeeze %gather3A_525 : memref<1x32x128xf32, #tpu.memory_space<vmem>> -> memref<32x128xf32, #tpu.memory_space<vmem>>
        %gather3A_527 = tpu.vector_load_idx %gather3A_526[%add3A_107, %add3A_521] : memref<32x128xf32, #tpu.memory_space<vmem>>[vector<16xi32>, vector<16xi32>], vector<16xf32>,
        %shift_right_arithmetic3A_528 = arith.constant 7 : i32
        %shift_right_arithmetic3A_529 = vector.broadcast %shift_right_arithmetic3A_528 : i32 to vector<16xi32>
        %shift_right_arithmetic3A_530 = arith.shrsi %add3A_519, %shift_right_arithmetic3A_529 : vector<16xi32>
        %add3A_531 = vector.broadcast %shift_right_arithmetic3A_213 : i32 to vector<16xi32>
        %add3A_532 = arith.addi %shift_right_arithmetic3A_530, %add3A_531 : vector<16xi32>
        %and3A_533 = arith.constant 127 : i32
        %and3A_534 = vector.broadcast %and3A_533 : i32 to vector<16xi32>
        %and3A_535 = arith.andi %add3A_519, %and3A_534 : vector<16xi32>
        %add3A_536 = arith.constant 11 : i32
        %add3A_537 = vector.broadcast %add3A_536 : i32 to vector<16xi32>
        %add3A_538 = arith.addi %iota3A, %add3A_537 : vector<16xi32>
        %and3A_539 = arith.constant 15 : i32
        %and3A_540 = vector.broadcast %and3A_539 : i32 to vector<16xi32>
        %and3A_541 = arith.andi %add3A_538, %and3A_540 : vector<16xi32>
        %shift_left3A_542 = arith.constant 5 : i32
        %shift_left3A_543 = vector.broadcast %shift_left3A_542 : i32 to vector<16xi32>
        %shift_left3A_544 = arith.shli %and3A_541, %shift_left3A_543 : vector<16xi32>
        %add3A_545 = arith.addi %shift_left3A_544, %add3A_107 : vector<16xi32>
        %add3A_546 = vector.broadcast %add3A_212 : i32 to vector<16xi32>
        %add3A_547 = arith.addi %and3A_541, %add3A_546 : vector<16xi32>
        %gather3A_548 = arith.constant 0 : i32
        %gather3A_549 = arith.constant 0 : i32
        %gather3A_550 = arith.constant 0 : i32
        %gather3A_551 = tpu.memref_slice %arg5[%gather3A_548, %gather3A_549, %gather3A_550] : memref<2x32x128xf32, #tpu.memory_space<vmem>> -> memref<1x32x128xf32, #tpu.memory_space<vmem>>
        %gather3A_552 = tpu.memref_squeeze %gather3A_551 : memref<1x32x128xf32, #tpu.memory_space<vmem>> -> memref<32x128xf32, #tpu.memory_space<vmem>>
        %gather3A_553 = tpu.vector_load_idx %gather3A_552[%add3A_107, %add3A_547] : memref<32x128xf32, #tpu.memory_space<vmem>>[vector<16xi32>, vector<16xi32>], vector<16xf32>,
        %shift_right_arithmetic3A_554 = arith.constant 7 : i32
        %shift_right_arithmetic3A_555 = vector.broadcast %shift_right_arithmetic3A_554 : i32 to vector<16xi32>
        %shift_right_arithmetic3A_556 = arith.shrsi %add3A_545, %shift_right_arithmetic3A_555 : vector<16xi32>
        %add3A_557 = vector.broadcast %shift_right_arithmetic3A_213 : i32 to vector<16xi32>
        %add3A_558 = arith.addi %shift_right_arithmetic3A_556, %add3A_557 : vector<16xi32>
        %and3A_559 = arith.constant 127 : i32
        %and3A_560 = vector.broadcast %and3A_559 : i32 to vector<16xi32>
        %and3A_561 = arith.andi %add3A_545, %and3A_560 : vector<16xi32>
        %scatter3A_562 = arith.constant 0 : i32
        %scatter3A_563 = arith.constant 0 : i32
        %scatter3A_564 = arith.constant 0 : i32
        %scatter3A_565 = tpu.memref_slice %arg6[%scatter3A_562, %scatter3A_563, %scatter3A_564] : memref<2x32x128xf32, #tpu.memory_space<vmem>> -> memref<1x32x128xf32, #tpu.memory_space<vmem>>
        %scatter3A_566 = tpu.memref_squeeze %scatter3A_565 : memref<1x32x128xf32, #tpu.memory_space<vmem>> -> memref<32x128xf32, #tpu.memory_space<vmem>>
        tpu.vector_store_idx %scatter3A_566[%add3A_480, %and3A_483], %gather3A_475 : memref<32x128xf32, #tpu.memory_space<vmem>>[vector<16xi32>, vector<16xi32>], vector<16xf32>,
        %scatter3A_567 = arith.constant 0 : i32
        %scatter3A_568 = arith.constant 0 : i32
        %scatter3A_569 = arith.constant 0 : i32
        %scatter3A_570 = tpu.memref_slice %arg6[%scatter3A_567, %scatter3A_568, %scatter3A_569] : memref<2x32x128xf32, #tpu.memory_space<vmem>> -> memref<1x32x128xf32, #tpu.memory_space<vmem>>
        %scatter3A_571 = tpu.memref_squeeze %scatter3A_570 : memref<1x32x128xf32, #tpu.memory_space<vmem>> -> memref<32x128xf32, #tpu.memory_space<vmem>>
        tpu.vector_store_idx %scatter3A_571[%add3A_506, %and3A_509], %gather3A_501 : memref<32x128xf32, #tpu.memory_space<vmem>>[vector<16xi32>, vector<16xi32>], vector<16xf32>,
        %scatter3A_572 = arith.constant 0 : i32
        %scatter3A_573 = arith.constant 0 : i32
        %scatter3A_574 = arith.constant 0 : i32
        %scatter3A_575 = tpu.memref_slice %arg6[%scatter3A_572, %scatter3A_573, %scatter3A_574] : memref<2x32x128xf32, #tpu.memory_space<vmem>> -> memref<1x32x128xf32, #tpu.memory_space<vmem>>
        %scatter3A_576 = tpu.memref_squeeze %scatter3A_575 : memref<1x32x128xf32, #tpu.memory_space<vmem>> -> memref<32x128xf32, #tpu.memory_space<vmem>>
        tpu.vector_store_idx %scatter3A_576[%add3A_532, %and3A_535], %gather3A_527 : memref<32x128xf32, #tpu.memory_space<vmem>>[vector<16xi32>, vector<16xi32>], vector<16xf32>,
        %scatter3A_577 = arith.constant 0 : i32
        %scatter3A_578 = arith.constant 0 : i32
        %scatter3A_579 = arith.constant 0 : i32
        %scatter3A_580 = tpu.memref_slice %arg6[%scatter3A_577, %scatter3A_578, %scatter3A_579] : memref<2x32x128xf32, #tpu.memory_space<vmem>> -> memref<1x32x128xf32, #tpu.memory_space<vmem>>
        %scatter3A_581 = tpu.memref_squeeze %scatter3A_580 : memref<1x32x128xf32, #tpu.memory_space<vmem>> -> memref<32x128xf32, #tpu.memory_space<vmem>>
        tpu.vector_store_idx %scatter3A_581[%add3A_558, %and3A_561], %gather3A_553 : memref<32x128xf32, #tpu.memory_space<vmem>>[vector<16xi32>, vector<16xi32>], vector<16xf32>,
        %add3A_582 = arith.constant 12 : i32
        %add3A_583 = vector.broadcast %add3A_582 : i32 to vector<16xi32>
        %add3A_584 = arith.addi %iota3A, %add3A_583 : vector<16xi32>
        %and3A_585 = arith.constant 15 : i32
        %and3A_586 = vector.broadcast %and3A_585 : i32 to vector<16xi32>
        %and3A_587 = arith.andi %add3A_584, %and3A_586 : vector<16xi32>
        %shift_left3A_588 = arith.constant 5 : i32
        %shift_left3A_589 = vector.broadcast %shift_left3A_588 : i32 to vector<16xi32>
        %shift_left3A_590 = arith.shli %and3A_587, %shift_left3A_589 : vector<16xi32>
        %add3A_591 = arith.addi %shift_left3A_590, %add3A_107 : vector<16xi32>
        %add3A_592 = vector.broadcast %add3A_212 : i32 to vector<16xi32>
        %add3A_593 = arith.addi %and3A_587, %add3A_592 : vector<16xi32>
        %gather3A_594 = arith.constant 0 : i32
        %gather3A_595 = arith.constant 0 : i32
        %gather3A_596 = arith.constant 0 : i32
        %gather3A_597 = tpu.memref_slice %arg5[%gather3A_594, %gather3A_595, %gather3A_596] : memref<2x32x128xf32, #tpu.memory_space<vmem>> -> memref<1x32x128xf32, #tpu.memory_space<vmem>>
        %gather3A_598 = tpu.memref_squeeze %gather3A_597 : memref<1x32x128xf32, #tpu.memory_space<vmem>> -> memref<32x128xf32, #tpu.memory_space<vmem>>
        %gather3A_599 = tpu.vector_load_idx %gather3A_598[%add3A_107, %add3A_593] : memref<32x128xf32, #tpu.memory_space<vmem>>[vector<16xi32>, vector<16xi32>], vector<16xf32>,
        %shift_right_arithmetic3A_600 = arith.constant 7 : i32
        %shift_right_arithmetic3A_601 = vector.broadcast %shift_right_arithmetic3A_600 : i32 to vector<16xi32>
        %shift_right_arithmetic3A_602 = arith.shrsi %add3A_591, %shift_right_arithmetic3A_601 : vector<16xi32>
        %add3A_603 = vector.broadcast %shift_right_arithmetic3A_213 : i32 to vector<16xi32>
        %add3A_604 = arith.addi %shift_right_arithmetic3A_602, %add3A_603 : vector<16xi32>
        %and3A_605 = arith.constant 127 : i32
        %and3A_606 = vector.broadcast %and3A_605 : i32 to vector<16xi32>
        %and3A_607 = arith.andi %add3A_591, %and3A_606 : vector<16xi32>
        %add3A_608 = arith.constant 13 : i32
        %add3A_609 = vector.broadcast %add3A_608 : i32 to vector<16xi32>
        %add3A_610 = arith.addi %iota3A, %add3A_609 : vector<16xi32>
        %and3A_611 = arith.constant 15 : i32
        %and3A_612 = vector.broadcast %and3A_611 : i32 to vector<16xi32>
        %and3A_613 = arith.andi %add3A_610, %and3A_612 : vector<16xi32>
        %shift_left3A_614 = arith.constant 5 : i32
        %shift_left3A_615 = vector.broadcast %shift_left3A_614 : i32 to vector<16xi32>
        %shift_left3A_616 = arith.shli %and3A_613, %shift_left3A_615 : vector<16xi32>
        %add3A_617 = arith.addi %shift_left3A_616, %add3A_107 : vector<16xi32>
        %add3A_618 = vector.broadcast %add3A_212 : i32 to vector<16xi32>
        %add3A_619 = arith.addi %and3A_613, %add3A_618 : vector<16xi32>
        %gather3A_620 = arith.constant 0 : i32
        %gather3A_621 = arith.constant 0 : i32
        %gather3A_622 = arith.constant 0 : i32
        %gather3A_623 = tpu.memref_slice %arg5[%gather3A_620, %gather3A_621, %gather3A_622] : memref<2x32x128xf32, #tpu.memory_space<vmem>> -> memref<1x32x128xf32, #tpu.memory_space<vmem>>
        %gather3A_624 = tpu.memref_squeeze %gather3A_623 : memref<1x32x128xf32, #tpu.memory_space<vmem>> -> memref<32x128xf32, #tpu.memory_space<vmem>>
        %gather3A_625 = tpu.vector_load_idx %gather3A_624[%add3A_107, %add3A_619] : memref<32x128xf32, #tpu.memory_space<vmem>>[vector<16xi32>, vector<16xi32>], vector<16xf32>,
        %shift_right_arithmetic3A_626 = arith.constant 7 : i32
        %shift_right_arithmetic3A_627 = vector.broadcast %shift_right_arithmetic3A_626 : i32 to vector<16xi32>
        %shift_right_arithmetic3A_628 = arith.shrsi %add3A_617, %shift_right_arithmetic3A_627 : vector<16xi32>
        %add3A_629 = vector.broadcast %shift_right_arithmetic3A_213 : i32 to vector<16xi32>
        %add3A_630 = arith.addi %shift_right_arithmetic3A_628, %add3A_629 : vector<16xi32>
        %and3A_631 = arith.constant 127 : i32
        %and3A_632 = vector.broadcast %and3A_631 : i32 to vector<16xi32>
        %and3A_633 = arith.andi %add3A_617, %and3A_632 : vector<16xi32>
        %add3A_634 = arith.constant 14 : i32
        %add3A_635 = vector.broadcast %add3A_634 : i32 to vector<16xi32>
        %add3A_636 = arith.addi %iota3A, %add3A_635 : vector<16xi32>
        %and3A_637 = arith.constant 15 : i32
        %and3A_638 = vector.broadcast %and3A_637 : i32 to vector<16xi32>
        %and3A_639 = arith.andi %add3A_636, %and3A_638 : vector<16xi32>
        %shift_left3A_640 = arith.constant 5 : i32
        %shift_left3A_641 = vector.broadcast %shift_left3A_640 : i32 to vector<16xi32>
        %shift_left3A_642 = arith.shli %and3A_639, %shift_left3A_641 : vector<16xi32>
        %add3A_643 = arith.addi %shift_left3A_642, %add3A_107 : vector<16xi32>
        %add3A_644 = vector.broadcast %add3A_212 : i32 to vector<16xi32>
        %add3A_645 = arith.addi %and3A_639, %add3A_644 : vector<16xi32>
        %gather3A_646 = arith.constant 0 : i32
        %gather3A_647 = arith.constant 0 : i32
        %gather3A_648 = arith.constant 0 : i32
        %gather3A_649 = tpu.memref_slice %arg5[%gather3A_646, %gather3A_647, %gather3A_648] : memref<2x32x128xf32, #tpu.memory_space<vmem>> -> memref<1x32x128xf32, #tpu.memory_space<vmem>>
        %gather3A_650 = tpu.memref_squeeze %gather3A_649 : memref<1x32x128xf32, #tpu.memory_space<vmem>> -> memref<32x128xf32, #tpu.memory_space<vmem>>
        %gather3A_651 = tpu.vector_load_idx %gather3A_650[%add3A_107, %add3A_645] : memref<32x128xf32, #tpu.memory_space<vmem>>[vector<16xi32>, vector<16xi32>], vector<16xf32>,
        %shift_right_arithmetic3A_652 = arith.constant 7 : i32
        %shift_right_arithmetic3A_653 = vector.broadcast %shift_right_arithmetic3A_652 : i32 to vector<16xi32>
        %shift_right_arithmetic3A_654 = arith.shrsi %add3A_643, %shift_right_arithmetic3A_653 : vector<16xi32>
        %add3A_655 = vector.broadcast %shift_right_arithmetic3A_213 : i32 to vector<16xi32>
        %add3A_656 = arith.addi %shift_right_arithmetic3A_654, %add3A_655 : vector<16xi32>
        %and3A_657 = arith.constant 127 : i32
        %and3A_658 = vector.broadcast %and3A_657 : i32 to vector<16xi32>
        %and3A_659 = arith.andi %add3A_643, %and3A_658 : vector<16xi32>
        %add3A_660 = arith.constant 15 : i32
        %add3A_661 = vector.broadcast %add3A_660 : i32 to vector<16xi32>
        %add3A_662 = arith.addi %iota3A, %add3A_661 : vector<16xi32>
        %and3A_663 = arith.constant 15 : i32
        %and3A_664 = vector.broadcast %and3A_663 : i32 to vector<16xi32>
        %and3A_665 = arith.andi %add3A_662, %and3A_664 : vector<16xi32>
        %shift_left3A_666 = arith.constant 5 : i32
        %shift_left3A_667 = vector.broadcast %shift_left3A_666 : i32 to vector<16xi32>
        %shift_left3A_668 = arith.shli %and3A_665, %shift_left3A_667 : vector<16xi32>
        %add3A_669 = arith.addi %shift_left3A_668, %add3A_107 : vector<16xi32>
        %add3A_670 = vector.broadcast %add3A_212 : i32 to vector<16xi32>
        %add3A_671 = arith.addi %and3A_665, %add3A_670 : vector<16xi32>
        %gather3A_672 = arith.constant 0 : i32
        %gather3A_673 = arith.constant 0 : i32
        %gather3A_674 = arith.constant 0 : i32
        %gather3A_675 = tpu.memref_slice %arg5[%gather3A_672, %gather3A_673, %gather3A_674] : memref<2x32x128xf32, #tpu.memory_space<vmem>> -> memref<1x32x128xf32, #tpu.memory_space<vmem>>
        %gather3A_676 = tpu.memref_squeeze %gather3A_675 : memref<1x32x128xf32, #tpu.memory_space<vmem>> -> memref<32x128xf32, #tpu.memory_space<vmem>>
        %gather3A_677 = tpu.vector_load_idx %gather3A_676[%add3A_107, %add3A_671] : memref<32x128xf32, #tpu.memory_space<vmem>>[vector<16xi32>, vector<16xi32>], vector<16xf32>,
        %shift_right_arithmetic3A_678 = arith.constant 7 : i32
        %shift_right_arithmetic3A_679 = vector.broadcast %shift_right_arithmetic3A_678 : i32 to vector<16xi32>
        %shift_right_arithmetic3A_680 = arith.shrsi %add3A_669, %shift_right_arithmetic3A_679 : vector<16xi32>
        %add3A_681 = vector.broadcast %shift_right_arithmetic3A_213 : i32 to vector<16xi32>
        %add3A_682 = arith.addi %shift_right_arithmetic3A_680, %add3A_681 : vector<16xi32>
        %and3A_683 = arith.constant 127 : i32
        %and3A_684 = vector.broadcast %and3A_683 : i32 to vector<16xi32>
        %and3A_685 = arith.andi %add3A_669, %and3A_684 : vector<16xi32>
        %scatter3A_686 = arith.constant 0 : i32
        %scatter3A_687 = arith.constant 0 : i32
        %scatter3A_688 = arith.constant 0 : i32
        %scatter3A_689 = tpu.memref_slice %arg6[%scatter3A_686, %scatter3A_687, %scatter3A_688] : memref<2x32x128xf32, #tpu.memory_space<vmem>> -> memref<1x32x128xf32, #tpu.memory_space<vmem>>
        %scatter3A_690 = tpu.memref_squeeze %scatter3A_689 : memref<1x32x128xf32, #tpu.memory_space<vmem>> -> memref<32x128xf32, #tpu.memory_space<vmem>>
        tpu.vector_store_idx %scatter3A_690[%add3A_604, %and3A_607], %gather3A_599 : memref<32x128xf32, #tpu.memory_space<vmem>>[vector<16xi32>, vector<16xi32>], vector<16xf32>,
        %scatter3A_691 = arith.constant 0 : i32
        %scatter3A_692 = arith.constant 0 : i32
        %scatter3A_693 = arith.constant 0 : i32
        %scatter3A_694 = tpu.memref_slice %arg6[%scatter3A_691, %scatter3A_692, %scatter3A_693] : memref<2x32x128xf32, #tpu.memory_space<vmem>> -> memref<1x32x128xf32, #tpu.memory_space<vmem>>
        %scatter3A_695 = tpu.memref_squeeze %scatter3A_694 : memref<1x32x128xf32, #tpu.memory_space<vmem>> -> memref<32x128xf32, #tpu.memory_space<vmem>>
        tpu.vector_store_idx %scatter3A_695[%add3A_630, %and3A_633], %gather3A_625 : memref<32x128xf32, #tpu.memory_space<vmem>>[vector<16xi32>, vector<16xi32>], vector<16xf32>,
        %scatter3A_696 = arith.constant 0 : i32
        %scatter3A_697 = arith.constant 0 : i32
        %scatter3A_698 = arith.constant 0 : i32
        %scatter3A_699 = tpu.memref_slice %arg6[%scatter3A_696, %scatter3A_697, %scatter3A_698] : memref<2x32x128xf32, #tpu.memory_space<vmem>> -> memref<1x32x128xf32, #tpu.memory_space<vmem>>
        %scatter3A_700 = tpu.memref_squeeze %scatter3A_699 : memref<1x32x128xf32, #tpu.memory_space<vmem>> -> memref<32x128xf32, #tpu.memory_space<vmem>>
        tpu.vector_store_idx %scatter3A_700[%add3A_656, %and3A_659], %gather3A_651 : memref<32x128xf32, #tpu.memory_space<vmem>>[vector<16xi32>, vector<16xi32>], vector<16xf32>,
        %scatter3A_701 = arith.constant 0 : i32
        %scatter3A_702 = arith.constant 0 : i32
        %scatter3A_703 = arith.constant 0 : i32
        %scatter3A_704 = tpu.memref_slice %arg6[%scatter3A_701, %scatter3A_702, %scatter3A_703] : memref<2x32x128xf32, #tpu.memory_space<vmem>> -> memref<1x32x128xf32, #tpu.memory_space<vmem>>
        %scatter3A_705 = tpu.memref_squeeze %scatter3A_704 : memref<1x32x128xf32, #tpu.memory_space<vmem>> -> memref<32x128xf32, #tpu.memory_space<vmem>>
        tpu.vector_store_idx %scatter3A_705[%add3A_682, %and3A_685], %gather3A_677 : memref<32x128xf32, #tpu.memory_space<vmem>>[vector<16xi32>, vector<16xi32>], vector<16xf32>,
      }
      %scan3A_112 = arith.constant 8 : i32
      %add3A_113 = arith.constant 16 : i32
      %add3A_114 = vector.broadcast %add3A_113 : i32 to vector<16xi32>
      %add3A_115 = arith.addi %iota3A, %add3A_114 : vector<16xi32>
      %scan3A_116 = arith.constant 0 : i32
      %scan3A_117 = arith.constant 8 : i32
      %scan3A_118 = arith.addi %scan3A_116, %scan3A_117 : i32
      %scan3A_119 = arith.constant 1 : i32
      scf.for %scan3A_208 = %scan3A_116 to %scan3A_118 step %scan3A_119  : i32 {
        %mul3A_209 = arith.constant 16 : i32
        %mul3A_210 = arith.muli %scan3A_208, %mul3A_209 : i32
        %add3A_211 = arith.constant 0 : i32
        %add3A_212 = arith.addi %add3A_211, %mul3A_210 : i32
        %shift_right_arithmetic3A = arith.constant 2 : i32
        %shift_right_arithmetic3A_213 = arith.shrsi %add3A_212, %shift_right_arithmetic3A : i32
        %add3A_214 = arith.constant 0 : i32
        %add3A_215 = vector.broadcast %add3A_214 : i32 to vector<16xi32>
        %add3A_216 = arith.addi %iota3A, %add3A_215 : vector<16xi32>
        %and3A = arith.constant 15 : i32
        %and3A_217 = vector.broadcast %and3A : i32 to vector<16xi32>
        %and3A_218 = arith.andi %add3A_216, %and3A_217 : vector<16xi32>
        %shift_left3A = arith.constant 5 : i32
        %shift_left3A_219 = vector.broadcast %shift_left3A : i32 to vector<16xi32>
        %shift_left3A_220 = arith.shli %and3A_218, %shift_left3A_219 : vector<16xi32>
        %add3A_221 = arith.addi %shift_left3A_220, %add3A_115 : vector<16xi32>
        %add3A_222 = vector.broadcast %add3A_212 : i32 to vector<16xi32>
        %add3A_223 = arith.addi %and3A_218, %add3A_222 : vector<16xi32>
        %gather3A = arith.constant 0 : i32
        %gather3A_224 = arith.constant 0 : i32
        %gather3A_225 = arith.constant 0 : i32
        %gather3A_226 = tpu.memref_slice %arg5[%gather3A, %gather3A_224, %gather3A_225] : memref<2x32x128xf32, #tpu.memory_space<vmem>> -> memref<1x32x128xf32, #tpu.memory_space<vmem>>
        %gather3A_227 = tpu.memref_squeeze %gather3A_226 : memref<1x32x128xf32, #tpu.memory_space<vmem>> -> memref<32x128xf32, #tpu.memory_space<vmem>>
        %gather3A_228 = tpu.vector_load_idx %gather3A_227[%add3A_115, %add3A_223] : memref<32x128xf32, #tpu.memory_space<vmem>>[vector<16xi32>, vector<16xi32>], vector<16xf32>,
        %shift_right_arithmetic3A_229 = arith.constant 7 : i32
        %shift_right_arithmetic3A_230 = vector.broadcast %shift_right_arithmetic3A_229 : i32 to vector<16xi32>
        %shift_right_arithmetic3A_231 = arith.shrsi %add3A_221, %shift_right_arithmetic3A_230 : vector<16xi32>
        %add3A_232 = vector.broadcast %shift_right_arithmetic3A_213 : i32 to vector<16xi32>
        %add3A_233 = arith.addi %shift_right_arithmetic3A_231, %add3A_232 : vector<16xi32>
        %and3A_234 = arith.constant 127 : i32
        %and3A_235 = vector.broadcast %and3A_234 : i32 to vector<16xi32>
        %and3A_236 = arith.andi %add3A_221, %and3A_235 : vector<16xi32>
        %add3A_237 = arith.constant 1 : i32
        %add3A_238 = vector.broadcast %add3A_237 : i32 to vector<16xi32>
        %add3A_239 = arith.addi %iota3A, %add3A_238 : vector<16xi32>
        %and3A_240 = arith.constant 15 : i32
        %and3A_241 = vector.broadcast %and3A_240 : i32 to vector<16xi32>
        %and3A_242 = arith.andi %add3A_239, %and3A_241 : vector<16xi32>
        %shift_left3A_243 = arith.constant 5 : i32
        %shift_left3A_244 = vector.broadcast %shift_left3A_243 : i32 to vector<16xi32>
        %shift_left3A_245 = arith.shli %and3A_242, %shift_left3A_244 : vector<16xi32>
        %add3A_246 = arith.addi %shift_left3A_245, %add3A_115 : vector<16xi32>
        %add3A_247 = vector.broadcast %add3A_212 : i32 to vector<16xi32>
        %add3A_248 = arith.addi %and3A_242, %add3A_247 : vector<16xi32>
        %gather3A_249 = arith.constant 0 : i32
        %gather3A_250 = arith.constant 0 : i32
        %gather3A_251 = arith.constant 0 : i32
        %gather3A_252 = tpu.memref_slice %arg5[%gather3A_249, %gather3A_250, %gather3A_251] : memref<2x32x128xf32, #tpu.memory_space<vmem>> -> memref<1x32x128xf32, #tpu.memory_space<vmem>>
        %gather3A_253 = tpu.memref_squeeze %gather3A_252 : memref<1x32x128xf32, #tpu.memory_space<vmem>> -> memref<32x128xf32, #tpu.memory_space<vmem>>
        %gather3A_254 = tpu.vector_load_idx %gather3A_253[%add3A_115, %add3A_248] : memref<32x128xf32, #tpu.memory_space<vmem>>[vector<16xi32>, vector<16xi32>], vector<16xf32>,
        %shift_right_arithmetic3A_255 = arith.constant 7 : i32
        %shift_right_arithmetic3A_256 = vector.broadcast %shift_right_arithmetic3A_255 : i32 to vector<16xi32>
        %shift_right_arithmetic3A_257 = arith.shrsi %add3A_246, %shift_right_arithmetic3A_256 : vector<16xi32>
        %add3A_258 = vector.broadcast %shift_right_arithmetic3A_213 : i32 to vector<16xi32>
        %add3A_259 = arith.addi %shift_right_arithmetic3A_257, %add3A_258 : vector<16xi32>
        %and3A_260 = arith.constant 127 : i32
        %and3A_261 = vector.broadcast %and3A_260 : i32 to vector<16xi32>
        %and3A_262 = arith.andi %add3A_246, %and3A_261 : vector<16xi32>
        %add3A_263 = arith.constant 2 : i32
        %add3A_264 = vector.broadcast %add3A_263 : i32 to vector<16xi32>
        %add3A_265 = arith.addi %iota3A, %add3A_264 : vector<16xi32>
        %and3A_266 = arith.constant 15 : i32
        %and3A_267 = vector.broadcast %and3A_266 : i32 to vector<16xi32>
        %and3A_268 = arith.andi %add3A_265, %and3A_267 : vector<16xi32>
        %shift_left3A_269 = arith.constant 5 : i32
        %shift_left3A_270 = vector.broadcast %shift_left3A_269 : i32 to vector<16xi32>
        %shift_left3A_271 = arith.shli %and3A_268, %shift_left3A_270 : vector<16xi32>
        %add3A_272 = arith.addi %shift_left3A_271, %add3A_115 : vector<16xi32>
        %add3A_273 = vector.broadcast %add3A_212 : i32 to vector<16xi32>
        %add3A_274 = arith.addi %and3A_268, %add3A_273 : vector<16xi32>
        %gather3A_275 = arith.constant 0 : i32
        %gather3A_276 = arith.constant 0 : i32
        %gather3A_277 = arith.constant 0 : i32
        %gather3A_278 = tpu.memref_slice %arg5[%gather3A_275, %gather3A_276, %gather3A_277] : memref<2x32x128xf32, #tpu.memory_space<vmem>> -> memref<1x32x128xf32, #tpu.memory_space<vmem>>
        %gather3A_279 = tpu.memref_squeeze %gather3A_278 : memref<1x32x128xf32, #tpu.memory_space<vmem>> -> memref<32x128xf32, #tpu.memory_space<vmem>>
        %gather3A_280 = tpu.vector_load_idx %gather3A_279[%add3A_115, %add3A_274] : memref<32x128xf32, #tpu.memory_space<vmem>>[vector<16xi32>, vector<16xi32>], vector<16xf32>,
        %shift_right_arithmetic3A_281 = arith.constant 7 : i32
        %shift_right_arithmetic3A_282 = vector.broadcast %shift_right_arithmetic3A_281 : i32 to vector<16xi32>
        %shift_right_arithmetic3A_283 = arith.shrsi %add3A_272, %shift_right_arithmetic3A_282 : vector<16xi32>
        %add3A_284 = vector.broadcast %shift_right_arithmetic3A_213 : i32 to vector<16xi32>
        %add3A_285 = arith.addi %shift_right_arithmetic3A_283, %add3A_284 : vector<16xi32>
        %and3A_286 = arith.constant 127 : i32
        %and3A_287 = vector.broadcast %and3A_286 : i32 to vector<16xi32>
        %and3A_288 = arith.andi %add3A_272, %and3A_287 : vector<16xi32>
        %add3A_289 = arith.constant 3 : i32
        %add3A_290 = vector.broadcast %add3A_289 : i32 to vector<16xi32>
        %add3A_291 = arith.addi %iota3A, %add3A_290 : vector<16xi32>
        %and3A_292 = arith.constant 15 : i32
        %and3A_293 = vector.broadcast %and3A_292 : i32 to vector<16xi32>
        %and3A_294 = arith.andi %add3A_291, %and3A_293 : vector<16xi32>
        %shift_left3A_295 = arith.constant 5 : i32
        %shift_left3A_296 = vector.broadcast %shift_left3A_295 : i32 to vector<16xi32>
        %shift_left3A_297 = arith.shli %and3A_294, %shift_left3A_296 : vector<16xi32>
        %add3A_298 = arith.addi %shift_left3A_297, %add3A_115 : vector<16xi32>
        %add3A_299 = vector.broadcast %add3A_212 : i32 to vector<16xi32>
        %add3A_300 = arith.addi %and3A_294, %add3A_299 : vector<16xi32>
        %gather3A_301 = arith.constant 0 : i32
        %gather3A_302 = arith.constant 0 : i32
        %gather3A_303 = arith.constant 0 : i32
        %gather3A_304 = tpu.memref_slice %arg5[%gather3A_301, %gather3A_302, %gather3A_303] : memref<2x32x128xf32, #tpu.memory_space<vmem>> -> memref<1x32x128xf32, #tpu.memory_space<vmem>>
        %gather3A_305 = tpu.memref_squeeze %gather3A_304 : memref<1x32x128xf32, #tpu.memory_space<vmem>> -> memref<32x128xf32, #tpu.memory_space<vmem>>
        %gather3A_306 = tpu.vector_load_idx %gather3A_305[%add3A_115, %add3A_300] : memref<32x128xf32, #tpu.memory_space<vmem>>[vector<16xi32>, vector<16xi32>], vector<16xf32>,
        %shift_right_arithmetic3A_307 = arith.constant 7 : i32
        %shift_right_arithmetic3A_308 = vector.broadcast %shift_right_arithmetic3A_307 : i32 to vector<16xi32>
        %shift_right_arithmetic3A_309 = arith.shrsi %add3A_298, %shift_right_arithmetic3A_308 : vector<16xi32>
        %add3A_310 = vector.broadcast %shift_right_arithmetic3A_213 : i32 to vector<16xi32>
        %add3A_311 = arith.addi %shift_right_arithmetic3A_309, %add3A_310 : vector<16xi32>
        %and3A_312 = arith.constant 127 : i32
        %and3A_313 = vector.broadcast %and3A_312 : i32 to vector<16xi32>
        %and3A_314 = arith.andi %add3A_298, %and3A_313 : vector<16xi32>
        %scatter3A = arith.constant 0 : i32
        %scatter3A_315 = arith.constant 0 : i32
        %scatter3A_316 = arith.constant 0 : i32
        %scatter3A_317 = tpu.memref_slice %arg6[%scatter3A, %scatter3A_315, %scatter3A_316] : memref<2x32x128xf32, #tpu.memory_space<vmem>> -> memref<1x32x128xf32, #tpu.memory_space<vmem>>
        %scatter3A_318 = tpu.memref_squeeze %scatter3A_317 : memref<1x32x128xf32, #tpu.memory_space<vmem>> -> memref<32x128xf32, #tpu.memory_space<vmem>>
        tpu.vector_store_idx %scatter3A_318[%add3A_233, %and3A_236], %gather3A_228 : memref<32x128xf32, #tpu.memory_space<vmem>>[vector<16xi32>, vector<16xi32>], vector<16xf32>,
        %scatter3A_319 = arith.constant 0 : i32
        %scatter3A_320 = arith.constant 0 : i32
        %scatter3A_321 = arith.constant 0 : i32
        %scatter3A_322 = tpu.memref_slice %arg6[%scatter3A_319, %scatter3A_320, %scatter3A_321] : memref<2x32x128xf32, #tpu.memory_space<vmem>> -> memref<1x32x128xf32, #tpu.memory_space<vmem>>
        %scatter3A_323 = tpu.memref_squeeze %scatter3A_322 : memref<1x32x128xf32, #tpu.memory_space<vmem>> -> memref<32x128xf32, #tpu.memory_space<vmem>>
        tpu.vector_store_idx %scatter3A_323[%add3A_259, %and3A_262], %gather3A_254 : memref<32x128xf32, #tpu.memory_space<vmem>>[vector<16xi32>, vector<16xi32>], vector<16xf32>,
        %scatter3A_324 = arith.constant 0 : i32
        %scatter3A_325 = arith.constant 0 : i32
        %scatter3A_326 = arith.constant 0 : i32
        %scatter3A_327 = tpu.memref_slice %arg6[%scatter3A_324, %scatter3A_325, %scatter3A_326] : memref<2x32x128xf32, #tpu.memory_space<vmem>> -> memref<1x32x128xf32, #tpu.memory_space<vmem>>
        %scatter3A_328 = tpu.memref_squeeze %scatter3A_327 : memref<1x32x128xf32, #tpu.memory_space<vmem>> -> memref<32x128xf32, #tpu.memory_space<vmem>>
        tpu.vector_store_idx %scatter3A_328[%add3A_285, %and3A_288], %gather3A_280 : memref<32x128xf32, #tpu.memory_space<vmem>>[vector<16xi32>, vector<16xi32>], vector<16xf32>,
        %scatter3A_329 = arith.constant 0 : i32
        %scatter3A_330 = arith.constant 0 : i32
        %scatter3A_331 = arith.constant 0 : i32
        %scatter3A_332 = tpu.memref_slice %arg6[%scatter3A_329, %scatter3A_330, %scatter3A_331] : memref<2x32x128xf32, #tpu.memory_space<vmem>> -> memref<1x32x128xf32, #tpu.memory_space<vmem>>
        %scatter3A_333 = tpu.memref_squeeze %scatter3A_332 : memref<1x32x128xf32, #tpu.memory_space<vmem>> -> memref<32x128xf32, #tpu.memory_space<vmem>>
        tpu.vector_store_idx %scatter3A_333[%add3A_311, %and3A_314], %gather3A_306 : memref<32x128xf32, #tpu.memory_space<vmem>>[vector<16xi32>, vector<16xi32>], vector<16xf32>,
        %add3A_334 = arith.constant 4 : i32
        %add3A_335 = vector.broadcast %add3A_334 : i32 to vector<16xi32>
        %add3A_336 = arith.addi %iota3A, %add3A_335 : vector<16xi32>
        %and3A_337 = arith.constant 15 : i32
        %and3A_338 = vector.broadcast %and3A_337 : i32 to vector<16xi32>
        %and3A_339 = arith.andi %add3A_336, %and3A_338 : vector<16xi32>
        %shift_left3A_340 = arith.constant 5 : i32
        %shift_left3A_341 = vector.broadcast %shift_left3A_340 : i32 to vector<16xi32>
        %shift_left3A_342 = arith.shli %and3A_339, %shift_left3A_341 : vector<16xi32>
        %add3A_343 = arith.addi %shift_left3A_342, %add3A_115 : vector<16xi32>
        %add3A_344 = vector.broadcast %add3A_212 : i32 to vector<16xi32>
        %add3A_345 = arith.addi %and3A_339, %add3A_344 : vector<16xi32>
        %gather3A_346 = arith.constant 0 : i32
        %gather3A_347 = arith.constant 0 : i32
        %gather3A_348 = arith.constant 0 : i32
        %gather3A_349 = tpu.memref_slice %arg5[%gather3A_346, %gather3A_347, %gather3A_348] : memref<2x32x128xf32, #tpu.memory_space<vmem>> -> memref<1x32x128xf32, #tpu.memory_space<vmem>>
        %gather3A_350 = tpu.memref_squeeze %gather3A_349 : memref<1x32x128xf32, #tpu.memory_space<vmem>> -> memref<32x128xf32, #tpu.memory_space<vmem>>
        %gather3A_351 = tpu.vector_load_idx %gather3A_350[%add3A_115, %add3A_345] : memref<32x128xf32, #tpu.memory_space<vmem>>[vector<16xi32>, vector<16xi32>], vector<16xf32>,
        %shift_right_arithmetic3A_352 = arith.constant 7 : i32
        %shift_right_arithmetic3A_353 = vector.broadcast %shift_right_arithmetic3A_352 : i32 to vector<16xi32>
        %shift_right_arithmetic3A_354 = arith.shrsi %add3A_343, %shift_right_arithmetic3A_353 : vector<16xi32>
        %add3A_355 = vector.broadcast %shift_right_arithmetic3A_213 : i32 to vector<16xi32>
        %add3A_356 = arith.addi %shift_right_arithmetic3A_354, %add3A_355 : vector<16xi32>
        %and3A_357 = arith.constant 127 : i32
        %and3A_358 = vector.broadcast %and3A_357 : i32 to vector<16xi32>
        %and3A_359 = arith.andi %add3A_343, %and3A_358 : vector<16xi32>
        %add3A_360 = arith.constant 5 : i32
        %add3A_361 = vector.broadcast %add3A_360 : i32 to vector<16xi32>
        %add3A_362 = arith.addi %iota3A, %add3A_361 : vector<16xi32>
        %and3A_363 = arith.constant 15 : i32
        %and3A_364 = vector.broadcast %and3A_363 : i32 to vector<16xi32>
        %and3A_365 = arith.andi %add3A_362, %and3A_364 : vector<16xi32>
        %shift_left3A_366 = arith.constant 5 : i32
        %shift_left3A_367 = vector.broadcast %shift_left3A_366 : i32 to vector<16xi32>
        %shift_left3A_368 = arith.shli %and3A_365, %shift_left3A_367 : vector<16xi32>
        %add3A_369 = arith.addi %shift_left3A_368, %add3A_115 : vector<16xi32>
        %add3A_370 = vector.broadcast %add3A_212 : i32 to vector<16xi32>
        %add3A_371 = arith.addi %and3A_365, %add3A_370 : vector<16xi32>
        %gather3A_372 = arith.constant 0 : i32
        %gather3A_373 = arith.constant 0 : i32
        %gather3A_374 = arith.constant 0 : i32
        %gather3A_375 = tpu.memref_slice %arg5[%gather3A_372, %gather3A_373, %gather3A_374] : memref<2x32x128xf32, #tpu.memory_space<vmem>> -> memref<1x32x128xf32, #tpu.memory_space<vmem>>
        %gather3A_376 = tpu.memref_squeeze %gather3A_375 : memref<1x32x128xf32, #tpu.memory_space<vmem>> -> memref<32x128xf32, #tpu.memory_space<vmem>>
        %gather3A_377 = tpu.vector_load_idx %gather3A_376[%add3A_115, %add3A_371] : memref<32x128xf32, #tpu.memory_space<vmem>>[vector<16xi32>, vector<16xi32>], vector<16xf32>,
        %shift_right_arithmetic3A_378 = arith.constant 7 : i32
        %shift_right_arithmetic3A_379 = vector.broadcast %shift_right_arithmetic3A_378 : i32 to vector<16xi32>
        %shift_right_arithmetic3A_380 = arith.shrsi %add3A_369, %shift_right_arithmetic3A_379 : vector<16xi32>
        %add3A_381 = vector.broadcast %shift_right_arithmetic3A_213 : i32 to vector<16xi32>
        %add3A_382 = arith.addi %shift_right_arithmetic3A_380, %add3A_381 : vector<16xi32>
        %and3A_383 = arith.constant 127 : i32
        %and3A_384 = vector.broadcast %and3A_383 : i32 to vector<16xi32>
        %and3A_385 = arith.andi %add3A_369, %and3A_384 : vector<16xi32>
        %add3A_386 = arith.constant 6 : i32
        %add3A_387 = vector.broadcast %add3A_386 : i32 to vector<16xi32>
        %add3A_388 = arith.addi %iota3A, %add3A_387 : vector<16xi32>
        %and3A_389 = arith.constant 15 : i32
        %and3A_390 = vector.broadcast %and3A_389 : i32 to vector<16xi32>
        %and3A_391 = arith.andi %add3A_388, %and3A_390 : vector<16xi32>
        %shift_left3A_392 = arith.constant 5 : i32
        %shift_left3A_393 = vector.broadcast %shift_left3A_392 : i32 to vector<16xi32>
        %shift_left3A_394 = arith.shli %and3A_391, %shift_left3A_393 : vector<16xi32>
        %add3A_395 = arith.addi %shift_left3A_394, %add3A_115 : vector<16xi32>
        %add3A_396 = vector.broadcast %add3A_212 : i32 to vector<16xi32>
        %add3A_397 = arith.addi %and3A_391, %add3A_396 : vector<16xi32>
        %gather3A_398 = arith.constant 0 : i32
        %gather3A_399 = arith.constant 0 : i32
        %gather3A_400 = arith.constant 0 : i32
        %gather3A_401 = tpu.memref_slice %arg5[%gather3A_398, %gather3A_399, %gather3A_400] : memref<2x32x128xf32, #tpu.memory_space<vmem>> -> memref<1x32x128xf32, #tpu.memory_space<vmem>>
        %gather3A_402 = tpu.memref_squeeze %gather3A_401 : memref<1x32x128xf32, #tpu.memory_space<vmem>> -> memref<32x128xf32, #tpu.memory_space<vmem>>
        %gather3A_403 = tpu.vector_load_idx %gather3A_402[%add3A_115, %add3A_397] : memref<32x128xf32, #tpu.memory_space<vmem>>[vector<16xi32>, vector<16xi32>], vector<16xf32>,
        %shift_right_arithmetic3A_404 = arith.constant 7 : i32
        %shift_right_arithmetic3A_405 = vector.broadcast %shift_right_arithmetic3A_404 : i32 to vector<16xi32>
        %shift_right_arithmetic3A_406 = arith.shrsi %add3A_395, %shift_right_arithmetic3A_405 : vector<16xi32>
        %add3A_407 = vector.broadcast %shift_right_arithmetic3A_213 : i32 to vector<16xi32>
        %add3A_408 = arith.addi %shift_right_arithmetic3A_406, %add3A_407 : vector<16xi32>
        %and3A_409 = arith.constant 127 : i32
        %and3A_410 = vector.broadcast %and3A_409 : i32 to vector<16xi32>
        %and3A_411 = arith.andi %add3A_395, %and3A_410 : vector<16xi32>
        %add3A_412 = arith.constant 7 : i32
        %add3A_413 = vector.broadcast %add3A_412 : i32 to vector<16xi32>
        %add3A_414 = arith.addi %iota3A, %add3A_413 : vector<16xi32>
        %and3A_415 = arith.constant 15 : i32
        %and3A_416 = vector.broadcast %and3A_415 : i32 to vector<16xi32>
        %and3A_417 = arith.andi %add3A_414, %and3A_416 : vector<16xi32>
        %shift_left3A_418 = arith.constant 5 : i32
        %shift_left3A_419 = vector.broadcast %shift_left3A_418 : i32 to vector<16xi32>
        %shift_left3A_420 = arith.shli %and3A_417, %shift_left3A_419 : vector<16xi32>
        %add3A_421 = arith.addi %shift_left3A_420, %add3A_115 : vector<16xi32>
        %add3A_422 = vector.broadcast %add3A_212 : i32 to vector<16xi32>
        %add3A_423 = arith.addi %and3A_417, %add3A_422 : vector<16xi32>
        %gather3A_424 = arith.constant 0 : i32
        %gather3A_425 = arith.constant 0 : i32
        %gather3A_426 = arith.constant 0 : i32
        %gather3A_427 = tpu.memref_slice %arg5[%gather3A_424, %gather3A_425, %gather3A_426] : memref<2x32x128xf32, #tpu.memory_space<vmem>> -> memref<1x32x128xf32, #tpu.memory_space<vmem>>
        %gather3A_428 = tpu.memref_squeeze %gather3A_427 : memref<1x32x128xf32, #tpu.memory_space<vmem>> -> memref<32x128xf32, #tpu.memory_space<vmem>>
        %gather3A_429 = tpu.vector_load_idx %gather3A_428[%add3A_115, %add3A_423] : memref<32x128xf32, #tpu.memory_space<vmem>>[vector<16xi32>, vector<16xi32>], vector<16xf32>,
        %shift_right_arithmetic3A_430 = arith.constant 7 : i32
        %shift_right_arithmetic3A_431 = vector.broadcast %shift_right_arithmetic3A_430 : i32 to vector<16xi32>
        %shift_right_arithmetic3A_432 = arith.shrsi %add3A_421, %shift_right_arithmetic3A_431 : vector<16xi32>
        %add3A_433 = vector.broadcast %shift_right_arithmetic3A_213 : i32 to vector<16xi32>
        %add3A_434 = arith.addi %shift_right_arithmetic3A_432, %add3A_433 : vector<16xi32>
        %and3A_435 = arith.constant 127 : i32
        %and3A_436 = vector.broadcast %and3A_435 : i32 to vector<16xi32>
        %and3A_437 = arith.andi %add3A_421, %and3A_436 : vector<16xi32>
        %scatter3A_438 = arith.constant 0 : i32
        %scatter3A_439 = arith.constant 0 : i32
        %scatter3A_440 = arith.constant 0 : i32
        %scatter3A_441 = tpu.memref_slice %arg6[%scatter3A_438, %scatter3A_439, %scatter3A_440] : memref<2x32x128xf32, #tpu.memory_space<vmem>> -> memref<1x32x128xf32, #tpu.memory_space<vmem>>
        %scatter3A_442 = tpu.memref_squeeze %scatter3A_441 : memref<1x32x128xf32, #tpu.memory_space<vmem>> -> memref<32x128xf32, #tpu.memory_space<vmem>>
        tpu.vector_store_idx %scatter3A_442[%add3A_356, %and3A_359], %gather3A_351 : memref<32x128xf32, #tpu.memory_space<vmem>>[vector<16xi32>, vector<16xi32>], vector<16xf32>,
        %scatter3A_443 = arith.constant 0 : i32
        %scatter3A_444 = arith.constant 0 : i32
        %scatter3A_445 = arith.constant 0 : i32
        %scatter3A_446 = tpu.memref_slice %arg6[%scatter3A_443, %scatter3A_444, %scatter3A_445] : memref<2x32x128xf32, #tpu.memory_space<vmem>> -> memref<1x32x128xf32, #tpu.memory_space<vmem>>
        %scatter3A_447 = tpu.memref_squeeze %scatter3A_446 : memref<1x32x128xf32, #tpu.memory_space<vmem>> -> memref<32x128xf32, #tpu.memory_space<vmem>>
        tpu.vector_store_idx %scatter3A_447[%add3A_382, %and3A_385], %gather3A_377 : memref<32x128xf32, #tpu.memory_space<vmem>>[vector<16xi32>, vector<16xi32>], vector<16xf32>,
        %scatter3A_448 = arith.constant 0 : i32
        %scatter3A_449 = arith.constant 0 : i32
        %scatter3A_450 = arith.constant 0 : i32
        %scatter3A_451 = tpu.memref_slice %arg6[%scatter3A_448, %scatter3A_449, %scatter3A_450] : memref<2x32x128xf32, #tpu.memory_space<vmem>> -> memref<1x32x128xf32, #tpu.memory_space<vmem>>
        %scatter3A_452 = tpu.memref_squeeze %scatter3A_451 : memref<1x32x128xf32, #tpu.memory_space<vmem>> -> memref<32x128xf32, #tpu.memory_space<vmem>>
        tpu.vector_store_idx %scatter3A_452[%add3A_408, %and3A_411], %gather3A_403 : memref<32x128xf32, #tpu.memory_space<vmem>>[vector<16xi32>, vector<16xi32>], vector<16xf32>,
        %scatter3A_453 = arith.constant 0 : i32
        %scatter3A_454 = arith.constant 0 : i32
        %scatter3A_455 = arith.constant 0 : i32
        %scatter3A_456 = tpu.memref_slice %arg6[%scatter3A_453, %scatter3A_454, %scatter3A_455] : memref<2x32x128xf32, #tpu.memory_space<vmem>> -> memref<1x32x128xf32, #tpu.memory_space<vmem>>
        %scatter3A_457 = tpu.memref_squeeze %scatter3A_456 : memref<1x32x128xf32, #tpu.memory_space<vmem>> -> memref<32x128xf32, #tpu.memory_space<vmem>>
        tpu.vector_store_idx %scatter3A_457[%add3A_434, %and3A_437], %gather3A_429 : memref<32x128xf32, #tpu.memory_space<vmem>>[vector<16xi32>, vector<16xi32>], vector<16xf32>,
        %add3A_458 = arith.constant 8 : i32
        %add3A_459 = vector.broadcast %add3A_458 : i32 to vector<16xi32>
        %add3A_460 = arith.addi %iota3A, %add3A_459 : vector<16xi32>
        %and3A_461 = arith.constant 15 : i32
        %and3A_462 = vector.broadcast %and3A_461 : i32 to vector<16xi32>
        %and3A_463 = arith.andi %add3A_460, %and3A_462 : vector<16xi32>
        %shift_left3A_464 = arith.constant 5 : i32
        %shift_left3A_465 = vector.broadcast %shift_left3A_464 : i32 to vector<16xi32>
        %shift_left3A_466 = arith.shli %and3A_463, %shift_left3A_465 : vector<16xi32>
        %add3A_467 = arith.addi %shift_left3A_466, %add3A_115 : vector<16xi32>
        %add3A_468 = vector.broadcast %add3A_212 : i32 to vector<16xi32>
        %add3A_469 = arith.addi %and3A_463, %add3A_468 : vector<16xi32>
        %gather3A_470 = arith.constant 0 : i32
        %gather3A_471 = arith.constant 0 : i32
        %gather3A_472 = arith.constant 0 : i32
        %gather3A_473 = tpu.memref_slice %arg5[%gather3A_470, %gather3A_471, %gather3A_472] : memref<2x32x128xf32, #tpu.memory_space<vmem>> -> memref<1x32x128xf32, #tpu.memory_space<vmem>>
        %gather3A_474 = tpu.memref_squeeze %gather3A_473 : memref<1x32x128xf32, #tpu.memory_space<vmem>> -> memref<32x128xf32, #tpu.memory_space<vmem>>
        %gather3A_475 = tpu.vector_load_idx %gather3A_474[%add3A_115, %add3A_469] : memref<32x128xf32, #tpu.memory_space<vmem>>[vector<16xi32>, vector<16xi32>], vector<16xf32>,
        %shift_right_arithmetic3A_476 = arith.constant 7 : i32
        %shift_right_arithmetic3A_477 = vector.broadcast %shift_right_arithmetic3A_476 : i32 to vector<16xi32>
        %shift_right_arithmetic3A_478 = arith.shrsi %add3A_467, %shift_right_arithmetic3A_477 : vector<16xi32>
        %add3A_479 = vector.broadcast %shift_right_arithmetic3A_213 : i32 to vector<16xi32>
        %add3A_480 = arith.addi %shift_right_arithmetic3A_478, %add3A_479 : vector<16xi32>
        %and3A_481 = arith.constant 127 : i32
        %and3A_482 = vector.broadcast %and3A_481 : i32 to vector<16xi32>
        %and3A_483 = arith.andi %add3A_467, %and3A_482 : vector<16xi32>
        %add3A_484 = arith.constant 9 : i32
        %add3A_485 = vector.broadcast %add3A_484 : i32 to vector<16xi32>
        %add3A_486 = arith.addi %iota3A, %add3A_485 : vector<16xi32>
        %and3A_487 = arith.constant 15 : i32
        %and3A_488 = vector.broadcast %and3A_487 : i32 to vector<16xi32>
        %and3A_489 = arith.andi %add3A_486, %and3A_488 : vector<16xi32>
        %shift_left3A_490 = arith.constant 5 : i32
        %shift_left3A_491 = vector.broadcast %shift_left3A_490 : i32 to vector<16xi32>
        %shift_left3A_492 = arith.shli %and3A_489, %shift_left3A_491 : vector<16xi32>
        %add3A_493 = arith.addi %shift_left3A_492, %add3A_115 : vector<16xi32>
        %add3A_494 = vector.broadcast %add3A_212 : i32 to vector<16xi32>
        %add3A_495 = arith.addi %and3A_489, %add3A_494 : vector<16xi32>
        %gather3A_496 = arith.constant 0 : i32
        %gather3A_497 = arith.constant 0 : i32
        %gather3A_498 = arith.constant 0 : i32
        %gather3A_499 = tpu.memref_slice %arg5[%gather3A_496, %gather3A_497, %gather3A_498] : memref<2x32x128xf32, #tpu.memory_space<vmem>> -> memref<1x32x128xf32, #tpu.memory_space<vmem>>
        %gather3A_500 = tpu.memref_squeeze %gather3A_499 : memref<1x32x128xf32, #tpu.memory_space<vmem>> -> memref<32x128xf32, #tpu.memory_space<vmem>>
        %gather3A_501 = tpu.vector_load_idx %gather3A_500[%add3A_115, %add3A_495] : memref<32x128xf32, #tpu.memory_space<vmem>>[vector<16xi32>, vector<16xi32>], vector<16xf32>,
        %shift_right_arithmetic3A_502 = arith.constant 7 : i32
        %shift_right_arithmetic3A_503 = vector.broadcast %shift_right_arithmetic3A_502 : i32 to vector<16xi32>
        %shift_right_arithmetic3A_504 = arith.shrsi %add3A_493, %shift_right_arithmetic3A_503 : vector<16xi32>
        %add3A_505 = vector.broadcast %shift_right_arithmetic3A_213 : i32 to vector<16xi32>
        %add3A_506 = arith.addi %shift_right_arithmetic3A_504, %add3A_505 : vector<16xi32>
        %and3A_507 = arith.constant 127 : i32
        %and3A_508 = vector.broadcast %and3A_507 : i32 to vector<16xi32>
        %and3A_509 = arith.andi %add3A_493, %and3A_508 : vector<16xi32>
        %add3A_510 = arith.constant 10 : i32
        %add3A_511 = vector.broadcast %add3A_510 : i32 to vector<16xi32>
        %add3A_512 = arith.addi %iota3A, %add3A_511 : vector<16xi32>
        %and3A_513 = arith.constant 15 : i32
        %and3A_514 = vector.broadcast %and3A_513 : i32 to vector<16xi32>
        %and3A_515 = arith.andi %add3A_512, %and3A_514 : vector<16xi32>
        %shift_left3A_516 = arith.constant 5 : i32
        %shift_left3A_517 = vector.broadcast %shift_left3A_516 : i32 to vector<16xi32>
        %shift_left3A_518 = arith.shli %and3A_515, %shift_left3A_517 : vector<16xi32>
        %add3A_519 = arith.addi %shift_left3A_518, %add3A_115 : vector<16xi32>
        %add3A_520 = vector.broadcast %add3A_212 : i32 to vector<16xi32>
        %add3A_521 = arith.addi %and3A_515, %add3A_520 : vector<16xi32>
        %gather3A_522 = arith.constant 0 : i32
        %gather3A_523 = arith.constant 0 : i32
        %gather3A_524 = arith.constant 0 : i32
        %gather3A_525 = tpu.memref_slice %arg5[%gather3A_522, %gather3A_523, %gather3A_524] : memref<2x32x128xf32, #tpu.memory_space<vmem>> -> memref<1x32x128xf32, #tpu.memory_space<vmem>>
        %gather3A_526 = tpu.memref_squeeze %gather3A_525 : memref<1x32x128xf32, #tpu.memory_space<vmem>> -> memref<32x128xf32, #tpu.memory_space<vmem>>
        %gather3A_527 = tpu.vector_load_idx %gather3A_526[%add3A_115, %add3A_521] : memref<32x128xf32, #tpu.memory_space<vmem>>[vector<16xi32>, vector<16xi32>], vector<16xf32>,
        %shift_right_arithmetic3A_528 = arith.constant 7 : i32
        %shift_right_arithmetic3A_529 = vector.broadcast %shift_right_arithmetic3A_528 : i32 to vector<16xi32>
        %shift_right_arithmetic3A_530 = arith.shrsi %add3A_519, %shift_right_arithmetic3A_529 : vector<16xi32>
        %add3A_531 = vector.broadcast %shift_right_arithmetic3A_213 : i32 to vector<16xi32>
        %add3A_532 = arith.addi %shift_right_arithmetic3A_530, %add3A_531 : vector<16xi32>
        %and3A_533 = arith.constant 127 : i32
        %and3A_534 = vector.broadcast %and3A_533 : i32 to vector<16xi32>
        %and3A_535 = arith.andi %add3A_519, %and3A_534 : vector<16xi32>
        %add3A_536 = arith.constant 11 : i32
        %add3A_537 = vector.broadcast %add3A_536 : i32 to vector<16xi32>
        %add3A_538 = arith.addi %iota3A, %add3A_537 : vector<16xi32>
        %and3A_539 = arith.constant 15 : i32
        %and3A_540 = vector.broadcast %and3A_539 : i32 to vector<16xi32>
        %and3A_541 = arith.andi %add3A_538, %and3A_540 : vector<16xi32>
        %shift_left3A_542 = arith.constant 5 : i32
        %shift_left3A_543 = vector.broadcast %shift_left3A_542 : i32 to vector<16xi32>
        %shift_left3A_544 = arith.shli %and3A_541, %shift_left3A_543 : vector<16xi32>
        %add3A_545 = arith.addi %shift_left3A_544, %add3A_115 : vector<16xi32>
        %add3A_546 = vector.broadcast %add3A_212 : i32 to vector<16xi32>
        %add3A_547 = arith.addi %and3A_541, %add3A_546 : vector<16xi32>
        %gather3A_548 = arith.constant 0 : i32
        %gather3A_549 = arith.constant 0 : i32
        %gather3A_550 = arith.constant 0 : i32
        %gather3A_551 = tpu.memref_slice %arg5[%gather3A_548, %gather3A_549, %gather3A_550] : memref<2x32x128xf32, #tpu.memory_space<vmem>> -> memref<1x32x128xf32, #tpu.memory_space<vmem>>
        %gather3A_552 = tpu.memref_squeeze %gather3A_551 : memref<1x32x128xf32, #tpu.memory_space<vmem>> -> memref<32x128xf32, #tpu.memory_space<vmem>>
        %gather3A_553 = tpu.vector_load_idx %gather3A_552[%add3A_115, %add3A_547] : memref<32x128xf32, #tpu.memory_space<vmem>>[vector<16xi32>, vector<16xi32>], vector<16xf32>,
        %shift_right_arithmetic3A_554 = arith.constant 7 : i32
        %shift_right_arithmetic3A_555 = vector.broadcast %shift_right_arithmetic3A_554 : i32 to vector<16xi32>
        %shift_right_arithmetic3A_556 = arith.shrsi %add3A_545, %shift_right_arithmetic3A_555 : vector<16xi32>
        %add3A_557 = vector.broadcast %shift_right_arithmetic3A_213 : i32 to vector<16xi32>
        %add3A_558 = arith.addi %shift_right_arithmetic3A_556, %add3A_557 : vector<16xi32>
        %and3A_559 = arith.constant 127 : i32
        %and3A_560 = vector.broadcast %and3A_559 : i32 to vector<16xi32>
        %and3A_561 = arith.andi %add3A_545, %and3A_560 : vector<16xi32>
        %scatter3A_562 = arith.constant 0 : i32
        %scatter3A_563 = arith.constant 0 : i32
        %scatter3A_564 = arith.constant 0 : i32
        %scatter3A_565 = tpu.memref_slice %arg6[%scatter3A_562, %scatter3A_563, %scatter3A_564] : memref<2x32x128xf32, #tpu.memory_space<vmem>> -> memref<1x32x128xf32, #tpu.memory_space<vmem>>
        %scatter3A_566 = tpu.memref_squeeze %scatter3A_565 : memref<1x32x128xf32, #tpu.memory_space<vmem>> -> memref<32x128xf32, #tpu.memory_space<vmem>>
        tpu.vector_store_idx %scatter3A_566[%add3A_480, %and3A_483], %gather3A_475 : memref<32x128xf32, #tpu.memory_space<vmem>>[vector<16xi32>, vector<16xi32>], vector<16xf32>,
        %scatter3A_567 = arith.constant 0 : i32
        %scatter3A_568 = arith.constant 0 : i32
        %scatter3A_569 = arith.constant 0 : i32
        %scatter3A_570 = tpu.memref_slice %arg6[%scatter3A_567, %scatter3A_568, %scatter3A_569] : memref<2x32x128xf32, #tpu.memory_space<vmem>> -> memref<1x32x128xf32, #tpu.memory_space<vmem>>
        %scatter3A_571 = tpu.memref_squeeze %scatter3A_570 : memref<1x32x128xf32, #tpu.memory_space<vmem>> -> memref<32x128xf32, #tpu.memory_space<vmem>>
        tpu.vector_store_idx %scatter3A_571[%add3A_506, %and3A_509], %gather3A_501 : memref<32x128xf32, #tpu.memory_space<vmem>>[vector<16xi32>, vector<16xi32>], vector<16xf32>,
        %scatter3A_572 = arith.constant 0 : i32
        %scatter3A_573 = arith.constant 0 : i32
        %scatter3A_574 = arith.constant 0 : i32
        %scatter3A_575 = tpu.memref_slice %arg6[%scatter3A_572, %scatter3A_573, %scatter3A_574] : memref<2x32x128xf32, #tpu.memory_space<vmem>> -> memref<1x32x128xf32, #tpu.memory_space<vmem>>
        %scatter3A_576 = tpu.memref_squeeze %scatter3A_575 : memref<1x32x128xf32, #tpu.memory_space<vmem>> -> memref<32x128xf32, #tpu.memory_space<vmem>>
        tpu.vector_store_idx %scatter3A_576[%add3A_532, %and3A_535], %gather3A_527 : memref<32x128xf32, #tpu.memory_space<vmem>>[vector<16xi32>, vector<16xi32>], vector<16xf32>,
        %scatter3A_577 = arith.constant 0 : i32
        %scatter3A_578 = arith.constant 0 : i32
        %scatter3A_579 = arith.constant 0 : i32
        %scatter3A_580 = tpu.memref_slice %arg6[%scatter3A_577, %scatter3A_578, %scatter3A_579] : memref<2x32x128xf32, #tpu.memory_space<vmem>> -> memref<1x32x128xf32, #tpu.memory_space<vmem>>
        %scatter3A_581 = tpu.memref_squeeze %scatter3A_580 : memref<1x32x128xf32, #tpu.memory_space<vmem>> -> memref<32x128xf32, #tpu.memory_space<vmem>>
        tpu.vector_store_idx %scatter3A_581[%add3A_558, %and3A_561], %gather3A_553 : memref<32x128xf32, #tpu.memory_space<vmem>>[vector<16xi32>, vector<16xi32>], vector<16xf32>,
        %add3A_582 = arith.constant 12 : i32
        %add3A_583 = vector.broadcast %add3A_582 : i32 to vector<16xi32>
        %add3A_584 = arith.addi %iota3A, %add3A_583 : vector<16xi32>
        %and3A_585 = arith.constant 15 : i32
        %and3A_586 = vector.broadcast %and3A_585 : i32 to vector<16xi32>
        %and3A_587 = arith.andi %add3A_584, %and3A_586 : vector<16xi32>
        %shift_left3A_588 = arith.constant 5 : i32
        %shift_left3A_589 = vector.broadcast %shift_left3A_588 : i32 to vector<16xi32>
        %shift_left3A_590 = arith.shli %and3A_587, %shift_left3A_589 : vector<16xi32>
        %add3A_591 = arith.addi %shift_left3A_590, %add3A_115 : vector<16xi32>
        %add3A_592 = vector.broadcast %add3A_212 : i32 to vector<16xi32>
        %add3A_593 = arith.addi %and3A_587, %add3A_592 : vector<16xi32>
        %gather3A_594 = arith.constant 0 : i32
        %gather3A_595 = arith.constant 0 : i32
        %gather3A_596 = arith.constant 0 : i32
        %gather3A_597 = tpu.memref_slice %arg5[%gather3A_594, %gather3A_595, %gather3A_596] : memref<2x32x128xf32, #tpu.memory_space<vmem>> -> memref<1x32x128xf32, #tpu.memory_space<vmem>>
        %gather3A_598 = tpu.memref_squeeze %gather3A_597 : memref<1x32x128xf32, #tpu.memory_space<vmem>> -> memref<32x128xf32, #tpu.memory_space<vmem>>
        %gather3A_599 = tpu.vector_load_idx %gather3A_598[%add3A_115, %add3A_593] : memref<32x128xf32, #tpu.memory_space<vmem>>[vector<16xi32>, vector<16xi32>], vector<16xf32>,
        %shift_right_arithmetic3A_600 = arith.constant 7 : i32
        %shift_right_arithmetic3A_601 = vector.broadcast %shift_right_arithmetic3A_600 : i32 to vector<16xi32>
        %shift_right_arithmetic3A_602 = arith.shrsi %add3A_591, %shift_right_arithmetic3A_601 : vector<16xi32>
        %add3A_603 = vector.broadcast %shift_right_arithmetic3A_213 : i32 to vector<16xi32>
        %add3A_604 = arith.addi %shift_right_arithmetic3A_602, %add3A_603 : vector<16xi32>
        %and3A_605 = arith.constant 127 : i32
        %and3A_606 = vector.broadcast %and3A_605 : i32 to vector<16xi32>
        %and3A_607 = arith.andi %add3A_591, %and3A_606 : vector<16xi32>
        %add3A_608 = arith.constant 13 : i32
        %add3A_609 = vector.broadcast %add3A_608 : i32 to vector<16xi32>
        %add3A_610 = arith.addi %iota3A, %add3A_609 : vector<16xi32>
        %and3A_611 = arith.constant 15 : i32
        %and3A_612 = vector.broadcast %and3A_611 : i32 to vector<16xi32>
        %and3A_613 = arith.andi %add3A_610, %and3A_612 : vector<16xi32>
        %shift_left3A_614 = arith.constant 5 : i32
        %shift_left3A_615 = vector.broadcast %shift_left3A_614 : i32 to vector<16xi32>
        %shift_left3A_616 = arith.shli %and3A_613, %shift_left3A_615 : vector<16xi32>
        %add3A_617 = arith.addi %shift_left3A_616, %add3A_115 : vector<16xi32>
        %add3A_618 = vector.broadcast %add3A_212 : i32 to vector<16xi32>
        %add3A_619 = arith.addi %and3A_613, %add3A_618 : vector<16xi32>
        %gather3A_620 = arith.constant 0 : i32
        %gather3A_621 = arith.constant 0 : i32
        %gather3A_622 = arith.constant 0 : i32
        %gather3A_623 = tpu.memref_slice %arg5[%gather3A_620, %gather3A_621, %gather3A_622] : memref<2x32x128xf32, #tpu.memory_space<vmem>> -> memref<1x32x128xf32, #tpu.memory_space<vmem>>
        %gather3A_624 = tpu.memref_squeeze %gather3A_623 : memref<1x32x128xf32, #tpu.memory_space<vmem>> -> memref<32x128xf32, #tpu.memory_space<vmem>>
        %gather3A_625 = tpu.vector_load_idx %gather3A_624[%add3A_115, %add3A_619] : memref<32x128xf32, #tpu.memory_space<vmem>>[vector<16xi32>, vector<16xi32>], vector<16xf32>,
        %shift_right_arithmetic3A_626 = arith.constant 7 : i32
        %shift_right_arithmetic3A_627 = vector.broadcast %shift_right_arithmetic3A_626 : i32 to vector<16xi32>
        %shift_right_arithmetic3A_628 = arith.shrsi %add3A_617, %shift_right_arithmetic3A_627 : vector<16xi32>
        %add3A_629 = vector.broadcast %shift_right_arithmetic3A_213 : i32 to vector<16xi32>
        %add3A_630 = arith.addi %shift_right_arithmetic3A_628, %add3A_629 : vector<16xi32>
        %and3A_631 = arith.constant 127 : i32
        %and3A_632 = vector.broadcast %and3A_631 : i32 to vector<16xi32>
        %and3A_633 = arith.andi %add3A_617, %and3A_632 : vector<16xi32>
        %add3A_634 = arith.constant 14 : i32
        %add3A_635 = vector.broadcast %add3A_634 : i32 to vector<16xi32>
        %add3A_636 = arith.addi %iota3A, %add3A_635 : vector<16xi32>
        %and3A_637 = arith.constant 15 : i32
        %and3A_638 = vector.broadcast %and3A_637 : i32 to vector<16xi32>
        %and3A_639 = arith.andi %add3A_636, %and3A_638 : vector<16xi32>
        %shift_left3A_640 = arith.constant 5 : i32
        %shift_left3A_641 = vector.broadcast %shift_left3A_640 : i32 to vector<16xi32>
        %shift_left3A_642 = arith.shli %and3A_639, %shift_left3A_641 : vector<16xi32>
        %add3A_643 = arith.addi %shift_left3A_642, %add3A_115 : vector<16xi32>
        %add3A_644 = vector.broadcast %add3A_212 : i32 to vector<16xi32>
        %add3A_645 = arith.addi %and3A_639, %add3A_644 : vector<16xi32>
        %gather3A_646 = arith.constant 0 : i32
        %gather3A_647 = arith.constant 0 : i32
        %gather3A_648 = arith.constant 0 : i32
        %gather3A_649 = tpu.memref_slice %arg5[%gather3A_646, %gather3A_647, %gather3A_648] : memref<2x32x128xf32, #tpu.memory_space<vmem>> -> memref<1x32x128xf32, #tpu.memory_space<vmem>>
        %gather3A_650 = tpu.memref_squeeze %gather3A_649 : memref<1x32x128xf32, #tpu.memory_space<vmem>> -> memref<32x128xf32, #tpu.memory_space<vmem>>
        %gather3A_651 = tpu.vector_load_idx %gather3A_650[%add3A_115, %add3A_645] : memref<32x128xf32, #tpu.memory_space<vmem>>[vector<16xi32>, vector<16xi32>], vector<16xf32>,
        %shift_right_arithmetic3A_652 = arith.constant 7 : i32
        %shift_right_arithmetic3A_653 = vector.broadcast %shift_right_arithmetic3A_652 : i32 to vector<16xi32>
        %shift_right_arithmetic3A_654 = arith.shrsi %add3A_643, %shift_right_arithmetic3A_653 : vector<16xi32>
        %add3A_655 = vector.broadcast %shift_right_arithmetic3A_213 : i32 to vector<16xi32>
        %add3A_656 = arith.addi %shift_right_arithmetic3A_654, %add3A_655 : vector<16xi32>
        %and3A_657 = arith.constant 127 : i32
        %and3A_658 = vector.broadcast %and3A_657 : i32 to vector<16xi32>
        %and3A_659 = arith.andi %add3A_643, %and3A_658 : vector<16xi32>
        %add3A_660 = arith.constant 15 : i32
        %add3A_661 = vector.broadcast %add3A_660 : i32 to vector<16xi32>
        %add3A_662 = arith.addi %iota3A, %add3A_661 : vector<16xi32>
        %and3A_663 = arith.constant 15 : i32
        %and3A_664 = vector.broadcast %and3A_663 : i32 to vector<16xi32>
        %and3A_665 = arith.andi %add3A_662, %and3A_664 : vector<16xi32>
        %shift_left3A_666 = arith.constant 5 : i32
        %shift_left3A_667 = vector.broadcast %shift_left3A_666 : i32 to vector<16xi32>
        %shift_left3A_668 = arith.shli %and3A_665, %shift_left3A_667 : vector<16xi32>
        %add3A_669 = arith.addi %shift_left3A_668, %add3A_115 : vector<16xi32>
        %add3A_670 = vector.broadcast %add3A_212 : i32 to vector<16xi32>
        %add3A_671 = arith.addi %and3A_665, %add3A_670 : vector<16xi32>
        %gather3A_672 = arith.constant 0 : i32
        %gather3A_673 = arith.constant 0 : i32
        %gather3A_674 = arith.constant 0 : i32
        %gather3A_675 = tpu.memref_slice %arg5[%gather3A_672, %gather3A_673, %gather3A_674] : memref<2x32x128xf32, #tpu.memory_space<vmem>> -> memref<1x32x128xf32, #tpu.memory_space<vmem>>
        %gather3A_676 = tpu.memref_squeeze %gather3A_675 : memref<1x32x128xf32, #tpu.memory_space<vmem>> -> memref<32x128xf32, #tpu.memory_space<vmem>>
        %gather3A_677 = tpu.vector_load_idx %gather3A_676[%add3A_115, %add3A_671] : memref<32x128xf32, #tpu.memory_space<vmem>>[vector<16xi32>, vector<16xi32>], vector<16xf32>,
        %shift_right_arithmetic3A_678 = arith.constant 7 : i32
        %shift_right_arithmetic3A_679 = vector.broadcast %shift_right_arithmetic3A_678 : i32 to vector<16xi32>
        %shift_right_arithmetic3A_680 = arith.shrsi %add3A_669, %shift_right_arithmetic3A_679 : vector<16xi32>
        %add3A_681 = vector.broadcast %shift_right_arithmetic3A_213 : i32 to vector<16xi32>
        %add3A_682 = arith.addi %shift_right_arithmetic3A_680, %add3A_681 : vector<16xi32>
        %and3A_683 = arith.constant 127 : i32
        %and3A_684 = vector.broadcast %and3A_683 : i32 to vector<16xi32>
        %and3A_685 = arith.andi %add3A_669, %and3A_684 : vector<16xi32>
        %scatter3A_686 = arith.constant 0 : i32
        %scatter3A_687 = arith.constant 0 : i32
        %scatter3A_688 = arith.constant 0 : i32
        %scatter3A_689 = tpu.memref_slice %arg6[%scatter3A_686, %scatter3A_687, %scatter3A_688] : memref<2x32x128xf32, #tpu.memory_space<vmem>> -> memref<1x32x128xf32, #tpu.memory_space<vmem>>
        %scatter3A_690 = tpu.memref_squeeze %scatter3A_689 : memref<1x32x128xf32, #tpu.memory_space<vmem>> -> memref<32x128xf32, #tpu.memory_space<vmem>>
        tpu.vector_store_idx %scatter3A_690[%add3A_604, %and3A_607], %gather3A_599 : memref<32x128xf32, #tpu.memory_space<vmem>>[vector<16xi32>, vector<16xi32>], vector<16xf32>,
        %scatter3A_691 = arith.constant 0 : i32
        %scatter3A_692 = arith.constant 0 : i32
        %scatter3A_693 = arith.constant 0 : i32
        %scatter3A_694 = tpu.memref_slice %arg6[%scatter3A_691, %scatter3A_692, %scatter3A_693] : memref<2x32x128xf32, #tpu.memory_space<vmem>> -> memref<1x32x128xf32, #tpu.memory_space<vmem>>
        %scatter3A_695 = tpu.memref_squeeze %scatter3A_694 : memref<1x32x128xf32, #tpu.memory_space<vmem>> -> memref<32x128xf32, #tpu.memory_space<vmem>>
        tpu.vector_store_idx %scatter3A_695[%add3A_630, %and3A_633], %gather3A_625 : memref<32x128xf32, #tpu.memory_space<vmem>>[vector<16xi32>, vector<16xi32>], vector<16xf32>,
        %scatter3A_696 = arith.constant 0 : i32
        %scatter3A_697 = arith.constant 0 : i32
        %scatter3A_698 = arith.constant 0 : i32
        %scatter3A_699 = tpu.memref_slice %arg6[%scatter3A_696, %scatter3A_697, %scatter3A_698] : memref<2x32x128xf32, #tpu.memory_space<vmem>> -> memref<1x32x128xf32, #tpu.memory_space<vmem>>
        %scatter3A_700 = tpu.memref_squeeze %scatter3A_699 : memref<1x32x128xf32, #tpu.memory_space<vmem>> -> memref<32x128xf32, #tpu.memory_space<vmem>>
        tpu.vector_store_idx %scatter3A_700[%add3A_656, %and3A_659], %gather3A_651 : memref<32x128xf32, #tpu.memory_space<vmem>>[vector<16xi32>, vector<16xi32>], vector<16xf32>,
        %scatter3A_701 = arith.constant 0 : i32
        %scatter3A_702 = arith.constant 0 : i32
        %scatter3A_703 = arith.constant 0 : i32
        %scatter3A_704 = tpu.memref_slice %arg6[%scatter3A_701, %scatter3A_702, %scatter3A_703] : memref<2x32x128xf32, #tpu.memory_space<vmem>> -> memref<1x32x128xf32, #tpu.memory_space<vmem>>
        %scatter3A_705 = tpu.memref_squeeze %scatter3A_704 : memref<1x32x128xf32, #tpu.memory_space<vmem>> -> memref<32x128xf32, #tpu.memory_space<vmem>>
        tpu.vector_store_idx %scatter3A_705[%add3A_682, %and3A_685], %gather3A_677 : memref<32x128xf32, #tpu.memory_space<vmem>>[vector<16xi32>, vector<16xi32>], vector<16xf32>,
      }
      %scan3A_120 = arith.constant 8 : i32
      %mul3A_121 = arith.constant 32 : i32
      %mul3A_122 = arith.muli %mul3A_121, %min3A_76 : i32
      %dma_start3A_123 = arith.constant 0 : i32
      %dma_start3A_124 = arith.constant 2 : i32
      %dma_start3A_125 = arith.constant 0 : i32
      %dma_start3A_126 = arith.constant 0 : i32
      %dma_start3A_127 = tpu.memref_slice %arg6[%dma_start3A_123, %dma_start3A_125, %dma_start3A_126] : memref<2x32x128xf32, #tpu.memory_space<vmem>> -> memref<1x32x128xf32, #tpu.memory_space<vmem>>
      %dma_start3A_128 = tpu.memref_squeeze %dma_start3A_127 : memref<1x32x128xf32, #tpu.memory_space<vmem>> -> memref<32x128xf32, #tpu.memory_space<vmem>>
      %dma_start3A_129 = arith.constant 0 : i32
      %dma_start3A_130 = tpu.memref_slice %arg4[%mul3A_122, %dma_start3A_129] : memref<250000x128xf32, #tpu.memory_space<hbm>> -> memref<32x128xf32, #tpu.memory_space<hbm>>
      %dma_start3A_131 = tpu.memref_slice %arg8[%dma_start3A_124] : memref<4x!tpu.dma_semaphore, #tpu.memory_space<semaphore_mem>> -> memref<1x!tpu.dma_semaphore, #tpu.memory_space<semaphore_mem>>
      %dma_start3A_132 = tpu.memref_squeeze %dma_start3A_131 : memref<1x!tpu.dma_semaphore, #tpu.memory_space<semaphore_mem>> -> memref<!tpu.dma_semaphore, #tpu.memory_space<semaphore_mem>>
      %dma_start3A_133 = arith.constant 0 : i32
      %dma_start3A_134 = tpu.memref_slice %arg4[%mul3A_122, %dma_start3A_133] : memref<250000x128xf32, #tpu.memory_space<hbm>> -> memref<32x128xf32, #tpu.memory_space<hbm>>
      %dma_start3A_135 = arith.constant 0 : i32
      %dma_start3A_136 = arith.constant 0 : i32
      %dma_start3A_137 = tpu.memref_slice %arg6[%dma_start3A_123, %dma_start3A_135, %dma_start3A_136] : memref<2x32x128xf32, #tpu.memory_space<vmem>> -> memref<1x32x128xf32, #tpu.memory_space<vmem>>
      %dma_start3A_138 = tpu.memref_squeeze %dma_start3A_137 : memref<1x32x128xf32, #tpu.memory_space<vmem>> -> memref<32x128xf32, #tpu.memory_space<vmem>>
      tpu.enqueue_dma source(%dma_start3A_138 : memref<32x128xf32, #tpu.memory_space<vmem>>) target(%dma_start3A_134 : memref<32x128xf32, #tpu.memory_space<hbm>>) target_semaphore(%dma_start3A_132 : memref<!tpu.dma_semaphore, #tpu.memory_space<semaphore_mem>>)
      %add3A_139 = arith.constant 1 : i32
      %add3A_140 = arith.addi %add3A_71, %add3A_139 : i32
      %add3A_141 = arith.addi %add3A_4, %add3A_140 : i32
      %min3A_142 = arith.constant 7811 : i32
      %min3A_143 = arith.minsi %add3A_141, %min3A_142 : i32
      %add3A_144 = arith.constant 1 : i32
      %add3A_145 = arith.addi %add3A_140, %add3A_144 : i32
      %lt3A_146 = arith.constant 246 : i32
      %lt3A_147 = arith.cmpi slt, %add3A_145, %lt3A_146 : i32
      %convert_element_type3A_148 = arith.extui %lt3A_147 : i1 to i32
      %cond3A_149 = arith.constant 0 : i32
      %cond3A_150 = arith.cmpi ne, %convert_element_type3A_148, %cond3A_149 : i32
      scf.if %cond3A_150 {
        %add3A_208 = arith.constant 1 : i32
        %add3A_209 = arith.addi %add3A_140, %add3A_208 : i32
        %add3A_210 = arith.addi %add3A_4, %add3A_209 : i32
        %min3A_211 = arith.constant 7811 : i32
        %min3A_212 = arith.minsi %add3A_210, %min3A_211 : i32
        %mul3A_213 = arith.constant 128 : i32
        %mul3A_214 = arith.muli %mul3A_213, %min3A_212 : i32
        %dma_start3A_215 = arith.constant 0 : i32
        %dma_start3A_216 = arith.constant 0 : i32
        %dma_start3A_217 = arith.constant 0 : i32
        %dma_start3A_218 = arith.constant 0 : i32
        %dma_start3A_219 = tpu.memref_slice %arg5[%dma_start3A_215, %dma_start3A_217, %dma_start3A_218] : memref<2x32x128xf32, #tpu.memory_space<vmem>> -> memref<1x32x128xf32, #tpu.memory_space<vmem>>
        %dma_start3A_220 = tpu.memref_squeeze %dma_start3A_219 : memref<1x32x128xf32, #tpu.memory_space<vmem>> -> memref<32x128xf32, #tpu.memory_space<vmem>>
        %dma_start3A_221 = arith.constant 0 : i32
        %dma_start3A_222 = tpu.memref_slice %arg2[%dma_start3A_221, %mul3A_214] : memref<32x1000000xf32, #tpu.memory_space<hbm>> -> memref<32x128xf32, #tpu.memory_space<hbm>>
        %dma_start3A_223 = tpu.memref_slice %arg8[%dma_start3A_216] : memref<4x!tpu.dma_semaphore, #tpu.memory_space<semaphore_mem>> -> memref<1x!tpu.dma_semaphore, #tpu.memory_space<semaphore_mem>>
        %dma_start3A_224 = tpu.memref_squeeze %dma_start3A_223 : memref<1x!tpu.dma_semaphore, #tpu.memory_space<semaphore_mem>> -> memref<!tpu.dma_semaphore, #tpu.memory_space<semaphore_mem>>
        %dma_start3A_225 = arith.constant 0 : i32
        %dma_start3A_226 = arith.constant 0 : i32
        %dma_start3A_227 = tpu.memref_slice %arg5[%dma_start3A_215, %dma_start3A_225, %dma_start3A_226] : memref<2x32x128xf32, #tpu.memory_space<vmem>> -> memref<1x32x128xf32, #tpu.memory_space<vmem>>
        %dma_start3A_228 = tpu.memref_squeeze %dma_start3A_227 : memref<1x32x128xf32, #tpu.memory_space<vmem>> -> memref<32x128xf32, #tpu.memory_space<vmem>>
        %dma_start3A_229 = arith.constant 0 : i32
        %dma_start3A_230 = tpu.memref_slice %arg2[%dma_start3A_229, %mul3A_214] : memref<32x1000000xf32, #tpu.memory_space<hbm>> -> memref<32x128xf32, #tpu.memory_space<hbm>>
        tpu.enqueue_dma source(%dma_start3A_230 : memref<32x128xf32, #tpu.memory_space<hbm>>) target(%dma_start3A_228 : memref<32x128xf32, #tpu.memory_space<vmem>>) target_semaphore(%dma_start3A_224 : memref<!tpu.dma_semaphore, #tpu.memory_space<semaphore_mem>>)
      } else {
      }
      %dma_wait3A_151 = arith.constant 1 : i32
      %dma_wait3A_152 = arith.constant 1 : i32
      %dma_wait3A_153 = arith.constant 0 : i32
      %dma_wait3A_154 = arith.constant 0 : i32
      %dma_wait3A_155 = tpu.memref_slice %arg5[%dma_wait3A_151, %dma_wait3A_153, %dma_wait3A_154] : memref<2x32x128xf32, #tpu.memory_space<vmem>> -> memref<1x32x128xf32, #tpu.memory_space<vmem>>
      %dma_wait3A_156 = tpu.memref_squeeze %dma_wait3A_155 : memref<1x32x128xf32, #tpu.memory_space<vmem>> -> memref<32x128xf32, #tpu.memory_space<vmem>>
      %dma_wait3A_157 = arith.constant 0 : i32
      %dma_wait3A_158 = arith.constant 0 : i32
      %dma_wait3A_159 = tpu.memref_slice %arg2[%dma_wait3A_157, %dma_wait3A_158] : memref<32x1000000xf32, #tpu.memory_space<hbm>> -> memref<32x128xf32, #tpu.memory_space<hbm>>
      %dma_wait3A_160 = tpu.memref_slice %arg8[%dma_wait3A_152] : memref<4x!tpu.dma_semaphore, #tpu.memory_space<semaphore_mem>> -> memref<1x!tpu.dma_semaphore, #tpu.memory_space<semaphore_mem>>
      %dma_wait3A_161 = tpu.memref_squeeze %dma_wait3A_160 : memref<1x!tpu.dma_semaphore, #tpu.memory_space<semaphore_mem>> -> memref<!tpu.dma_semaphore, #tpu.memory_space<semaphore_mem>>
      %dma_wait3A_162 = arith.constant 0 : i32
      %dma_wait3A_163 = arith.constant 0 : i32
      %dma_wait3A_164 = tpu.memref_slice %arg5[%dma_wait3A_151, %dma_wait3A_162, %dma_wait3A_163] : memref<2x32x128xf32, #tpu.memory_space<vmem>> -> memref<1x32x128xf32, #tpu.memory_space<vmem>>
      %dma_wait3A_165 = tpu.memref_squeeze %dma_wait3A_164 : memref<1x32x128xf32, #tpu.memory_space<vmem>> -> memref<32x128xf32, #tpu.memory_space<vmem>>
      %dma_wait3A_166 = arith.constant 0 : i32
      %dma_wait3A_167 = arith.constant 0 : i32
      %dma_wait3A_168 = tpu.memref_slice %arg2[%dma_wait3A_166, %dma_wait3A_167] : memref<32x1000000xf32, #tpu.memory_space<hbm>> -> memref<32x128xf32, #tpu.memory_space<hbm>>
      tpu.wait_dma2 semaphore(%dma_wait3A_161 : memref<!tpu.dma_semaphore, #tpu.memory_space<semaphore_mem>>) src(%dma_wait3A_168 : memref<32x128xf32, #tpu.memory_space<hbm>>) dst(%dma_wait3A_165 : memref<32x128xf32, #tpu.memory_space<vmem>>)
      %ge3A_169 = arith.constant 2 : i32
      %ge3A_170 = arith.cmpi sge, %add3A_140, %ge3A_169 : i32
      %convert_element_type3A_171 = arith.extui %ge3A_170 : i1 to i32
      %cond3A_172 = arith.constant 0 : i32
      %cond3A_173 = arith.cmpi ne, %convert_element_type3A_171, %cond3A_172 : i32
      scf.if %cond3A_173 {
        %dma_wait3A_208 = arith.constant 1 : i32
        %dma_wait3A_209 = arith.constant 3 : i32
        %dma_wait3A_210 = arith.constant 0 : i32
        %dma_wait3A_211 = arith.constant 0 : i32
        %dma_wait3A_212 = tpu.memref_slice %arg6[%dma_wait3A_208, %dma_wait3A_210, %dma_wait3A_211] : memref<2x32x128xf32, #tpu.memory_space<vmem>> -> memref<1x32x128xf32, #tpu.memory_space<vmem>>
        %dma_wait3A_213 = tpu.memref_squeeze %dma_wait3A_212 : memref<1x32x128xf32, #tpu.memory_space<vmem>> -> memref<32x128xf32, #tpu.memory_space<vmem>>
        %dma_wait3A_214 = arith.constant 0 : i32
        %dma_wait3A_215 = arith.constant 0 : i32
        %dma_wait3A_216 = tpu.memref_slice %arg4[%dma_wait3A_214, %dma_wait3A_215] : memref<250000x128xf32, #tpu.memory_space<hbm>> -> memref<32x128xf32, #tpu.memory_space<hbm>>
        %dma_wait3A_217 = tpu.memref_slice %arg8[%dma_wait3A_209] : memref<4x!tpu.dma_semaphore, #tpu.memory_space<semaphore_mem>> -> memref<1x!tpu.dma_semaphore, #tpu.memory_space<semaphore_mem>>
        %dma_wait3A_218 = tpu.memref_squeeze %dma_wait3A_217 : memref<1x!tpu.dma_semaphore, #tpu.memory_space<semaphore_mem>> -> memref<!tpu.dma_semaphore, #tpu.memory_space<semaphore_mem>>
        %dma_wait3A_219 = arith.constant 0 : i32
        %dma_wait3A_220 = arith.constant 0 : i32
        %dma_wait3A_221 = tpu.memref_slice %arg4[%dma_wait3A_219, %dma_wait3A_220] : memref<250000x128xf32, #tpu.memory_space<hbm>> -> memref<32x128xf32, #tpu.memory_space<hbm>>
        %dma_wait3A_222 = arith.constant 0 : i32
        %dma_wait3A_223 = arith.constant 0 : i32
        %dma_wait3A_224 = tpu.memref_slice %arg6[%dma_wait3A_208, %dma_wait3A_222, %dma_wait3A_223] : memref<2x32x128xf32, #tpu.memory_space<vmem>> -> memref<1x32x128xf32, #tpu.memory_space<vmem>>
        %dma_wait3A_225 = tpu.memref_squeeze %dma_wait3A_224 : memref<1x32x128xf32, #tpu.memory_space<vmem>> -> memref<32x128xf32, #tpu.memory_space<vmem>>
        tpu.wait_dma2 semaphore(%dma_wait3A_218 : memref<!tpu.dma_semaphore, #tpu.memory_space<semaphore_mem>>) src(%dma_wait3A_225 : memref<32x128xf32, #tpu.memory_space<vmem>>) dst(%dma_wait3A_221 : memref<32x128xf32, #tpu.memory_space<hbm>>)
      } else {
      }
      %add3A_174 = arith.constant 0 : i32
      %add3A_175 = vector.broadcast %add3A_174 : i32 to vector<16xi32>
      %add3A_176 = arith.addi %iota3A, %add3A_175 : vector<16xi32>
      %scan3A_177 = arith.constant 0 : i32
      %scan3A_178 = arith.constant 8 : i32
      %scan3A_179 = arith.addi %scan3A_177, %scan3A_178 : i32
      %scan3A_180 = arith.constant 1 : i32
      scf.for %scan3A_208 = %scan3A_177 to %scan3A_179 step %scan3A_180  : i32 {
        %mul3A_209 = arith.constant 16 : i32
        %mul3A_210 = arith.muli %scan3A_208, %mul3A_209 : i32
        %add3A_211 = arith.constant 0 : i32
        %add3A_212 = arith.addi %add3A_211, %mul3A_210 : i32
        %shift_right_arithmetic3A = arith.constant 2 : i32
        %shift_right_arithmetic3A_213 = arith.shrsi %add3A_212, %shift_right_arithmetic3A : i32
        %add3A_214 = arith.constant 0 : i32
        %add3A_215 = vector.broadcast %add3A_214 : i32 to vector<16xi32>
        %add3A_216 = arith.addi %iota3A, %add3A_215 : vector<16xi32>
        %and3A = arith.constant 15 : i32
        %and3A_217 = vector.broadcast %and3A : i32 to vector<16xi32>
        %and3A_218 = arith.andi %add3A_216, %and3A_217 : vector<16xi32>
        %shift_left3A = arith.constant 5 : i32
        %shift_left3A_219 = vector.broadcast %shift_left3A : i32 to vector<16xi32>
        %shift_left3A_220 = arith.shli %and3A_218, %shift_left3A_219 : vector<16xi32>
        %add3A_221 = arith.addi %shift_left3A_220, %add3A_176 : vector<16xi32>
        %add3A_222 = vector.broadcast %add3A_212 : i32 to vector<16xi32>
        %add3A_223 = arith.addi %and3A_218, %add3A_222 : vector<16xi32>
        %gather3A = arith.constant 1 : i32
        %gather3A_224 = arith.constant 0 : i32
        %gather3A_225 = arith.constant 0 : i32
        %gather3A_226 = tpu.memref_slice %arg5[%gather3A, %gather3A_224, %gather3A_225] : memref<2x32x128xf32, #tpu.memory_space<vmem>> -> memref<1x32x128xf32, #tpu.memory_space<vmem>>
        %gather3A_227 = tpu.memref_squeeze %gather3A_226 : memref<1x32x128xf32, #tpu.memory_space<vmem>> -> memref<32x128xf32, #tpu.memory_space<vmem>>
        %gather3A_228 = tpu.vector_load_idx %gather3A_227[%add3A_176, %add3A_223] : memref<32x128xf32, #tpu.memory_space<vmem>>[vector<16xi32>, vector<16xi32>], vector<16xf32>,
        %shift_right_arithmetic3A_229 = arith.constant 7 : i32
        %shift_right_arithmetic3A_230 = vector.broadcast %shift_right_arithmetic3A_229 : i32 to vector<16xi32>
        %shift_right_arithmetic3A_231 = arith.shrsi %add3A_221, %shift_right_arithmetic3A_230 : vector<16xi32>
        %add3A_232 = vector.broadcast %shift_right_arithmetic3A_213 : i32 to vector<16xi32>
        %add3A_233 = arith.addi %shift_right_arithmetic3A_231, %add3A_232 : vector<16xi32>
        %and3A_234 = arith.constant 127 : i32
        %and3A_235 = vector.broadcast %and3A_234 : i32 to vector<16xi32>
        %and3A_236 = arith.andi %add3A_221, %and3A_235 : vector<16xi32>
        %add3A_237 = arith.constant 1 : i32
        %add3A_238 = vector.broadcast %add3A_237 : i32 to vector<16xi32>
        %add3A_239 = arith.addi %iota3A, %add3A_238 : vector<16xi32>
        %and3A_240 = arith.constant 15 : i32
        %and3A_241 = vector.broadcast %and3A_240 : i32 to vector<16xi32>
        %and3A_242 = arith.andi %add3A_239, %and3A_241 : vector<16xi32>
        %shift_left3A_243 = arith.constant 5 : i32
        %shift_left3A_244 = vector.broadcast %shift_left3A_243 : i32 to vector<16xi32>
        %shift_left3A_245 = arith.shli %and3A_242, %shift_left3A_244 : vector<16xi32>
        %add3A_246 = arith.addi %shift_left3A_245, %add3A_176 : vector<16xi32>
        %add3A_247 = vector.broadcast %add3A_212 : i32 to vector<16xi32>
        %add3A_248 = arith.addi %and3A_242, %add3A_247 : vector<16xi32>
        %gather3A_249 = arith.constant 1 : i32
        %gather3A_250 = arith.constant 0 : i32
        %gather3A_251 = arith.constant 0 : i32
        %gather3A_252 = tpu.memref_slice %arg5[%gather3A_249, %gather3A_250, %gather3A_251] : memref<2x32x128xf32, #tpu.memory_space<vmem>> -> memref<1x32x128xf32, #tpu.memory_space<vmem>>
        %gather3A_253 = tpu.memref_squeeze %gather3A_252 : memref<1x32x128xf32, #tpu.memory_space<vmem>> -> memref<32x128xf32, #tpu.memory_space<vmem>>
        %gather3A_254 = tpu.vector_load_idx %gather3A_253[%add3A_176, %add3A_248] : memref<32x128xf32, #tpu.memory_space<vmem>>[vector<16xi32>, vector<16xi32>], vector<16xf32>,
        %shift_right_arithmetic3A_255 = arith.constant 7 : i32
        %shift_right_arithmetic3A_256 = vector.broadcast %shift_right_arithmetic3A_255 : i32 to vector<16xi32>
        %shift_right_arithmetic3A_257 = arith.shrsi %add3A_246, %shift_right_arithmetic3A_256 : vector<16xi32>
        %add3A_258 = vector.broadcast %shift_right_arithmetic3A_213 : i32 to vector<16xi32>
        %add3A_259 = arith.addi %shift_right_arithmetic3A_257, %add3A_258 : vector<16xi32>
        %and3A_260 = arith.constant 127 : i32
        %and3A_261 = vector.broadcast %and3A_260 : i32 to vector<16xi32>
        %and3A_262 = arith.andi %add3A_246, %and3A_261 : vector<16xi32>
        %add3A_263 = arith.constant 2 : i32
        %add3A_264 = vector.broadcast %add3A_263 : i32 to vector<16xi32>
        %add3A_265 = arith.addi %iota3A, %add3A_264 : vector<16xi32>
        %and3A_266 = arith.constant 15 : i32
        %and3A_267 = vector.broadcast %and3A_266 : i32 to vector<16xi32>
        %and3A_268 = arith.andi %add3A_265, %and3A_267 : vector<16xi32>
        %shift_left3A_269 = arith.constant 5 : i32
        %shift_left3A_270 = vector.broadcast %shift_left3A_269 : i32 to vector<16xi32>
        %shift_left3A_271 = arith.shli %and3A_268, %shift_left3A_270 : vector<16xi32>
        %add3A_272 = arith.addi %shift_left3A_271, %add3A_176 : vector<16xi32>
        %add3A_273 = vector.broadcast %add3A_212 : i32 to vector<16xi32>
        %add3A_274 = arith.addi %and3A_268, %add3A_273 : vector<16xi32>
        %gather3A_275 = arith.constant 1 : i32
        %gather3A_276 = arith.constant 0 : i32
        %gather3A_277 = arith.constant 0 : i32
        %gather3A_278 = tpu.memref_slice %arg5[%gather3A_275, %gather3A_276, %gather3A_277] : memref<2x32x128xf32, #tpu.memory_space<vmem>> -> memref<1x32x128xf32, #tpu.memory_space<vmem>>
        %gather3A_279 = tpu.memref_squeeze %gather3A_278 : memref<1x32x128xf32, #tpu.memory_space<vmem>> -> memref<32x128xf32, #tpu.memory_space<vmem>>
        %gather3A_280 = tpu.vector_load_idx %gather3A_279[%add3A_176, %add3A_274] : memref<32x128xf32, #tpu.memory_space<vmem>>[vector<16xi32>, vector<16xi32>], vector<16xf32>,
        %shift_right_arithmetic3A_281 = arith.constant 7 : i32
        %shift_right_arithmetic3A_282 = vector.broadcast %shift_right_arithmetic3A_281 : i32 to vector<16xi32>
        %shift_right_arithmetic3A_283 = arith.shrsi %add3A_272, %shift_right_arithmetic3A_282 : vector<16xi32>
        %add3A_284 = vector.broadcast %shift_right_arithmetic3A_213 : i32 to vector<16xi32>
        %add3A_285 = arith.addi %shift_right_arithmetic3A_283, %add3A_284 : vector<16xi32>
        %and3A_286 = arith.constant 127 : i32
        %and3A_287 = vector.broadcast %and3A_286 : i32 to vector<16xi32>
        %and3A_288 = arith.andi %add3A_272, %and3A_287 : vector<16xi32>
        %add3A_289 = arith.constant 3 : i32
        %add3A_290 = vector.broadcast %add3A_289 : i32 to vector<16xi32>
        %add3A_291 = arith.addi %iota3A, %add3A_290 : vector<16xi32>
        %and3A_292 = arith.constant 15 : i32
        %and3A_293 = vector.broadcast %and3A_292 : i32 to vector<16xi32>
        %and3A_294 = arith.andi %add3A_291, %and3A_293 : vector<16xi32>
        %shift_left3A_295 = arith.constant 5 : i32
        %shift_left3A_296 = vector.broadcast %shift_left3A_295 : i32 to vector<16xi32>
        %shift_left3A_297 = arith.shli %and3A_294, %shift_left3A_296 : vector<16xi32>
        %add3A_298 = arith.addi %shift_left3A_297, %add3A_176 : vector<16xi32>
        %add3A_299 = vector.broadcast %add3A_212 : i32 to vector<16xi32>
        %add3A_300 = arith.addi %and3A_294, %add3A_299 : vector<16xi32>
        %gather3A_301 = arith.constant 1 : i32
        %gather3A_302 = arith.constant 0 : i32
        %gather3A_303 = arith.constant 0 : i32
        %gather3A_304 = tpu.memref_slice %arg5[%gather3A_301, %gather3A_302, %gather3A_303] : memref<2x32x128xf32, #tpu.memory_space<vmem>> -> memref<1x32x128xf32, #tpu.memory_space<vmem>>
        %gather3A_305 = tpu.memref_squeeze %gather3A_304 : memref<1x32x128xf32, #tpu.memory_space<vmem>> -> memref<32x128xf32, #tpu.memory_space<vmem>>
        %gather3A_306 = tpu.vector_load_idx %gather3A_305[%add3A_176, %add3A_300] : memref<32x128xf32, #tpu.memory_space<vmem>>[vector<16xi32>, vector<16xi32>], vector<16xf32>,
        %shift_right_arithmetic3A_307 = arith.constant 7 : i32
        %shift_right_arithmetic3A_308 = vector.broadcast %shift_right_arithmetic3A_307 : i32 to vector<16xi32>
        %shift_right_arithmetic3A_309 = arith.shrsi %add3A_298, %shift_right_arithmetic3A_308 : vector<16xi32>
        %add3A_310 = vector.broadcast %shift_right_arithmetic3A_213 : i32 to vector<16xi32>
        %add3A_311 = arith.addi %shift_right_arithmetic3A_309, %add3A_310 : vector<16xi32>
        %and3A_312 = arith.constant 127 : i32
        %and3A_313 = vector.broadcast %and3A_312 : i32 to vector<16xi32>
        %and3A_314 = arith.andi %add3A_298, %and3A_313 : vector<16xi32>
        %scatter3A = arith.constant 1 : i32
        %scatter3A_315 = arith.constant 0 : i32
        %scatter3A_316 = arith.constant 0 : i32
        %scatter3A_317 = tpu.memref_slice %arg6[%scatter3A, %scatter3A_315, %scatter3A_316] : memref<2x32x128xf32, #tpu.memory_space<vmem>> -> memref<1x32x128xf32, #tpu.memory_space<vmem>>
        %scatter3A_318 = tpu.memref_squeeze %scatter3A_317 : memref<1x32x128xf32, #tpu.memory_space<vmem>> -> memref<32x128xf32, #tpu.memory_space<vmem>>
        tpu.vector_store_idx %scatter3A_318[%add3A_233, %and3A_236], %gather3A_228 : memref<32x128xf32, #tpu.memory_space<vmem>>[vector<16xi32>, vector<16xi32>], vector<16xf32>,
        %scatter3A_319 = arith.constant 1 : i32
        %scatter3A_320 = arith.constant 0 : i32
        %scatter3A_321 = arith.constant 0 : i32
        %scatter3A_322 = tpu.memref_slice %arg6[%scatter3A_319, %scatter3A_320, %scatter3A_321] : memref<2x32x128xf32, #tpu.memory_space<vmem>> -> memref<1x32x128xf32, #tpu.memory_space<vmem>>
        %scatter3A_323 = tpu.memref_squeeze %scatter3A_322 : memref<1x32x128xf32, #tpu.memory_space<vmem>> -> memref<32x128xf32, #tpu.memory_space<vmem>>
        tpu.vector_store_idx %scatter3A_323[%add3A_259, %and3A_262], %gather3A_254 : memref<32x128xf32, #tpu.memory_space<vmem>>[vector<16xi32>, vector<16xi32>], vector<16xf32>,
        %scatter3A_324 = arith.constant 1 : i32
        %scatter3A_325 = arith.constant 0 : i32
        %scatter3A_326 = arith.constant 0 : i32
        %scatter3A_327 = tpu.memref_slice %arg6[%scatter3A_324, %scatter3A_325, %scatter3A_326] : memref<2x32x128xf32, #tpu.memory_space<vmem>> -> memref<1x32x128xf32, #tpu.memory_space<vmem>>
        %scatter3A_328 = tpu.memref_squeeze %scatter3A_327 : memref<1x32x128xf32, #tpu.memory_space<vmem>> -> memref<32x128xf32, #tpu.memory_space<vmem>>
        tpu.vector_store_idx %scatter3A_328[%add3A_285, %and3A_288], %gather3A_280 : memref<32x128xf32, #tpu.memory_space<vmem>>[vector<16xi32>, vector<16xi32>], vector<16xf32>,
        %scatter3A_329 = arith.constant 1 : i32
        %scatter3A_330 = arith.constant 0 : i32
        %scatter3A_331 = arith.constant 0 : i32
        %scatter3A_332 = tpu.memref_slice %arg6[%scatter3A_329, %scatter3A_330, %scatter3A_331] : memref<2x32x128xf32, #tpu.memory_space<vmem>> -> memref<1x32x128xf32, #tpu.memory_space<vmem>>
        %scatter3A_333 = tpu.memref_squeeze %scatter3A_332 : memref<1x32x128xf32, #tpu.memory_space<vmem>> -> memref<32x128xf32, #tpu.memory_space<vmem>>
        tpu.vector_store_idx %scatter3A_333[%add3A_311, %and3A_314], %gather3A_306 : memref<32x128xf32, #tpu.memory_space<vmem>>[vector<16xi32>, vector<16xi32>], vector<16xf32>,
        %add3A_334 = arith.constant 4 : i32
        %add3A_335 = vector.broadcast %add3A_334 : i32 to vector<16xi32>
        %add3A_336 = arith.addi %iota3A, %add3A_335 : vector<16xi32>
        %and3A_337 = arith.constant 15 : i32
        %and3A_338 = vector.broadcast %and3A_337 : i32 to vector<16xi32>
        %and3A_339 = arith.andi %add3A_336, %and3A_338 : vector<16xi32>
        %shift_left3A_340 = arith.constant 5 : i32
        %shift_left3A_341 = vector.broadcast %shift_left3A_340 : i32 to vector<16xi32>
        %shift_left3A_342 = arith.shli %and3A_339, %shift_left3A_341 : vector<16xi32>
        %add3A_343 = arith.addi %shift_left3A_342, %add3A_176 : vector<16xi32>
        %add3A_344 = vector.broadcast %add3A_212 : i32 to vector<16xi32>
        %add3A_345 = arith.addi %and3A_339, %add3A_344 : vector<16xi32>
        %gather3A_346 = arith.constant 1 : i32
        %gather3A_347 = arith.constant 0 : i32
        %gather3A_348 = arith.constant 0 : i32
        %gather3A_349 = tpu.memref_slice %arg5[%gather3A_346, %gather3A_347, %gather3A_348] : memref<2x32x128xf32, #tpu.memory_space<vmem>> -> memref<1x32x128xf32, #tpu.memory_space<vmem>>
        %gather3A_350 = tpu.memref_squeeze %gather3A_349 : memref<1x32x128xf32, #tpu.memory_space<vmem>> -> memref<32x128xf32, #tpu.memory_space<vmem>>
        %gather3A_351 = tpu.vector_load_idx %gather3A_350[%add3A_176, %add3A_345] : memref<32x128xf32, #tpu.memory_space<vmem>>[vector<16xi32>, vector<16xi32>], vector<16xf32>,
        %shift_right_arithmetic3A_352 = arith.constant 7 : i32
        %shift_right_arithmetic3A_353 = vector.broadcast %shift_right_arithmetic3A_352 : i32 to vector<16xi32>
        %shift_right_arithmetic3A_354 = arith.shrsi %add3A_343, %shift_right_arithmetic3A_353 : vector<16xi32>
        %add3A_355 = vector.broadcast %shift_right_arithmetic3A_213 : i32 to vector<16xi32>
        %add3A_356 = arith.addi %shift_right_arithmetic3A_354, %add3A_355 : vector<16xi32>
        %and3A_357 = arith.constant 127 : i32
        %and3A_358 = vector.broadcast %and3A_357 : i32 to vector<16xi32>
        %and3A_359 = arith.andi %add3A_343, %and3A_358 : vector<16xi32>
        %add3A_360 = arith.constant 5 : i32
        %add3A_361 = vector.broadcast %add3A_360 : i32 to vector<16xi32>
        %add3A_362 = arith.addi %iota3A, %add3A_361 : vector<16xi32>
        %and3A_363 = arith.constant 15 : i32
        %and3A_364 = vector.broadcast %and3A_363 : i32 to vector<16xi32>
        %and3A_365 = arith.andi %add3A_362, %and3A_364 : vector<16xi32>
        %shift_left3A_366 = arith.constant 5 : i32
        %shift_left3A_367 = vector.broadcast %shift_left3A_366 : i32 to vector<16xi32>
        %shift_left3A_368 = arith.shli %and3A_365, %shift_left3A_367 : vector<16xi32>
        %add3A_369 = arith.addi %shift_left3A_368, %add3A_176 : vector<16xi32>
        %add3A_370 = vector.broadcast %add3A_212 : i32 to vector<16xi32>
        %add3A_371 = arith.addi %and3A_365, %add3A_370 : vector<16xi32>
        %gather3A_372 = arith.constant 1 : i32
        %gather3A_373 = arith.constant 0 : i32
        %gather3A_374 = arith.constant 0 : i32
        %gather3A_375 = tpu.memref_slice %arg5[%gather3A_372, %gather3A_373, %gather3A_374] : memref<2x32x128xf32, #tpu.memory_space<vmem>> -> memref<1x32x128xf32, #tpu.memory_space<vmem>>
        %gather3A_376 = tpu.memref_squeeze %gather3A_375 : memref<1x32x128xf32, #tpu.memory_space<vmem>> -> memref<32x128xf32, #tpu.memory_space<vmem>>
        %gather3A_377 = tpu.vector_load_idx %gather3A_376[%add3A_176, %add3A_371] : memref<32x128xf32, #tpu.memory_space<vmem>>[vector<16xi32>, vector<16xi32>], vector<16xf32>,
        %shift_right_arithmetic3A_378 = arith.constant 7 : i32
        %shift_right_arithmetic3A_379 = vector.broadcast %shift_right_arithmetic3A_378 : i32 to vector<16xi32>
        %shift_right_arithmetic3A_380 = arith.shrsi %add3A_369, %shift_right_arithmetic3A_379 : vector<16xi32>
        %add3A_381 = vector.broadcast %shift_right_arithmetic3A_213 : i32 to vector<16xi32>
        %add3A_382 = arith.addi %shift_right_arithmetic3A_380, %add3A_381 : vector<16xi32>
        %and3A_383 = arith.constant 127 : i32
        %and3A_384 = vector.broadcast %and3A_383 : i32 to vector<16xi32>
        %and3A_385 = arith.andi %add3A_369, %and3A_384 : vector<16xi32>
        %add3A_386 = arith.constant 6 : i32
        %add3A_387 = vector.broadcast %add3A_386 : i32 to vector<16xi32>
        %add3A_388 = arith.addi %iota3A, %add3A_387 : vector<16xi32>
        %and3A_389 = arith.constant 15 : i32
        %and3A_390 = vector.broadcast %and3A_389 : i32 to vector<16xi32>
        %and3A_391 = arith.andi %add3A_388, %and3A_390 : vector<16xi32>
        %shift_left3A_392 = arith.constant 5 : i32
        %shift_left3A_393 = vector.broadcast %shift_left3A_392 : i32 to vector<16xi32>
        %shift_left3A_394 = arith.shli %and3A_391, %shift_left3A_393 : vector<16xi32>
        %add3A_395 = arith.addi %shift_left3A_394, %add3A_176 : vector<16xi32>
        %add3A_396 = vector.broadcast %add3A_212 : i32 to vector<16xi32>
        %add3A_397 = arith.addi %and3A_391, %add3A_396 : vector<16xi32>
        %gather3A_398 = arith.constant 1 : i32
        %gather3A_399 = arith.constant 0 : i32
        %gather3A_400 = arith.constant 0 : i32
        %gather3A_401 = tpu.memref_slice %arg5[%gather3A_398, %gather3A_399, %gather3A_400] : memref<2x32x128xf32, #tpu.memory_space<vmem>> -> memref<1x32x128xf32, #tpu.memory_space<vmem>>
        %gather3A_402 = tpu.memref_squeeze %gather3A_401 : memref<1x32x128xf32, #tpu.memory_space<vmem>> -> memref<32x128xf32, #tpu.memory_space<vmem>>
        %gather3A_403 = tpu.vector_load_idx %gather3A_402[%add3A_176, %add3A_397] : memref<32x128xf32, #tpu.memory_space<vmem>>[vector<16xi32>, vector<16xi32>], vector<16xf32>,
        %shift_right_arithmetic3A_404 = arith.constant 7 : i32
        %shift_right_arithmetic3A_405 = vector.broadcast %shift_right_arithmetic3A_404 : i32 to vector<16xi32>
        %shift_right_arithmetic3A_406 = arith.shrsi %add3A_395, %shift_right_arithmetic3A_405 : vector<16xi32>
        %add3A_407 = vector.broadcast %shift_right_arithmetic3A_213 : i32 to vector<16xi32>
        %add3A_408 = arith.addi %shift_right_arithmetic3A_406, %add3A_407 : vector<16xi32>
        %and3A_409 = arith.constant 127 : i32
        %and3A_410 = vector.broadcast %and3A_409 : i32 to vector<16xi32>
        %and3A_411 = arith.andi %add3A_395, %and3A_410 : vector<16xi32>
        %add3A_412 = arith.constant 7 : i32
        %add3A_413 = vector.broadcast %add3A_412 : i32 to vector<16xi32>
        %add3A_414 = arith.addi %iota3A, %add3A_413 : vector<16xi32>
        %and3A_415 = arith.constant 15 : i32
        %and3A_416 = vector.broadcast %and3A_415 : i32 to vector<16xi32>
        %and3A_417 = arith.andi %add3A_414, %and3A_416 : vector<16xi32>
        %shift_left3A_418 = arith.constant 5 : i32
        %shift_left3A_419 = vector.broadcast %shift_left3A_418 : i32 to vector<16xi32>
        %shift_left3A_420 = arith.shli %and3A_417, %shift_left3A_419 : vector<16xi32>
        %add3A_421 = arith.addi %shift_left3A_420, %add3A_176 : vector<16xi32>
        %add3A_422 = vector.broadcast %add3A_212 : i32 to vector<16xi32>
        %add3A_423 = arith.addi %and3A_417, %add3A_422 : vector<16xi32>
        %gather3A_424 = arith.constant 1 : i32
        %gather3A_425 = arith.constant 0 : i32
        %gather3A_426 = arith.constant 0 : i32
        %gather3A_427 = tpu.memref_slice %arg5[%gather3A_424, %gather3A_425, %gather3A_426] : memref<2x32x128xf32, #tpu.memory_space<vmem>> -> memref<1x32x128xf32, #tpu.memory_space<vmem>>
        %gather3A_428 = tpu.memref_squeeze %gather3A_427 : memref<1x32x128xf32, #tpu.memory_space<vmem>> -> memref<32x128xf32, #tpu.memory_space<vmem>>
        %gather3A_429 = tpu.vector_load_idx %gather3A_428[%add3A_176, %add3A_423] : memref<32x128xf32, #tpu.memory_space<vmem>>[vector<16xi32>, vector<16xi32>], vector<16xf32>,
        %shift_right_arithmetic3A_430 = arith.constant 7 : i32
        %shift_right_arithmetic3A_431 = vector.broadcast %shift_right_arithmetic3A_430 : i32 to vector<16xi32>
        %shift_right_arithmetic3A_432 = arith.shrsi %add3A_421, %shift_right_arithmetic3A_431 : vector<16xi32>
        %add3A_433 = vector.broadcast %shift_right_arithmetic3A_213 : i32 to vector<16xi32>
        %add3A_434 = arith.addi %shift_right_arithmetic3A_432, %add3A_433 : vector<16xi32>
        %and3A_435 = arith.constant 127 : i32
        %and3A_436 = vector.broadcast %and3A_435 : i32 to vector<16xi32>
        %and3A_437 = arith.andi %add3A_421, %and3A_436 : vector<16xi32>
        %scatter3A_438 = arith.constant 1 : i32
        %scatter3A_439 = arith.constant 0 : i32
        %scatter3A_440 = arith.constant 0 : i32
        %scatter3A_441 = tpu.memref_slice %arg6[%scatter3A_438, %scatter3A_439, %scatter3A_440] : memref<2x32x128xf32, #tpu.memory_space<vmem>> -> memref<1x32x128xf32, #tpu.memory_space<vmem>>
        %scatter3A_442 = tpu.memref_squeeze %scatter3A_441 : memref<1x32x128xf32, #tpu.memory_space<vmem>> -> memref<32x128xf32, #tpu.memory_space<vmem>>
        tpu.vector_store_idx %scatter3A_442[%add3A_356, %and3A_359], %gather3A_351 : memref<32x128xf32, #tpu.memory_space<vmem>>[vector<16xi32>, vector<16xi32>], vector<16xf32>,
        %scatter3A_443 = arith.constant 1 : i32
        %scatter3A_444 = arith.constant 0 : i32
        %scatter3A_445 = arith.constant 0 : i32
        %scatter3A_446 = tpu.memref_slice %arg6[%scatter3A_443, %scatter3A_444, %scatter3A_445] : memref<2x32x128xf32, #tpu.memory_space<vmem>> -> memref<1x32x128xf32, #tpu.memory_space<vmem>>
        %scatter3A_447 = tpu.memref_squeeze %scatter3A_446 : memref<1x32x128xf32, #tpu.memory_space<vmem>> -> memref<32x128xf32, #tpu.memory_space<vmem>>
        tpu.vector_store_idx %scatter3A_447[%add3A_382, %and3A_385], %gather3A_377 : memref<32x128xf32, #tpu.memory_space<vmem>>[vector<16xi32>, vector<16xi32>], vector<16xf32>,
        %scatter3A_448 = arith.constant 1 : i32
        %scatter3A_449 = arith.constant 0 : i32
        %scatter3A_450 = arith.constant 0 : i32
        %scatter3A_451 = tpu.memref_slice %arg6[%scatter3A_448, %scatter3A_449, %scatter3A_450] : memref<2x32x128xf32, #tpu.memory_space<vmem>> -> memref<1x32x128xf32, #tpu.memory_space<vmem>>
        %scatter3A_452 = tpu.memref_squeeze %scatter3A_451 : memref<1x32x128xf32, #tpu.memory_space<vmem>> -> memref<32x128xf32, #tpu.memory_space<vmem>>
        tpu.vector_store_idx %scatter3A_452[%add3A_408, %and3A_411], %gather3A_403 : memref<32x128xf32, #tpu.memory_space<vmem>>[vector<16xi32>, vector<16xi32>], vector<16xf32>,
        %scatter3A_453 = arith.constant 1 : i32
        %scatter3A_454 = arith.constant 0 : i32
        %scatter3A_455 = arith.constant 0 : i32
        %scatter3A_456 = tpu.memref_slice %arg6[%scatter3A_453, %scatter3A_454, %scatter3A_455] : memref<2x32x128xf32, #tpu.memory_space<vmem>> -> memref<1x32x128xf32, #tpu.memory_space<vmem>>
        %scatter3A_457 = tpu.memref_squeeze %scatter3A_456 : memref<1x32x128xf32, #tpu.memory_space<vmem>> -> memref<32x128xf32, #tpu.memory_space<vmem>>
        tpu.vector_store_idx %scatter3A_457[%add3A_434, %and3A_437], %gather3A_429 : memref<32x128xf32, #tpu.memory_space<vmem>>[vector<16xi32>, vector<16xi32>], vector<16xf32>,
        %add3A_458 = arith.constant 8 : i32
        %add3A_459 = vector.broadcast %add3A_458 : i32 to vector<16xi32>
        %add3A_460 = arith.addi %iota3A, %add3A_459 : vector<16xi32>
        %and3A_461 = arith.constant 15 : i32
        %and3A_462 = vector.broadcast %and3A_461 : i32 to vector<16xi32>
        %and3A_463 = arith.andi %add3A_460, %and3A_462 : vector<16xi32>
        %shift_left3A_464 = arith.constant 5 : i32
        %shift_left3A_465 = vector.broadcast %shift_left3A_464 : i32 to vector<16xi32>
        %shift_left3A_466 = arith.shli %and3A_463, %shift_left3A_465 : vector<16xi32>
        %add3A_467 = arith.addi %shift_left3A_466, %add3A_176 : vector<16xi32>
        %add3A_468 = vector.broadcast %add3A_212 : i32 to vector<16xi32>
        %add3A_469 = arith.addi %and3A_463, %add3A_468 : vector<16xi32>
        %gather3A_470 = arith.constant 1 : i32
        %gather3A_471 = arith.constant 0 : i32
        %gather3A_472 = arith.constant 0 : i32
        %gather3A_473 = tpu.memref_slice %arg5[%gather3A_470, %gather3A_471, %gather3A_472] : memref<2x32x128xf32, #tpu.memory_space<vmem>> -> memref<1x32x128xf32, #tpu.memory_space<vmem>>
        %gather3A_474 = tpu.memref_squeeze %gather3A_473 : memref<1x32x128xf32, #tpu.memory_space<vmem>> -> memref<32x128xf32, #tpu.memory_space<vmem>>
        %gather3A_475 = tpu.vector_load_idx %gather3A_474[%add3A_176, %add3A_469] : memref<32x128xf32, #tpu.memory_space<vmem>>[vector<16xi32>, vector<16xi32>], vector<16xf32>,
        %shift_right_arithmetic3A_476 = arith.constant 7 : i32
        %shift_right_arithmetic3A_477 = vector.broadcast %shift_right_arithmetic3A_476 : i32 to vector<16xi32>
        %shift_right_arithmetic3A_478 = arith.shrsi %add3A_467, %shift_right_arithmetic3A_477 : vector<16xi32>
        %add3A_479 = vector.broadcast %shift_right_arithmetic3A_213 : i32 to vector<16xi32>
        %add3A_480 = arith.addi %shift_right_arithmetic3A_478, %add3A_479 : vector<16xi32>
        %and3A_481 = arith.constant 127 : i32
        %and3A_482 = vector.broadcast %and3A_481 : i32 to vector<16xi32>
        %and3A_483 = arith.andi %add3A_467, %and3A_482 : vector<16xi32>
        %add3A_484 = arith.constant 9 : i32
        %add3A_485 = vector.broadcast %add3A_484 : i32 to vector<16xi32>
        %add3A_486 = arith.addi %iota3A, %add3A_485 : vector<16xi32>
        %and3A_487 = arith.constant 15 : i32
        %and3A_488 = vector.broadcast %and3A_487 : i32 to vector<16xi32>
        %and3A_489 = arith.andi %add3A_486, %and3A_488 : vector<16xi32>
        %shift_left3A_490 = arith.constant 5 : i32
        %shift_left3A_491 = vector.broadcast %shift_left3A_490 : i32 to vector<16xi32>
        %shift_left3A_492 = arith.shli %and3A_489, %shift_left3A_491 : vector<16xi32>
        %add3A_493 = arith.addi %shift_left3A_492, %add3A_176 : vector<16xi32>
        %add3A_494 = vector.broadcast %add3A_212 : i32 to vector<16xi32>
        %add3A_495 = arith.addi %and3A_489, %add3A_494 : vector<16xi32>
        %gather3A_496 = arith.constant 1 : i32
        %gather3A_497 = arith.constant 0 : i32
        %gather3A_498 = arith.constant 0 : i32
        %gather3A_499 = tpu.memref_slice %arg5[%gather3A_496, %gather3A_497, %gather3A_498] : memref<2x32x128xf32, #tpu.memory_space<vmem>> -> memref<1x32x128xf32, #tpu.memory_space<vmem>>
        %gather3A_500 = tpu.memref_squeeze %gather3A_499 : memref<1x32x128xf32, #tpu.memory_space<vmem>> -> memref<32x128xf32, #tpu.memory_space<vmem>>
        %gather3A_501 = tpu.vector_load_idx %gather3A_500[%add3A_176, %add3A_495] : memref<32x128xf32, #tpu.memory_space<vmem>>[vector<16xi32>, vector<16xi32>], vector<16xf32>,
        %shift_right_arithmetic3A_502 = arith.constant 7 : i32
        %shift_right_arithmetic3A_503 = vector.broadcast %shift_right_arithmetic3A_502 : i32 to vector<16xi32>
        %shift_right_arithmetic3A_504 = arith.shrsi %add3A_493, %shift_right_arithmetic3A_503 : vector<16xi32>
        %add3A_505 = vector.broadcast %shift_right_arithmetic3A_213 : i32 to vector<16xi32>
        %add3A_506 = arith.addi %shift_right_arithmetic3A_504, %add3A_505 : vector<16xi32>
        %and3A_507 = arith.constant 127 : i32
        %and3A_508 = vector.broadcast %and3A_507 : i32 to vector<16xi32>
        %and3A_509 = arith.andi %add3A_493, %and3A_508 : vector<16xi32>
        %add3A_510 = arith.constant 10 : i32
        %add3A_511 = vector.broadcast %add3A_510 : i32 to vector<16xi32>
        %add3A_512 = arith.addi %iota3A, %add3A_511 : vector<16xi32>
        %and3A_513 = arith.constant 15 : i32
        %and3A_514 = vector.broadcast %and3A_513 : i32 to vector<16xi32>
        %and3A_515 = arith.andi %add3A_512, %and3A_514 : vector<16xi32>
        %shift_left3A_516 = arith.constant 5 : i32
        %shift_left3A_517 = vector.broadcast %shift_left3A_516 : i32 to vector<16xi32>
        %shift_left3A_518 = arith.shli %and3A_515, %shift_left3A_517 : vector<16xi32>
        %add3A_519 = arith.addi %shift_left3A_518, %add3A_176 : vector<16xi32>
        %add3A_520 = vector.broadcast %add3A_212 : i32 to vector<16xi32>
        %add3A_521 = arith.addi %and3A_515, %add3A_520 : vector<16xi32>
        %gather3A_522 = arith.constant 1 : i32
        %gather3A_523 = arith.constant 0 : i32
        %gather3A_524 = arith.constant 0 : i32
        %gather3A_525 = tpu.memref_slice %arg5[%gather3A_522, %gather3A_523, %gather3A_524] : memref<2x32x128xf32, #tpu.memory_space<vmem>> -> memref<1x32x128xf32, #tpu.memory_space<vmem>>
        %gather3A_526 = tpu.memref_squeeze %gather3A_525 : memref<1x32x128xf32, #tpu.memory_space<vmem>> -> memref<32x128xf32, #tpu.memory_space<vmem>>
        %gather3A_527 = tpu.vector_load_idx %gather3A_526[%add3A_176, %add3A_521] : memref<32x128xf32, #tpu.memory_space<vmem>>[vector<16xi32>, vector<16xi32>], vector<16xf32>,
        %shift_right_arithmetic3A_528 = arith.constant 7 : i32
        %shift_right_arithmetic3A_529 = vector.broadcast %shift_right_arithmetic3A_528 : i32 to vector<16xi32>
        %shift_right_arithmetic3A_530 = arith.shrsi %add3A_519, %shift_right_arithmetic3A_529 : vector<16xi32>
        %add3A_531 = vector.broadcast %shift_right_arithmetic3A_213 : i32 to vector<16xi32>
        %add3A_532 = arith.addi %shift_right_arithmetic3A_530, %add3A_531 : vector<16xi32>
        %and3A_533 = arith.constant 127 : i32
        %and3A_534 = vector.broadcast %and3A_533 : i32 to vector<16xi32>
        %and3A_535 = arith.andi %add3A_519, %and3A_534 : vector<16xi32>
        %add3A_536 = arith.constant 11 : i32
        %add3A_537 = vector.broadcast %add3A_536 : i32 to vector<16xi32>
        %add3A_538 = arith.addi %iota3A, %add3A_537 : vector<16xi32>
        %and3A_539 = arith.constant 15 : i32
        %and3A_540 = vector.broadcast %and3A_539 : i32 to vector<16xi32>
        %and3A_541 = arith.andi %add3A_538, %and3A_540 : vector<16xi32>
        %shift_left3A_542 = arith.constant 5 : i32
        %shift_left3A_543 = vector.broadcast %shift_left3A_542 : i32 to vector<16xi32>
        %shift_left3A_544 = arith.shli %and3A_541, %shift_left3A_543 : vector<16xi32>
        %add3A_545 = arith.addi %shift_left3A_544, %add3A_176 : vector<16xi32>
        %add3A_546 = vector.broadcast %add3A_212 : i32 to vector<16xi32>
        %add3A_547 = arith.addi %and3A_541, %add3A_546 : vector<16xi32>
        %gather3A_548 = arith.constant 1 : i32
        %gather3A_549 = arith.constant 0 : i32
        %gather3A_550 = arith.constant 0 : i32
        %gather3A_551 = tpu.memref_slice %arg5[%gather3A_548, %gather3A_549, %gather3A_550] : memref<2x32x128xf32, #tpu.memory_space<vmem>> -> memref<1x32x128xf32, #tpu.memory_space<vmem>>
        %gather3A_552 = tpu.memref_squeeze %gather3A_551 : memref<1x32x128xf32, #tpu.memory_space<vmem>> -> memref<32x128xf32, #tpu.memory_space<vmem>>
        %gather3A_553 = tpu.vector_load_idx %gather3A_552[%add3A_176, %add3A_547] : memref<32x128xf32, #tpu.memory_space<vmem>>[vector<16xi32>, vector<16xi32>], vector<16xf32>,
        %shift_right_arithmetic3A_554 = arith.constant 7 : i32
        %shift_right_arithmetic3A_555 = vector.broadcast %shift_right_arithmetic3A_554 : i32 to vector<16xi32>
        %shift_right_arithmetic3A_556 = arith.shrsi %add3A_545, %shift_right_arithmetic3A_555 : vector<16xi32>
        %add3A_557 = vector.broadcast %shift_right_arithmetic3A_213 : i32 to vector<16xi32>
        %add3A_558 = arith.addi %shift_right_arithmetic3A_556, %add3A_557 : vector<16xi32>
        %and3A_559 = arith.constant 127 : i32
        %and3A_560 = vector.broadcast %and3A_559 : i32 to vector<16xi32>
        %and3A_561 = arith.andi %add3A_545, %and3A_560 : vector<16xi32>
        %scatter3A_562 = arith.constant 1 : i32
        %scatter3A_563 = arith.constant 0 : i32
        %scatter3A_564 = arith.constant 0 : i32
        %scatter3A_565 = tpu.memref_slice %arg6[%scatter3A_562, %scatter3A_563, %scatter3A_564] : memref<2x32x128xf32, #tpu.memory_space<vmem>> -> memref<1x32x128xf32, #tpu.memory_space<vmem>>
        %scatter3A_566 = tpu.memref_squeeze %scatter3A_565 : memref<1x32x128xf32, #tpu.memory_space<vmem>> -> memref<32x128xf32, #tpu.memory_space<vmem>>
        tpu.vector_store_idx %scatter3A_566[%add3A_480, %and3A_483], %gather3A_475 : memref<32x128xf32, #tpu.memory_space<vmem>>[vector<16xi32>, vector<16xi32>], vector<16xf32>,
        %scatter3A_567 = arith.constant 1 : i32
        %scatter3A_568 = arith.constant 0 : i32
        %scatter3A_569 = arith.constant 0 : i32
        %scatter3A_570 = tpu.memref_slice %arg6[%scatter3A_567, %scatter3A_568, %scatter3A_569] : memref<2x32x128xf32, #tpu.memory_space<vmem>> -> memref<1x32x128xf32, #tpu.memory_space<vmem>>
        %scatter3A_571 = tpu.memref_squeeze %scatter3A_570 : memref<1x32x128xf32, #tpu.memory_space<vmem>> -> memref<32x128xf32, #tpu.memory_space<vmem>>
        tpu.vector_store_idx %scatter3A_571[%add3A_506, %and3A_509], %gather3A_501 : memref<32x128xf32, #tpu.memory_space<vmem>>[vector<16xi32>, vector<16xi32>], vector<16xf32>,
        %scatter3A_572 = arith.constant 1 : i32
        %scatter3A_573 = arith.constant 0 : i32
        %scatter3A_574 = arith.constant 0 : i32
        %scatter3A_575 = tpu.memref_slice %arg6[%scatter3A_572, %scatter3A_573, %scatter3A_574] : memref<2x32x128xf32, #tpu.memory_space<vmem>> -> memref<1x32x128xf32, #tpu.memory_space<vmem>>
        %scatter3A_576 = tpu.memref_squeeze %scatter3A_575 : memref<1x32x128xf32, #tpu.memory_space<vmem>> -> memref<32x128xf32, #tpu.memory_space<vmem>>
        tpu.vector_store_idx %scatter3A_576[%add3A_532, %and3A_535], %gather3A_527 : memref<32x128xf32, #tpu.memory_space<vmem>>[vector<16xi32>, vector<16xi32>], vector<16xf32>,
        %scatter3A_577 = arith.constant 1 : i32
        %scatter3A_578 = arith.constant 0 : i32
        %scatter3A_579 = arith.constant 0 : i32
        %scatter3A_580 = tpu.memref_slice %arg6[%scatter3A_577, %scatter3A_578, %scatter3A_579] : memref<2x32x128xf32, #tpu.memory_space<vmem>> -> memref<1x32x128xf32, #tpu.memory_space<vmem>>
        %scatter3A_581 = tpu.memref_squeeze %scatter3A_580 : memref<1x32x128xf32, #tpu.memory_space<vmem>> -> memref<32x128xf32, #tpu.memory_space<vmem>>
        tpu.vector_store_idx %scatter3A_581[%add3A_558, %and3A_561], %gather3A_553 : memref<32x128xf32, #tpu.memory_space<vmem>>[vector<16xi32>, vector<16xi32>], vector<16xf32>,
        %add3A_582 = arith.constant 12 : i32
        %add3A_583 = vector.broadcast %add3A_582 : i32 to vector<16xi32>
        %add3A_584 = arith.addi %iota3A, %add3A_583 : vector<16xi32>
        %and3A_585 = arith.constant 15 : i32
        %and3A_586 = vector.broadcast %and3A_585 : i32 to vector<16xi32>
        %and3A_587 = arith.andi %add3A_584, %and3A_586 : vector<16xi32>
        %shift_left3A_588 = arith.constant 5 : i32
        %shift_left3A_589 = vector.broadcast %shift_left3A_588 : i32 to vector<16xi32>
        %shift_left3A_590 = arith.shli %and3A_587, %shift_left3A_589 : vector<16xi32>
        %add3A_591 = arith.addi %shift_left3A_590, %add3A_176 : vector<16xi32>
        %add3A_592 = vector.broadcast %add3A_212 : i32 to vector<16xi32>
        %add3A_593 = arith.addi %and3A_587, %add3A_592 : vector<16xi32>
        %gather3A_594 = arith.constant 1 : i32
        %gather3A_595 = arith.constant 0 : i32
        %gather3A_596 = arith.constant 0 : i32
        %gather3A_597 = tpu.memref_slice %arg5[%gather3A_594, %gather3A_595, %gather3A_596] : memref<2x32x128xf32, #tpu.memory_space<vmem>> -> memref<1x32x128xf32, #tpu.memory_space<vmem>>
        %gather3A_598 = tpu.memref_squeeze %gather3A_597 : memref<1x32x128xf32, #tpu.memory_space<vmem>> -> memref<32x128xf32, #tpu.memory_space<vmem>>
        %gather3A_599 = tpu.vector_load_idx %gather3A_598[%add3A_176, %add3A_593] : memref<32x128xf32, #tpu.memory_space<vmem>>[vector<16xi32>, vector<16xi32>], vector<16xf32>,
        %shift_right_arithmetic3A_600 = arith.constant 7 : i32
        %shift_right_arithmetic3A_601 = vector.broadcast %shift_right_arithmetic3A_600 : i32 to vector<16xi32>
        %shift_right_arithmetic3A_602 = arith.shrsi %add3A_591, %shift_right_arithmetic3A_601 : vector<16xi32>
        %add3A_603 = vector.broadcast %shift_right_arithmetic3A_213 : i32 to vector<16xi32>
        %add3A_604 = arith.addi %shift_right_arithmetic3A_602, %add3A_603 : vector<16xi32>
        %and3A_605 = arith.constant 127 : i32
        %and3A_606 = vector.broadcast %and3A_605 : i32 to vector<16xi32>
        %and3A_607 = arith.andi %add3A_591, %and3A_606 : vector<16xi32>
        %add3A_608 = arith.constant 13 : i32
        %add3A_609 = vector.broadcast %add3A_608 : i32 to vector<16xi32>
        %add3A_610 = arith.addi %iota3A, %add3A_609 : vector<16xi32>
        %and3A_611 = arith.constant 15 : i32
        %and3A_612 = vector.broadcast %and3A_611 : i32 to vector<16xi32>
        %and3A_613 = arith.andi %add3A_610, %and3A_612 : vector<16xi32>
        %shift_left3A_614 = arith.constant 5 : i32
        %shift_left3A_615 = vector.broadcast %shift_left3A_614 : i32 to vector<16xi32>
        %shift_left3A_616 = arith.shli %and3A_613, %shift_left3A_615 : vector<16xi32>
        %add3A_617 = arith.addi %shift_left3A_616, %add3A_176 : vector<16xi32>
        %add3A_618 = vector.broadcast %add3A_212 : i32 to vector<16xi32>
        %add3A_619 = arith.addi %and3A_613, %add3A_618 : vector<16xi32>
        %gather3A_620 = arith.constant 1 : i32
        %gather3A_621 = arith.constant 0 : i32
        %gather3A_622 = arith.constant 0 : i32
        %gather3A_623 = tpu.memref_slice %arg5[%gather3A_620, %gather3A_621, %gather3A_622] : memref<2x32x128xf32, #tpu.memory_space<vmem>> -> memref<1x32x128xf32, #tpu.memory_space<vmem>>
        %gather3A_624 = tpu.memref_squeeze %gather3A_623 : memref<1x32x128xf32, #tpu.memory_space<vmem>> -> memref<32x128xf32, #tpu.memory_space<vmem>>
        %gather3A_625 = tpu.vector_load_idx %gather3A_624[%add3A_176, %add3A_619] : memref<32x128xf32, #tpu.memory_space<vmem>>[vector<16xi32>, vector<16xi32>], vector<16xf32>,
        %shift_right_arithmetic3A_626 = arith.constant 7 : i32
        %shift_right_arithmetic3A_627 = vector.broadcast %shift_right_arithmetic3A_626 : i32 to vector<16xi32>
        %shift_right_arithmetic3A_628 = arith.shrsi %add3A_617, %shift_right_arithmetic3A_627 : vector<16xi32>
        %add3A_629 = vector.broadcast %shift_right_arithmetic3A_213 : i32 to vector<16xi32>
        %add3A_630 = arith.addi %shift_right_arithmetic3A_628, %add3A_629 : vector<16xi32>
        %and3A_631 = arith.constant 127 : i32
        %and3A_632 = vector.broadcast %and3A_631 : i32 to vector<16xi32>
        %and3A_633 = arith.andi %add3A_617, %and3A_632 : vector<16xi32>
        %add3A_634 = arith.constant 14 : i32
        %add3A_635 = vector.broadcast %add3A_634 : i32 to vector<16xi32>
        %add3A_636 = arith.addi %iota3A, %add3A_635 : vector<16xi32>
        %and3A_637 = arith.constant 15 : i32
        %and3A_638 = vector.broadcast %and3A_637 : i32 to vector<16xi32>
        %and3A_639 = arith.andi %add3A_636, %and3A_638 : vector<16xi32>
        %shift_left3A_640 = arith.constant 5 : i32
        %shift_left3A_641 = vector.broadcast %shift_left3A_640 : i32 to vector<16xi32>
        %shift_left3A_642 = arith.shli %and3A_639, %shift_left3A_641 : vector<16xi32>
        %add3A_643 = arith.addi %shift_left3A_642, %add3A_176 : vector<16xi32>
        %add3A_644 = vector.broadcast %add3A_212 : i32 to vector<16xi32>
        %add3A_645 = arith.addi %and3A_639, %add3A_644 : vector<16xi32>
        %gather3A_646 = arith.constant 1 : i32
        %gather3A_647 = arith.constant 0 : i32
        %gather3A_648 = arith.constant 0 : i32
        %gather3A_649 = tpu.memref_slice %arg5[%gather3A_646, %gather3A_647, %gather3A_648] : memref<2x32x128xf32, #tpu.memory_space<vmem>> -> memref<1x32x128xf32, #tpu.memory_space<vmem>>
        %gather3A_650 = tpu.memref_squeeze %gather3A_649 : memref<1x32x128xf32, #tpu.memory_space<vmem>> -> memref<32x128xf32, #tpu.memory_space<vmem>>
        %gather3A_651 = tpu.vector_load_idx %gather3A_650[%add3A_176, %add3A_645] : memref<32x128xf32, #tpu.memory_space<vmem>>[vector<16xi32>, vector<16xi32>], vector<16xf32>,
        %shift_right_arithmetic3A_652 = arith.constant 7 : i32
        %shift_right_arithmetic3A_653 = vector.broadcast %shift_right_arithmetic3A_652 : i32 to vector<16xi32>
        %shift_right_arithmetic3A_654 = arith.shrsi %add3A_643, %shift_right_arithmetic3A_653 : vector<16xi32>
        %add3A_655 = vector.broadcast %shift_right_arithmetic3A_213 : i32 to vector<16xi32>
        %add3A_656 = arith.addi %shift_right_arithmetic3A_654, %add3A_655 : vector<16xi32>
        %and3A_657 = arith.constant 127 : i32
        %and3A_658 = vector.broadcast %and3A_657 : i32 to vector<16xi32>
        %and3A_659 = arith.andi %add3A_643, %and3A_658 : vector<16xi32>
        %add3A_660 = arith.constant 15 : i32
        %add3A_661 = vector.broadcast %add3A_660 : i32 to vector<16xi32>
        %add3A_662 = arith.addi %iota3A, %add3A_661 : vector<16xi32>
        %and3A_663 = arith.constant 15 : i32
        %and3A_664 = vector.broadcast %and3A_663 : i32 to vector<16xi32>
        %and3A_665 = arith.andi %add3A_662, %and3A_664 : vector<16xi32>
        %shift_left3A_666 = arith.constant 5 : i32
        %shift_left3A_667 = vector.broadcast %shift_left3A_666 : i32 to vector<16xi32>
        %shift_left3A_668 = arith.shli %and3A_665, %shift_left3A_667 : vector<16xi32>
        %add3A_669 = arith.addi %shift_left3A_668, %add3A_176 : vector<16xi32>
        %add3A_670 = vector.broadcast %add3A_212 : i32 to vector<16xi32>
        %add3A_671 = arith.addi %and3A_665, %add3A_670 : vector<16xi32>
        %gather3A_672 = arith.constant 1 : i32
        %gather3A_673 = arith.constant 0 : i32
        %gather3A_674 = arith.constant 0 : i32
        %gather3A_675 = tpu.memref_slice %arg5[%gather3A_672, %gather3A_673, %gather3A_674] : memref<2x32x128xf32, #tpu.memory_space<vmem>> -> memref<1x32x128xf32, #tpu.memory_space<vmem>>
        %gather3A_676 = tpu.memref_squeeze %gather3A_675 : memref<1x32x128xf32, #tpu.memory_space<vmem>> -> memref<32x128xf32, #tpu.memory_space<vmem>>
        %gather3A_677 = tpu.vector_load_idx %gather3A_676[%add3A_176, %add3A_671] : memref<32x128xf32, #tpu.memory_space<vmem>>[vector<16xi32>, vector<16xi32>], vector<16xf32>,
        %shift_right_arithmetic3A_678 = arith.constant 7 : i32
        %shift_right_arithmetic3A_679 = vector.broadcast %shift_right_arithmetic3A_678 : i32 to vector<16xi32>
        %shift_right_arithmetic3A_680 = arith.shrsi %add3A_669, %shift_right_arithmetic3A_679 : vector<16xi32>
        %add3A_681 = vector.broadcast %shift_right_arithmetic3A_213 : i32 to vector<16xi32>
        %add3A_682 = arith.addi %shift_right_arithmetic3A_680, %add3A_681 : vector<16xi32>
        %and3A_683 = arith.constant 127 : i32
        %and3A_684 = vector.broadcast %and3A_683 : i32 to vector<16xi32>
        %and3A_685 = arith.andi %add3A_669, %and3A_684 : vector<16xi32>
        %scatter3A_686 = arith.constant 1 : i32
        %scatter3A_687 = arith.constant 0 : i32
        %scatter3A_688 = arith.constant 0 : i32
        %scatter3A_689 = tpu.memref_slice %arg6[%scatter3A_686, %scatter3A_687, %scatter3A_688] : memref<2x32x128xf32, #tpu.memory_space<vmem>> -> memref<1x32x128xf32, #tpu.memory_space<vmem>>
        %scatter3A_690 = tpu.memref_squeeze %scatter3A_689 : memref<1x32x128xf32, #tpu.memory_space<vmem>> -> memref<32x128xf32, #tpu.memory_space<vmem>>
        tpu.vector_store_idx %scatter3A_690[%add3A_604, %and3A_607], %gather3A_599 : memref<32x128xf32, #tpu.memory_space<vmem>>[vector<16xi32>, vector<16xi32>], vector<16xf32>,
        %scatter3A_691 = arith.constant 1 : i32
        %scatter3A_692 = arith.constant 0 : i32
        %scatter3A_693 = arith.constant 0 : i32
        %scatter3A_694 = tpu.memref_slice %arg6[%scatter3A_691, %scatter3A_692, %scatter3A_693] : memref<2x32x128xf32, #tpu.memory_space<vmem>> -> memref<1x32x128xf32, #tpu.memory_space<vmem>>
        %scatter3A_695 = tpu.memref_squeeze %scatter3A_694 : memref<1x32x128xf32, #tpu.memory_space<vmem>> -> memref<32x128xf32, #tpu.memory_space<vmem>>
        tpu.vector_store_idx %scatter3A_695[%add3A_630, %and3A_633], %gather3A_625 : memref<32x128xf32, #tpu.memory_space<vmem>>[vector<16xi32>, vector<16xi32>], vector<16xf32>,
        %scatter3A_696 = arith.constant 1 : i32
        %scatter3A_697 = arith.constant 0 : i32
        %scatter3A_698 = arith.constant 0 : i32
        %scatter3A_699 = tpu.memref_slice %arg6[%scatter3A_696, %scatter3A_697, %scatter3A_698] : memref<2x32x128xf32, #tpu.memory_space<vmem>> -> memref<1x32x128xf32, #tpu.memory_space<vmem>>
        %scatter3A_700 = tpu.memref_squeeze %scatter3A_699 : memref<1x32x128xf32, #tpu.memory_space<vmem>> -> memref<32x128xf32, #tpu.memory_space<vmem>>
        tpu.vector_store_idx %scatter3A_700[%add3A_656, %and3A_659], %gather3A_651 : memref<32x128xf32, #tpu.memory_space<vmem>>[vector<16xi32>, vector<16xi32>], vector<16xf32>,
        %scatter3A_701 = arith.constant 1 : i32
        %scatter3A_702 = arith.constant 0 : i32
        %scatter3A_703 = arith.constant 0 : i32
        %scatter3A_704 = tpu.memref_slice %arg6[%scatter3A_701, %scatter3A_702, %scatter3A_703] : memref<2x32x128xf32, #tpu.memory_space<vmem>> -> memref<1x32x128xf32, #tpu.memory_space<vmem>>
        %scatter3A_705 = tpu.memref_squeeze %scatter3A_704 : memref<1x32x128xf32, #tpu.memory_space<vmem>> -> memref<32x128xf32, #tpu.memory_space<vmem>>
        tpu.vector_store_idx %scatter3A_705[%add3A_682, %and3A_685], %gather3A_677 : memref<32x128xf32, #tpu.memory_space<vmem>>[vector<16xi32>, vector<16xi32>], vector<16xf32>,
      }
      %scan3A_181 = arith.constant 8 : i32
      %add3A_182 = arith.constant 16 : i32
      %add3A_183 = vector.broadcast %add3A_182 : i32 to vector<16xi32>
      %add3A_184 = arith.addi %iota3A, %add3A_183 : vector<16xi32>
      %scan3A_185 = arith.constant 0 : i32
      %scan3A_186 = arith.constant 8 : i32
      %scan3A_187 = arith.addi %scan3A_185, %scan3A_186 : i32
      %scan3A_188 = arith.constant 1 : i32
      scf.for %scan3A_208 = %scan3A_185 to %scan3A_187 step %scan3A_188  : i32 {
        %mul3A_209 = arith.constant 16 : i32
        %mul3A_210 = arith.muli %scan3A_208, %mul3A_209 : i32
        %add3A_211 = arith.constant 0 : i32
        %add3A_212 = arith.addi %add3A_211, %mul3A_210 : i32
        %shift_right_arithmetic3A = arith.constant 2 : i32
        %shift_right_arithmetic3A_213 = arith.shrsi %add3A_212, %shift_right_arithmetic3A : i32
        %add3A_214 = arith.constant 0 : i32
        %add3A_215 = vector.broadcast %add3A_214 : i32 to vector<16xi32>
        %add3A_216 = arith.addi %iota3A, %add3A_215 : vector<16xi32>
        %and3A = arith.constant 15 : i32
        %and3A_217 = vector.broadcast %and3A : i32 to vector<16xi32>
        %and3A_218 = arith.andi %add3A_216, %and3A_217 : vector<16xi32>
        %shift_left3A = arith.constant 5 : i32
        %shift_left3A_219 = vector.broadcast %shift_left3A : i32 to vector<16xi32>
        %shift_left3A_220 = arith.shli %and3A_218, %shift_left3A_219 : vector<16xi32>
        %add3A_221 = arith.addi %shift_left3A_220, %add3A_184 : vector<16xi32>
        %add3A_222 = vector.broadcast %add3A_212 : i32 to vector<16xi32>
        %add3A_223 = arith.addi %and3A_218, %add3A_222 : vector<16xi32>
        %gather3A = arith.constant 1 : i32
        %gather3A_224 = arith.constant 0 : i32
        %gather3A_225 = arith.constant 0 : i32
        %gather3A_226 = tpu.memref_slice %arg5[%gather3A, %gather3A_224, %gather3A_225] : memref<2x32x128xf32, #tpu.memory_space<vmem>> -> memref<1x32x128xf32, #tpu.memory_space<vmem>>
        %gather3A_227 = tpu.memref_squeeze %gather3A_226 : memref<1x32x128xf32, #tpu.memory_space<vmem>> -> memref<32x128xf32, #tpu.memory_space<vmem>>
        %gather3A_228 = tpu.vector_load_idx %gather3A_227[%add3A_184, %add3A_223] : memref<32x128xf32, #tpu.memory_space<vmem>>[vector<16xi32>, vector<16xi32>], vector<16xf32>,
        %shift_right_arithmetic3A_229 = arith.constant 7 : i32
        %shift_right_arithmetic3A_230 = vector.broadcast %shift_right_arithmetic3A_229 : i32 to vector<16xi32>
        %shift_right_arithmetic3A_231 = arith.shrsi %add3A_221, %shift_right_arithmetic3A_230 : vector<16xi32>
        %add3A_232 = vector.broadcast %shift_right_arithmetic3A_213 : i32 to vector<16xi32>
        %add3A_233 = arith.addi %shift_right_arithmetic3A_231, %add3A_232 : vector<16xi32>
        %and3A_234 = arith.constant 127 : i32
        %and3A_235 = vector.broadcast %and3A_234 : i32 to vector<16xi32>
        %and3A_236 = arith.andi %add3A_221, %and3A_235 : vector<16xi32>
        %add3A_237 = arith.constant 1 : i32
        %add3A_238 = vector.broadcast %add3A_237 : i32 to vector<16xi32>
        %add3A_239 = arith.addi %iota3A, %add3A_238 : vector<16xi32>
        %and3A_240 = arith.constant 15 : i32
        %and3A_241 = vector.broadcast %and3A_240 : i32 to vector<16xi32>
        %and3A_242 = arith.andi %add3A_239, %and3A_241 : vector<16xi32>
        %shift_left3A_243 = arith.constant 5 : i32
        %shift_left3A_244 = vector.broadcast %shift_left3A_243 : i32 to vector<16xi32>
        %shift_left3A_245 = arith.shli %and3A_242, %shift_left3A_244 : vector<16xi32>
        %add3A_246 = arith.addi %shift_left3A_245, %add3A_184 : vector<16xi32>
        %add3A_247 = vector.broadcast %add3A_212 : i32 to vector<16xi32>
        %add3A_248 = arith.addi %and3A_242, %add3A_247 : vector<16xi32>
        %gather3A_249 = arith.constant 1 : i32
        %gather3A_250 = arith.constant 0 : i32
        %gather3A_251 = arith.constant 0 : i32
        %gather3A_252 = tpu.memref_slice %arg5[%gather3A_249, %gather3A_250, %gather3A_251] : memref<2x32x128xf32, #tpu.memory_space<vmem>> -> memref<1x32x128xf32, #tpu.memory_space<vmem>>
        %gather3A_253 = tpu.memref_squeeze %gather3A_252 : memref<1x32x128xf32, #tpu.memory_space<vmem>> -> memref<32x128xf32, #tpu.memory_space<vmem>>
        %gather3A_254 = tpu.vector_load_idx %gather3A_253[%add3A_184, %add3A_248] : memref<32x128xf32, #tpu.memory_space<vmem>>[vector<16xi32>, vector<16xi32>], vector<16xf32>,
        %shift_right_arithmetic3A_255 = arith.constant 7 : i32
        %shift_right_arithmetic3A_256 = vector.broadcast %shift_right_arithmetic3A_255 : i32 to vector<16xi32>
        %shift_right_arithmetic3A_257 = arith.shrsi %add3A_246, %shift_right_arithmetic3A_256 : vector<16xi32>
        %add3A_258 = vector.broadcast %shift_right_arithmetic3A_213 : i32 to vector<16xi32>
        %add3A_259 = arith.addi %shift_right_arithmetic3A_257, %add3A_258 : vector<16xi32>
        %and3A_260 = arith.constant 127 : i32
        %and3A_261 = vector.broadcast %and3A_260 : i32 to vector<16xi32>
        %and3A_262 = arith.andi %add3A_246, %and3A_261 : vector<16xi32>
        %add3A_263 = arith.constant 2 : i32
        %add3A_264 = vector.broadcast %add3A_263 : i32 to vector<16xi32>
        %add3A_265 = arith.addi %iota3A, %add3A_264 : vector<16xi32>
        %and3A_266 = arith.constant 15 : i32
        %and3A_267 = vector.broadcast %and3A_266 : i32 to vector<16xi32>
        %and3A_268 = arith.andi %add3A_265, %and3A_267 : vector<16xi32>
        %shift_left3A_269 = arith.constant 5 : i32
        %shift_left3A_270 = vector.broadcast %shift_left3A_269 : i32 to vector<16xi32>
        %shift_left3A_271 = arith.shli %and3A_268, %shift_left3A_270 : vector<16xi32>
        %add3A_272 = arith.addi %shift_left3A_271, %add3A_184 : vector<16xi32>
        %add3A_273 = vector.broadcast %add3A_212 : i32 to vector<16xi32>
        %add3A_274 = arith.addi %and3A_268, %add3A_273 : vector<16xi32>
        %gather3A_275 = arith.constant 1 : i32
        %gather3A_276 = arith.constant 0 : i32
        %gather3A_277 = arith.constant 0 : i32
        %gather3A_278 = tpu.memref_slice %arg5[%gather3A_275, %gather3A_276, %gather3A_277] : memref<2x32x128xf32, #tpu.memory_space<vmem>> -> memref<1x32x128xf32, #tpu.memory_space<vmem>>
        %gather3A_279 = tpu.memref_squeeze %gather3A_278 : memref<1x32x128xf32, #tpu.memory_space<vmem>> -> memref<32x128xf32, #tpu.memory_space<vmem>>
        %gather3A_280 = tpu.vector_load_idx %gather3A_279[%add3A_184, %add3A_274] : memref<32x128xf32, #tpu.memory_space<vmem>>[vector<16xi32>, vector<16xi32>], vector<16xf32>,
        %shift_right_arithmetic3A_281 = arith.constant 7 : i32
        %shift_right_arithmetic3A_282 = vector.broadcast %shift_right_arithmetic3A_281 : i32 to vector<16xi32>
        %shift_right_arithmetic3A_283 = arith.shrsi %add3A_272, %shift_right_arithmetic3A_282 : vector<16xi32>
        %add3A_284 = vector.broadcast %shift_right_arithmetic3A_213 : i32 to vector<16xi32>
        %add3A_285 = arith.addi %shift_right_arithmetic3A_283, %add3A_284 : vector<16xi32>
        %and3A_286 = arith.constant 127 : i32
        %and3A_287 = vector.broadcast %and3A_286 : i32 to vector<16xi32>
        %and3A_288 = arith.andi %add3A_272, %and3A_287 : vector<16xi32>
        %add3A_289 = arith.constant 3 : i32
        %add3A_290 = vector.broadcast %add3A_289 : i32 to vector<16xi32>
        %add3A_291 = arith.addi %iota3A, %add3A_290 : vector<16xi32>
        %and3A_292 = arith.constant 15 : i32
        %and3A_293 = vector.broadcast %and3A_292 : i32 to vector<16xi32>
        %and3A_294 = arith.andi %add3A_291, %and3A_293 : vector<16xi32>
        %shift_left3A_295 = arith.constant 5 : i32
        %shift_left3A_296 = vector.broadcast %shift_left3A_295 : i32 to vector<16xi32>
        %shift_left3A_297 = arith.shli %and3A_294, %shift_left3A_296 : vector<16xi32>
        %add3A_298 = arith.addi %shift_left3A_297, %add3A_184 : vector<16xi32>
        %add3A_299 = vector.broadcast %add3A_212 : i32 to vector<16xi32>
        %add3A_300 = arith.addi %and3A_294, %add3A_299 : vector<16xi32>
        %gather3A_301 = arith.constant 1 : i32
        %gather3A_302 = arith.constant 0 : i32
        %gather3A_303 = arith.constant 0 : i32
        %gather3A_304 = tpu.memref_slice %arg5[%gather3A_301, %gather3A_302, %gather3A_303] : memref<2x32x128xf32, #tpu.memory_space<vmem>> -> memref<1x32x128xf32, #tpu.memory_space<vmem>>
        %gather3A_305 = tpu.memref_squeeze %gather3A_304 : memref<1x32x128xf32, #tpu.memory_space<vmem>> -> memref<32x128xf32, #tpu.memory_space<vmem>>
        %gather3A_306 = tpu.vector_load_idx %gather3A_305[%add3A_184, %add3A_300] : memref<32x128xf32, #tpu.memory_space<vmem>>[vector<16xi32>, vector<16xi32>], vector<16xf32>,
        %shift_right_arithmetic3A_307 = arith.constant 7 : i32
        %shift_right_arithmetic3A_308 = vector.broadcast %shift_right_arithmetic3A_307 : i32 to vector<16xi32>
        %shift_right_arithmetic3A_309 = arith.shrsi %add3A_298, %shift_right_arithmetic3A_308 : vector<16xi32>
        %add3A_310 = vector.broadcast %shift_right_arithmetic3A_213 : i32 to vector<16xi32>
        %add3A_311 = arith.addi %shift_right_arithmetic3A_309, %add3A_310 : vector<16xi32>
        %and3A_312 = arith.constant 127 : i32
        %and3A_313 = vector.broadcast %and3A_312 : i32 to vector<16xi32>
        %and3A_314 = arith.andi %add3A_298, %and3A_313 : vector<16xi32>
        %scatter3A = arith.constant 1 : i32
        %scatter3A_315 = arith.constant 0 : i32
        %scatter3A_316 = arith.constant 0 : i32
        %scatter3A_317 = tpu.memref_slice %arg6[%scatter3A, %scatter3A_315, %scatter3A_316] : memref<2x32x128xf32, #tpu.memory_space<vmem>> -> memref<1x32x128xf32, #tpu.memory_space<vmem>>
        %scatter3A_318 = tpu.memref_squeeze %scatter3A_317 : memref<1x32x128xf32, #tpu.memory_space<vmem>> -> memref<32x128xf32, #tpu.memory_space<vmem>>
        tpu.vector_store_idx %scatter3A_318[%add3A_233, %and3A_236], %gather3A_228 : memref<32x128xf32, #tpu.memory_space<vmem>>[vector<16xi32>, vector<16xi32>], vector<16xf32>,
        %scatter3A_319 = arith.constant 1 : i32
        %scatter3A_320 = arith.constant 0 : i32
        %scatter3A_321 = arith.constant 0 : i32
        %scatter3A_322 = tpu.memref_slice %arg6[%scatter3A_319, %scatter3A_320, %scatter3A_321] : memref<2x32x128xf32, #tpu.memory_space<vmem>> -> memref<1x32x128xf32, #tpu.memory_space<vmem>>
        %scatter3A_323 = tpu.memref_squeeze %scatter3A_322 : memref<1x32x128xf32, #tpu.memory_space<vmem>> -> memref<32x128xf32, #tpu.memory_space<vmem>>
        tpu.vector_store_idx %scatter3A_323[%add3A_259, %and3A_262], %gather3A_254 : memref<32x128xf32, #tpu.memory_space<vmem>>[vector<16xi32>, vector<16xi32>], vector<16xf32>,
        %scatter3A_324 = arith.constant 1 : i32
        %scatter3A_325 = arith.constant 0 : i32
        %scatter3A_326 = arith.constant 0 : i32
        %scatter3A_327 = tpu.memref_slice %arg6[%scatter3A_324, %scatter3A_325, %scatter3A_326] : memref<2x32x128xf32, #tpu.memory_space<vmem>> -> memref<1x32x128xf32, #tpu.memory_space<vmem>>
        %scatter3A_328 = tpu.memref_squeeze %scatter3A_327 : memref<1x32x128xf32, #tpu.memory_space<vmem>> -> memref<32x128xf32, #tpu.memory_space<vmem>>
        tpu.vector_store_idx %scatter3A_328[%add3A_285, %and3A_288], %gather3A_280 : memref<32x128xf32, #tpu.memory_space<vmem>>[vector<16xi32>, vector<16xi32>], vector<16xf32>,
        %scatter3A_329 = arith.constant 1 : i32
        %scatter3A_330 = arith.constant 0 : i32
        %scatter3A_331 = arith.constant 0 : i32
        %scatter3A_332 = tpu.memref_slice %arg6[%scatter3A_329, %scatter3A_330, %scatter3A_331] : memref<2x32x128xf32, #tpu.memory_space<vmem>> -> memref<1x32x128xf32, #tpu.memory_space<vmem>>
        %scatter3A_333 = tpu.memref_squeeze %scatter3A_332 : memref<1x32x128xf32, #tpu.memory_space<vmem>> -> memref<32x128xf32, #tpu.memory_space<vmem>>
        tpu.vector_store_idx %scatter3A_333[%add3A_311, %and3A_314], %gather3A_306 : memref<32x128xf32, #tpu.memory_space<vmem>>[vector<16xi32>, vector<16xi32>], vector<16xf32>,
        %add3A_334 = arith.constant 4 : i32
        %add3A_335 = vector.broadcast %add3A_334 : i32 to vector<16xi32>
        %add3A_336 = arith.addi %iota3A, %add3A_335 : vector<16xi32>
        %and3A_337 = arith.constant 15 : i32
        %and3A_338 = vector.broadcast %and3A_337 : i32 to vector<16xi32>
        %and3A_339 = arith.andi %add3A_336, %and3A_338 : vector<16xi32>
        %shift_left3A_340 = arith.constant 5 : i32
        %shift_left3A_341 = vector.broadcast %shift_left3A_340 : i32 to vector<16xi32>
        %shift_left3A_342 = arith.shli %and3A_339, %shift_left3A_341 : vector<16xi32>
        %add3A_343 = arith.addi %shift_left3A_342, %add3A_184 : vector<16xi32>
        %add3A_344 = vector.broadcast %add3A_212 : i32 to vector<16xi32>
        %add3A_345 = arith.addi %and3A_339, %add3A_344 : vector<16xi32>
        %gather3A_346 = arith.constant 1 : i32
        %gather3A_347 = arith.constant 0 : i32
        %gather3A_348 = arith.constant 0 : i32
        %gather3A_349 = tpu.memref_slice %arg5[%gather3A_346, %gather3A_347, %gather3A_348] : memref<2x32x128xf32, #tpu.memory_space<vmem>> -> memref<1x32x128xf32, #tpu.memory_space<vmem>>
        %gather3A_350 = tpu.memref_squeeze %gather3A_349 : memref<1x32x128xf32, #tpu.memory_space<vmem>> -> memref<32x128xf32, #tpu.memory_space<vmem>>
        %gather3A_351 = tpu.vector_load_idx %gather3A_350[%add3A_184, %add3A_345] : memref<32x128xf32, #tpu.memory_space<vmem>>[vector<16xi32>, vector<16xi32>], vector<16xf32>,
        %shift_right_arithmetic3A_352 = arith.constant 7 : i32
        %shift_right_arithmetic3A_353 = vector.broadcast %shift_right_arithmetic3A_352 : i32 to vector<16xi32>
        %shift_right_arithmetic3A_354 = arith.shrsi %add3A_343, %shift_right_arithmetic3A_353 : vector<16xi32>
        %add3A_355 = vector.broadcast %shift_right_arithmetic3A_213 : i32 to vector<16xi32>
        %add3A_356 = arith.addi %shift_right_arithmetic3A_354, %add3A_355 : vector<16xi32>
        %and3A_357 = arith.constant 127 : i32
        %and3A_358 = vector.broadcast %and3A_357 : i32 to vector<16xi32>
        %and3A_359 = arith.andi %add3A_343, %and3A_358 : vector<16xi32>
        %add3A_360 = arith.constant 5 : i32
        %add3A_361 = vector.broadcast %add3A_360 : i32 to vector<16xi32>
        %add3A_362 = arith.addi %iota3A, %add3A_361 : vector<16xi32>
        %and3A_363 = arith.constant 15 : i32
        %and3A_364 = vector.broadcast %and3A_363 : i32 to vector<16xi32>
        %and3A_365 = arith.andi %add3A_362, %and3A_364 : vector<16xi32>
        %shift_left3A_366 = arith.constant 5 : i32
        %shift_left3A_367 = vector.broadcast %shift_left3A_366 : i32 to vector<16xi32>
        %shift_left3A_368 = arith.shli %and3A_365, %shift_left3A_367 : vector<16xi32>
        %add3A_369 = arith.addi %shift_left3A_368, %add3A_184 : vector<16xi32>
        %add3A_370 = vector.broadcast %add3A_212 : i32 to vector<16xi32>
        %add3A_371 = arith.addi %and3A_365, %add3A_370 : vector<16xi32>
        %gather3A_372 = arith.constant 1 : i32
        %gather3A_373 = arith.constant 0 : i32
        %gather3A_374 = arith.constant 0 : i32
        %gather3A_375 = tpu.memref_slice %arg5[%gather3A_372, %gather3A_373, %gather3A_374] : memref<2x32x128xf32, #tpu.memory_space<vmem>> -> memref<1x32x128xf32, #tpu.memory_space<vmem>>
        %gather3A_376 = tpu.memref_squeeze %gather3A_375 : memref<1x32x128xf32, #tpu.memory_space<vmem>> -> memref<32x128xf32, #tpu.memory_space<vmem>>
        %gather3A_377 = tpu.vector_load_idx %gather3A_376[%add3A_184, %add3A_371] : memref<32x128xf32, #tpu.memory_space<vmem>>[vector<16xi32>, vector<16xi32>], vector<16xf32>,
        %shift_right_arithmetic3A_378 = arith.constant 7 : i32
        %shift_right_arithmetic3A_379 = vector.broadcast %shift_right_arithmetic3A_378 : i32 to vector<16xi32>
        %shift_right_arithmetic3A_380 = arith.shrsi %add3A_369, %shift_right_arithmetic3A_379 : vector<16xi32>
        %add3A_381 = vector.broadcast %shift_right_arithmetic3A_213 : i32 to vector<16xi32>
        %add3A_382 = arith.addi %shift_right_arithmetic3A_380, %add3A_381 : vector<16xi32>
        %and3A_383 = arith.constant 127 : i32
        %and3A_384 = vector.broadcast %and3A_383 : i32 to vector<16xi32>
        %and3A_385 = arith.andi %add3A_369, %and3A_384 : vector<16xi32>
        %add3A_386 = arith.constant 6 : i32
        %add3A_387 = vector.broadcast %add3A_386 : i32 to vector<16xi32>
        %add3A_388 = arith.addi %iota3A, %add3A_387 : vector<16xi32>
        %and3A_389 = arith.constant 15 : i32
        %and3A_390 = vector.broadcast %and3A_389 : i32 to vector<16xi32>
        %and3A_391 = arith.andi %add3A_388, %and3A_390 : vector<16xi32>
        %shift_left3A_392 = arith.constant 5 : i32
        %shift_left3A_393 = vector.broadcast %shift_left3A_392 : i32 to vector<16xi32>
        %shift_left3A_394 = arith.shli %and3A_391, %shift_left3A_393 : vector<16xi32>
        %add3A_395 = arith.addi %shift_left3A_394, %add3A_184 : vector<16xi32>
        %add3A_396 = vector.broadcast %add3A_212 : i32 to vector<16xi32>
        %add3A_397 = arith.addi %and3A_391, %add3A_396 : vector<16xi32>
        %gather3A_398 = arith.constant 1 : i32
        %gather3A_399 = arith.constant 0 : i32
        %gather3A_400 = arith.constant 0 : i32
        %gather3A_401 = tpu.memref_slice %arg5[%gather3A_398, %gather3A_399, %gather3A_400] : memref<2x32x128xf32, #tpu.memory_space<vmem>> -> memref<1x32x128xf32, #tpu.memory_space<vmem>>
        %gather3A_402 = tpu.memref_squeeze %gather3A_401 : memref<1x32x128xf32, #tpu.memory_space<vmem>> -> memref<32x128xf32, #tpu.memory_space<vmem>>
        %gather3A_403 = tpu.vector_load_idx %gather3A_402[%add3A_184, %add3A_397] : memref<32x128xf32, #tpu.memory_space<vmem>>[vector<16xi32>, vector<16xi32>], vector<16xf32>,
        %shift_right_arithmetic3A_404 = arith.constant 7 : i32
        %shift_right_arithmetic3A_405 = vector.broadcast %shift_right_arithmetic3A_404 : i32 to vector<16xi32>
        %shift_right_arithmetic3A_406 = arith.shrsi %add3A_395, %shift_right_arithmetic3A_405 : vector<16xi32>
        %add3A_407 = vector.broadcast %shift_right_arithmetic3A_213 : i32 to vector<16xi32>
        %add3A_408 = arith.addi %shift_right_arithmetic3A_406, %add3A_407 : vector<16xi32>
        %and3A_409 = arith.constant 127 : i32
        %and3A_410 = vector.broadcast %and3A_409 : i32 to vector<16xi32>
        %and3A_411 = arith.andi %add3A_395, %and3A_410 : vector<16xi32>
        %add3A_412 = arith.constant 7 : i32
        %add3A_413 = vector.broadcast %add3A_412 : i32 to vector<16xi32>
        %add3A_414 = arith.addi %iota3A, %add3A_413 : vector<16xi32>
        %and3A_415 = arith.constant 15 : i32
        %and3A_416 = vector.broadcast %and3A_415 : i32 to vector<16xi32>
        %and3A_417 = arith.andi %add3A_414, %and3A_416 : vector<16xi32>
        %shift_left3A_418 = arith.constant 5 : i32
        %shift_left3A_419 = vector.broadcast %shift_left3A_418 : i32 to vector<16xi32>
        %shift_left3A_420 = arith.shli %and3A_417, %shift_left3A_419 : vector<16xi32>
        %add3A_421 = arith.addi %shift_left3A_420, %add3A_184 : vector<16xi32>
        %add3A_422 = vector.broadcast %add3A_212 : i32 to vector<16xi32>
        %add3A_423 = arith.addi %and3A_417, %add3A_422 : vector<16xi32>
        %gather3A_424 = arith.constant 1 : i32
        %gather3A_425 = arith.constant 0 : i32
        %gather3A_426 = arith.constant 0 : i32
        %gather3A_427 = tpu.memref_slice %arg5[%gather3A_424, %gather3A_425, %gather3A_426] : memref<2x32x128xf32, #tpu.memory_space<vmem>> -> memref<1x32x128xf32, #tpu.memory_space<vmem>>
        %gather3A_428 = tpu.memref_squeeze %gather3A_427 : memref<1x32x128xf32, #tpu.memory_space<vmem>> -> memref<32x128xf32, #tpu.memory_space<vmem>>
        %gather3A_429 = tpu.vector_load_idx %gather3A_428[%add3A_184, %add3A_423] : memref<32x128xf32, #tpu.memory_space<vmem>>[vector<16xi32>, vector<16xi32>], vector<16xf32>,
        %shift_right_arithmetic3A_430 = arith.constant 7 : i32
        %shift_right_arithmetic3A_431 = vector.broadcast %shift_right_arithmetic3A_430 : i32 to vector<16xi32>
        %shift_right_arithmetic3A_432 = arith.shrsi %add3A_421, %shift_right_arithmetic3A_431 : vector<16xi32>
        %add3A_433 = vector.broadcast %shift_right_arithmetic3A_213 : i32 to vector<16xi32>
        %add3A_434 = arith.addi %shift_right_arithmetic3A_432, %add3A_433 : vector<16xi32>
        %and3A_435 = arith.constant 127 : i32
        %and3A_436 = vector.broadcast %and3A_435 : i32 to vector<16xi32>
        %and3A_437 = arith.andi %add3A_421, %and3A_436 : vector<16xi32>
        %scatter3A_438 = arith.constant 1 : i32
        %scatter3A_439 = arith.constant 0 : i32
        %scatter3A_440 = arith.constant 0 : i32
        %scatter3A_441 = tpu.memref_slice %arg6[%scatter3A_438, %scatter3A_439, %scatter3A_440] : memref<2x32x128xf32, #tpu.memory_space<vmem>> -> memref<1x32x128xf32, #tpu.memory_space<vmem>>
        %scatter3A_442 = tpu.memref_squeeze %scatter3A_441 : memref<1x32x128xf32, #tpu.memory_space<vmem>> -> memref<32x128xf32, #tpu.memory_space<vmem>>
        tpu.vector_store_idx %scatter3A_442[%add3A_356, %and3A_359], %gather3A_351 : memref<32x128xf32, #tpu.memory_space<vmem>>[vector<16xi32>, vector<16xi32>], vector<16xf32>,
        %scatter3A_443 = arith.constant 1 : i32
        %scatter3A_444 = arith.constant 0 : i32
        %scatter3A_445 = arith.constant 0 : i32
        %scatter3A_446 = tpu.memref_slice %arg6[%scatter3A_443, %scatter3A_444, %scatter3A_445] : memref<2x32x128xf32, #tpu.memory_space<vmem>> -> memref<1x32x128xf32, #tpu.memory_space<vmem>>
        %scatter3A_447 = tpu.memref_squeeze %scatter3A_446 : memref<1x32x128xf32, #tpu.memory_space<vmem>> -> memref<32x128xf32, #tpu.memory_space<vmem>>
        tpu.vector_store_idx %scatter3A_447[%add3A_382, %and3A_385], %gather3A_377 : memref<32x128xf32, #tpu.memory_space<vmem>>[vector<16xi32>, vector<16xi32>], vector<16xf32>,
        %scatter3A_448 = arith.constant 1 : i32
        %scatter3A_449 = arith.constant 0 : i32
        %scatter3A_450 = arith.constant 0 : i32
        %scatter3A_451 = tpu.memref_slice %arg6[%scatter3A_448, %scatter3A_449, %scatter3A_450] : memref<2x32x128xf32, #tpu.memory_space<vmem>> -> memref<1x32x128xf32, #tpu.memory_space<vmem>>
        %scatter3A_452 = tpu.memref_squeeze %scatter3A_451 : memref<1x32x128xf32, #tpu.memory_space<vmem>> -> memref<32x128xf32, #tpu.memory_space<vmem>>
        tpu.vector_store_idx %scatter3A_452[%add3A_408, %and3A_411], %gather3A_403 : memref<32x128xf32, #tpu.memory_space<vmem>>[vector<16xi32>, vector<16xi32>], vector<16xf32>,
        %scatter3A_453 = arith.constant 1 : i32
        %scatter3A_454 = arith.constant 0 : i32
        %scatter3A_455 = arith.constant 0 : i32
        %scatter3A_456 = tpu.memref_slice %arg6[%scatter3A_453, %scatter3A_454, %scatter3A_455] : memref<2x32x128xf32, #tpu.memory_space<vmem>> -> memref<1x32x128xf32, #tpu.memory_space<vmem>>
        %scatter3A_457 = tpu.memref_squeeze %scatter3A_456 : memref<1x32x128xf32, #tpu.memory_space<vmem>> -> memref<32x128xf32, #tpu.memory_space<vmem>>
        tpu.vector_store_idx %scatter3A_457[%add3A_434, %and3A_437], %gather3A_429 : memref<32x128xf32, #tpu.memory_space<vmem>>[vector<16xi32>, vector<16xi32>], vector<16xf32>,
        %add3A_458 = arith.constant 8 : i32
        %add3A_459 = vector.broadcast %add3A_458 : i32 to vector<16xi32>
        %add3A_460 = arith.addi %iota3A, %add3A_459 : vector<16xi32>
        %and3A_461 = arith.constant 15 : i32
        %and3A_462 = vector.broadcast %and3A_461 : i32 to vector<16xi32>
        %and3A_463 = arith.andi %add3A_460, %and3A_462 : vector<16xi32>
        %shift_left3A_464 = arith.constant 5 : i32
        %shift_left3A_465 = vector.broadcast %shift_left3A_464 : i32 to vector<16xi32>
        %shift_left3A_466 = arith.shli %and3A_463, %shift_left3A_465 : vector<16xi32>
        %add3A_467 = arith.addi %shift_left3A_466, %add3A_184 : vector<16xi32>
        %add3A_468 = vector.broadcast %add3A_212 : i32 to vector<16xi32>
        %add3A_469 = arith.addi %and3A_463, %add3A_468 : vector<16xi32>
        %gather3A_470 = arith.constant 1 : i32
        %gather3A_471 = arith.constant 0 : i32
        %gather3A_472 = arith.constant 0 : i32
        %gather3A_473 = tpu.memref_slice %arg5[%gather3A_470, %gather3A_471, %gather3A_472] : memref<2x32x128xf32, #tpu.memory_space<vmem>> -> memref<1x32x128xf32, #tpu.memory_space<vmem>>
        %gather3A_474 = tpu.memref_squeeze %gather3A_473 : memref<1x32x128xf32, #tpu.memory_space<vmem>> -> memref<32x128xf32, #tpu.memory_space<vmem>>
        %gather3A_475 = tpu.vector_load_idx %gather3A_474[%add3A_184, %add3A_469] : memref<32x128xf32, #tpu.memory_space<vmem>>[vector<16xi32>, vector<16xi32>], vector<16xf32>,
        %shift_right_arithmetic3A_476 = arith.constant 7 : i32
        %shift_right_arithmetic3A_477 = vector.broadcast %shift_right_arithmetic3A_476 : i32 to vector<16xi32>
        %shift_right_arithmetic3A_478 = arith.shrsi %add3A_467, %shift_right_arithmetic3A_477 : vector<16xi32>
        %add3A_479 = vector.broadcast %shift_right_arithmetic3A_213 : i32 to vector<16xi32>
        %add3A_480 = arith.addi %shift_right_arithmetic3A_478, %add3A_479 : vector<16xi32>
        %and3A_481 = arith.constant 127 : i32
        %and3A_482 = vector.broadcast %and3A_481 : i32 to vector<16xi32>
        %and3A_483 = arith.andi %add3A_467, %and3A_482 : vector<16xi32>
        %add3A_484 = arith.constant 9 : i32
        %add3A_485 = vector.broadcast %add3A_484 : i32 to vector<16xi32>
        %add3A_486 = arith.addi %iota3A, %add3A_485 : vector<16xi32>
        %and3A_487 = arith.constant 15 : i32
        %and3A_488 = vector.broadcast %and3A_487 : i32 to vector<16xi32>
        %and3A_489 = arith.andi %add3A_486, %and3A_488 : vector<16xi32>
        %shift_left3A_490 = arith.constant 5 : i32
        %shift_left3A_491 = vector.broadcast %shift_left3A_490 : i32 to vector<16xi32>
        %shift_left3A_492 = arith.shli %and3A_489, %shift_left3A_491 : vector<16xi32>
        %add3A_493 = arith.addi %shift_left3A_492, %add3A_184 : vector<16xi32>
        %add3A_494 = vector.broadcast %add3A_212 : i32 to vector<16xi32>
        %add3A_495 = arith.addi %and3A_489, %add3A_494 : vector<16xi32>
        %gather3A_496 = arith.constant 1 : i32
        %gather3A_497 = arith.constant 0 : i32
        %gather3A_498 = arith.constant 0 : i32
        %gather3A_499 = tpu.memref_slice %arg5[%gather3A_496, %gather3A_497, %gather3A_498] : memref<2x32x128xf32, #tpu.memory_space<vmem>> -> memref<1x32x128xf32, #tpu.memory_space<vmem>>
        %gather3A_500 = tpu.memref_squeeze %gather3A_499 : memref<1x32x128xf32, #tpu.memory_space<vmem>> -> memref<32x128xf32, #tpu.memory_space<vmem>>
        %gather3A_501 = tpu.vector_load_idx %gather3A_500[%add3A_184, %add3A_495] : memref<32x128xf32, #tpu.memory_space<vmem>>[vector<16xi32>, vector<16xi32>], vector<16xf32>,
        %shift_right_arithmetic3A_502 = arith.constant 7 : i32
        %shift_right_arithmetic3A_503 = vector.broadcast %shift_right_arithmetic3A_502 : i32 to vector<16xi32>
        %shift_right_arithmetic3A_504 = arith.shrsi %add3A_493, %shift_right_arithmetic3A_503 : vector<16xi32>
        %add3A_505 = vector.broadcast %shift_right_arithmetic3A_213 : i32 to vector<16xi32>
        %add3A_506 = arith.addi %shift_right_arithmetic3A_504, %add3A_505 : vector<16xi32>
        %and3A_507 = arith.constant 127 : i32
        %and3A_508 = vector.broadcast %and3A_507 : i32 to vector<16xi32>
        %and3A_509 = arith.andi %add3A_493, %and3A_508 : vector<16xi32>
        %add3A_510 = arith.constant 10 : i32
        %add3A_511 = vector.broadcast %add3A_510 : i32 to vector<16xi32>
        %add3A_512 = arith.addi %iota3A, %add3A_511 : vector<16xi32>
        %and3A_513 = arith.constant 15 : i32
        %and3A_514 = vector.broadcast %and3A_513 : i32 to vector<16xi32>
        %and3A_515 = arith.andi %add3A_512, %and3A_514 : vector<16xi32>
        %shift_left3A_516 = arith.constant 5 : i32
        %shift_left3A_517 = vector.broadcast %shift_left3A_516 : i32 to vector<16xi32>
        %shift_left3A_518 = arith.shli %and3A_515, %shift_left3A_517 : vector<16xi32>
        %add3A_519 = arith.addi %shift_left3A_518, %add3A_184 : vector<16xi32>
        %add3A_520 = vector.broadcast %add3A_212 : i32 to vector<16xi32>
        %add3A_521 = arith.addi %and3A_515, %add3A_520 : vector<16xi32>
        %gather3A_522 = arith.constant 1 : i32
        %gather3A_523 = arith.constant 0 : i32
        %gather3A_524 = arith.constant 0 : i32
        %gather3A_525 = tpu.memref_slice %arg5[%gather3A_522, %gather3A_523, %gather3A_524] : memref<2x32x128xf32, #tpu.memory_space<vmem>> -> memref<1x32x128xf32, #tpu.memory_space<vmem>>
        %gather3A_526 = tpu.memref_squeeze %gather3A_525 : memref<1x32x128xf32, #tpu.memory_space<vmem>> -> memref<32x128xf32, #tpu.memory_space<vmem>>
        %gather3A_527 = tpu.vector_load_idx %gather3A_526[%add3A_184, %add3A_521] : memref<32x128xf32, #tpu.memory_space<vmem>>[vector<16xi32>, vector<16xi32>], vector<16xf32>,
        %shift_right_arithmetic3A_528 = arith.constant 7 : i32
        %shift_right_arithmetic3A_529 = vector.broadcast %shift_right_arithmetic3A_528 : i32 to vector<16xi32>
        %shift_right_arithmetic3A_530 = arith.shrsi %add3A_519, %shift_right_arithmetic3A_529 : vector<16xi32>
        %add3A_531 = vector.broadcast %shift_right_arithmetic3A_213 : i32 to vector<16xi32>
        %add3A_532 = arith.addi %shift_right_arithmetic3A_530, %add3A_531 : vector<16xi32>
        %and3A_533 = arith.constant 127 : i32
        %and3A_534 = vector.broadcast %and3A_533 : i32 to vector<16xi32>
        %and3A_535 = arith.andi %add3A_519, %and3A_534 : vector<16xi32>
        %add3A_536 = arith.constant 11 : i32
        %add3A_537 = vector.broadcast %add3A_536 : i32 to vector<16xi32>
        %add3A_538 = arith.addi %iota3A, %add3A_537 : vector<16xi32>
        %and3A_539 = arith.constant 15 : i32
        %and3A_540 = vector.broadcast %and3A_539 : i32 to vector<16xi32>
        %and3A_541 = arith.andi %add3A_538, %and3A_540 : vector<16xi32>
        %shift_left3A_542 = arith.constant 5 : i32
        %shift_left3A_543 = vector.broadcast %shift_left3A_542 : i32 to vector<16xi32>
        %shift_left3A_544 = arith.shli %and3A_541, %shift_left3A_543 : vector<16xi32>
        %add3A_545 = arith.addi %shift_left3A_544, %add3A_184 : vector<16xi32>
        %add3A_546 = vector.broadcast %add3A_212 : i32 to vector<16xi32>
        %add3A_547 = arith.addi %and3A_541, %add3A_546 : vector<16xi32>
        %gather3A_548 = arith.constant 1 : i32
        %gather3A_549 = arith.constant 0 : i32
        %gather3A_550 = arith.constant 0 : i32
        %gather3A_551 = tpu.memref_slice %arg5[%gather3A_548, %gather3A_549, %gather3A_550] : memref<2x32x128xf32, #tpu.memory_space<vmem>> -> memref<1x32x128xf32, #tpu.memory_space<vmem>>
        %gather3A_552 = tpu.memref_squeeze %gather3A_551 : memref<1x32x128xf32, #tpu.memory_space<vmem>> -> memref<32x128xf32, #tpu.memory_space<vmem>>
        %gather3A_553 = tpu.vector_load_idx %gather3A_552[%add3A_184, %add3A_547] : memref<32x128xf32, #tpu.memory_space<vmem>>[vector<16xi32>, vector<16xi32>], vector<16xf32>,
        %shift_right_arithmetic3A_554 = arith.constant 7 : i32
        %shift_right_arithmetic3A_555 = vector.broadcast %shift_right_arithmetic3A_554 : i32 to vector<16xi32>
        %shift_right_arithmetic3A_556 = arith.shrsi %add3A_545, %shift_right_arithmetic3A_555 : vector<16xi32>
        %add3A_557 = vector.broadcast %shift_right_arithmetic3A_213 : i32 to vector<16xi32>
        %add3A_558 = arith.addi %shift_right_arithmetic3A_556, %add3A_557 : vector<16xi32>
        %and3A_559 = arith.constant 127 : i32
        %and3A_560 = vector.broadcast %and3A_559 : i32 to vector<16xi32>
        %and3A_561 = arith.andi %add3A_545, %and3A_560 : vector<16xi32>
        %scatter3A_562 = arith.constant 1 : i32
        %scatter3A_563 = arith.constant 0 : i32
        %scatter3A_564 = arith.constant 0 : i32
        %scatter3A_565 = tpu.memref_slice %arg6[%scatter3A_562, %scatter3A_563, %scatter3A_564] : memref<2x32x128xf32, #tpu.memory_space<vmem>> -> memref<1x32x128xf32, #tpu.memory_space<vmem>>
        %scatter3A_566 = tpu.memref_squeeze %scatter3A_565 : memref<1x32x128xf32, #tpu.memory_space<vmem>> -> memref<32x128xf32, #tpu.memory_space<vmem>>
        tpu.vector_store_idx %scatter3A_566[%add3A_480, %and3A_483], %gather3A_475 : memref<32x128xf32, #tpu.memory_space<vmem>>[vector<16xi32>, vector<16xi32>], vector<16xf32>,
        %scatter3A_567 = arith.constant 1 : i32
        %scatter3A_568 = arith.constant 0 : i32
        %scatter3A_569 = arith.constant 0 : i32
        %scatter3A_570 = tpu.memref_slice %arg6[%scatter3A_567, %scatter3A_568, %scatter3A_569] : memref<2x32x128xf32, #tpu.memory_space<vmem>> -> memref<1x32x128xf32, #tpu.memory_space<vmem>>
        %scatter3A_571 = tpu.memref_squeeze %scatter3A_570 : memref<1x32x128xf32, #tpu.memory_space<vmem>> -> memref<32x128xf32, #tpu.memory_space<vmem>>
        tpu.vector_store_idx %scatter3A_571[%add3A_506, %and3A_509], %gather3A_501 : memref<32x128xf32, #tpu.memory_space<vmem>>[vector<16xi32>, vector<16xi32>], vector<16xf32>,
        %scatter3A_572 = arith.constant 1 : i32
        %scatter3A_573 = arith.constant 0 : i32
        %scatter3A_574 = arith.constant 0 : i32
        %scatter3A_575 = tpu.memref_slice %arg6[%scatter3A_572, %scatter3A_573, %scatter3A_574] : memref<2x32x128xf32, #tpu.memory_space<vmem>> -> memref<1x32x128xf32, #tpu.memory_space<vmem>>
        %scatter3A_576 = tpu.memref_squeeze %scatter3A_575 : memref<1x32x128xf32, #tpu.memory_space<vmem>> -> memref<32x128xf32, #tpu.memory_space<vmem>>
        tpu.vector_store_idx %scatter3A_576[%add3A_532, %and3A_535], %gather3A_527 : memref<32x128xf32, #tpu.memory_space<vmem>>[vector<16xi32>, vector<16xi32>], vector<16xf32>,
        %scatter3A_577 = arith.constant 1 : i32
        %scatter3A_578 = arith.constant 0 : i32
        %scatter3A_579 = arith.constant 0 : i32
        %scatter3A_580 = tpu.memref_slice %arg6[%scatter3A_577, %scatter3A_578, %scatter3A_579] : memref<2x32x128xf32, #tpu.memory_space<vmem>> -> memref<1x32x128xf32, #tpu.memory_space<vmem>>
        %scatter3A_581 = tpu.memref_squeeze %scatter3A_580 : memref<1x32x128xf32, #tpu.memory_space<vmem>> -> memref<32x128xf32, #tpu.memory_space<vmem>>
        tpu.vector_store_idx %scatter3A_581[%add3A_558, %and3A_561], %gather3A_553 : memref<32x128xf32, #tpu.memory_space<vmem>>[vector<16xi32>, vector<16xi32>], vector<16xf32>,
        %add3A_582 = arith.constant 12 : i32
        %add3A_583 = vector.broadcast %add3A_582 : i32 to vector<16xi32>
        %add3A_584 = arith.addi %iota3A, %add3A_583 : vector<16xi32>
        %and3A_585 = arith.constant 15 : i32
        %and3A_586 = vector.broadcast %and3A_585 : i32 to vector<16xi32>
        %and3A_587 = arith.andi %add3A_584, %and3A_586 : vector<16xi32>
        %shift_left3A_588 = arith.constant 5 : i32
        %shift_left3A_589 = vector.broadcast %shift_left3A_588 : i32 to vector<16xi32>
        %shift_left3A_590 = arith.shli %and3A_587, %shift_left3A_589 : vector<16xi32>
        %add3A_591 = arith.addi %shift_left3A_590, %add3A_184 : vector<16xi32>
        %add3A_592 = vector.broadcast %add3A_212 : i32 to vector<16xi32>
        %add3A_593 = arith.addi %and3A_587, %add3A_592 : vector<16xi32>
        %gather3A_594 = arith.constant 1 : i32
        %gather3A_595 = arith.constant 0 : i32
        %gather3A_596 = arith.constant 0 : i32
        %gather3A_597 = tpu.memref_slice %arg5[%gather3A_594, %gather3A_595, %gather3A_596] : memref<2x32x128xf32, #tpu.memory_space<vmem>> -> memref<1x32x128xf32, #tpu.memory_space<vmem>>
        %gather3A_598 = tpu.memref_squeeze %gather3A_597 : memref<1x32x128xf32, #tpu.memory_space<vmem>> -> memref<32x128xf32, #tpu.memory_space<vmem>>
        %gather3A_599 = tpu.vector_load_idx %gather3A_598[%add3A_184, %add3A_593] : memref<32x128xf32, #tpu.memory_space<vmem>>[vector<16xi32>, vector<16xi32>], vector<16xf32>,
        %shift_right_arithmetic3A_600 = arith.constant 7 : i32
        %shift_right_arithmetic3A_601 = vector.broadcast %shift_right_arithmetic3A_600 : i32 to vector<16xi32>
        %shift_right_arithmetic3A_602 = arith.shrsi %add3A_591, %shift_right_arithmetic3A_601 : vector<16xi32>
        %add3A_603 = vector.broadcast %shift_right_arithmetic3A_213 : i32 to vector<16xi32>
        %add3A_604 = arith.addi %shift_right_arithmetic3A_602, %add3A_603 : vector<16xi32>
        %and3A_605 = arith.constant 127 : i32
        %and3A_606 = vector.broadcast %and3A_605 : i32 to vector<16xi32>
        %and3A_607 = arith.andi %add3A_591, %and3A_606 : vector<16xi32>
        %add3A_608 = arith.constant 13 : i32
        %add3A_609 = vector.broadcast %add3A_608 : i32 to vector<16xi32>
        %add3A_610 = arith.addi %iota3A, %add3A_609 : vector<16xi32>
        %and3A_611 = arith.constant 15 : i32
        %and3A_612 = vector.broadcast %and3A_611 : i32 to vector<16xi32>
        %and3A_613 = arith.andi %add3A_610, %and3A_612 : vector<16xi32>
        %shift_left3A_614 = arith.constant 5 : i32
        %shift_left3A_615 = vector.broadcast %shift_left3A_614 : i32 to vector<16xi32>
        %shift_left3A_616 = arith.shli %and3A_613, %shift_left3A_615 : vector<16xi32>
        %add3A_617 = arith.addi %shift_left3A_616, %add3A_184 : vector<16xi32>
        %add3A_618 = vector.broadcast %add3A_212 : i32 to vector<16xi32>
        %add3A_619 = arith.addi %and3A_613, %add3A_618 : vector<16xi32>
        %gather3A_620 = arith.constant 1 : i32
        %gather3A_621 = arith.constant 0 : i32
        %gather3A_622 = arith.constant 0 : i32
        %gather3A_623 = tpu.memref_slice %arg5[%gather3A_620, %gather3A_621, %gather3A_622] : memref<2x32x128xf32, #tpu.memory_space<vmem>> -> memref<1x32x128xf32, #tpu.memory_space<vmem>>
        %gather3A_624 = tpu.memref_squeeze %gather3A_623 : memref<1x32x128xf32, #tpu.memory_space<vmem>> -> memref<32x128xf32, #tpu.memory_space<vmem>>
        %gather3A_625 = tpu.vector_load_idx %gather3A_624[%add3A_184, %add3A_619] : memref<32x128xf32, #tpu.memory_space<vmem>>[vector<16xi32>, vector<16xi32>], vector<16xf32>,
        %shift_right_arithmetic3A_626 = arith.constant 7 : i32
        %shift_right_arithmetic3A_627 = vector.broadcast %shift_right_arithmetic3A_626 : i32 to vector<16xi32>
        %shift_right_arithmetic3A_628 = arith.shrsi %add3A_617, %shift_right_arithmetic3A_627 : vector<16xi32>
        %add3A_629 = vector.broadcast %shift_right_arithmetic3A_213 : i32 to vector<16xi32>
        %add3A_630 = arith.addi %shift_right_arithmetic3A_628, %add3A_629 : vector<16xi32>
        %and3A_631 = arith.constant 127 : i32
        %and3A_632 = vector.broadcast %and3A_631 : i32 to vector<16xi32>
        %and3A_633 = arith.andi %add3A_617, %and3A_632 : vector<16xi32>
        %add3A_634 = arith.constant 14 : i32
        %add3A_635 = vector.broadcast %add3A_634 : i32 to vector<16xi32>
        %add3A_636 = arith.addi %iota3A, %add3A_635 : vector<16xi32>
        %and3A_637 = arith.constant 15 : i32
        %and3A_638 = vector.broadcast %and3A_637 : i32 to vector<16xi32>
        %and3A_639 = arith.andi %add3A_636, %and3A_638 : vector<16xi32>
        %shift_left3A_640 = arith.constant 5 : i32
        %shift_left3A_641 = vector.broadcast %shift_left3A_640 : i32 to vector<16xi32>
        %shift_left3A_642 = arith.shli %and3A_639, %shift_left3A_641 : vector<16xi32>
        %add3A_643 = arith.addi %shift_left3A_642, %add3A_184 : vector<16xi32>
        %add3A_644 = vector.broadcast %add3A_212 : i32 to vector<16xi32>
        %add3A_645 = arith.addi %and3A_639, %add3A_644 : vector<16xi32>
        %gather3A_646 = arith.constant 1 : i32
        %gather3A_647 = arith.constant 0 : i32
        %gather3A_648 = arith.constant 0 : i32
        %gather3A_649 = tpu.memref_slice %arg5[%gather3A_646, %gather3A_647, %gather3A_648] : memref<2x32x128xf32, #tpu.memory_space<vmem>> -> memref<1x32x128xf32, #tpu.memory_space<vmem>>
        %gather3A_650 = tpu.memref_squeeze %gather3A_649 : memref<1x32x128xf32, #tpu.memory_space<vmem>> -> memref<32x128xf32, #tpu.memory_space<vmem>>
        %gather3A_651 = tpu.vector_load_idx %gather3A_650[%add3A_184, %add3A_645] : memref<32x128xf32, #tpu.memory_space<vmem>>[vector<16xi32>, vector<16xi32>], vector<16xf32>,
        %shift_right_arithmetic3A_652 = arith.constant 7 : i32
        %shift_right_arithmetic3A_653 = vector.broadcast %shift_right_arithmetic3A_652 : i32 to vector<16xi32>
        %shift_right_arithmetic3A_654 = arith.shrsi %add3A_643, %shift_right_arithmetic3A_653 : vector<16xi32>
        %add3A_655 = vector.broadcast %shift_right_arithmetic3A_213 : i32 to vector<16xi32>
        %add3A_656 = arith.addi %shift_right_arithmetic3A_654, %add3A_655 : vector<16xi32>
        %and3A_657 = arith.constant 127 : i32
        %and3A_658 = vector.broadcast %and3A_657 : i32 to vector<16xi32>
        %and3A_659 = arith.andi %add3A_643, %and3A_658 : vector<16xi32>
        %add3A_660 = arith.constant 15 : i32
        %add3A_661 = vector.broadcast %add3A_660 : i32 to vector<16xi32>
        %add3A_662 = arith.addi %iota3A, %add3A_661 : vector<16xi32>
        %and3A_663 = arith.constant 15 : i32
        %and3A_664 = vector.broadcast %and3A_663 : i32 to vector<16xi32>
        %and3A_665 = arith.andi %add3A_662, %and3A_664 : vector<16xi32>
        %shift_left3A_666 = arith.constant 5 : i32
        %shift_left3A_667 = vector.broadcast %shift_left3A_666 : i32 to vector<16xi32>
        %shift_left3A_668 = arith.shli %and3A_665, %shift_left3A_667 : vector<16xi32>
        %add3A_669 = arith.addi %shift_left3A_668, %add3A_184 : vector<16xi32>
        %add3A_670 = vector.broadcast %add3A_212 : i32 to vector<16xi32>
        %add3A_671 = arith.addi %and3A_665, %add3A_670 : vector<16xi32>
        %gather3A_672 = arith.constant 1 : i32
        %gather3A_673 = arith.constant 0 : i32
        %gather3A_674 = arith.constant 0 : i32
        %gather3A_675 = tpu.memref_slice %arg5[%gather3A_672, %gather3A_673, %gather3A_674] : memref<2x32x128xf32, #tpu.memory_space<vmem>> -> memref<1x32x128xf32, #tpu.memory_space<vmem>>
        %gather3A_676 = tpu.memref_squeeze %gather3A_675 : memref<1x32x128xf32, #tpu.memory_space<vmem>> -> memref<32x128xf32, #tpu.memory_space<vmem>>
        %gather3A_677 = tpu.vector_load_idx %gather3A_676[%add3A_184, %add3A_671] : memref<32x128xf32, #tpu.memory_space<vmem>>[vector<16xi32>, vector<16xi32>], vector<16xf32>,
        %shift_right_arithmetic3A_678 = arith.constant 7 : i32
        %shift_right_arithmetic3A_679 = vector.broadcast %shift_right_arithmetic3A_678 : i32 to vector<16xi32>
        %shift_right_arithmetic3A_680 = arith.shrsi %add3A_669, %shift_right_arithmetic3A_679 : vector<16xi32>
        %add3A_681 = vector.broadcast %shift_right_arithmetic3A_213 : i32 to vector<16xi32>
        %add3A_682 = arith.addi %shift_right_arithmetic3A_680, %add3A_681 : vector<16xi32>
        %and3A_683 = arith.constant 127 : i32
        %and3A_684 = vector.broadcast %and3A_683 : i32 to vector<16xi32>
        %and3A_685 = arith.andi %add3A_669, %and3A_684 : vector<16xi32>
        %scatter3A_686 = arith.constant 1 : i32
        %scatter3A_687 = arith.constant 0 : i32
        %scatter3A_688 = arith.constant 0 : i32
        %scatter3A_689 = tpu.memref_slice %arg6[%scatter3A_686, %scatter3A_687, %scatter3A_688] : memref<2x32x128xf32, #tpu.memory_space<vmem>> -> memref<1x32x128xf32, #tpu.memory_space<vmem>>
        %scatter3A_690 = tpu.memref_squeeze %scatter3A_689 : memref<1x32x128xf32, #tpu.memory_space<vmem>> -> memref<32x128xf32, #tpu.memory_space<vmem>>
        tpu.vector_store_idx %scatter3A_690[%add3A_604, %and3A_607], %gather3A_599 : memref<32x128xf32, #tpu.memory_space<vmem>>[vector<16xi32>, vector<16xi32>], vector<16xf32>,
        %scatter3A_691 = arith.constant 1 : i32
        %scatter3A_692 = arith.constant 0 : i32
        %scatter3A_693 = arith.constant 0 : i32
        %scatter3A_694 = tpu.memref_slice %arg6[%scatter3A_691, %scatter3A_692, %scatter3A_693] : memref<2x32x128xf32, #tpu.memory_space<vmem>> -> memref<1x32x128xf32, #tpu.memory_space<vmem>>
        %scatter3A_695 = tpu.memref_squeeze %scatter3A_694 : memref<1x32x128xf32, #tpu.memory_space<vmem>> -> memref<32x128xf32, #tpu.memory_space<vmem>>
        tpu.vector_store_idx %scatter3A_695[%add3A_630, %and3A_633], %gather3A_625 : memref<32x128xf32, #tpu.memory_space<vmem>>[vector<16xi32>, vector<16xi32>], vector<16xf32>,
        %scatter3A_696 = arith.constant 1 : i32
        %scatter3A_697 = arith.constant 0 : i32
        %scatter3A_698 = arith.constant 0 : i32
        %scatter3A_699 = tpu.memref_slice %arg6[%scatter3A_696, %scatter3A_697, %scatter3A_698] : memref<2x32x128xf32, #tpu.memory_space<vmem>> -> memref<1x32x128xf32, #tpu.memory_space<vmem>>
        %scatter3A_700 = tpu.memref_squeeze %scatter3A_699 : memref<1x32x128xf32, #tpu.memory_space<vmem>> -> memref<32x128xf32, #tpu.memory_space<vmem>>
        tpu.vector_store_idx %scatter3A_700[%add3A_656, %and3A_659], %gather3A_651 : memref<32x128xf32, #tpu.memory_space<vmem>>[vector<16xi32>, vector<16xi32>], vector<16xf32>,
        %scatter3A_701 = arith.constant 1 : i32
        %scatter3A_702 = arith.constant 0 : i32
        %scatter3A_703 = arith.constant 0 : i32
        %scatter3A_704 = tpu.memref_slice %arg6[%scatter3A_701, %scatter3A_702, %scatter3A_703] : memref<2x32x128xf32, #tpu.memory_space<vmem>> -> memref<1x32x128xf32, #tpu.memory_space<vmem>>
        %scatter3A_705 = tpu.memref_squeeze %scatter3A_704 : memref<1x32x128xf32, #tpu.memory_space<vmem>> -> memref<32x128xf32, #tpu.memory_space<vmem>>
        tpu.vector_store_idx %scatter3A_705[%add3A_682, %and3A_685], %gather3A_677 : memref<32x128xf32, #tpu.memory_space<vmem>>[vector<16xi32>, vector<16xi32>], vector<16xf32>,
      }
      %scan3A_189 = arith.constant 8 : i32
      %mul3A_190 = arith.constant 32 : i32
      %mul3A_191 = arith.muli %mul3A_190, %min3A_143 : i32
      %dma_start3A_192 = arith.constant 1 : i32
      %dma_start3A_193 = arith.constant 3 : i32
      %dma_start3A_194 = arith.constant 0 : i32
      %dma_start3A_195 = arith.constant 0 : i32
      %dma_start3A_196 = tpu.memref_slice %arg6[%dma_start3A_192, %dma_start3A_194, %dma_start3A_195] : memref<2x32x128xf32, #tpu.memory_space<vmem>> -> memref<1x32x128xf32, #tpu.memory_space<vmem>>
      %dma_start3A_197 = tpu.memref_squeeze %dma_start3A_196 : memref<1x32x128xf32, #tpu.memory_space<vmem>> -> memref<32x128xf32, #tpu.memory_space<vmem>>
      %dma_start3A_198 = arith.constant 0 : i32
      %dma_start3A_199 = tpu.memref_slice %arg4[%mul3A_191, %dma_start3A_198] : memref<250000x128xf32, #tpu.memory_space<hbm>> -> memref<32x128xf32, #tpu.memory_space<hbm>>
      %dma_start3A_200 = tpu.memref_slice %arg8[%dma_start3A_193] : memref<4x!tpu.dma_semaphore, #tpu.memory_space<semaphore_mem>> -> memref<1x!tpu.dma_semaphore, #tpu.memory_space<semaphore_mem>>
      %dma_start3A_201 = tpu.memref_squeeze %dma_start3A_200 : memref<1x!tpu.dma_semaphore, #tpu.memory_space<semaphore_mem>> -> memref<!tpu.dma_semaphore, #tpu.memory_space<semaphore_mem>>
      %dma_start3A_202 = arith.constant 0 : i32
      %dma_start3A_203 = tpu.memref_slice %arg4[%mul3A_191, %dma_start3A_202] : memref<250000x128xf32, #tpu.memory_space<hbm>> -> memref<32x128xf32, #tpu.memory_space<hbm>>
      %dma_start3A_204 = arith.constant 0 : i32
      %dma_start3A_205 = arith.constant 0 : i32
      %dma_start3A_206 = tpu.memref_slice %arg6[%dma_start3A_192, %dma_start3A_204, %dma_start3A_205] : memref<2x32x128xf32, #tpu.memory_space<vmem>> -> memref<1x32x128xf32, #tpu.memory_space<vmem>>
      %dma_start3A_207 = tpu.memref_squeeze %dma_start3A_206 : memref<1x32x128xf32, #tpu.memory_space<vmem>> -> memref<32x128xf32, #tpu.memory_space<vmem>>
      tpu.enqueue_dma source(%dma_start3A_207 : memref<32x128xf32, #tpu.memory_space<vmem>>) target(%dma_start3A_203 : memref<32x128xf32, #tpu.memory_space<hbm>>) target_semaphore(%dma_start3A_201 : memref<!tpu.dma_semaphore, #tpu.memory_space<semaphore_mem>>)
    }
    %scan3A_29 = arith.constant 123 : i32
    %dma_wait3A = arith.constant 0 : i32
    %dma_wait3A_30 = arith.constant 2 : i32
    %dma_wait3A_31 = arith.constant 0 : i32
    %dma_wait3A_32 = arith.constant 0 : i32
    %dma_wait3A_33 = tpu.memref_slice %arg6[%dma_wait3A, %dma_wait3A_31, %dma_wait3A_32] : memref<2x32x128xf32, #tpu.memory_space<vmem>> -> memref<1x32x128xf32, #tpu.memory_space<vmem>>
    %dma_wait3A_34 = tpu.memref_squeeze %dma_wait3A_33 : memref<1x32x128xf32, #tpu.memory_space<vmem>> -> memref<32x128xf32, #tpu.memory_space<vmem>>
    %dma_wait3A_35 = arith.constant 0 : i32
    %dma_wait3A_36 = arith.constant 0 : i32
    %dma_wait3A_37 = tpu.memref_slice %arg4[%dma_wait3A_35, %dma_wait3A_36] : memref<250000x128xf32, #tpu.memory_space<hbm>> -> memref<32x128xf32, #tpu.memory_space<hbm>>
    %dma_wait3A_38 = tpu.memref_slice %arg8[%dma_wait3A_30] : memref<4x!tpu.dma_semaphore, #tpu.memory_space<semaphore_mem>> -> memref<1x!tpu.dma_semaphore, #tpu.memory_space<semaphore_mem>>
    %dma_wait3A_39 = tpu.memref_squeeze %dma_wait3A_38 : memref<1x!tpu.dma_semaphore, #tpu.memory_space<semaphore_mem>> -> memref<!tpu.dma_semaphore, #tpu.memory_space<semaphore_mem>>
    %dma_wait3A_40 = arith.constant 0 : i32
    %dma_wait3A_41 = arith.constant 0 : i32
    %dma_wait3A_42 = tpu.memref_slice %arg4[%dma_wait3A_40, %dma_wait3A_41] : memref<250000x128xf32, #tpu.memory_space<hbm>> -> memref<32x128xf32, #tpu.memory_space<hbm>>
    %dma_wait3A_43 = arith.constant 0 : i32
    %dma_wait3A_44 = arith.constant 0 : i32
    %dma_wait3A_45 = tpu.memref_slice %arg6[%dma_wait3A, %dma_wait3A_43, %dma_wait3A_44] : memref<2x32x128xf32, #tpu.memory_space<vmem>> -> memref<1x32x128xf32, #tpu.memory_space<vmem>>
    %dma_wait3A_46 = tpu.memref_squeeze %dma_wait3A_45 : memref<1x32x128xf32, #tpu.memory_space<vmem>> -> memref<32x128xf32, #tpu.memory_space<vmem>>
    tpu.wait_dma2 semaphore(%dma_wait3A_39 : memref<!tpu.dma_semaphore, #tpu.memory_space<semaphore_mem>>) src(%dma_wait3A_46 : memref<32x128xf32, #tpu.memory_space<vmem>>) dst(%dma_wait3A_42 : memref<32x128xf32, #tpu.memory_space<hbm>>)
    %dma_wait3A_47 = arith.constant 1 : i32
    %dma_wait3A_48 = arith.constant 3 : i32
    %dma_wait3A_49 = arith.constant 0 : i32
    %dma_wait3A_50 = arith.constant 0 : i32
    %dma_wait3A_51 = tpu.memref_slice %arg6[%dma_wait3A_47, %dma_wait3A_49, %dma_wait3A_50] : memref<2x32x128xf32, #tpu.memory_space<vmem>> -> memref<1x32x128xf32, #tpu.memory_space<vmem>>
    %dma_wait3A_52 = tpu.memref_squeeze %dma_wait3A_51 : memref<1x32x128xf32, #tpu.memory_space<vmem>> -> memref<32x128xf32, #tpu.memory_space<vmem>>
    %dma_wait3A_53 = arith.constant 0 : i32
    %dma_wait3A_54 = arith.constant 0 : i32
    %dma_wait3A_55 = tpu.memref_slice %arg4[%dma_wait3A_53, %dma_wait3A_54] : memref<250000x128xf32, #tpu.memory_space<hbm>> -> memref<32x128xf32, #tpu.memory_space<hbm>>
    %dma_wait3A_56 = tpu.memref_slice %arg8[%dma_wait3A_48] : memref<4x!tpu.dma_semaphore, #tpu.memory_space<semaphore_mem>> -> memref<1x!tpu.dma_semaphore, #tpu.memory_space<semaphore_mem>>
    %dma_wait3A_57 = tpu.memref_squeeze %dma_wait3A_56 : memref<1x!tpu.dma_semaphore, #tpu.memory_space<semaphore_mem>> -> memref<!tpu.dma_semaphore, #tpu.memory_space<semaphore_mem>>
    %dma_wait3A_58 = arith.constant 0 : i32
    %dma_wait3A_59 = arith.constant 0 : i32
    %dma_wait3A_60 = tpu.memref_slice %arg4[%dma_wait3A_58, %dma_wait3A_59] : memref<250000x128xf32, #tpu.memory_space<hbm>> -> memref<32x128xf32, #tpu.memory_space<hbm>>
    %dma_wait3A_61 = arith.constant 0 : i32
    %dma_wait3A_62 = arith.constant 0 : i32
    %dma_wait3A_63 = tpu.memref_slice %arg6[%dma_wait3A_47, %dma_wait3A_61, %dma_wait3A_62] : memref<2x32x128xf32, #tpu.memory_space<vmem>> -> memref<1x32x128xf32, #tpu.memory_space<vmem>>
    %dma_wait3A_64 = tpu.memref_squeeze %dma_wait3A_63 : memref<1x32x128xf32, #tpu.memory_space<vmem>> -> memref<32x128xf32, #tpu.memory_space<vmem>>
    tpu.wait_dma2 semaphore(%dma_wait3A_57 : memref<!tpu.dma_semaphore, #tpu.memory_space<semaphore_mem>>) src(%dma_wait3A_64 : memref<32x128xf32, #tpu.memory_space<vmem>>) dst(%dma_wait3A_60 : memref<32x128xf32, #tpu.memory_space<hbm>>)
    %eq3A = arith.constant 0 : i32
    %eq3A_65 = arith.cmpi eq, %add3A, %eq3A : i32
    %convert_element_type3A = arith.extui %eq3A_65 : i1 to i32
    %cond3A = arith.constant 0 : i32
    %cond3A_66 = arith.cmpi ne, %convert_element_type3A, %cond3A : i32
    scf.if %cond3A_66 {
      "tpu.region"() ({
        %run_scoped3A = tpu.sem_alloc : memref<!tpu.dma_semaphore, #tpu.memory_space<semaphore_mem>>
        tpu.enqueue_dma source(%arg3 : memref<16x128xf32, #tpu.memory_space<hbm>>) target(%arg7 : memref<16x128xf32, #tpu.memory_space<vmem>>) target_semaphore(%run_scoped3A : memref<!tpu.dma_semaphore, #tpu.memory_space<semaphore_mem>>)
        tpu.wait_dma2 semaphore(%run_scoped3A : memref<!tpu.dma_semaphore, #tpu.memory_space<semaphore_mem>>) src(%arg3 : memref<16x128xf32, #tpu.memory_space<hbm>>) dst(%arg7 : memref<16x128xf32, #tpu.memory_space<vmem>>)
        tpu.yield
      }) : () -> ()
      "tpu.region"() ({
        %run_scoped3A = tpu.sem_alloc : memref<!tpu.dma_semaphore, #tpu.memory_space<semaphore_mem>>
        %dma_start3A_67 = arith.constant 249984 : i32
        %dma_start3A_68 = arith.constant 0 : i32
        %dma_start3A_69 = tpu.memref_slice %arg4[%dma_start3A_67, %dma_start3A_68] : memref<250000x128xf32, #tpu.memory_space<hbm>> -> memref<16x128xf32, #tpu.memory_space<hbm>>
        %dma_start3A_70 = arith.constant 249984 : i32
        %dma_start3A_71 = arith.constant 0 : i32
        %dma_start3A_72 = tpu.memref_slice %arg4[%dma_start3A_70, %dma_start3A_71] : memref<250000x128xf32, #tpu.memory_space<hbm>> -> memref<16x128xf32, #tpu.memory_space<hbm>>
        tpu.enqueue_dma source(%arg7 : memref<16x128xf32, #tpu.memory_space<vmem>>) target(%dma_start3A_72 : memref<16x128xf32, #tpu.memory_space<hbm>>) target_semaphore(%run_scoped3A : memref<!tpu.dma_semaphore, #tpu.memory_space<semaphore_mem>>)
        %dma_wait3A_73 = arith.constant 249984 : i32
        %dma_wait3A_74 = arith.constant 0 : i32
        %dma_wait3A_75 = tpu.memref_slice %arg4[%dma_wait3A_73, %dma_wait3A_74] : memref<250000x128xf32, #tpu.memory_space<hbm>> -> memref<16x128xf32, #tpu.memory_space<hbm>>
        %dma_wait3A_76 = arith.constant 249984 : i32
        %dma_wait3A_77 = arith.constant 0 : i32
        %dma_wait3A_78 = tpu.memref_slice %arg4[%dma_wait3A_76, %dma_wait3A_77] : memref<250000x128xf32, #tpu.memory_space<hbm>> -> memref<16x128xf32, #tpu.memory_space<hbm>>
        tpu.wait_dma2 semaphore(%run_scoped3A : memref<!tpu.dma_semaphore, #tpu.memory_space<semaphore_mem>>) src(%arg7 : memref<16x128xf32, #tpu.memory_space<vmem>>) dst(%dma_wait3A_78 : memref<16x128xf32, #tpu.memory_space<hbm>>)
        tpu.yield
      }) : () -> ()
    } else {
    }
    return
  }
}

module attributes {stable_mosaic.version = 14 : i64} {
  func.func @_linear_body(%arg0: memref<4096x32xf32, #tpu.memory_space<vmem>>, %arg1: memref<32x20xf32, #tpu.memory_space<vmem>>, %arg2: memref<1x20xf32, #tpu.memory_space<vmem>>, %arg3: memref<4096x20xf32, #tpu.memory_space<vmem>>) attributes {dimension_semantics = [], scalar_prefetch = 0 : i64, scratch_operands = 0 : i64, tpu.core_type = #tpu.core_type<tc>} {
    %get3A = arith.constant 0 : index
    %get3A_0 = arith.constant 0 : index
    %get3A_1 = vector.load %arg0[%get3A, %get3A_0] : memref<4096x32xf32, #tpu.memory_space<vmem>>, vector<4096x32xf32>
    %get3A_2 = arith.constant 0 : index
    %get3A_3 = arith.constant 0 : index
    %get3A_4 = vector.load %arg1[%get3A_2, %get3A_3] : memref<32x20xf32, #tpu.memory_space<vmem>>, vector<32x20xf32>
    %dot_general3A = arith.constant dense<0.000000e+00> : vector<4096x20xf32>
    %dot_general3A_5 = tpu.matmul %get3A_1, %get3A_4, %dot_general3A {dimension_numbers = #tpu.dot_dimension_numbers<[1], [0], [0], [1], [0, 0, 1, 1], [], []>, transpose_lhs_hint = false} : vector<4096x32xf32>, vector<32x20xf32>, vector<4096x20xf32> -> vector<4096x20xf32>
    %get3A_6 = arith.constant 0 : index
    %get3A_7 = arith.constant 0 : index
    %get3A_8 = vector.load %arg2[%get3A_6, %get3A_7] : memref<1x20xf32, #tpu.memory_space<vmem>>, vector<1x20xf32>
    %add3A = vector.broadcast %get3A_8 : vector<1x20xf32> to vector<4096x20xf32>
    %add3A_9 = arith.addf %dot_general3A_5, %add3A : vector<4096x20xf32>
    %swap3A = arith.constant 0 : index
    %swap3A_10 = arith.constant 0 : index
    %swap3A_11 = vector.load %arg3[%swap3A, %swap3A_10] : memref<4096x20xf32, #tpu.memory_space<vmem>>, vector<4096x20xf32>
    tpu.vector_store %arg3[%swap3A, %swap3A_10], %add3A_9 {strides = array<i32>} : memref<4096x20xf32, #tpu.memory_space<vmem>>, vector<4096x20xf32>,
    return
  }
}

</mosaic_0001>

<sc_bundles>
// kernel: kernel.5.cloned.1.call-start
scs
__scs_entry_jumppad:
0x0: {  	(pc) =	sbr.rel $0x88, $3  }
0x1: {  	(tag) =	ssettag $0x0;
	lr =	simm.s32 $0x1  }
0x2: {  	[smem:$0x3F9D] =	sst lr;
	_ =	strace $0xD0000000  }
0x3: {  	_ = 	snop  }
0x4: {  	_ = 	snop  }
0x5: {  	_ = 	snop  }
0x6: {  	_ = 	snop  }
0x7: {  	_ = 	snop  }
__scs_overlays_trampoline_lowered:
0x8: {  	[smem:$0x3FAC] =	sst s0  }
0x9: {  	[smem:$0x3FAD] =	sst s1  }
0xa: {  	[smem:$0x3FAE] =	sst s2  }
0xb: {  	[smem:$0x3FAF] =	sst s3  }
0xc: {  	[smem:$0x3FB0] =	sst s4  }
0xd: {  	[smem:$0x3FB1] =	sst s5  }
0xe: {  	[smem:$0x3FB2] =	sst s6  }
0xf: {  	[smem:$0x3FB3] =	sst s7  }
0x10: {  	[smem:$0x3FB4] =	sst s8  }
0x11: {  	[smem:$0x3FB5] =	sst s9;
	s0 =	simm.s32 @!p0 $0x0  }
0x12: {  	s1 =	sld [smem:$0x3F9B];
	s0 =	simm.s32 @p0 $0x1  }
0x13: {  	[smem:$0x3FB6] =	sst s0;
	s0 =	simm.s32 @!p1 $0x0  }
0x14: {  	s2 =	sld [smem:$0x3F9A];
	s0 =	simm.s32 @p1 $0x1  }
0x15: {  	[smem:$0x3FB7] =	sst s0;
	s0 =	simm.s32 @!p2 $0x0  }
0x16: {  	s3 =	sld [smem:$0x3FDB];
	s0 =	simm.s32 @p2 $0x1  }
0x17: {  	s4 =	simm.s32 $0x1BF5;
	[smem:$0x3FB9] =	sst s0  }
0x18: {  	s0 =	sld [smem:$0x3F9C];
	_ =	swait.ge [sflag:s4], $0x0  }
0x19: {  	s7 =	sld [smem:$0x3F9D]  }
0x1a: {  	s8 =	sadd.s32 $0xFFFFE003, lr  }
0x1b: {  	s9 =	sadd.s32 $0xFFFFFEF7, lr;
	s5 =	simm.s32 $0xFFFFFFFF;
	p2 =	slt.u32 s8, $0xFFFFF086  }
0x1c: {  	p1 =	slt.u32 s9, $0xF7A;
	s5 =	simm.s32 @!p2 $0x0  }
0x1d: {  	s5 =	simm.s32 @p1 $0x1;
	p0 =	seq.s32 s7, s2  }
0x1e: {  	s7 =	smul.u32 @!p0 $0xF7A, s2;
	p2 =	seq.s32 @!p0 s5, $0x0  }
0x1f: {  	s9 =	smul.u32 $0xF7A, s1;
	s8 =	simm.s32 @!p0 $0x1BF5;
	p2 =	por !p2, p0  }
0x20: {  	[sflag:s8] =	ssyncset.s32 @!p0 $0xFFFFF086;
	s6 =	sadd.s32 @!p0 s3, s7;
	s7 =	simm.s32 @!p0 $0x108  }
0x21: {  	s3 =	sadd.s32 s3, s9;
	s6 =	sadd.s32 @!p0 $0x88, s6;
	s7 =	simm.s32 @p2 $0x1082  }
0x22: {  	[simem:s7], [sflag:s8] =	dma.local @!p0 [hbm:s6], $0xF7A  }
0x23: {  	s9 =	sor.u32 $0xD0000000, s2;
	s6 =	simm.s32 $0x108;
	_ =	swait.ge @!p0 [sflag:s8], $0x0  }
0x24: {  	s3 =	sadd.s32 $0x88, s3;
	s6 =	simm.s32 @!p1 $0x1082;
	[sflag:s4] =	ssyncset.s32 $0xFFFFF086  }
0x25: {  	[simem:s6], [sflag:s4] =	dma.local [hbm:s3], $0xF7A  }
0x26: {  	[smem:$0x3F9D] =	sst s1;
	(tag) =	ssettag s2;
	_ =	strace s9  }
0x27: {  	s1 =	sld [smem:$0x3FAD]  }
0x28: {  	s2 =	sld [smem:$0x3FAE]  }
0x29: {  	s4 =	sld [smem:$0x3FB0]  }
0x2a: {  	p0 =	seq.s32 s5, $0x0;
	s5 =	sld [smem:$0x3FB1]  }
0x2b: {  	s6 =	sld [smem:$0x3FB2]  }
0x2c: {  	s7 =	sld [smem:$0x3FB3]  }
0x2d: {  	s3 =	simm.s32 $0x108;
	s8 =	sld [smem:$0x3FB4]  }
0x2e: {  	s3 =	simm.s32 @!p0 $0x1082;
	s9 =	sld [smem:$0x3FB5]  }
0x2f: {  	lr =	sadd.s32 s0, s3;
	s0 =	sld [smem:$0x3FAC]  }
0x30: {  	s3 =	sld [smem:$0x3FAF]  }
0x31: {  	[smem:$0x3FB8] =	sst s10  }
0x32: {  	s10 =	sld [smem:$0x3FB6];
	_ =	sdelay $0x3  }
0x33: {  	p0 =	seq.s32 s10, $0x1;
	s10 =	sld [smem:$0x3FB8];
	_ =	sdelay $0x3  }
0x34: {  	[smem:$0x3FB8] =	sst s10  }
0x35: {  	s10 =	sld [smem:$0x3FB7];
	_ =	sdelay $0x3  }
0x36: {  	p1 =	seq.s32 s10, $0x1;
	s10 =	sld [smem:$0x3FB8];
	_ =	sdelay $0x3  }
0x37: {  	[smem:$0x3FB8] =	sst s10  }
0x38: {  	s10 =	sld [smem:$0x3FB9]  }
0x39: {  	_ = 	snop;
	(pc) =	sbr.ind lr, $3  }
0x3a: {  	_ = 	snop  }
0x3b: {  	_ = 	snop  }
0x3c: {  	p2 =	seq.s32 s10, $0x1;
	s10 =	sld [smem:$0x3FB8]  }
0x3d: {  	_ =	shalt  }
0x3e: {  	_ =	shalt  }
0x3f: {  	_ =	shalt  }
0x40: {  	_ =	shalt  }
0x41: {  	_ =	shalt  }
0x42: {  	_ =	shalt  }
0x43: {  	_ =	shalt  }
0x44: {  	_ =	shalt  }
0x45: {  	_ =	shalt  }
0x46: {  	_ =	shalt  }
0x47: {  	_ =	shalt  }
0x48: {  	_ =	shalt  }
0x49: {  	_ =	shalt  }
0x4a: {  	_ =	shalt  }
0x4b: {  	_ =	shalt  }
0x4c: {  	_ =	shalt  }
0x4d: {  	_ =	shalt  }
0x4e: {  	_ =	shalt  }
0x4f: {  	_ =	shalt  }
0x50: {  	_ =	shalt  }
0x51: {  	_ =	shalt  }
0x52: {  	_ =	shalt  }
0x53: {  	_ =	shalt  }
0x54: {  	_ =	shalt  }
0x55: {  	_ =	shalt  }
0x56: {  	_ =	shalt  }
0x57: {  	_ =	shalt  }
0x58: {  	_ =	shalt  }
0x59: {  	_ =	shalt  }
0x5a: {  	_ =	shalt  }
0x5b: {  	_ =	shalt  }
0x5c: {  	_ =	shalt  }
0x5d: {  	_ =	shalt  }
0x5e: {  	_ =	shalt  }
0x5f: {  	_ =	shalt  }
0x60: {  	_ =	shalt  }
0x61: {  	_ =	shalt  }
0x62: {  	_ =	shalt  }
0x63: {  	_ =	shalt  }
0x64: {  	_ =	shalt  }
0x65: {  	_ =	shalt  }
0x66: {  	_ =	shalt  }
0x67: {  	_ =	shalt  }
0x68: {  	_ =	shalt  }
0x69: {  	_ =	shalt  }
0x6a: {  	_ =	shalt  }
0x6b: {  	_ =	shalt  }
0x6c: {  	_ =	shalt  }
0x6d: {  	_ =	shalt  }
0x6e: {  	_ =	shalt  }
0x6f: {  	_ =	shalt  }
0x70: {  	_ =	shalt  }
0x71: {  	_ =	shalt  }
0x72: {  	_ =	shalt  }
0x73: {  	_ =	shalt  }
0x74: {  	_ =	shalt  }
0x75: {  	_ =	shalt  }
0x76: {  	_ =	shalt  }
0x77: {  	_ =	shalt  }
0x78: {  	_ =	shalt  }
0x79: {  	_ =	shalt  }
0x7a: {  	_ =	shalt  }
0x7b: {  	_ =	shalt  }
0x7c: {  	_ =	shalt  }
0x7d: {  	_ =	shalt  }
0x7e: {  	_ =	shalt  }
0x7f: {  	_ =	shalt  }
0x80: {  	_ =	shalt  }
0x81: {  	_ =	shalt  }
0x82: {  	_ =	shalt  }
0x83: {  	_ =	shalt  }
0x84: {  	_ =	shalt  }
0x85: {  	_ =	shalt  }
0x86: {  	_ =	shalt  }
0x87: {  	_ =	shalt  }
.Lfunc_end0:
.L_simem_size_0:
called_computation_lowered:
.L_overlay_start_0:
0x88: {  	s2 =	sld [smem:$0x3FD9]  }
0x89: {  	s3 =	sld [smem:$0x3FFE];
	_ =	sdelay $0x1  }
0x8a: {  	s1 =	srdreg.scid  }
0x8b: {  	s0 =	sand.u32 $0x1, s1  }
0x8c: {  	s17 =	sshll.u32 s0, $0xA;
	s2 =	sadd.s32 s3, s2  }
0x8d: {  	s2 =	sadd.s32 s2, s17  }
0x8e: {  	[smem:$0x3FC4] =	sst s2  }
0x8f: {  	_ = 	snop  }
0x90: {  	s2 =	sld [smem:$0x3FC8]  }
0x91: {  	s18 =	sld [smem:$0x3FD0];
	(tm) =	ssettm $0x1  }
0x92: {  	s4 =	sld [smem:$0x3FFB];
	_ =	sdelay $0x3  }
0x93: {  	_ =	strace s4  }
0x94: {  	s4 =	sld [smem:$0x3FFC];
	_ =	sdelay $0x3  }
0x95: {  	_ =	strace s4  }
0x96: {  	s4 =	sld [smem:$0x3FFD];
	_ =	sdelay $0x3  }
0x97: {  	_ =	strace s4  }
0x98: {  	_ =	strace $0x8FFFFFFF  }
0x99: {  	s19 =	sld [smem:$0x3FDB];
	_ =	sdelay $0x1  }
0x9a: {  	s5 =	simm.s32 $_scs_section_size  }
0x9b: {  	s6 =	simm.s32 $_size__tile_overlayer_lowered;
	s7 =	simm.s32 $_tile_overlayer_lowered  }
0x9c: {  	s22 =	simm.s32 $0x1BFF;
	s21 =	sshll.u32 s7, $0x1;
	s4 =	sadd.s32 s5, s19  }
0x9d: {  	s8 =	simm.s32 $0x0;
	s20 =	sshll.u32 s6, $0x1;
	s6 =	sadd.s32 s21, s4  }
0x9e: {  	[timem:s8], [sflag:s22] =	dma.local [hbm:s6], s20  }
0x9f: {  	_ =	swait.ge [sflag:s22], s20  }
0xa0: {  	s5 =	ssub.s32 $0x0, s20;
	[sflag:s22] =	ssyncset.done $0x0  }
0xa1: {  	[sflag:s22] =	ssyncadd.s32 s5;
	_ =	sdelay $0x1  }
0xa2: {  	s23 =	simm.s32 $0x1B8B  }
0xa3: {  	_ =	swait.ge [sflag:s23], $0x1  }
0xa4: {  	[sflag:s23] =	ssyncset.done $0x0  }
0xa5: {  	s25 =	simm.s32 $0x1B8E;
	s24 =	sld [smem:$0x3FFE];
	[sflag:s23] =	ssyncadd.s32 $0xFFFFFFFF  }
0xa6: {  	s26 =	simm.s32 $execute0_lowered;
	[smem:$0x3FD2] =	sst s25  }
0xa7: {  	s6 =	sshll.u32 s26, $0x1;
	_ =	strace $0x80000046;
	[dreg:$0x1] =	wrdreg $0xFFFFFFFF  }
0xa8: {  	s28 =	simm.s32 $_size_execute0_lowered;
	s4 =	sadd.s32 s4, s6;
	[dreg:$0x0] =	wrdreg $0x0  }
0xa9: {  	s6 =	sshll.u32 s28, $0x1;
	[dreg:$0x2] =	wrdreg s4  }
0xaa: {  	[dreg:$0x3] =	wrdreg s6  }
0xab: {  	[dreg:$0x4] =	wrdreg $0xC0  }
0xac: {  	_ =	task [dreg:s8], $0x5FFFF  }
0xad: {  	[dreg:$0x1] =	wrdreg $0xFFFFFFFF  }
0xae: {  	[dreg:$0x0] =	wrdreg $0x60  }
0xaf: {  	[dreg:$0x2] =	wrdreg s2  }
0xb0: {  	[dreg:$0x3] =	wrdreg s18  }
0xb1: {  	[dreg:$0x4] =	wrdreg s24  }
0xb2: {  	[dreg:$0x5] =	wrdreg $0x9  }
0xb3: {  	_ =	task.clear_ibuf [dreg:s8], $0x6FFFF;
	_ =	strace $0x90000046  }
0xb4: {  	s29 =	simm.s32 $0x9;
	_ =	strace $0x80000048  }
0xb5: {  	_ =	swait.ge [sflag:s29], $0x1  }
0xb6: {  	[sflag:s29] =	ssyncadd.s32 $0xFFFFFFFF  }
0xb7: {  	_ =	strace $0x90000048  }
0xb8: {  	_ =	sfence  }
0xb9: {  	s30 =	sld [smem:$0x0];
	_ =	sdelay $0x2  }
0xba: {  	s31 =	sshll.u32 s1, $0xD;
	s1 =	sshrl.u32 s1, $0x2  }
0xbb: {  	s3 =	sand.u32 $0x4000, s31;
	s1 =	sadd.s32 s1, s30  }
0xbc: {  	s0 =	sor.u32 s3, s0;
	s1 =	sshll.u32 s1, $0x11  }
0xbd: {  	s0 =	sor.u32 s1, s0  }
0xbe: {  	s0 =	sadd.s32 $0x8F2B, s0  }
0xbf: {  	[sflag:s0] =	ssyncadd.remote.s32 $0x1  }
0xc0: {  	_ =	sfence.sel $0xFFFF  }
0xc1: {  	[dreg:$0x0] =	wrdreg $0xFFFFFFFF;
	(pc) =	sbr.abs _section_cstart, $3  }
0xc2: {  	[dreg:$0x1] =	wrdreg $0xFFFFFFFF  }
0xc3: {  	_ =	task.clear_ibuf [dreg:s8], $0x2FFFF;
	_ =	strace $0x9FFFFFFF  }
0xc4: {  	(tm) =	ssettm $0x7FFFFFFF  }
0xc5: {  	_ =	shalt  }
tec
execute0_lowered:
.L_overlay_start_1:
0x0: {  	(tag) =	ssettag $0x1  }
0x1: {  	v0 =	vimm.s32 $0x780;
	vm7 =	vcmask $0x300;
	vm6 =	vcmask $0x704  }
0x2: {  	vm4 =	vcmask $0xB08;
	vm2 =	vcmask $0xF0C;
	v11 =	vimm.s32 $0x180  }
0x3: {  	vm0 =	vcmask $0x1304;
	vm1 =	vcmask $0x2314;
	v12 =	vimm.s32 $0x100  }
0x4: {  	vm3 =	vcmask $0xF00;
	vm5 =	vcmask $0x1F10;
	v13 =	vimm.s32 $0x80  }
0x5: {  	v14 =	vimm.s32 $0x0;
	vm11 =	vcmask $0x2F20;
	vm12 =	vcmask $0x3324  }
0x6: {  	vm13 =	vcmask $0x1708;
	vm14 =	vcmask $0x2718;
	vm15 =	vcmask $0x3728  }
0x7: {  	vm8 =	vcmask $0x1B0C;
	v17 =	vimm.s32 $0x6F4E2D0C;
	v18 =	vimm.s32 $0x63422100  }
0x8: {  	v19 =	vimm.s32 $0x67462504;
	v20 =	vimm.s32 $0xB6A4928;
	v21 =	vimm.s32 $0xF6E4D2C  }
0x9: {  	v22 =	vimm.s32 $0x3624120;
	v23 =	vimm.s32 $0x7664524;
	v24 =	vimm.s32 $0x53321170  }
0xa: {  	v25 =	vimm.s32 $0x57361574;
	v26 =	vimm.s32 $0x78B;
	v27 =	vimm.s32 $0x78C  }
0xb: {  	v28 =	vimm.s32 $0x78D;
	v29 =	vimm.s32 $0x78E;
	v30 =	vimm.s32 $0xF80  }
0xc: {  	v31 =	vimm.s32 $0xF81;
	v32 =	vimm.s32 $0xF82;
	v33 =	vimm.s32 $0xF83  }
0xd: {  	v34 =	vimm.s32 $0xF84;
	v35 =	vimm.s32 $0xF85;
	v36 =	vimm.s32 $0xF86  }
0xe: {  	v37 =	vimm.s32 $0xF87;
	v38 =	vimm.s32 $0xF88;
	v39 =	vimm.s32 $0xF89  }
0xf: {  	v40 =	vimm.s32 $0xF8A;
	v41 =	vimm.s32 $0xF8B;
	v42 =	vimm.s32 $0xF8C  }
0x10: {  	v43 =	vimm.s32 $0xF8D;
	v44 =	vimm.s32 $0xF8E;
	vm9 =	vcmask $0x2320  }
0x11: {  	vm10 =	vcmask $0x2724;
	v61 =	vlaneseq.u32;
	v0 =	vsel vm7, $0x1, v0  }
0x12: {  	v1 =	vsel vm3, $0x100, v13;
	v2 =	vsel vm3, $0x80, v14;
	v4 =	vsel vm0, $0x180, v12  }
0x13: {  	v5 =	vsel vm0, $0x100, v13;
	v6 =	vsel vm0, $0x80, v14;
	v8 =	vsel vm13, $0x0, v11  }
0x14: {  	v9 =	vsel vm13, $0x180, v12;
	v10 =	vsel vm13, $0x100, v13;
	v15 =	vsel vm13, $0x80, v14  }
0x15: {  	v13 =	vsel vm8, $0x100, v13;
	v14 =	vsel vm8, $0x80, v14;
	vm13 =	vcmask $0x3B2C  }
0x16: {  	v17 =	vunpack.c.0.s8.s32 v17;
	v18 =	vunpack.c.0.s8.s32 v18;
	v19 =	vunpack.c.0.s8.s32 v19  }
0x17: {  	v20 =	vunpack.c.0.s8.s32 v20;
	v21 =	vunpack.c.0.s8.s32 v21;
	v22 =	vunpack.c.0.s8.s32 v22  }
0x18: {  	v23 =	vunpack.c.0.s8.s32 v23;
	v24 =	vunpack.c.0.s8.s32 v24;
	v25 =	vunpack.c.0.s8.s32 v25  }
0x19: {  	v26 =	vsel vm7, $0xC, v26;
	v27 =	vsel vm7, $0xD, v27;
	v28 =	vsel vm7, $0xE, v28  }
0x1a: {  	v29 =	vsel vm7, $0xF, v29;
	v30 =	vsel vm7, $0x801, v30;
	v31 =	vsel vm7, $0x802, v31  }
0x1b: {  	v32 =	vsel vm7, $0x803, v32;
	v33 =	vsel vm7, $0x804, v33;
	v34 =	vsel vm7, $0x805, v34  }
0x1c: {  	v35 =	vsel vm7, $0x806, v35;
	v36 =	vsel vm7, $0x807, v36;
	v37 =	vsel vm7, $0x808, v37  }
0x1d: {  	v38 =	vsel vm7, $0x809, v38;
	v39 =	vsel vm7, $0x80A, v39;
	v40 =	vsel vm7, $0x80B, v40  }
0x1e: {  	v41 =	vsel vm7, $0x80C, v41;
	v42 =	vsel vm7, $0x80D, v42;
	v43 =	vsel vm7, $0x80E, v43  }
0x1f: {  	v44 =	vsel vm7, $0x80F, v44;
	v63 =	vshrl.u32 v61, $0x2;
	v0 =	vsel vm6, $0x82, v0  }
0x20: {  	v1 =	vsel vm5, $0x180, v1;
	v2 =	vsel vm5, $0x100, v2;
	v4 =	vsel vm1, $0x0, v4  }
0x21: {  	v5 =	vsel vm1, $0x180, v5;
	v6 =	vsel vm1, $0x100, v6;
	v8 =	vsel vm14, $0x80, v8  }
0x22: {  	v26 =	vsel vm6, $0x8D, v26;
	v27 =	vsel vm6, $0x8E, v27;
	v28 =	vsel vm6, $0x8F, v28  }
0x23: {  	v29 =	vsel vm6, $0x80, v29;
	v30 =	vsel vm6, $0x882, v30;
	v31 =	vsel vm6, $0x883, v31  }
0x24: {  	v32 =	vsel vm6, $0x884, v32;
	v33 =	vsel vm6, $0x885, v33;
	v34 =	vsel vm6, $0x886, v34  }
0x25: {  	v35 =	vsel vm6, $0x887, v35;
	v36 =	vsel vm6, $0x888, v36;
	v37 =	vsel vm6, $0x889, v37  }
0x26: {  	v38 =	vsel vm6, $0x88A, v38;
	v39 =	vsel vm6, $0x88B, v39;
	v40 =	vsel vm6, $0x88C, v40  }
0x27: {  	v41 =	vsel vm6, $0x88D, v41;
	v42 =	vsel vm6, $0x88E, v42;
	v43 =	vsel vm6, $0x88F, v43  }
0x28: {  	v44 =	vsel vm6, $0x880, v44;
	v0 =	vsel vm4, $0x103, v0;
	v1 =	vsel vm11, $0x0, v1  }
0x29: {  	v2 =	vsel vm11, $0x180, v2;
	v4 =	vsel vm12, $0x80, v4;
	v5 =	vsel vm12, $0x0, v5  }
0x2a: {  	v6 =	vsel vm12, $0x180, v6;
	v48 =	vsel vm5, v19, v18;
	v46 =	vsel vm5, v21, v20  }
0x2b: {  	v47 =	vsel vm5, v23, v22;
	v18 =	vimm.s32 $0x23026140;
	v19 =	vimm.s32 $0x27066544  }
0x2c: {  	v20 =	vimm.s32 $0x4B2A0968;
	v21 =	vimm.s32 $0x4F2E0D6C;
	v22 =	vimm.s32 $0x1B7A5938  }
0x2d: {  	v23 =	vimm.s32 $0x1F7E5D3C;
	v57 =	vsel vm5, v25, v24;
	v24 =	vimm.s32 $0x789  }
0x2e: {  	v25 =	vimm.s32 $0x78A;
	v26 =	vsel vm4, $0x10E, v26;
	v27 =	vsel vm4, $0x10F, v27  }
0x2f: {  	v28 =	vsel vm4, $0x100, v28;
	v29 =	vsel vm4, $0x101, v29;
	v30 =	vsel vm4, $0x903, v30  }
0x30: {  	v31 =	vsel vm4, $0x904, v31;
	v32 =	vsel vm4, $0x905, v32;
	v33 =	vsel vm4, $0x906, v33  }
0x31: {  	v34 =	vsel vm4, $0x907, v34;
	v35 =	vsel vm4, $0x908, v35;
	v36 =	vsel vm4, $0x909, v36  }
0x32: {  	v37 =	vsel vm4, $0x90A, v37;
	v38 =	vsel vm4, $0x90B, v38;
	v39 =	vsel vm4, $0x90C, v39  }
0x33: {  	v40 =	vsel vm4, $0x90D, v40;
	v41 =	vsel vm4, $0x90E, v41;
	v42 =	vsel vm4, $0x90F, v42  }
0x34: {  	v43 =	vsel vm4, $0x900, v43;
	v44 =	vsel vm4, $0x901, v44;
	v7 =	vsel vm2, $0x184, v0  }
0x35: {  	v0 =	vsel vm0, $0x0, v11;
	v11 =	vsel vm8, $0x0, v11;
	v18 =	vunpack.c.0.s8.s32 v18  }
0x36: {  	v19 =	vunpack.c.0.s8.s32 v19;
	v22 =	vunpack.c.0.s8.s32 v22;
	v23 =	vunpack.c.0.s8.s32 v23  }
0x37: {  	v24 =	vsel vm7, $0xA, v24;
	v25 =	vsel vm7, $0xB, v25;
	v26 =	vsel vm2, $0x18F, v26  }
0x38: {  	v27 =	vsel vm2, $0x180, v27;
	v28 =	vsel vm2, $0x181, v28;
	v29 =	vsel vm2, $0x182, v29  }
0x39: {  	v30 =	vsel vm2, $0x984, v30;
	v31 =	vsel vm2, $0x985, v31;
	v32 =	vsel vm2, $0x986, v32  }
0x3a: {  	v33 =	vsel vm2, $0x987, v33;
	v34 =	vsel vm2, $0x988, v34;
	v35 =	vsel vm2, $0x989, v35  }
0x3b: {  	v36 =	vsel vm2, $0x98A, v36;
	v37 =	vsel vm2, $0x98B, v37;
	v38 =	vsel vm2, $0x98C, v38  }
0x3c: {  	v39 =	vsel vm2, $0x98D, v39;
	v40 =	vsel vm2, $0x98E, v40;
	v41 =	vsel vm2, $0x98F, v41  }
0x3d: {  	v42 =	vsel vm2, $0x980, v42;
	v43 =	vsel vm2, $0x981, v43;
	v44 =	vsel vm2, $0x982, v44  }
0x3e: {  	v46 =	vcombine.low v47, v46;
	v3 =	vsel vm1, $0x80, v0;
	v0 =	vsel vm3, $0x180, v12  }
0x3f: {  	vm3 =	vcmask $0x1310;
	vm1 =	vcmask $0x1714;
	v12 =	vsel vm8, $0x180, v12  }
0x40: {  	v24 =	vsel vm6, $0x8B, v24;
	v25 =	vsel vm6, $0x8C, v25;
	v0 =	vsel vm5, $0x0, v0  }
0x41: {  	v3 =	vsel vm12, $0x100, v3;
	v16 =	vsel vm3, $0x205, v7;
	v7 =	vsel vm15, $0x100, v8  }
0x42: {  	v8 =	vsel vm14, $0x0, v9;
	v9 =	vsel vm14, $0x180, v10;
	v10 =	vsel vm14, $0x100, v15  }
0x43: {  	vm12 =	vcmask $0x2B1C;
	vm14 =	vcmask $0x1B18;
	v50 =	vsel vm5, v19, v18  }
0x44: {  	v18 =	vimm.s32 $0x43220160;
	v19 =	vimm.s32 $0x47260564;
	v53 =	vsel vm5, v23, v22  }
0x45: {  	v22 =	vimm.s32 $0x5B3A1978;
	v23 =	vimm.s32 $0x5F3E1D7C;
	v24 =	vsel vm4, $0x10C, v24  }
0x46: {  	v25 =	vsel vm4, $0x10D, v25;
	v26 =	vsel vm3, $0x200, v26;
	v27 =	vsel vm3, $0x201, v27  }
0x47: {  	v28 =	vsel vm3, $0x202, v28;
	v29 =	vsel vm3, $0x203, v29;
	v30 =	vsel vm3, $0xA05, v30  }
0x48: {  	v31 =	vsel vm3, $0xA06, v31;
	v32 =	vsel vm3, $0xA07, v32;
	v33 =	vsel vm3, $0xA08, v33  }
0x49: {  	v34 =	vsel vm3, $0xA09, v34;
	v35 =	vsel vm3, $0xA0A, v35;
	v36 =	vsel vm3, $0xA0B, v36  }
0x4a: {  	v37 =	vsel vm3, $0xA0C, v37;
	v38 =	vsel vm3, $0xA0D, v38;
	v39 =	vsel vm3, $0xA0E, v39  }
0x4b: {  	v40 =	vsel vm3, $0xA0F, v40;
	v41 =	vsel vm3, $0xA00, v41;
	v42 =	vsel vm3, $0xA01, v42  }
0x4c: {  	v43 =	vsel vm3, $0xA02, v43;
	v44 =	vsel vm3, $0xA03, v44;
	v0 =	vsel vm11, $0x80, v0  }
0x4d: {  	v8 =	vsel vm15, $0x80, v8;
	v9 =	vsel vm15, $0x0, v9;
	v10 =	vsel vm15, $0x180, v10  }
0x4e: {  	v15 =	vsel vm1, $0x286, v16;
	v11 =	vsel vm12, $0x80, v11;
	v12 =	vsel vm12, $0x0, v12  }
0x4f: {  	v13 =	vsel vm12, $0x180, v13;
	v14 =	vsel vm12, $0x100, v14;
	v16 =	vimm.s32 $0x6B4A2908  }
0x50: {  	v22 =	vunpack.c.0.s8.s32 v22;
	v23 =	vunpack.c.0.s8.s32 v23;
	vm15 =	vcmask $0x1F1C  }
0x51: {  	v24 =	vsel vm2, $0x18D, v24;
	v25 =	vsel vm2, $0x18E, v25;
	vm11 =	vcmask $0x2B28  }
0x52: {  	v26 =	vsel vm1, $0x281, v26;
	v27 =	vsel vm1, $0x282, v27;
	v28 =	vsel vm1, $0x283, v28  }
0x53: {  	v29 =	vsel vm1, $0x284, v29;
	v30 =	vsel vm1, $0xA86, v30;
	v31 =	vsel vm1, $0xA87, v31  }
0x54: {  	v32 =	vsel vm1, $0xA88, v32;
	v33 =	vsel vm1, $0xA89, v33;
	v34 =	vsel vm1, $0xA8A, v34  }
0x55: {  	v35 =	vsel vm1, $0xA8B, v35;
	v36 =	vsel vm1, $0xA8C, v36;
	v37 =	vsel vm1, $0xA8D, v37  }
0x56: {  	v38 =	vsel vm1, $0xA8E, v38;
	v39 =	vsel vm1, $0xA8F, v39;
	v40 =	vsel vm1, $0xA80, v40  }
0x57: {  	v41 =	vsel vm1, $0xA81, v41;
	v42 =	vsel vm1, $0xA82, v42;
	v43 =	vsel vm1, $0xA83, v43  }
0x58: {  	v44 =	vsel vm1, $0xA84, v44;
	vm12 =	vcmask $0x2F2C;
	v11 =	vsel vm13, $0x100, v11  }
0x59: {  	v12 =	vsel vm13, $0x80, v12;
	v13 =	vsel vm13, $0x0, v13;
	v14 =	vsel vm13, $0x180, v14  }
0x5a: {  	v16 =	vunpack.c.0.s8.s32 v16;
	v15 =	vsel vm14, $0x307, v15;
	v24 =	vsel vm3, $0x20E, v24  }
0x5b: {  	v25 =	vsel vm3, $0x20F, v25;
	v26 =	vsel vm14, $0x302, v26;
	v27 =	vsel vm14, $0x303, v27  }
0x5c: {  	v28 =	vsel vm14, $0x304, v28;
	v29 =	vsel vm14, $0x305, v29;
	v30 =	vsel vm14, $0xB07, v30  }
0x5d: {  	v31 =	vsel vm14, $0xB08, v31;
	v32 =	vsel vm14, $0xB09, v32;
	v33 =	vsel vm14, $0xB0A, v33  }
0x5e: {  	v34 =	vsel vm14, $0xB0B, v34;
	v35 =	vsel vm14, $0xB0C, v35;
	v36 =	vsel vm14, $0xB0D, v36  }
0x5f: {  	v37 =	vsel vm14, $0xB0E, v37;
	v38 =	vsel vm14, $0xB0F, v38;
	v39 =	vsel vm14, $0xB00, v39  }
0x60: {  	v40 =	vsel vm14, $0xB01, v40;
	v41 =	vsel vm14, $0xB02, v41;
	v42 =	vsel vm14, $0xB03, v42  }
0x61: {  	v43 =	vsel vm14, $0xB04, v43;
	v44 =	vsel vm14, $0xB05, v44;
	vm13 =	vcmask $0x3330  }
0x62: {  	v56 =	vsel vm5, v23, v22;
	v15 =	vsel vm15, $0x388, v15;
	v22 =	vimm.s32 $0x787  }
0x63: {  	v23 =	vimm.s32 $0x788;
	v24 =	vsel vm1, $0x28F, v24;
	v25 =	vsel vm1, $0x280, v25  }
0x64: {  	v26 =	vsel vm15, $0x383, v26;
	v27 =	vsel vm15, $0x384, v27;
	v28 =	vsel vm15, $0x385, v28  }
0x65: {  	v29 =	vsel vm15, $0x386, v29;
	v30 =	vsel vm15, $0xB88, v30;
	v31 =	vsel vm15, $0xB89, v31  }
0x66: {  	v32 =	vsel vm15, $0xB8A, v32;
	v33 =	vsel vm15, $0xB8B, v33;
	v34 =	vsel vm15, $0xB8C, v34  }
0x67: {  	v35 =	vsel vm15, $0xB8D, v35;
	v36 =	vsel vm15, $0xB8E, v36;
	v37 =	vsel vm15, $0xB8F, v37  }
0x68: {  	v38 =	vsel vm15, $0xB80, v38;
	v39 =	vsel vm15, $0xB81, v39;
	v40 =	vsel vm15, $0xB82, v40  }
0x69: {  	v41 =	vsel vm15, $0xB83, v41;
	v42 =	vsel vm15, $0xB84, v42;
	v43 =	vsel vm15, $0xB85, v43  }
0x6a: {  	v44 =	vsel vm15, $0xB86, v44;
	v45 =	vsel vm5, v17, v16;
	v16 =	vimm.s32 $0x2B0A6948  }
0x6b: {  	v17 =	vimm.s32 $0x2F0E6D4C;
	v22 =	vsel vm7, $0x8, v22;
	v23 =	vsel vm7, $0x9, v23  }
0x6c: {  	v15 =	vsel vm9, $0x409, v15;
	v24 =	vsel vm14, $0x300, v24;
	v25 =	vsel vm14, $0x301, v25  }
0x6d: {  	v26 =	vsel vm9, $0x404, v26;
	v27 =	vsel vm9, $0x405, v27;
	v28 =	vsel vm9, $0x406, v28  }
0x6e: {  	v29 =	vsel vm9, $0x407, v29;
	v30 =	vsel vm9, $0xC09, v30;
	v31 =	vsel vm9, $0xC0A, v31  }
0x6f: {  	v32 =	vsel vm9, $0xC0B, v32;
	v33 =	vsel vm9, $0xC0C, v33;
	v34 =	vsel vm9, $0xC0D, v34  }
0x70: {  	v35 =	vsel vm9, $0xC0E, v35;
	v36 =	vsel vm9, $0xC0F, v36;
	v37 =	vsel vm9, $0xC00, v37  }
0x71: {  	v38 =	vsel vm9, $0xC01, v38;
	v39 =	vsel vm9, $0xC02, v39;
	v40 =	vsel vm9, $0xC03, v40  }
0x72: {  	v41 =	vsel vm9, $0xC04, v41;
	v42 =	vsel vm9, $0xC05, v42;
	v43 =	vsel vm9, $0xC06, v43  }
0x73: {  	v44 =	vsel vm9, $0xC07, v44;
	v16 =	vunpack.c.0.s8.s32 v16;
	v17 =	vunpack.c.0.s8.s32 v17  }
0x74: {  	v22 =	vsel vm6, $0x89, v22;
	v23 =	vsel vm6, $0x8A, v23;
	v15 =	vsel vm10, $0x48A, v15  }
0x75: {  	v24 =	vsel vm15, $0x381, v24;
	v25 =	vsel vm15, $0x382, v25;
	v26 =	vsel vm10, $0x485, v26  }
0x76: {  	v27 =	vsel vm10, $0x486, v27;
	v28 =	vsel vm10, $0x487, v28;
	v29 =	vsel vm10, $0x488, v29  }
0x77: {  	v30 =	vsel vm10, $0xC8A, v30;
	v31 =	vsel vm10, $0xC8B, v31;
	v32 =	vsel vm10, $0xC8C, v32  }
0x78: {  	v33 =	vsel vm10, $0xC8D, v33;
	v34 =	vsel vm10, $0xC8E, v34;
	v35 =	vsel vm10, $0xC8F, v35  }
0x79: {  	v36 =	vsel vm10, $0xC80, v36;
	v37 =	vsel vm10, $0xC81, v37;
	v38 =	vsel vm10, $0xC82, v38  }
0x7a: {  	v39 =	vsel vm10, $0xC83, v39;
	v40 =	vsel vm10, $0xC84, v40;
	v41 =	vsel vm10, $0xC85, v41  }
0x7b: {  	v42 =	vsel vm10, $0xC86, v42;
	v43 =	vsel vm10, $0xC87, v43;
	v44 =	vsel vm10, $0xC88, v44  }
0x7c: {  	v45 =	vcombine.low v48, v45;
	v22 =	vsel vm4, $0x10A, v22;
	v23 =	vsel vm4, $0x10B, v23  }
0x7d: {  	v15 =	vsel vm11, $0x50B, v15;
	v24 =	vsel vm9, $0x402, v24;
	v25 =	vsel vm9, $0x403, v25  }
0x7e: {  	v26 =	vsel vm11, $0x506, v26;
	v27 =	vsel vm11, $0x507, v27;
	v28 =	vsel vm11, $0x508, v28  }
0x7f: {  	v29 =	vsel vm11, $0x509, v29;
	v30 =	vsel vm11, $0xD0B, v30;
	v31 =	vsel vm11, $0xD0C, v31  }
0x80: {  	v32 =	vsel vm11, $0xD0D, v32;
	v33 =	vsel vm11, $0xD0E, v33;
	v34 =	vsel vm11, $0xD0F, v34  }
0x81: {  	v35 =	vsel vm11, $0xD00, v35;
	v36 =	vsel vm11, $0xD01, v36;
	v37 =	vsel vm11, $0xD02, v37  }
0x82: {  	v38 =	vsel vm11, $0xD03, v38;
	v39 =	vsel vm11, $0xD04, v39;
	v40 =	vsel vm11, $0xD05, v40  }
0x83: {  	v41 =	vsel vm11, $0xD06, v41;
	v42 =	vsel vm11, $0xD07, v42;
	v43 =	vsel vm11, $0xD08, v43  }
0x84: {  	v44 =	vsel vm11, $0xD09, v44;
	v49 =	vsel vm5, v17, v16;
	v16 =	vunpack.c.0.s8.s32 v20  }
0x85: {  	v17 =	vunpack.c.0.s8.s32 v21;
	v20 =	vimm.s32 $0x73523110;
	v21 =	vimm.s32 $0x77563514  }
0x86: {  	v22 =	vsel vm2, $0x18B, v22;
	v23 =	vsel vm2, $0x18C, v23;
	v15 =	vsel vm12, $0x58C, v15  }
0x87: {  	v24 =	vsel vm10, $0x483, v24;
	v25 =	vsel vm10, $0x484, v25;
	v26 =	vsel vm12, $0x587, v26  }
0x88: {  	v27 =	vsel vm12, $0x588, v27;
	v28 =	vsel vm12, $0x589, v28;
	v29 =	vsel vm12, $0x58A, v29  }
0x89: {  	v30 =	vsel vm12, $0xD8C, v30;
	v31 =	vsel vm12, $0xD8D, v31;
	v32 =	vsel vm12, $0xD8E, v32  }
0x8a: {  	v33 =	vsel vm12, $0xD8F, v33;
	v34 =	vsel vm12, $0xD80, v34;
	v35 =	vsel vm12, $0xD81, v35  }
0x8b: {  	v36 =	vsel vm12, $0xD82, v36;
	v37 =	vsel vm12, $0xD83, v37;
	v38 =	vsel vm12, $0xD84, v38  }
0x8c: {  	v39 =	vsel vm12, $0xD85, v39;
	v40 =	vsel vm12, $0xD86, v40;
	v41 =	vsel vm12, $0xD87, v41  }
0x8d: {  	v42 =	vsel vm12, $0xD88, v42;
	v43 =	vsel vm12, $0xD89, v43;
	v44 =	vsel vm12, $0xD8A, v44  }
0x8e: {  	v20 =	vunpack.c.0.s8.s32 v20;
	v21 =	vunpack.c.0.s8.s32 v21;
	v22 =	vsel vm3, $0x20C, v22  }
0x8f: {  	v23 =	vsel vm3, $0x20D, v23;
	v15 =	vsel vm13, $0x60D, v15;
	v24 =	vsel vm11, $0x504, v24  }
0x90: {  	v25 =	vsel vm11, $0x505, v25;
	v26 =	vsel vm13, $0x608, v26;
	v27 =	vsel vm13, $0x609, v27  }
0x91: {  	v28 =	vsel vm13, $0x60A, v28;
	v29 =	vsel vm13, $0x60B, v29;
	v30 =	vsel vm13, $0xE0D, v30  }
0x92: {  	v31 =	vsel vm13, $0xE0E, v31;
	v32 =	vsel vm13, $0xE0F, v32;
	v33 =	vsel vm13, $0xE00, v33  }
0x93: {  	v34 =	vsel vm13, $0xE01, v34;
	v35 =	vsel vm13, $0xE02, v35;
	v36 =	vsel vm13, $0xE03, v36  }
0x94: {  	v37 =	vsel vm13, $0xE04, v37;
	v38 =	vsel vm13, $0xE05, v38;
	v39 =	vsel vm13, $0xE06, v39  }
0x95: {  	v40 =	vsel vm13, $0xE07, v40;
	v41 =	vsel vm13, $0xE08, v41;
	v42 =	vsel vm13, $0xE09, v42  }
0x96: {  	v43 =	vsel vm13, $0xE0A, v43;
	v44 =	vsel vm13, $0xE0B, v44;
	v51 =	vsel vm5, v17, v16  }
0x97: {  	v16 =	vunpack.c.0.s8.s32 v18;
	v17 =	vunpack.c.0.s8.s32 v19;
	v18 =	vimm.s32 $0x7B5A3918  }
0x98: {  	v19 =	vimm.s32 $0x7F5E3D1C;
	v22 =	vsel vm1, $0x28D, v22;
	v23 =	vsel vm1, $0x28E, v23  }
0x99: {  	v24 =	vsel vm12, $0x585, v24;
	v25 =	vsel vm12, $0x586, v25;
	v18 =	vunpack.c.0.s8.s32 v18  }
0x9a: {  	v19 =	vunpack.c.0.s8.s32 v19;
	v55 =	vsel vm5, v21, v20;
	v20 =	vimm.s32 $0x33127150  }
0x9b: {  	v21 =	vimm.s32 $0x37167554;
	v22 =	vsel vm14, $0x30E, v22;
	v23 =	vsel vm14, $0x30F, v23  }
0x9c: {  	v24 =	vsel vm13, $0x606, v24;
	v25 =	vsel vm13, $0x607, v25;
	v54 =	vsel vm5, v17, v16  }
0x9d: {  	v16 =	vimm.s32 $0x13725130;
	v17 =	vimm.s32 $0x17765534;
	v20 =	vunpack.c.0.s8.s32 v20  }
0x9e: {  	v21 =	vunpack.c.0.s8.s32 v21;
	v22 =	vsel vm15, $0x38F, v22;
	v23 =	vsel vm15, $0x380, v23  }
0x9f: {  	v52 =	vsel vm5, v19, v18;
	v16 =	vunpack.c.0.s8.s32 v16;
	v18 =	vimm.s32 $0x3B1A7958  }
0xa0: {  	v19 =	vimm.s32 $0x3F1E7D5C;
	v17 =	vunpack.c.0.s8.s32 v17;
	v22 =	vsel vm9, $0x400, v22  }
0xa1: {  	v23 =	vsel vm9, $0x401, v23;
	v18 =	vunpack.c.0.s8.s32 v18;
	v19 =	vunpack.c.0.s8.s32 v19  }
0xa2: {  	v60 =	vsel vm5, v21, v20;
	v20 =	vimm.s32 $0x785;
	v21 =	vimm.s32 $0x786  }
0xa3: {  	v22 =	vsel vm10, $0x481, v22;
	v23 =	vsel vm10, $0x482, v23;
	v58 =	vsel vm5, v17, v16  }
0xa4: {  	v16 =	vimm.s32 $0x781;
	v17 =	vimm.s32 $0x782;
	v20 =	vsel vm7, $0x6, v20  }
0xa5: {  	v21 =	vsel vm7, $0x7, v21;
	v22 =	vsel vm11, $0x502, v22;
	v59 =	vsel vm5, v19, v18  }
0xa6: {  	v16 =	vsel vm7, $0x2, v16;
	v17 =	vsel vm7, $0x3, v17;
	v18 =	vimm.s32 $0x783  }
0xa7: {  	v19 =	vimm.s32 $0x784;
	v20 =	vsel vm6, $0x87, v20;
	v21 =	vsel vm6, $0x88, v21  }
0xa8: {  	v18 =	vsel vm7, $0x4, v18;
	v19 =	vsel vm7, $0x5, v19;
	v16 =	vsel vm6, $0x83, v16  }
0xa9: {  	v17 =	vsel vm6, $0x84, v17;
	v20 =	vsel vm4, $0x108, v20;
	v21 =	vsel vm4, $0x109, v21  }
0xaa: {  	v18 =	vsel vm6, $0x85, v18;
	v19 =	vsel vm6, $0x86, v19;
	v16 =	vsel vm4, $0x104, v16  }
0xab: {  	v17 =	vsel vm4, $0x105, v17;
	v20 =	vsel vm2, $0x189, v20;
	v21 =	vsel vm2, $0x18A, v21  }
0xac: {  	v18 =	vsel vm4, $0x106, v18;
	v19 =	vsel vm4, $0x107, v19;
	v16 =	vsel vm2, $0x185, v16  }
0xad: {  	v17 =	vsel vm2, $0x186, v17;
	v20 =	vsel vm3, $0x20A, v20;
	v21 =	vsel vm3, $0x20B, v21  }
0xae: {  	v18 =	vsel vm2, $0x187, v18;
	v19 =	vsel vm2, $0x188, v19;
	v16 =	vsel vm3, $0x206, v16  }
0xaf: {  	v17 =	vsel vm3, $0x207, v17;
	v20 =	vsel vm1, $0x28B, v20;
	v21 =	vsel vm1, $0x28C, v21  }
0xb0: {  	v18 =	vsel vm3, $0x208, v18;
	v19 =	vsel vm3, $0x209, v19;
	v16 =	vsel vm1, $0x287, v16  }
0xb1: {  	v17 =	vsel vm1, $0x288, v17;
	v20 =	vsel vm14, $0x30C, v20;
	v21 =	vsel vm14, $0x30D, v21  }
0xb2: {  	v18 =	vsel vm1, $0x289, v18;
	v19 =	vsel vm1, $0x28A, v19;
	v16 =	vsel vm14, $0x308, v16  }
0xb3: {  	v17 =	vsel vm14, $0x309, v17;
	v20 =	vsel vm15, $0x38D, v20;
	v21 =	vsel vm15, $0x38E, v21  }
0xb4: {  	v18 =	vsel vm14, $0x30A, v18;
	v19 =	vsel vm14, $0x30B, v19;
	v16 =	vsel vm15, $0x389, v16  }
0xb5: {  	v17 =	vsel vm15, $0x38A, v17;
	v20 =	vsel vm9, $0x40E, v20;
	v21 =	vsel vm9, $0x40F, v21  }
0xb6: {  	vm14 =	vcmask $0x3734;
	v18 =	vsel vm15, $0x38B, v18;
	v19 =	vsel vm15, $0x38C, v19  }
0xb7: {  	v16 =	vsel vm9, $0x40A, v16;
	v17 =	vsel vm9, $0x40B, v17;
	v20 =	vsel vm10, $0x48F, v20  }
0xb8: {  	v21 =	vsel vm10, $0x480, v21;
	v15 =	vsel vm14, $0x68E, v15;
	vm15 =	vcmask $0x3B38  }
0xb9: {  	v25 =	vsel vm14, $0x688, v25;
	v33 =	vsel vm14, $0xE81, v33;
	v18 =	vsel vm9, $0x40C, v18  }
0xba: {  	v16 =	vsel vm10, $0x48B, v16;
	v17 =	vsel vm10, $0x48C, v17;
	v20 =	vsel vm11, $0x500, v20  }
0xbb: {  	v21 =	vsel vm11, $0x501, v21;
	v15 =	vsel vm15, $0x70F, v15;
	v18 =	vsel vm10, $0x48D, v18  }
0xbc: {  	v16 =	vsel vm11, $0x50C, v16;
	v17 =	vsel vm11, $0x50D, v17;
	v20 =	vsel vm12, $0x581, v20  }
0xbd: {  	v21 =	vsel vm12, $0x582, v21;
	v18 =	vsel vm11, $0x50E, v18;
	v16 =	vsel vm12, $0x58D, v16  }
0xbe: {  	v17 =	vsel vm12, $0x58E, v17;
	v20 =	vsel vm13, $0x602, v20;
	v21 =	vsel vm13, $0x603, v21  }
0xbf: {  	v18 =	vsel vm12, $0x58F, v18;
	v16 =	vsel vm13, $0x60E, v16;
	v17 =	vsel vm13, $0x60F, v17  }
0xc0: {  	v20 =	vsel vm14, $0x683, v20;
	v21 =	vsel vm14, $0x684, v21;
	v16 =	vsel vm14, $0x68F, v16  }
0xc1: {  	[tilespmem:$0x1FE70] =	vst v15;
	v18 =	vsel vm13, $0x600, v18;
	v17 =	vsel vm14, $0x680, v17;
	v15 =	vsel vm15, $0x700, v16  }
0xc2: {  	s2 =	srdreg.scid;
	s1 =	rddreg [dreg:$0x0];
	v18 =	vsel vm14, $0x681, v18;
	v16 =	vsel vm15, $0x704, v20;
	[tilespmem:$0x1FE80] =	vst v15;
	v15 =	vsel vm15, $0x701, v17  }
0xc3: {  	s0 =	stileid.u32;
	s10 =	rddreg [dreg:$0x2];
	v17 =	vsel vm15, $0x705, v21;
	v21 =	vsel vm15, $0x709, v25;
	v25 =	vmovc v16;
	v16 =	vsel vm15, $0xF02, v33;
	[tilespmem:$0x1FE90] =	vst v15  }
0xc4: {  	s4 =	simm.s32 $0x0;
	s5 =	sand.u32 $0x1, s2;
	s2 =	rddreg [dreg:$0x1];
	v22 =	vsel vm12, $0x583, v22;
	v38 =	vsel vm14, $0xE86, v38;
	v15 =	vsel vm15, $0x702, v18;
	[tilespmem:$0x1FEB0] =	vst v16  }
0xc5: {  	s3 =	sshll.u32 s0, $0x1;
	[smem:$0x7FF] =	sst s4;
	v22 =	vsel vm13, $0x604, v22;
	v19 =	vsel vm9, $0x40D, v19;
	v18 =	vsel vm15, $0xF07, v38;
	[tilespmem:$0x1FEA0] =	vst v15  }
0xc6: {  	s20 =	sor.u32 s5, s3;
	s3 =	rddreg [dreg:$0x3];
	v23 =	vsel vm11, $0x503, v23;
	v22 =	vsel vm14, $0x685, v22;
	v19 =	vsel vm10, $0x48E, v19;
	_ =	strace $0x80000047;
	[tilespmem:$0x1FEC0] =	vst v18  }
0xc7: {  	v24 =	vsel vm14, $0x687, v24;
	v62 =	vsel vm15, $0x706, v22;
	v19 =	vsel vm11, $0x50F, v19;
	[tilespmem:$0x1FEE0] =	vst v25  }
0xc8: {  	v29 =	vsel vm14, $0x68C, v29;
	v19 =	vsel vm12, $0x580, v19;
	v20 =	vsel vm15, $0x708, v24;
	[tilespmem:$0x1FEF0] =	vst v62  }
0xc9: {  	v34 =	vsel vm14, $0xE82, v34;
	v19 =	vsel vm13, $0x601, v19;
	v24 =	vsel vm15, $0x70D, v29;
	[tilespmem:$0x1FF00] =	vst v20  }
0xca: {  	v23 =	vsel vm12, $0x584, v23;
	v19 =	vsel vm14, $0x682, v19;
	v16 =	vsel vm15, $0xF03, v34;
	[tilespmem:$0x1FF10] =	vst v24  }
0xcb: {  	v47 =	vcombine.low v50, v49;
	v23 =	vsel vm13, $0x605, v23;
	v15 =	vsel vm15, $0x703, v19;
	[tilespmem:$0x1FF20] =	vst v16  }
0xcc: {  	v50 =	vmul.u32 $0x81, v61;
	v48 =	vcombine.low v54, v51;
	v23 =	vsel vm14, $0x686, v23;
	[tilespmem:$0x1FF30] =	vst v15  }
0xcd: {  	v54 =	vcombine.low v57, v56;
	v49 =	vcombine.low v55, v52;
	v19 =	vsel vm15, $0x707, v23;
	[tilespmem:$0x1FF40] =	vst v17  }
0xce: {  	v55 =	vor.u32 $0x800, v50;
	v51 =	vcombine.low v58, v53;
	v28 =	vsel vm14, $0x68B, v28;
	[tilespmem:$0x1FF50] =	vst v19  }
0xcf: {  	v27 =	vsel vm14, $0x68A, v27;
	v30 =	vsel vm14, $0xE8E, v30;
	v23 =	vsel vm15, $0x70C, v28;
	[tilespmem:$0x1FF60] =	vst v21  }
0xd0: {  	v31 =	vsel vm14, $0xE8F, v31;
	v22 =	vsel vm15, $0x70B, v27;
	v27 =	vsel vm15, $0xF0F, v30;
	[tilespmem:$0x1FF70] =	vst v23  }
0xd1: {  	s12 =	simm.s32 $0x400;
	v53 =	vmul.u32 $0x80, v63;
	v32 =	vsel vm14, $0xE80, v32;
	v28 =	vsel vm15, $0xF00, v31;
	[tilespmem:$0x1FF80] =	vst v27  }
0xd2: {  	s13 =	simm.s32 $0x7A1400;
	s14 =	simm.s32 $0x1000;
	v52 =	vcombine.low v60, v59;
	v35 =	vsel vm14, $0xE83, v35;
	v29 =	vsel vm15, $0xF01, v32;
	[tilespmem:$0x1FF90] =	vst v28  }
0xd3: {  	s15 =	simm.s32 $0x1;
	s16 =	simm.s32 $0x2000;
	s17 =	simm.s32 $0x2;
	v26 =	vsel vm14, $0x689, v26;
	v36 =	vsel vm14, $0xE84, v36;
	v31 =	vsel vm15, $0xF04, v35;
	[tilespmem:$0x1FFA0] =	vst v29  }
0xd4: {  	s18 =	simm.s32 $0x4;
	s19 =	simm.s32 $0x3000;
	s21 =	simm.s32 $0x0;
	v37 =	vsel vm14, $0xE85, v37;
	v39 =	vsel vm14, $0xE87, v39;
	v33 =	vsel vm15, $0xF05, v36;
	[tilespmem:$0x1FFB0] =	vst v31  }
0xd5: {  	s8 =	ssub.s32 $0x2, s5;
	s6 =	smul.u32 $0xF4, s20;
	s7 =	smin.u32 s20, $0x4;
	v40 =	vsel vm14, $0xE88, v40;
	v41 =	vsel vm14, $0xE89, v41;
	v35 =	vsel vm15, $0xF06, v37;
	[tilespmem:$0x1FFC0] =	vst v33  }
0xd6: {  	s31 =	sshrl.u32 s8, $0x1;
	p0 =	sne.s32 s20, $0x0;
	s20 =	simm.s32 $0x3;
	v42 =	vsel vm14, $0xE8A, v42;
	v43 =	vsel vm14, $0xE8B, v43;
	v30 =	vsel vm15, $0xF08, v39;
	[tilespmem:$0x1FFD0] =	vst v35  }
0xd7: {  	s11 =	ssub.s32 s8, s31;
	s5 =	sadd.s32 s7, s6;
	s6 =	sadd.s32 $0xE00, s10;
	v44 =	vsel vm14, $0xE8C, v44;
	v26 =	vsel vm15, $0x70A, v26;
	v37 =	vsel vm15, $0xF09, v40;
	[tilespmem:$0x1FFE0] =	vst v30  }
0xd8: {  	s10 =	sadd.s32 $0x3D1600, s10;
	s11 =	smax.u32 s11, $0x1;
	s9 =	sshll.u32 s5, $0x7;
	v42 =	vsel vm15, $0xF0B, v42;
	v43 =	vsel vm15, $0xF0C, v43;
	v18 =	vsel vm15, $0xF0A, v41;
	[tilespmem:$0x1FFF0] =	vst v37  }
0xd9: {  	s8 =	sadd.s32 $0x1, s5;
	s7 =	sadd.s32 s1, s9;
	s9 =	sadd.s32 $0x2, s5;
	v44 =	vsel vm15, $0xF0D, v44;
	v38 =	vmovc v22;
	v40 =	vmovc v24;
	v39 =	vmov v23;
	v41 =	vmov v16;
	[tilespmem:$0x1FED0] =	vst v18  }
.LBB2_1:
0xda: {  	[tilespmem:s4], [sflag:$0x1] =	stream.strided.gather [hbm4b:s7+s12], $0x1000, s13, s12, $0x38;
	[tilespmem:$0x4800] =	vst v63  }
0xdb: {  	s22 =	simm.s32 $0x0  }
.LBB2_2:
0xdc: {  	s24 =	sshll.u32 s22, $0x1  }
0xdd: {  	s23 =	sadd.s32 s24, s8  }
0xde: {  	s23 =	smin.u32 s23, $0x1E83  }
0xdf: {  	s25 =	sshll.u32 s23, $0x7  }
0xe0: {  	s25 =	sadd.s32 s1, s25  }
0xe1: {  	[tilespmem:s14], [sflag:$0x2] =	stream.strided.gather [hbm4b:s25+s12], $0x1000, s13, s12, $0x38;
	[tilespmem:$0x4800] =	vst v63  }
0xe2: {  	_ =	swait.ge [sflag:s15], $0x1000  }
0xe3: {  	p1 =	seq.s32 s22, $0x0;
	[sflag:s15] =	ssyncset.done $0x0  }
0xe4: {  	s25 =	simm.s32 @!p1 $0x3;
	[sflag:s15] =	ssyncadd.s32 $0xFFFFF000  }
0xe5: {  	v27 =	vld [tilespmem:$0x1FE70];
	_ =	swait.ge @!p1 [sflag:s25], $0x1000  }
0xe6: {  	v28 =	vld [tilespmem:$0x1FE80]  }
0xe7: {  	v29 =	vld [tilespmem:$0x1FE90]  }
0xe8: {  	s26 =	simm.s32 $0x0  }
0xe9: {  	v56 =	vor.u32 s26, v50  }
0xea: {  	v57 =	vor.u32 s26, v27  }
0xeb: {  	v59 =	vmov s26;
	v58 =	vor.u32 s26, v28  }
0xec: {  	v59 =	vshll.u32 v59, $0x7;
	[sflag:s25] =	ssyncset.done @!p1 $0x0;
	v60 =	vor.u32 s26, v29  }
0xed: {  	v16 =	vor.u32 v53, v59;
	v24 =	vld [tilespmem:$0x1FEA0];
	[sflag:s25] =	ssyncadd.s32 @!p1 $0xFFFFF000  }
0xee: {  	v18 =	vor.u32 v14, v59;
	v61 =	vor.u32 v45, v16;
	v22 =	vld.idx.msk [tilespmem:v56+s26+$0x0], $0xffff  }
0xef: {  	v33 =	vor.u32 v10, v59;
	v62 =	vor.u32 v46, v18;
	v23 =	vld.idx.msk [tilespmem:v57+s26+$0x0], $0xffff  }
0xf0: {  	v34 =	vor.u32 v6, v59;
	v63 =	vor.u32 v47, v33;
	v58 =	vld.idx.msk [tilespmem:v58+s26+$0x0], $0xffff  }
0xf1: {  	v35 =	vor.u32 v48, v34;
	v60 =	vld.idx.msk [tilespmem:v60+s26+$0x0], $0xffff  }
0xf2: {  	[tilespmem:$0x1FD90] =	vst v33;
	v33 =	vor.u32 s26, v17  }
0xf3: {  	[tilespmem:v61+s16+$0x0] =	vst.idx.msk $0xffff, v22  }
0xf4: {  	v36 =	vor.u32 s26, v24;
	[tilespmem:v62+s16+$0x0] =	vst.idx.msk $0xffff, v23  }
0xf5: {  	v37 =	vor.u32 s26, v15;
	[tilespmem:v63+s16+$0x0] =	vst.idx.msk $0xffff, v58  }
0xf6: {  	v32 =	vor.u32 s26, v25;
	[tilespmem:v35+s16+$0x0] =	vst.idx.msk $0xffff, v60  }
0xf7: {  	v58 =	vld.idx.msk [tilespmem:v33+s26+$0x0], $0xffff  }
0xf8: {  	[tilespmem:$0x1FDA0] =	vst v34;
	v34 =	vor.u32 v2, v59;
	v33 =	vld [tilespmem:$0x1FEF0]  }
0xf9: {  	v57 =	vor.u32 v45, v34;
	v35 =	vor.u32 v13, v59;
	v22 =	vld.idx.msk [tilespmem:v36+s26+$0x0], $0xffff  }
0xfa: {  	[tilespmem:$0x1FD70] =	vst v16;
	v36 =	vor.u32 v9, v59;
	v60 =	vld.idx.msk [tilespmem:v37+s26+$0x0], $0xffff;
	v61 =	vor.u32 v46, v35  }
0xfb: {  	[tilespmem:$0x1FDB0] =	vst v34;
	v37 =	vor.u32 v5, v59;
	v62 =	vld.idx.msk [tilespmem:v32+s26+$0x0], $0xffff;
	v16 =	vor.u32 v47, v36  }
0xfc: {  	[tilespmem:$0x1FDD0] =	vst v36;
	v56 =	vor.u32 v48, v37  }
0xfd: {  	[tilespmem:$0x1FDE0] =	vst v37;
	v36 =	vor.u32 s26, v33  }
0xfe: {  	v37 =	vor.u32 s26, v19;
	[tilespmem:v57+s16+$0x0] =	vst.idx.msk $0xffff, v22  }
0xff: {  	[tilespmem:v61+s16+$0x0] =	vst.idx.msk $0xffff, v60;
	v60 =	vor.u32 s26, v20  }
0x100: {  	v61 =	vor.u32 s26, v21;
	[tilespmem:v16+s16+$0x0] =	vst.idx.msk $0xffff, v62  }
0x101: {  	v32 =	vor.u32 v1, v59;
	[tilespmem:v56+s16+$0x0] =	vst.idx.msk $0xffff, v58  }
0x102: {  	v34 =	vor.u32 v12, v59;
	[tilespmem:$0x1FDC0] =	vst v35;
	v35 =	vor.u32 v45, v32;
	v22 =	vld.idx.msk [tilespmem:v36+s26+$0x0], $0xffff  }
0x103: {  	[tilespmem:$0x1FD80] =	vst v18;
	v57 =	vld.idx.msk [tilespmem:v37+s26+$0x0], $0xffff;
	v37 =	vor.u32 v46, v34;
	v36 =	vor.u32 v8, v59  }
0x104: {  	[tilespmem:$0x1FE00] =	vst v34;
	v56 =	vor.u32 v4, v59;
	v60 =	vld.idx.msk [tilespmem:v60+s26+$0x0], $0xffff;
	v16 =	vor.u32 v47, v36  }
0x105: {  	[tilespmem:$0x1FDF0] =	vst v32;
	v32 =	vor.u32 v48, v56;
	v61 =	vld.idx.msk [tilespmem:v61+s26+$0x0], $0xffff  }
0x106: {  	v34 =	vor.u32 s26, v26;
	[tilespmem:$0x1FE10] =	vst v36  }
0x107: {  	[tilespmem:v35+s16+$0x0] =	vst.idx.msk $0xffff, v22;
	v35 =	vor.u32 s26, v38  }
0x108: {  	v36 =	vor.u32 s26, v39;
	[tilespmem:v37+s16+$0x0] =	vst.idx.msk $0xffff, v57  }
0x109: {  	[tilespmem:v16+s16+$0x0] =	vst.idx.msk $0xffff, v60;
	v60 =	vor.u32 s26, v40  }
0x10a: {  	v37 =	vor.u32 v0, v59;
	[tilespmem:v32+s16+$0x0] =	vst.idx.msk $0xffff, v61  }
0x10b: {  	[tilespmem:$0x1FE20] =	vst v56;
	v22 =	vor.u32 v11, v59;
	v32 =	vor.u32 v45, v37;
	v56 =	vld.idx.msk [tilespmem:v34+s26+$0x0], $0xffff  }
0x10c: {  	[tilespmem:$0x1FE40] =	vst v22;
	v34 =	vor.u32 v46, v22;
	v58 =	vld.idx.msk [tilespmem:v35+s26+$0x0], $0xffff;
	v35 =	vor.u32 v7, v59  }
0x10d: {  	[tilespmem:$0x1FE30] =	vst v37;
	v36 =	vld.idx.msk [tilespmem:v36+s26+$0x0], $0xffff;
	v37 =	vor.u32 v47, v35  }
0x10e: {  	[tilespmem:$0x1FE50] =	vst v35;
	v57 =	vld.idx.msk [tilespmem:v60+s26+$0x0], $0xffff;
	v60 =	vor.u32 v3, v59  }
0x10f: {  	s28 =	simm.s32 $0x4;
	[tilespmem:$0x1FE60] =	vst v60  }
0x110: {  	s29 =	simm.s32 $0x10;
	v31 =	vmov v25;
	v30 =	vmov v15;
	v62 =	vmov s28;
	[tilespmem:v32+s16+$0x0] =	vst.idx.msk $0xffff, v56  }
0x111: {  	s31 =	sadd.s32 s5, s24;
	v59 =	vor.u32 s29, v27;
	v61 =	vor.u32 v48, v60;
	v60 =	vor.u32 s29, v50;
	v35 =	vmovc v20;
	[tilespmem:v34+s16+$0x0] =	vst.idx.msk $0xffff, v58  }
0x112: {  	s30 =	simm.s32 $0x8;
	s25 =	smin.u32 s31, $0x1E83;
	v56 =	vor.u32 s29, v29;
	v32 =	vmovc v17;
	v58 =	vor.u32 s29, v28;
	v34 =	vmovc v19;
	[tilespmem:v37+s16+$0x0] =	vst.idx.msk $0xffff, v36;
	v36 =	vmov v21  }
.LBB2_3:
0x113: {  	_ =	sdelay $0x2  }
0x114: {  	v62 =	vshll.u32 v62, $0x7  }
0x115: {  	v23 =	vor.u32 v53, v62;
	[tilespmem:v61+s16+$0x0] =	vst.idx.msk $0xffff, v57  }
0x116: {  	v37 =	vor.u32 v14, v62;
	v57 =	vld.idx.msk [tilespmem:v60+s26+$0x0], $0xffff;
	v60 =	vor.u32 v45, v23  }
0x117: {  	v18 =	vor.u32 v10, v62;
	v61 =	vor.u32 v46, v37;
	v59 =	vld.idx.msk [tilespmem:v59+s26+$0x0], $0xffff  }
0x118: {  	v19 =	vor.u32 v6, v62;
	v18 =	vor.u32 v47, v18;
	v58 =	vld.idx.msk [tilespmem:v58+s26+$0x0], $0xffff  }
0x119: {  	v19 =	vor.u32 v48, v19;
	v56 =	vld.idx.msk [tilespmem:v56+s26+$0x0], $0xffff  }
0x11a: {  	v63 =	vor.u32 s29, v24  }
0x11b: {  	[tilespmem:v60+s16+$0x0] =	vst.idx.msk $0xffff, v57;
	v57 =	vor.u32 s29, v30  }
0x11c: {  	[tilespmem:v61+s16+$0x0] =	vst.idx.msk $0xffff, v59;
	v59 =	vor.u32 s29, v31  }
0x11d: {  	v61 =	vor.u32 s29, v32;
	[tilespmem:v18+s16+$0x0] =	vst.idx.msk $0xffff, v58  }
0x11e: {  	v15 =	vor.u32 v2, v62;
	[tilespmem:v19+s16+$0x0] =	vst.idx.msk $0xffff, v56  }
0x11f: {  	v20 =	vor.u32 v13, v62;
	v15 =	vor.u32 v45, v15;
	v19 =	vld.idx.msk [tilespmem:v63+s26+$0x0], $0xffff  }
0x120: {  	v21 =	vor.u32 v9, v62;
	v20 =	vor.u32 v46, v20;
	v56 =	vld.idx.msk [tilespmem:v57+s26+$0x0], $0xffff  }
0x121: {  	v22 =	vor.u32 v5, v62;
	v21 =	vor.u32 v47, v21;
	v63 =	vld.idx.msk [tilespmem:v59+s26+$0x0], $0xffff  }
0x122: {  	v22 =	vor.u32 v48, v22;
	v18 =	vld.idx.msk [tilespmem:v61+s26+$0x0], $0xffff  }
0x123: {  	v58 =	vor.u32 s29, v33  }
0x124: {  	[tilespmem:v15+s16+$0x0] =	vst.idx.msk $0xffff, v19;
	v15 =	vor.u32 s29, v34  }
0x125: {  	v61 =	vor.u32 s29, v35;
	[tilespmem:v20+s16+$0x0] =	vst.idx.msk $0xffff, v56  }
0x126: {  	[tilespmem:v21+s16+$0x0] =	vst.idx.msk $0xffff, v63;
	v63 =	vor.u32 s29, v36  }
0x127: {  	v23 =	vor.u32 v1, v62;
	[tilespmem:v22+s16+$0x0] =	vst.idx.msk $0xffff, v18  }
0x128: {  	v24 =	vor.u32 v12, v62;
	v56 =	vor.u32 v45, v23;
	v18 =	vld.idx.msk [tilespmem:v58+s26+$0x0], $0xffff  }
0x129: {  	v25 =	vor.u32 v8, v62;
	v57 =	vor.u32 v46, v24;
	v15 =	vld.idx.msk [tilespmem:v15+s26+$0x0], $0xffff  }
0x12a: {  	v37 =	vmov v26;
	v26 =	vor.u32 v4, v62;
	v19 =	vld.idx.msk [tilespmem:v61+s26+$0x0], $0xffff;
	v58 =	vor.u32 v47, v25  }
0x12b: {  	v24 =	vor.u32 v48, v26;
	v20 =	vld.idx.msk [tilespmem:v63+s26+$0x0], $0xffff  }
0x12c: {  	v25 =	vor.u32 s29, v37  }
0x12d: {  	v59 =	vor.u32 s29, v38;
	[tilespmem:v56+s16+$0x0] =	vst.idx.msk $0xffff, v18  }
0x12e: {  	[tilespmem:v57+s16+$0x0] =	vst.idx.msk $0xffff, v15;
	v15 =	vor.u32 s29, v39  }
0x12f: {  	[tilespmem:v58+s16+$0x0] =	vst.idx.msk $0xffff, v19  }
0x130: {  	v16 =	vor.u32 v0, v62;
	[tilespmem:v24+s16+$0x0] =	vst.idx.msk $0xffff, v20  }
0x131: {  	v16 =	vor.u32 v45, v16;
	v60 =	vor.u32 v11, v62;
	v61 =	vor.u32 s29, v40;
	v20 =	vld.idx.msk [tilespmem:v25+s26+$0x0], $0xffff  }
0x132: {  	v21 =	vor.u32 v46, v60;
	v63 =	vor.u32 v7, v62;
	v18 =	vld.idx.msk [tilespmem:v59+s26+$0x0], $0xffff  }
0x133: {  	p2 =	sne.s32 s30, $0x1C;
	v23 =	vor.u32 v47, v63;
	v15 =	vld.idx.msk [tilespmem:v15+s26+$0x0], $0xffff  }
.Ltmp0:
0x134: {  	_ = 	snop;
	(pc) =	sbr.rel @p2 .LBB2_3-.Ltmp0, $4  }
0x135: {  	_ = 	snop  }
0x136: {  	s31 =	smov.u32 s30;
	v17 =	vor.u32 v3, v62;
	s29 =	sadd.s32 $0x10, s29;
	v57 =	vld.idx.msk [tilespmem:v61+s26+$0x0], $0xffff;
	[tilespmem:v16+s16+$0x0] =	vst.idx.msk $0xffff, v20  }
0x137: {  	v62 =	vmov s31;
	v60 =	vor.u32 s29, v50;
	v58 =	vor.u32 s29, v28;
	[tilespmem:v21+s16+$0x0] =	vst.idx.msk $0xffff, v18  }
0x138: {  	s30 =	sadd.s32 $0x4, s30;
	v26 =	vmovc v37;
	v56 =	vor.u32 s29, v29;
	v24 =	vld [tilespmem:$0x1FEA0];
	v61 =	vor.u32 v48, v17;
	v59 =	vor.u32 s29, v27;
	[tilespmem:v23+s16+$0x0] =	vst.idx.msk $0xffff, v15  }
0x139: {  	_ =	sdelay $0x2  }
0x13a: {  	v15 =	vshll.u32 v62, $0x7  }
0x13b: {  	v16 =	vor.u32 v53, v15;
	[tilespmem:v61+s16+$0x0] =	vst.idx.msk $0xffff, v57  }
0x13c: {  	v18 =	vor.u32 v14, v15;
	v16 =	vor.u32 v45, v16;
	v17 =	vld.idx.msk [tilespmem:v60+s26+$0x0], $0xffff  }
0x13d: {  	v20 =	vor.u32 v10, v15;
	v18 =	vor.u32 v46, v18;
	v19 =	vld.idx.msk [tilespmem:v59+s26+$0x0], $0xffff  }
0x13e: {  	v22 =	vor.u32 v6, v15;
	v20 =	vor.u32 v47, v20;
	v21 =	vld.idx.msk [tilespmem:v58+s26+$0x0], $0xffff  }
0x13f: {  	v22 =	vor.u32 v48, v22;
	v23 =	vld.idx.msk [tilespmem:v56+s26+$0x0], $0xffff  }
0x140: {  	v24 =	vor.u32 s29, v24  }
0x141: {  	v62 =	vor.u32 s29, v30;
	[tilespmem:v16+s16+$0x0] =	vst.idx.msk $0xffff, v17  }
0x142: {  	v63 =	vor.u32 s29, v31;
	[tilespmem:v18+s16+$0x0] =	vst.idx.msk $0xffff, v19  }
0x143: {  	v56 =	vor.u32 s29, v32;
	[tilespmem:v20+s16+$0x0] =	vst.idx.msk $0xffff, v21  }
0x144: {  	v57 =	vor.u32 v2, v15;
	[tilespmem:v22+s16+$0x0] =	vst.idx.msk $0xffff, v23  }
0x145: {  	v58 =	vor.u32 v13, v15;
	v19 =	vor.u32 v45, v57;
	v21 =	vld.idx.msk [tilespmem:v24+s26+$0x0], $0xffff  }
0x146: {  	v59 =	vor.u32 v9, v15;
	v20 =	vor.u32 v46, v58;
	v16 =	vld.idx.msk [tilespmem:v62+s26+$0x0], $0xffff  }
0x147: {  	v60 =	vor.u32 v5, v15;
	v22 =	vor.u32 v47, v59;
	v17 =	vld.idx.msk [tilespmem:v63+s26+$0x0], $0xffff  }
0x148: {  	v23 =	vor.u32 v48, v60;
	v18 =	vld.idx.msk [tilespmem:v56+s26+$0x0], $0xffff  }
0x149: {  	v24 =	vor.u32 s29, v33  }
0x14a: {  	v61 =	vor.u32 s29, v34;
	[tilespmem:v19+s16+$0x0] =	vst.idx.msk $0xffff, v21  }
0x14b: {  	v62 =	vor.u32 s29, v35;
	[tilespmem:v20+s16+$0x0] =	vst.idx.msk $0xffff, v16  }
0x14c: {  	v27 =	vld [tilespmem:$0x1FF80];
	v63 =	vor.u32 s29, v36;
	[tilespmem:v22+s16+$0x0] =	vst.idx.msk $0xffff, v17  }
0x14d: {  	v28 =	vld [tilespmem:$0x1FF90];
	v32 =	vor.u32 v1, v15;
	[tilespmem:v23+s16+$0x0] =	vst.idx.msk $0xffff, v18  }
0x14e: {  	v33 =	vor.u32 v12, v15;
	v20 =	vor.u32 v45, v32;
	v21 =	vld.idx.msk [tilespmem:v24+s26+$0x0], $0xffff  }
0x14f: {  	v34 =	vor.u32 v8, v15;
	v18 =	vor.u32 v46, v33;
	v19 =	vld.idx.msk [tilespmem:v61+s26+$0x0], $0xffff  }
0x150: {  	v35 =	vor.u32 v4, v15;
	v22 =	vor.u32 v47, v34;
	v16 =	vld.idx.msk [tilespmem:v62+s26+$0x0], $0xffff  }
0x151: {  	v23 =	vor.u32 v48, v35;
	v17 =	vld.idx.msk [tilespmem:v63+s26+$0x0], $0xffff  }
0x152: {  	v29 =	vld [tilespmem:$0x1FFA0];
	v24 =	vor.u32 s29, v26  }
0x153: {  	v30 =	vld [tilespmem:$0x1FEB0];
	v36 =	vor.u32 s29, v38;
	[tilespmem:v20+s16+$0x0] =	vst.idx.msk $0xffff, v21  }
0x154: {  	v31 =	vld [tilespmem:$0x1FFB0];
	v56 =	vor.u32 s29, v39;
	[tilespmem:v18+s16+$0x0] =	vst.idx.msk $0xffff, v19  }
0x155: {  	v57 =	vor.u32 s29, v40;
	v34 =	vld [tilespmem:$0x1FD80];
	[tilespmem:v22+s16+$0x0] =	vst.idx.msk $0xffff, v16  }
0x156: {  	v58 =	vor.u32 v0, v15;
	v33 =	vld [tilespmem:$0x1FD70];
	[tilespmem:v23+s16+$0x0] =	vst.idx.msk $0xffff, v17  }
0x157: {  	v59 =	vor.u32 v11, v15;
	v19 =	vor.u32 v45, v58;
	v21 =	vld.idx.msk [tilespmem:v24+s26+$0x0], $0xffff  }
0x158: {  	v60 =	vor.u32 v7, v15;
	v17 =	vor.u32 v46, v59;
	v20 =	vld.idx.msk [tilespmem:v36+s26+$0x0], $0xffff  }
0x159: {  	v15 =	vor.u32 v3, v15;
	v22 =	vor.u32 v47, v60;
	v18 =	vld.idx.msk [tilespmem:v56+s26+$0x0], $0xffff  }
0x15a: {  	v15 =	vor.u32 v48, v15;
	v16 =	vld.idx.msk [tilespmem:v57+s26+$0x0], $0xffff  }
0x15b: {  	v35 =	vld [tilespmem:$0x1FD90];
	v61 =	vor.u32 s26, v55  }
0x15c: {  	v62 =	vor.u32 s26, v27;
	v58 =	vld [tilespmem:$0x1FDC0];
	[tilespmem:v19+s16+$0x0] =	vst.idx.msk $0xffff, v21  }
0x15d: {  	v63 =	vor.u32 s26, v28;
	v60 =	vld [tilespmem:$0x1FDE0];
	[tilespmem:v17+s16+$0x0] =	vst.idx.msk $0xffff, v20  }
0x15e: {  	v32 =	vor.u32 s26, v29;
	v59 =	vld [tilespmem:$0x1FDD0];
	[tilespmem:v22+s16+$0x0] =	vst.idx.msk $0xffff, v18  }
0x15f: {  	v36 =	vld [tilespmem:$0x1FDA0];
	[tilespmem:v15+s16+$0x0] =	vst.idx.msk $0xffff, v16  }
0x160: {  	v15 =	vld.idx.msk [tilespmem:v61+s4+$0x0], $0xffff  }
0x161: {  	v16 =	vor.u32 v49, v33;
	v19 =	vld.idx.msk [tilespmem:v62+s4+$0x0], $0xffff  }
0x162: {  	v20 =	vor.u32 v51, v34;
	v17 =	vld.idx.msk [tilespmem:v63+s4+$0x0], $0xffff  }
0x163: {  	v21 =	vor.u32 v52, v35;
	v18 =	vld.idx.msk [tilespmem:v32+s4+$0x0], $0xffff  }
0x164: {  	v22 =	vor.u32 v54, v36;
	v32 =	vld [tilespmem:$0x1FFC0]  }
0x165: {  	v39 =	vor.u32 s26, v30;
	v57 =	vld [tilespmem:$0x1FDB0]  }
0x166: {  	v40 =	vor.u32 s26, v31;
	v35 =	vld [tilespmem:$0x1FFE0];
	[tilespmem:v16+s16+$0x0] =	vst.idx.msk $0xffff, v15  }
0x167: {  	v34 =	vld [tilespmem:$0x1FEC0];
	v15 =	vor.u32 s26, v41;
	[tilespmem:v20+s16+$0x0] =	vst.idx.msk $0xffff, v19  }
0x168: {  	v36 =	vld [tilespmem:$0x1FFF0];
	[tilespmem:v21+s16+$0x0] =	vst.idx.msk $0xffff, v17  }
0x169: {  	v33 =	vld [tilespmem:$0x1FFD0];
	v56 =	vor.u32 s26, v32;
	[tilespmem:v22+s16+$0x0] =	vst.idx.msk $0xffff, v18  }
0x16a: {  	v18 =	vld.idx.msk [tilespmem:v39+s4+$0x0], $0xffff  }
0x16b: {  	v19 =	vor.u32 v49, v57;
	v16 =	vld.idx.msk [tilespmem:v40+s4+$0x0], $0xffff  }
0x16c: {  	v20 =	vor.u32 v51, v58;
	v15 =	vld.idx.msk [tilespmem:v15+s4+$0x0], $0xffff  }
0x16d: {  	v21 =	vor.u32 v52, v59;
	v40 =	vld [tilespmem:$0x1FE00]  }
0x16e: {  	v22 =	vor.u32 v54, v60;
	v17 =	vld.idx.msk [tilespmem:v56+s4+$0x0], $0xffff  }
0x16f: {  	v61 =	vor.u32 s26, v33;
	v39 =	vld [tilespmem:$0x1FDF0]  }
0x170: {  	v62 =	vor.u32 s26, v34;
	[tilespmem:v19+s16+$0x0] =	vst.idx.msk $0xffff, v18  }
0x171: {  	v56 =	vld [tilespmem:$0x1FE10];
	[tilespmem:v20+s16+$0x0] =	vst.idx.msk $0xffff, v15;
	v15 =	vor.u32 s26, v35  }
0x172: {  	v57 =	vld [tilespmem:$0x1FE20];
	[tilespmem:v21+s16+$0x0] =	vst.idx.msk $0xffff, v16  }
0x173: {  	v20 =	vor.u32 v51, v40;
	v40 =	vld [tilespmem:$0x1FED0];
	[tilespmem:v22+s16+$0x0] =	vst.idx.msk $0xffff, v17  }
0x174: {  	v63 =	vor.u32 s26, v36;
	v19 =	vor.u32 v49, v39;
	v17 =	vld.idx.msk [tilespmem:v61+s4+$0x0], $0xffff  }
0x175: {  	v18 =	vld.idx.msk [tilespmem:v62+s4+$0x0], $0xffff  }
0x176: {  	v21 =	vor.u32 v52, v56;
	v15 =	vld.idx.msk [tilespmem:v15+s4+$0x0], $0xffff;
	_ =	sdelay $0x2  }
0x177: {  	v22 =	vor.u32 v54, v57;
	v16 =	vld.idx.msk [tilespmem:v63+s4+$0x0], $0xffff;
	[tilespmem:v19+s16+$0x0] =	vst.idx.msk $0xffff, v17  }
0x178: {  	v58 =	vor.u32 s26, v40;
	[tilespmem:v20+s16+$0x0] =	vst.idx.msk $0xffff, v18  }
0x179: {  	[tilespmem:v21+s16+$0x0] =	vst.idx.msk $0xffff, v15;
	v15 =	vor.u32 s26, v44  }
0x17a: {  	v61 =	vld [tilespmem:$0x1FE30]  }
0x17b: {  	v62 =	vld [tilespmem:$0x1FE40]  }
0x17c: {  	v63 =	vld [tilespmem:$0x1FE50];
	[tilespmem:v22+s16+$0x0] =	vst.idx.msk $0xffff, v16  }
0x17d: {  	v59 =	vor.u32 s26, v42;
	v16 =	vld.idx.msk [tilespmem:v58+s4+$0x0], $0xffff  }
0x17e: {  	v60 =	vor.u32 s26, v43;
	v58 =	vld.idx.msk [tilespmem:v15+s4+$0x0], $0xffff  }
0x17f: {  	v15 =	vld [tilespmem:$0x1FE60];
	_ =	sdelay $0x1  }
0x180: {  	v19 =	vor.u32 v49, v61  }
0x181: {  	v20 =	vor.u32 v51, v62;
	v17 =	vld.idx.msk [tilespmem:v59+s4+$0x0], $0xffff  }
0x182: {  	v21 =	vor.u32 v52, v63;
	v18 =	vld.idx.msk [tilespmem:v60+s4+$0x0], $0xffff  }
0x183: {  	s26 =	simm.s32 $0x10;
	v61 =	vor.u32 v54, v15  }
0x184: {  	v60 =	vor.u32 s26, v55  }
0x185: {  	v59 =	vor.u32 s26, v27;
	[tilespmem:v19+s16+$0x0] =	vst.idx.msk $0xffff, v16  }
0x186: {  	v57 =	vor.u32 s26, v28;
	[tilespmem:v20+s16+$0x0] =	vst.idx.msk $0xffff, v17  }
0x187: {  	s29 =	simm.s32 $0x8;
	v62 =	vmov s28;
	v56 =	vor.u32 s26, v29;
	[tilespmem:v21+s16+$0x0] =	vst.idx.msk $0xffff, v18  }
.LBB2_5:
0x188: {  	p2 =	sne.s32 s29, $0x1C;
	v15 =	vshll.u32 v62, $0x7;
	v16 =	vor.u32 s26, v30;
	[tilespmem:v61+s16+$0x0] =	vst.idx.msk $0xffff, v58;
	s28 =	smov.u32 s29;
	s29 =	sadd.s32 $0x4, s29  }
0x189: {  	v17 =	vld.idx.msk [tilespmem:v60+s4+$0x0], $0xffff;
	v18 =	vor.u32 v53, v15;
	v19 =	vor.u32 v14, v15;
	v20 =	vor.u32 v2, v15  }
0x18a: {  	v22 =	vor.u32 v0, v15;
	v23 =	vor.u32 v3, v15;
	v21 =	vld.idx.msk [tilespmem:v59+s4+$0x0], $0xffff;
	v18 =	vor.u32 v49, v18  }
0x18b: {  	v25 =	vor.u32 v10, v15;
	v26 =	vor.u32 v6, v15;
	v19 =	vor.u32 v51, v19;
	v24 =	vld.idx.msk [tilespmem:v57+s4+$0x0], $0xffff  }
0x18c: {  	v58 =	vor.u32 v9, v15;
	v25 =	vor.u32 v52, v25;
	v57 =	vor.u32 v13, v15;
	v56 =	vld.idx.msk [tilespmem:v56+s4+$0x0], $0xffff  }
0x18d: {  	v60 =	vor.u32 v1, v15;
	v26 =	vor.u32 v54, v26;
	v59 =	vor.u32 v5, v15  }
0x18e: {  	v61 =	vor.u32 v12, v15;
	v62 =	vor.u32 v8, v15;
	v63 =	vor.u32 v4, v15  }
0x18f: {  	[tilespmem:v18+s16+$0x0] =	vst.idx.msk $0xffff, v17;
	v17 =	vor.u32 s26, v41;
	v18 =	vor.u32 v11, v15  }
0x190: {  	[tilespmem:v19+s16+$0x0] =	vst.idx.msk $0xffff, v21;
	v19 =	vor.u32 s26, v31  }
0x191: {  	v21 =	vor.u32 s26, v32;
	[tilespmem:v25+s16+$0x0] =	vst.idx.msk $0xffff, v24  }
0x192: {  	[tilespmem:v26+s16+$0x0] =	vst.idx.msk $0xffff, v56  }
0x193: {  	v16 =	vld.idx.msk [tilespmem:v16+s4+$0x0], $0xffff  }
0x194: {  	v20 =	vor.u32 v49, v20;
	v17 =	vld.idx.msk [tilespmem:v17+s4+$0x0], $0xffff  }
0x195: {  	v24 =	vor.u32 v51, v57;
	v19 =	vld.idx.msk [tilespmem:v19+s4+$0x0], $0xffff  }
0x196: {  	v25 =	vor.u32 v52, v58;
	v21 =	vld.idx.msk [tilespmem:v21+s4+$0x0], $0xffff  }
0x197: {  	v26 =	vor.u32 v54, v59  }
0x198: {  	v56 =	vor.u32 s26, v33  }
0x199: {  	[tilespmem:v20+s16+$0x0] =	vst.idx.msk $0xffff, v16;
	v16 =	vor.u32 s26, v34  }
0x19a: {  	[tilespmem:v24+s16+$0x0] =	vst.idx.msk $0xffff, v17;
	v17 =	vor.u32 s26, v35  }
0x19b: {  	[tilespmem:v25+s16+$0x0] =	vst.idx.msk $0xffff, v19;
	v19 =	vor.u32 s26, v36  }
0x19c: {  	[tilespmem:v26+s16+$0x0] =	vst.idx.msk $0xffff, v21  }
0x19d: {  	v20 =	vld.idx.msk [tilespmem:v56+s4+$0x0], $0xffff  }
0x19e: {  	v21 =	vor.u32 v49, v60;
	v16 =	vld.idx.msk [tilespmem:v16+s4+$0x0], $0xffff  }
0x19f: {  	v24 =	vor.u32 v51, v61;
	v17 =	vld.idx.msk [tilespmem:v17+s4+$0x0], $0xffff  }
0x1a0: {  	v25 =	vor.u32 v52, v62;
	v19 =	vld.idx.msk [tilespmem:v19+s4+$0x0], $0xffff  }
0x1a1: {  	v26 =	vor.u32 v54, v63  }
0x1a2: {  	v56 =	vor.u32 s26, v40  }
0x1a3: {  	[tilespmem:v21+s16+$0x0] =	vst.idx.msk $0xffff, v20;
	v20 =	vor.u32 s26, v42  }
0x1a4: {  	[tilespmem:v24+s16+$0x0] =	vst.idx.msk $0xffff, v16;
	v16 =	vor.u32 s26, v43  }
0x1a5: {  	[tilespmem:v25+s16+$0x0] =	vst.idx.msk $0xffff, v17;
	v17 =	vor.u32 s26, v44  }
0x1a6: {  	[tilespmem:v26+s16+$0x0] =	vst.idx.msk $0xffff, v19  }
0x1a7: {  	v19 =	vld.idx.msk [tilespmem:v56+s4+$0x0], $0xffff  }
0x1a8: {  	v21 =	vor.u32 v49, v22;
	v20 =	vld.idx.msk [tilespmem:v20+s4+$0x0], $0xffff  }
0x1a9: {  	v15 =	vor.u32 v7, v15;
	v18 =	vor.u32 v51, v18;
	v16 =	vld.idx.msk [tilespmem:v16+s4+$0x0], $0xffff  }
0x1aa: {  	v15 =	vor.u32 v52, v15;
	v58 =	vld.idx.msk [tilespmem:v17+s4+$0x0], $0xffff  }
.Ltmp1:
0x1ab: {  	v61 =	vor.u32 v54, v23;
	s26 =	sadd.s32 $0x10, s26;
	(pc) =	sbr.rel @p2 .LBB2_5-.Ltmp1, $4  }
0x1ac: {  	v60 =	vor.u32 s26, v55  }
0x1ad: {  	v59 =	vor.u32 s26, v27;
	[tilespmem:v21+s16+$0x0] =	vst.idx.msk $0xffff, v19  }
0x1ae: {  	v57 =	vor.u32 s26, v28;
	[tilespmem:v18+s16+$0x0] =	vst.idx.msk $0xffff, v20  }
0x1af: {  	v62 =	vmov s28;
	v56 =	vor.u32 s26, v29;
	[tilespmem:v15+s16+$0x0] =	vst.idx.msk $0xffff, v16  }
0x1b0: {  	_ =	sdelay $0x2  }
0x1b1: {  	v15 =	vshll.u32 v62, $0x7  }
0x1b2: {  	[tilespmem:v61+s16+$0x0] =	vst.idx.msk $0xffff, v58;
	v16 =	vor.u32 v53, v15  }
0x1b3: {  	v17 =	vld.idx.msk [tilespmem:v60+s4+$0x0], $0xffff;
	v18 =	vor.u32 v14, v15;
	v16 =	vor.u32 v49, v16  }
0x1b4: {  	v19 =	vld.idx.msk [tilespmem:v59+s4+$0x0], $0xffff;
	v20 =	vor.u32 v10, v15;
	v18 =	vor.u32 v51, v18  }
0x1b5: {  	v21 =	vld.idx.msk [tilespmem:v57+s4+$0x0], $0xffff;
	v22 =	vor.u32 v6, v15;
	v20 =	vor.u32 v52, v20  }
0x1b6: {  	v23 =	vld.idx.msk [tilespmem:v56+s4+$0x0], $0xffff;
	v22 =	vor.u32 v54, v22  }
0x1b7: {  	v24 =	vor.u32 s26, v30  }
0x1b8: {  	v25 =	vor.u32 s26, v41;
	[tilespmem:v16+s16+$0x0] =	vst.idx.msk $0xffff, v17  }
0x1b9: {  	v26 =	vor.u32 s26, v31;
	[tilespmem:v18+s16+$0x0] =	vst.idx.msk $0xffff, v19  }
0x1ba: {  	v27 =	vor.u32 s26, v32;
	[tilespmem:v20+s16+$0x0] =	vst.idx.msk $0xffff, v21  }
0x1bb: {  	v28 =	vor.u32 v2, v15;
	[tilespmem:v22+s16+$0x0] =	vst.idx.msk $0xffff, v23  }
0x1bc: {  	v29 =	vor.u32 v13, v15;
	v19 =	vor.u32 v49, v28;
	v21 =	vld.idx.msk [tilespmem:v24+s4+$0x0], $0xffff  }
0x1bd: {  	v30 =	vor.u32 v9, v15;
	v20 =	vor.u32 v51, v29;
	v16 =	vld.idx.msk [tilespmem:v25+s4+$0x0], $0xffff  }
0x1be: {  	v31 =	vor.u32 v5, v15;
	v22 =	vor.u32 v52, v30;
	v17 =	vld.idx.msk [tilespmem:v26+s4+$0x0], $0xffff  }
0x1bf: {  	v23 =	vor.u32 v54, v31;
	v18 =	vld.idx.msk [tilespmem:v27+s4+$0x0], $0xffff  }
0x1c0: {  	v32 =	vor.u32 s26, v33  }
0x1c1: {  	v33 =	vor.u32 s26, v34;
	[tilespmem:v19+s16+$0x0] =	vst.idx.msk $0xffff, v21  }
0x1c2: {  	v34 =	vor.u32 s26, v35;
	[tilespmem:v20+s16+$0x0] =	vst.idx.msk $0xffff, v16  }
0x1c3: {  	v35 =	vor.u32 s26, v36;
	[tilespmem:v22+s16+$0x0] =	vst.idx.msk $0xffff, v17  }
0x1c4: {  	v36 =	vor.u32 v1, v15;
	[tilespmem:v23+s16+$0x0] =	vst.idx.msk $0xffff, v18  }
0x1c5: {  	v39 =	vmov v38;
	v38 =	vor.u32 v12, v15;
	v20 =	vor.u32 v49, v36;
	v21 =	vld.idx.msk [tilespmem:v32+s4+$0x0], $0xffff  }
0x1c6: {  	v41 =	vor.u32 v8, v15;
	v18 =	vor.u32 v51, v38;
	v19 =	vld.idx.msk [tilespmem:v33+s4+$0x0], $0xffff  }
0x1c7: {  	v56 =	vor.u32 v4, v15;
	v22 =	vor.u32 v52, v41;
	v16 =	vld.idx.msk [tilespmem:v34+s4+$0x0], $0xffff  }
0x1c8: {  	v23 =	vor.u32 v54, v56;
	v17 =	vld.idx.msk [tilespmem:v35+s4+$0x0], $0xffff  }
0x1c9: {  	v57 =	vor.u32 s26, v40  }
0x1ca: {  	v58 =	vor.u32 s26, v42;
	[tilespmem:v20+s16+$0x0] =	vst.idx.msk $0xffff, v21  }
0x1cb: {  	v59 =	vor.u32 s26, v43;
	[tilespmem:v18+s16+$0x0] =	vst.idx.msk $0xffff, v19  }
0x1cc: {  	v60 =	vor.u32 s26, v44;
	[tilespmem:v22+s16+$0x0] =	vst.idx.msk $0xffff, v16  }
0x1cd: {  	v61 =	vor.u32 v0, v15;
	[tilespmem:v23+s16+$0x0] =	vst.idx.msk $0xffff, v17  }
0x1ce: {  	v62 =	vor.u32 v11, v15;
	v19 =	vor.u32 v49, v61;
	v21 =	vld.idx.msk [tilespmem:v57+s4+$0x0], $0xffff  }
0x1cf: {  	v63 =	vor.u32 v7, v15;
	v17 =	vor.u32 v51, v62;
	v20 =	vld.idx.msk [tilespmem:v58+s4+$0x0], $0xffff  }
0x1d0: {  	v15 =	vor.u32 v3, v15;
	v22 =	vor.u32 v52, v63;
	v18 =	vld.idx.msk [tilespmem:v59+s4+$0x0], $0xffff  }
0x1d1: {  	v15 =	vor.u32 v54, v15;
	v16 =	vld.idx.msk [tilespmem:v60+s4+$0x0], $0xffff  }
0x1d2: {  	p2 =	sne.s32 s22, $0x7A  }
.Ltmp2:
0x1d3: {  	[tilespmem:v19+s16+$0x0] =	vst.idx.msk $0xffff, v21;
	(pc) =	sbr.rel @p2 .LBB2_8-.Ltmp2, $4  }
0x1d4: {  	[tilespmem:v17+s16+$0x0] =	vst.idx.msk $0xffff, v20  }
0x1d5: {  	s25 =	sshll.u32 s25, $0x9;
	[tilespmem:v22+s16+$0x0] =	vst.idx.msk $0xffff, v18  }
0x1d6: {  	s25 =	sadd.s32 s6, s25;
	[tilespmem:v15+s16+$0x0] =	vst.idx.msk $0xffff, v16  }
0x1d7: {  	[hbm4b:s25+s4] =	stream.linear.scatter [tilespmem:s16], [sflag:$0x3], $0x1000, $0x38;
	[tilespmem:$0x4800] =	vst v63  }
.Ltmp3:
0x1d8: {  	_ =	swait.ge [sflag:s17], $0x1000;
	(pc) =	sbr.rel .LBB2_9-.Ltmp3, $4  }
0x1d9: {  	v27 =	vld [tilespmem:$0x1FE70]  }
0x1da: {  	v28 =	vld [tilespmem:$0x1FE80]  }
0x1db: {  	[sflag:s17] =	ssyncset.done $0x0;
	v29 =	vld [tilespmem:$0x1FE90]  }
0x1dc: {  	v38 =	vmov v37;
	v25 =	vld [tilespmem:$0x1FEA0];
	[sflag:s17] =	ssyncadd.s32 $0xFFFFF000  }
.LBB2_8:
0x1dd: {  	s24 =	sadd.s32 s24, s9  }
0x1de: {  	s24 =	smin.u32 s24, $0x1E83  }
0x1df: {  	s24 =	sshll.u32 s24, $0x7  }
0x1e0: {  	s24 =	sadd.s32 s1, s24  }
0x1e1: {  	[tilespmem:s4], [sflag:$0x1] =	stream.strided.gather [hbm4b:s24+s12], $0x1000, s13, s12, $0x38;
	[tilespmem:$0x4800] =	vst v63  }
.Ltmp4:
0x1e2: {  	_ =	swait.ge [sflag:s17], $0x1000;
	(pc) =	sbr.rel @p1 .LBB2_10-.Ltmp4, $4  }
0x1e3: {  	v27 =	vld [tilespmem:$0x1FE70]  }
0x1e4: {  	v28 =	vld [tilespmem:$0x1FE80]  }
0x1e5: {  	[sflag:s17] =	ssyncset.done $0x0;
	v29 =	vld [tilespmem:$0x1FE90]  }
0x1e6: {  	v38 =	vmov v37;
	v25 =	vld [tilespmem:$0x1FEA0];
	[sflag:s17] =	ssyncadd.s32 $0xFFFFF000  }
.LBB2_9:
0x1e7: {  	_ =	swait.ge [sflag:s18], $0x1000  }
0x1e8: {  	[sflag:s18] =	ssyncset.done $0x0  }
0x1e9: {  	[sflag:s18] =	ssyncadd.s32 $0xFFFFF000  }
.LBB2_10:
0x1ea: {  	s24 =	simm.s32 $0x0  }
0x1eb: {  	v15 =	vor.u32 s24, v50  }
0x1ec: {  	v16 =	vor.u32 s24, v27  }
0x1ed: {  	v30 =	vld [tilespmem:$0x1FF30];
	v18 =	vmov s24;
	v17 =	vor.u32 s24, v28  }
0x1ee: {  	v31 =	vld [tilespmem:$0x1FEE0];
	v18 =	vshll.u32 v18, $0x7;
	v19 =	vor.u32 s24, v29  }
0x1ef: {  	v32 =	vld [tilespmem:$0x1FF40];
	v20 =	vor.u32 v53, v18  }
0x1f0: {  	v21 =	vor.u32 v14, v18;
	[tilespmem:$0x1FC70] =	vst v20;
	v20 =	vor.u32 v45, v20;
	v15 =	vld.idx.msk [tilespmem:v15+s14+$0x0], $0xffff  }
0x1f1: {  	v22 =	vor.u32 v10, v18;
	[tilespmem:$0x1FC80] =	vst v21;
	v21 =	vor.u32 v46, v21;
	v16 =	vld.idx.msk [tilespmem:v16+s14+$0x0], $0xffff  }
0x1f2: {  	v23 =	vor.u32 v6, v18;
	[tilespmem:$0x1FC90] =	vst v22;
	v22 =	vor.u32 v47, v22;
	v17 =	vld.idx.msk [tilespmem:v17+s14+$0x0], $0xffff  }
0x1f3: {  	[tilespmem:$0x1FCA0] =	vst v23;
	v23 =	vor.u32 v48, v23;
	v19 =	vld.idx.msk [tilespmem:v19+s14+$0x0], $0xffff  }
0x1f4: {  	v24 =	vor.u32 s24, v25  }
0x1f5: {  	v33 =	vld [tilespmem:$0x1FEF0];
	[tilespmem:v20+s19+$0x0] =	vst.idx.msk $0xffff, v15;
	v15 =	vor.u32 s24, v30  }
0x1f6: {  	v34 =	vld [tilespmem:$0x1FF50];
	v57 =	vor.u32 s24, v31;
	[tilespmem:v21+s19+$0x0] =	vst.idx.msk $0xffff, v16  }
0x1f7: {  	v35 =	vld [tilespmem:$0x1FF00];
	v58 =	vor.u32 s24, v32;
	[tilespmem:v22+s19+$0x0] =	vst.idx.msk $0xffff, v17  }
0x1f8: {  	v36 =	vld [tilespmem:$0x1FF60];
	v59 =	vor.u32 v2, v18;
	[tilespmem:v23+s19+$0x0] =	vst.idx.msk $0xffff, v19  }
0x1f9: {  	v60 =	vor.u32 v13, v18;
	v20 =	vor.u32 v45, v59;
	v19 =	vld.idx.msk [tilespmem:v24+s14+$0x0], $0xffff  }
0x1fa: {  	v61 =	vor.u32 v9, v18;
	v21 =	vor.u32 v46, v60;
	v15 =	vld.idx.msk [tilespmem:v15+s14+$0x0], $0xffff  }
0x1fb: {  	v62 =	vor.u32 v5, v18;
	v22 =	vor.u32 v47, v61;
	v16 =	vld.idx.msk [tilespmem:v57+s14+$0x0], $0xffff  }
0x1fc: {  	v41 =	vor.u32 v1, v18;
	v23 =	vor.u32 v48, v62;
	v17 =	vld.idx.msk [tilespmem:v58+s14+$0x0], $0xffff  }
0x1fd: {  	[tilespmem:$0x1FCF0] =	vst v41;
	v24 =	vor.u32 s24, v33  }
0x1fe: {  	v63 =	vor.u32 s24, v34;
	[tilespmem:v20+s19+$0x0] =	vst.idx.msk $0xffff, v19  }
0x1ff: {  	v40 =	vor.u32 s24, v36;
	[tilespmem:v21+s19+$0x0] =	vst.idx.msk $0xffff, v15  }
0x200: {  	[tilespmem:v22+s19+$0x0] =	vst.idx.msk $0xffff, v16  }
0x201: {  	v20 =	vor.u32 v45, v41;
	v41 =	vld [tilespmem:$0x1FF10];
	v15 =	vor.u32 s24, v35;
	[tilespmem:v23+s19+$0x0] =	vst.idx.msk $0xffff, v17  }
0x202: {  	v17 =	vld.idx.msk [tilespmem:v24+s14+$0x0], $0xffff  }
0x203: {  	[tilespmem:$0x1FCB0] =	vst v59;
	v19 =	vld.idx.msk [tilespmem:v63+s14+$0x0], $0xffff  }
0x204: {  	v56 =	vor.u32 v12, v18;
	[tilespmem:$0x1FCC0] =	vst v60;
	v16 =	vld.idx.msk [tilespmem:v40+s14+$0x0], $0xffff  }
0x205: {  	[tilespmem:$0x1FCD0] =	vst v61;
	v57 =	vor.u32 v8, v18;
	v21 =	vor.u32 v46, v56;
	v40 =	vld [tilespmem:$0x1FF70]  }
0x206: {  	[tilespmem:$0x1FCE0] =	vst v62;
	v58 =	vor.u32 v4, v18;
	v22 =	vor.u32 v47, v57;
	v15 =	vld.idx.msk [tilespmem:v15+s14+$0x0], $0xffff  }
0x207: {  	[tilespmem:$0x1FD00] =	vst v56;
	v61 =	vor.u32 v0, v18;
	v23 =	vor.u32 v48, v58  }
0x208: {  	[tilespmem:$0x1FD30] =	vst v61;
	v24 =	vor.u32 s24, v38  }
0x209: {  	v59 =	vor.u32 s24, v39;
	[tilespmem:v20+s19+$0x0] =	vst.idx.msk $0xffff, v17  }
0x20a: {  	v60 =	vor.u32 s24, v40;
	[tilespmem:v21+s19+$0x0] =	vst.idx.msk $0xffff, v19  }
0x20b: {  	[tilespmem:v22+s19+$0x0] =	vst.idx.msk $0xffff, v15;
	v15 =	vor.u32 s24, v41  }
0x20c: {  	v62 =	vor.u32 v11, v18;
	[tilespmem:v23+s19+$0x0] =	vst.idx.msk $0xffff, v16  }
0x20d: {  	[tilespmem:$0x1FD40] =	vst v62;
	v20 =	vor.u32 v45, v61;
	v16 =	vld.idx.msk [tilespmem:v24+s14+$0x0], $0xffff  }
0x20e: {  	[tilespmem:$0x1FD10] =	vst v57;
	v63 =	vor.u32 v7, v18;
	v21 =	vor.u32 v46, v62;
	v17 =	vld.idx.msk [tilespmem:v59+s14+$0x0], $0xffff  }
0x20f: {  	[tilespmem:$0x1FD20] =	vst v58;
	v22 =	vor.u32 v47, v63;
	v19 =	vld.idx.msk [tilespmem:v60+s14+$0x0], $0xffff  }
0x210: {  	[tilespmem:$0x1FD50] =	vst v63;
	v58 =	vld.idx.msk [tilespmem:v15+s14+$0x0], $0xffff;
	v15 =	vor.u32 v3, v18  }
0x211: {  	[tilespmem:$0x1FD60] =	vst v15  }
0x212: {  	s26 =	simm.s32 $0x10;
	s25 =	simm.s32 $0x4;
	[tilespmem:v20+s19+$0x0] =	vst.idx.msk $0xffff, v16  }
0x213: {  	v56 =	vor.u32 s26, v29;
	v57 =	vor.u32 s26, v28;
	v62 =	vmov s25;
	[tilespmem:v21+s19+$0x0] =	vst.idx.msk $0xffff, v17  }
0x214: {  	s28 =	simm.s32 $0x8;
	v59 =	vor.u32 s26, v27;
	v60 =	vor.u32 s26, v50;
	v61 =	vor.u32 v48, v15;
	[tilespmem:v22+s19+$0x0] =	vst.idx.msk $0xffff, v19  }
.LBB2_11:
0x215: {  	_ =	sdelay $0x2  }
0x216: {  	v15 =	vshll.u32 v62, $0x7  }
0x217: {  	v18 =	vor.u32 v53, v15;
	[tilespmem:v61+s19+$0x0] =	vst.idx.msk $0xffff, v58  }
0x218: {  	v19 =	vor.u32 v14, v15;
	v18 =	vor.u32 v45, v18;
	v17 =	vld.idx.msk [tilespmem:v60+s14+$0x0], $0xffff  }
0x219: {  	v19 =	vor.u32 v46, v19;
	v21 =	vld.idx.msk [tilespmem:v59+s14+$0x0], $0xffff;
	v16 =	vor.u32 s26, v25;
	v25 =	vor.u32 v10, v15  }
0x21a: {  	v26 =	vor.u32 v6, v15;
	v24 =	vld.idx.msk [tilespmem:v57+s14+$0x0], $0xffff;
	v25 =	vor.u32 v47, v25  }
0x21b: {  	v26 =	vor.u32 v48, v26;
	v56 =	vld.idx.msk [tilespmem:v56+s14+$0x0], $0xffff;
	_ =	sdelay $0x1  }
0x21c: {  	[tilespmem:v18+s19+$0x0] =	vst.idx.msk $0xffff, v17;
	v17 =	vor.u32 s26, v30  }
0x21d: {  	[tilespmem:v19+s19+$0x0] =	vst.idx.msk $0xffff, v21;
	v19 =	vor.u32 s26, v31  }
0x21e: {  	v21 =	vor.u32 s26, v32;
	[tilespmem:v25+s19+$0x0] =	vst.idx.msk $0xffff, v24  }
0x21f: {  	v20 =	vor.u32 v2, v15;
	[tilespmem:v26+s19+$0x0] =	vst.idx.msk $0xffff, v56  }
0x220: {  	v20 =	vor.u32 v45, v20;
	v57 =	vor.u32 v13, v15;
	v16 =	vld.idx.msk [tilespmem:v16+s14+$0x0], $0xffff  }
0x221: {  	v58 =	vor.u32 v9, v15;
	v24 =	vor.u32 v46, v57;
	v17 =	vld.idx.msk [tilespmem:v17+s14+$0x0], $0xffff  }
0x222: {  	v59 =	vor.u32 v5, v15;
	v25 =	vor.u32 v47, v58;
	v19 =	vld.idx.msk [tilespmem:v19+s14+$0x0], $0xffff  }
0x223: {  	v26 =	vor.u32 v48, v59;
	v21 =	vld.idx.msk [tilespmem:v21+s14+$0x0], $0xffff  }
0x224: {  	v56 =	vor.u32 s26, v33  }
0x225: {  	v57 =	vor.u32 s26, v34;
	[tilespmem:v20+s19+$0x0] =	vst.idx.msk $0xffff, v16  }
0x226: {  	v58 =	vor.u32 s26, v35;
	[tilespmem:v24+s19+$0x0] =	vst.idx.msk $0xffff, v17  }
0x227: {  	v59 =	vor.u32 s26, v36;
	[tilespmem:v25+s19+$0x0] =	vst.idx.msk $0xffff, v19  }
0x228: {  	v60 =	vor.u32 v1, v15;
	[tilespmem:v26+s19+$0x0] =	vst.idx.msk $0xffff, v21  }
0x229: {  	v61 =	vor.u32 v12, v15;
	v21 =	vor.u32 v45, v60;
	v20 =	vld.idx.msk [tilespmem:v56+s14+$0x0], $0xffff  }
0x22a: {  	v62 =	vor.u32 v8, v15;
	v24 =	vor.u32 v46, v61;
	v16 =	vld.idx.msk [tilespmem:v57+s14+$0x0], $0xffff  }
0x22b: {  	v63 =	vor.u32 v4, v15;
	v25 =	vor.u32 v47, v62;
	v17 =	vld.idx.msk [tilespmem:v58+s14+$0x0], $0xffff  }
0x22c: {  	v26 =	vor.u32 v48, v63;
	v19 =	vld.idx.msk [tilespmem:v59+s14+$0x0], $0xffff  }
0x22d: {  	v60 =	vor.u32 s26, v38  }
0x22e: {  	v61 =	vor.u32 s26, v39;
	[tilespmem:v21+s19+$0x0] =	vst.idx.msk $0xffff, v20  }
0x22f: {  	v62 =	vor.u32 s26, v40;
	[tilespmem:v24+s19+$0x0] =	vst.idx.msk $0xffff, v16  }
0x230: {  	[tilespmem:v25+s19+$0x0] =	vst.idx.msk $0xffff, v17  }
0x231: {  	v22 =	vor.u32 v0, v15;
	[tilespmem:v26+s19+$0x0] =	vst.idx.msk $0xffff, v19  }
0x232: {  	v18 =	vor.u32 v11, v15;
	v63 =	vor.u32 s26, v41;
	v21 =	vor.u32 v45, v22;
	v19 =	vld.idx.msk [tilespmem:v60+s14+$0x0], $0xffff  }
0x233: {  	v23 =	vor.u32 v3, v15;
	v15 =	vor.u32 v7, v15;
	v18 =	vor.u32 v46, v18;
	v20 =	vld.idx.msk [tilespmem:v61+s14+$0x0], $0xffff  }
0x234: {  	p1 =	sne.s32 s28, $0x1C;
	v15 =	vor.u32 v47, v15;
	v16 =	vld.idx.msk [tilespmem:v62+s14+$0x0], $0xffff  }
.Ltmp5:
0x235: {  	_ = 	snop;
	(pc) =	sbr.rel @p1 .LBB2_11-.Ltmp5, $4  }
0x236: {  	_ = 	snop  }
0x237: {  	s26 =	sadd.s32 $0x10, s26;
	v58 =	vld.idx.msk [tilespmem:v63+s14+$0x0], $0xffff;
	[tilespmem:v21+s19+$0x0] =	vst.idx.msk $0xffff, v19  }
0x238: {  	s29 =	smov.u32 s28;
	v59 =	vor.u32 s26, v27;
	v57 =	vor.u32 s26, v28;
	v56 =	vor.u32 s26, v29;
	[tilespmem:v18+s19+$0x0] =	vst.idx.msk $0xffff, v20  }
0x239: {  	s28 =	sadd.s32 $0x4, s28;
	v25 =	vld [tilespmem:$0x1FEA0];
	v61 =	vor.u32 v48, v23;
	v60 =	vor.u32 s26, v50;
	v62 =	vmov s29;
	[tilespmem:v15+s19+$0x0] =	vst.idx.msk $0xffff, v16  }
0x23a: {  	_ =	sdelay $0x2  }
0x23b: {  	v15 =	vshll.u32 v62, $0x7  }
0x23c: {  	v16 =	vor.u32 v53, v15;
	[tilespmem:v61+s19+$0x0] =	vst.idx.msk $0xffff, v58  }
0x23d: {  	v18 =	vor.u32 v14, v15;
	v16 =	vor.u32 v45, v16;
	v17 =	vld.idx.msk [tilespmem:v60+s14+$0x0], $0xffff  }
0x23e: {  	v20 =	vor.u32 v10, v15;
	v18 =	vor.u32 v46, v18;
	v19 =	vld.idx.msk [tilespmem:v59+s14+$0x0], $0xffff  }
0x23f: {  	v22 =	vor.u32 v6, v15;
	v20 =	vor.u32 v47, v20;
	v21 =	vld.idx.msk [tilespmem:v57+s14+$0x0], $0xffff  }
0x240: {  	v22 =	vor.u32 v48, v22;
	v23 =	vld.idx.msk [tilespmem:v56+s14+$0x0], $0xffff  }
0x241: {  	v24 =	vor.u32 s26, v25  }
0x242: {  	v63 =	vor.u32 s26, v30;
	[tilespmem:v16+s19+$0x0] =	vst.idx.msk $0xffff, v17  }
0x243: {  	v56 =	vor.u32 s26, v31;
	[tilespmem:v18+s19+$0x0] =	vst.idx.msk $0xffff, v19  }
0x244: {  	v57 =	vor.u32 s26, v32;
	[tilespmem:v20+s19+$0x0] =	vst.idx.msk $0xffff, v21  }
0x245: {  	v58 =	vor.u32 v2, v15;
	[tilespmem:v22+s19+$0x0] =	vst.idx.msk $0xffff, v23  }
0x246: {  	v59 =	vor.u32 v13, v15;
	v19 =	vor.u32 v45, v58;
	v21 =	vld.idx.msk [tilespmem:v24+s14+$0x0], $0xffff  }
0x247: {  	v60 =	vor.u32 v9, v15;
	v20 =	vor.u32 v46, v59;
	v16 =	vld.idx.msk [tilespmem:v63+s14+$0x0], $0xffff  }
0x248: {  	v61 =	vor.u32 v5, v15;
	v22 =	vor.u32 v47, v60;
	v17 =	vld.idx.msk [tilespmem:v56+s14+$0x0], $0xffff  }
0x249: {  	v23 =	vor.u32 v48, v61;
	v18 =	vld.idx.msk [tilespmem:v57+s14+$0x0], $0xffff  }
0x24a: {  	v24 =	vor.u32 s26, v33  }
0x24b: {  	v62 =	vor.u32 s26, v34;
	[tilespmem:v19+s19+$0x0] =	vst.idx.msk $0xffff, v21  }
0x24c: {  	v63 =	vor.u32 s26, v35;
	[tilespmem:v20+s19+$0x0] =	vst.idx.msk $0xffff, v16  }
0x24d: {  	v27 =	vld [tilespmem:$0x1FF80];
	v32 =	vor.u32 s26, v36;
	[tilespmem:v22+s19+$0x0] =	vst.idx.msk $0xffff, v17  }
0x24e: {  	v28 =	vld [tilespmem:$0x1FF90];
	v33 =	vor.u32 v1, v15;
	[tilespmem:v23+s19+$0x0] =	vst.idx.msk $0xffff, v18  }
0x24f: {  	v34 =	vor.u32 v12, v15;
	v20 =	vor.u32 v45, v33;
	v21 =	vld.idx.msk [tilespmem:v24+s14+$0x0], $0xffff  }
0x250: {  	v35 =	vor.u32 v8, v15;
	v18 =	vor.u32 v46, v34;
	v19 =	vld.idx.msk [tilespmem:v62+s14+$0x0], $0xffff  }
0x251: {  	v36 =	vor.u32 v4, v15;
	v22 =	vor.u32 v47, v35;
	v16 =	vld.idx.msk [tilespmem:v63+s14+$0x0], $0xffff  }
0x252: {  	v23 =	vor.u32 v48, v36;
	v17 =	vld.idx.msk [tilespmem:v32+s14+$0x0], $0xffff  }
0x253: {  	v29 =	vld [tilespmem:$0x1FFA0];
	v24 =	vor.u32 s26, v38  }
0x254: {  	v30 =	vld [tilespmem:$0x1FFE0];
	v38 =	vor.u32 s26, v39;
	[tilespmem:v20+s19+$0x0] =	vst.idx.msk $0xffff, v21  }
0x255: {  	v31 =	vld [tilespmem:$0x1FFB0];
	v56 =	vor.u32 s26, v40;
	[tilespmem:v18+s19+$0x0] =	vst.idx.msk $0xffff, v19  }
0x256: {  	v57 =	vor.u32 s26, v41;
	v33 =	vld [tilespmem:$0x1FC70];
	[tilespmem:v22+s19+$0x0] =	vst.idx.msk $0xffff, v16  }
0x257: {  	v58 =	vor.u32 v0, v15;
	v36 =	vld [tilespmem:$0x1FCA0];
	[tilespmem:v23+s19+$0x0] =	vst.idx.msk $0xffff, v17  }
0x258: {  	v59 =	vor.u32 v11, v15;
	v19 =	vor.u32 v45, v58;
	v21 =	vld.idx.msk [tilespmem:v24+s14+$0x0], $0xffff  }
0x259: {  	v60 =	vor.u32 v7, v15;
	v17 =	vor.u32 v46, v59;
	v20 =	vld.idx.msk [tilespmem:v38+s14+$0x0], $0xffff  }
0x25a: {  	v15 =	vor.u32 v3, v15;
	v22 =	vor.u32 v47, v60;
	v18 =	vld.idx.msk [tilespmem:v56+s14+$0x0], $0xffff  }
0x25b: {  	v15 =	vor.u32 v48, v15;
	v16 =	vld.idx.msk [tilespmem:v57+s14+$0x0], $0xffff  }
0x25c: {  	v61 =	vor.u32 s24, v55;
	v35 =	vld [tilespmem:$0x1FC90]  }
0x25d: {  	v34 =	vld [tilespmem:$0x1FC80];
	v62 =	vor.u32 s24, v27;
	[tilespmem:v19+s19+$0x0] =	vst.idx.msk $0xffff, v21  }
0x25e: {  	v63 =	vor.u32 s24, v28;
	v58 =	vld [tilespmem:$0x1FCC0];
	[tilespmem:v17+s19+$0x0] =	vst.idx.msk $0xffff, v20  }
0x25f: {  	v32 =	vor.u32 s24, v29;
	v24 =	vld [tilespmem:$0x1FF20];
	[tilespmem:v22+s19+$0x0] =	vst.idx.msk $0xffff, v18  }
0x260: {  	v22 =	vor.u32 v54, v36;
	v36 =	vld [tilespmem:$0x1FEB0];
	[tilespmem:v15+s19+$0x0] =	vst.idx.msk $0xffff, v16  }
0x261: {  	v16 =	vor.u32 v49, v33;
	v15 =	vld.idx.msk [tilespmem:v61+s14+$0x0], $0xffff  }
0x262: {  	v20 =	vor.u32 v51, v34;
	v19 =	vld.idx.msk [tilespmem:v62+s14+$0x0], $0xffff  }
0x263: {  	v21 =	vor.u32 v52, v35;
	v17 =	vld.idx.msk [tilespmem:v63+s14+$0x0], $0xffff  }
0x264: {  	v18 =	vld.idx.msk [tilespmem:v32+s14+$0x0], $0xffff  }
0x265: {  	v33 =	vld [tilespmem:$0x1FFC0];
	v38 =	vor.u32 s24, v36  }
0x266: {  	v40 =	vor.u32 s24, v31;
	v60 =	vld [tilespmem:$0x1FCE0];
	[tilespmem:v16+s19+$0x0] =	vst.idx.msk $0xffff, v15  }
0x267: {  	v57 =	vld [tilespmem:$0x1FCB0];
	[tilespmem:v20+s19+$0x0] =	vst.idx.msk $0xffff, v19  }
0x268: {  	v59 =	vld [tilespmem:$0x1FCD0];
	v15 =	vor.u32 s24, v24;
	[tilespmem:v21+s19+$0x0] =	vst.idx.msk $0xffff, v17  }
0x269: {  	v35 =	vld [tilespmem:$0x1FFD0];
	[tilespmem:v22+s19+$0x0] =	vst.idx.msk $0xffff, v18  }
0x26a: {  	v56 =	vor.u32 s24, v33;
	v18 =	vld.idx.msk [tilespmem:v38+s14+$0x0], $0xffff  }
0x26b: {  	v16 =	vld.idx.msk [tilespmem:v40+s14+$0x0], $0xffff  }
0x26c: {  	v19 =	vor.u32 v49, v57;
	v40 =	vld [tilespmem:$0x1FEC0]  }
0x26d: {  	v20 =	vor.u32 v51, v58;
	v15 =	vld.idx.msk [tilespmem:v15+s14+$0x0], $0xffff  }
0x26e: {  	v34 =	vld [tilespmem:$0x1FCF0];
	v21 =	vor.u32 v52, v59  }
0x26f: {  	v22 =	vor.u32 v54, v60;
	v17 =	vld.idx.msk [tilespmem:v56+s14+$0x0], $0xffff  }
0x270: {  	v32 =	vld [tilespmem:$0x1FFF0];
	v61 =	vor.u32 s24, v35  }
0x271: {  	v38 =	vld [tilespmem:$0x1FD00];
	[tilespmem:v19+s19+$0x0] =	vst.idx.msk $0xffff, v18;
	v62 =	vor.u32 s24, v40  }
0x272: {  	v56 =	vld [tilespmem:$0x1FD10];
	[tilespmem:v20+s19+$0x0] =	vst.idx.msk $0xffff, v15;
	v15 =	vor.u32 s24, v30  }
0x273: {  	v57 =	vld [tilespmem:$0x1FD20];
	[tilespmem:v21+s19+$0x0] =	vst.idx.msk $0xffff, v16  }
0x274: {  	v19 =	vor.u32 v49, v34;
	v34 =	vld [tilespmem:$0x1FED0];
	[tilespmem:v22+s19+$0x0] =	vst.idx.msk $0xffff, v17  }
0x275: {  	v63 =	vor.u32 s24, v32;
	v17 =	vld.idx.msk [tilespmem:v61+s14+$0x0], $0xffff  }
0x276: {  	v20 =	vor.u32 v51, v38;
	v18 =	vld.idx.msk [tilespmem:v62+s14+$0x0], $0xffff  }
0x277: {  	v21 =	vor.u32 v52, v56;
	v15 =	vld.idx.msk [tilespmem:v15+s14+$0x0], $0xffff;
	_ =	sdelay $0x2  }
0x278: {  	v22 =	vor.u32 v54, v57;
	v16 =	vld.idx.msk [tilespmem:v63+s14+$0x0], $0xffff;
	[tilespmem:v19+s19+$0x0] =	vst.idx.msk $0xffff, v17  }
0x279: {  	v58 =	vor.u32 s24, v34;
	[tilespmem:v20+s19+$0x0] =	vst.idx.msk $0xffff, v18  }
0x27a: {  	[tilespmem:v21+s19+$0x0] =	vst.idx.msk $0xffff, v15;
	v15 =	vor.u32 s24, v44  }
0x27b: {  	v61 =	vld [tilespmem:$0x1FD30]  }
0x27c: {  	v63 =	vld [tilespmem:$0x1FD50]  }
0x27d: {  	v62 =	vld [tilespmem:$0x1FD40];
	[tilespmem:v22+s19+$0x0] =	vst.idx.msk $0xffff, v16  }
0x27e: {  	v59 =	vor.u32 s24, v42;
	v16 =	vld.idx.msk [tilespmem:v58+s14+$0x0], $0xffff  }
0x27f: {  	v60 =	vor.u32 s24, v43;
	v58 =	vld.idx.msk [tilespmem:v15+s14+$0x0], $0xffff  }
0x280: {  	v15 =	vld [tilespmem:$0x1FD60];
	_ =	sdelay $0x1  }
0x281: {  	v19 =	vor.u32 v49, v61  }
0x282: {  	v20 =	vor.u32 v51, v62;
	v17 =	vld.idx.msk [tilespmem:v59+s14+$0x0], $0xffff  }
0x283: {  	v21 =	vor.u32 v52, v63;
	v18 =	vld.idx.msk [tilespmem:v60+s14+$0x0], $0xffff  }
0x284: {  	s24 =	simm.s32 $0x10;
	v61 =	vor.u32 v54, v15  }
0x285: {  	v60 =	vor.u32 s24, v55  }
0x286: {  	v59 =	vor.u32 s24, v27;
	[tilespmem:v19+s19+$0x0] =	vst.idx.msk $0xffff, v16  }
0x287: {  	v38 =	vmov v39;
	v57 =	vor.u32 s24, v28;
	[tilespmem:v20+s19+$0x0] =	vst.idx.msk $0xffff, v17  }
0x288: {  	s26 =	simm.s32 $0x8;
	v39 =	vmovc v40;
	v40 =	vmovc v41;
	v41 =	vmov v24;
	v62 =	vmov s25;
	v56 =	vor.u32 s24, v29;
	[tilespmem:v21+s19+$0x0] =	vst.idx.msk $0xffff, v18  }
.LBB2_13:
0x289: {  	p1 =	sne.s32 s26, $0x1C;
	v15 =	vshll.u32 v62, $0x7;
	v16 =	vor.u32 s24, v36;
	[tilespmem:v61+s19+$0x0] =	vst.idx.msk $0xffff, v58;
	s25 =	smov.u32 s26;
	s26 =	sadd.s32 $0x4, s26  }
0x28a: {  	v17 =	vld.idx.msk [tilespmem:v60+s14+$0x0], $0xffff;
	v18 =	vor.u32 v53, v15;
	v19 =	vor.u32 v14, v15;
	v20 =	vor.u32 v2, v15  }
0x28b: {  	v22 =	vor.u32 v0, v15;
	v23 =	vor.u32 v3, v15;
	v21 =	vld.idx.msk [tilespmem:v59+s14+$0x0], $0xffff;
	v18 =	vor.u32 v49, v18  }
0x28c: {  	v25 =	vor.u32 v10, v15;
	v26 =	vor.u32 v6, v15;
	v19 =	vor.u32 v51, v19;
	v24 =	vld.idx.msk [tilespmem:v57+s14+$0x0], $0xffff  }
0x28d: {  	v58 =	vor.u32 v9, v15;
	v25 =	vor.u32 v52, v25;
	v57 =	vor.u32 v13, v15;
	v56 =	vld.idx.msk [tilespmem:v56+s14+$0x0], $0xffff  }
0x28e: {  	v60 =	vor.u32 v1, v15;
	v26 =	vor.u32 v54, v26;
	v59 =	vor.u32 v5, v15  }
0x28f: {  	v61 =	vor.u32 v12, v15;
	v62 =	vor.u32 v8, v15;
	v63 =	vor.u32 v4, v15  }
0x290: {  	[tilespmem:v18+s19+$0x0] =	vst.idx.msk $0xffff, v17;
	v17 =	vor.u32 s24, v41;
	v18 =	vor.u32 v11, v15  }
0x291: {  	[tilespmem:v19+s19+$0x0] =	vst.idx.msk $0xffff, v21;
	v19 =	vor.u32 s24, v31  }
0x292: {  	v21 =	vor.u32 s24, v33;
	[tilespmem:v25+s19+$0x0] =	vst.idx.msk $0xffff, v24  }
0x293: {  	[tilespmem:v26+s19+$0x0] =	vst.idx.msk $0xffff, v56  }
0x294: {  	v16 =	vld.idx.msk [tilespmem:v16+s14+$0x0], $0xffff  }
0x295: {  	v20 =	vor.u32 v49, v20;
	v17 =	vld.idx.msk [tilespmem:v17+s14+$0x0], $0xffff  }
0x296: {  	v24 =	vor.u32 v51, v57;
	v19 =	vld.idx.msk [tilespmem:v19+s14+$0x0], $0xffff  }
0x297: {  	v25 =	vor.u32 v52, v58;
	v21 =	vld.idx.msk [tilespmem:v21+s14+$0x0], $0xffff  }
0x298: {  	v26 =	vor.u32 v54, v59  }
0x299: {  	v56 =	vor.u32 s24, v35  }
0x29a: {  	[tilespmem:v20+s19+$0x0] =	vst.idx.msk $0xffff, v16;
	v16 =	vor.u32 s24, v39  }
0x29b: {  	[tilespmem:v24+s19+$0x0] =	vst.idx.msk $0xffff, v17;
	v17 =	vor.u32 s24, v30  }
0x29c: {  	[tilespmem:v25+s19+$0x0] =	vst.idx.msk $0xffff, v19;
	v19 =	vor.u32 s24, v32  }
0x29d: {  	[tilespmem:v26+s19+$0x0] =	vst.idx.msk $0xffff, v21  }
0x29e: {  	v20 =	vld.idx.msk [tilespmem:v56+s14+$0x0], $0xffff  }
0x29f: {  	v21 =	vor.u32 v49, v60;
	v16 =	vld.idx.msk [tilespmem:v16+s14+$0x0], $0xffff  }
0x2a0: {  	v24 =	vor.u32 v51, v61;
	v17 =	vld.idx.msk [tilespmem:v17+s14+$0x0], $0xffff  }
0x2a1: {  	v25 =	vor.u32 v52, v62;
	v19 =	vld.idx.msk [tilespmem:v19+s14+$0x0], $0xffff  }
0x2a2: {  	v26 =	vor.u32 v54, v63  }
0x2a3: {  	v56 =	vor.u32 s24, v34  }
0x2a4: {  	[tilespmem:v21+s19+$0x0] =	vst.idx.msk $0xffff, v20;
	v20 =	vor.u32 s24, v42  }
0x2a5: {  	[tilespmem:v24+s19+$0x0] =	vst.idx.msk $0xffff, v16;
	v16 =	vor.u32 s24, v43  }
0x2a6: {  	[tilespmem:v25+s19+$0x0] =	vst.idx.msk $0xffff, v17;
	v17 =	vor.u32 s24, v44  }
0x2a7: {  	[tilespmem:v26+s19+$0x0] =	vst.idx.msk $0xffff, v19  }
0x2a8: {  	v19 =	vld.idx.msk [tilespmem:v56+s14+$0x0], $0xffff  }
0x2a9: {  	v21 =	vor.u32 v49, v22;
	v20 =	vld.idx.msk [tilespmem:v20+s14+$0x0], $0xffff  }
0x2aa: {  	v15 =	vor.u32 v7, v15;
	v18 =	vor.u32 v51, v18;
	v16 =	vld.idx.msk [tilespmem:v16+s14+$0x0], $0xffff  }
0x2ab: {  	v15 =	vor.u32 v52, v15;
	v58 =	vld.idx.msk [tilespmem:v17+s14+$0x0], $0xffff  }
.Ltmp6:
0x2ac: {  	v61 =	vor.u32 v54, v23;
	s24 =	sadd.s32 $0x10, s24;
	(pc) =	sbr.rel @p1 .LBB2_13-.Ltmp6, $4  }
0x2ad: {  	v60 =	vor.u32 s24, v55  }
0x2ae: {  	v59 =	vor.u32 s24, v27;
	[tilespmem:v21+s19+$0x0] =	vst.idx.msk $0xffff, v19  }
0x2af: {  	v57 =	vor.u32 s24, v28;
	[tilespmem:v18+s19+$0x0] =	vst.idx.msk $0xffff, v20  }
0x2b0: {  	v62 =	vmov s25;
	v56 =	vor.u32 s24, v29;
	[tilespmem:v15+s19+$0x0] =	vst.idx.msk $0xffff, v16  }
0x2b1: {  	_ =	sdelay $0x2  }
0x2b2: {  	v15 =	vshll.u32 v62, $0x7  }
0x2b3: {  	[tilespmem:v61+s19+$0x0] =	vst.idx.msk $0xffff, v58;
	v16 =	vor.u32 v53, v15  }
0x2b4: {  	v17 =	vld.idx.msk [tilespmem:v60+s14+$0x0], $0xffff;
	v18 =	vor.u32 v14, v15;
	v16 =	vor.u32 v49, v16  }
0x2b5: {  	v19 =	vld.idx.msk [tilespmem:v59+s14+$0x0], $0xffff;
	v20 =	vor.u32 v10, v15;
	v18 =	vor.u32 v51, v18  }
0x2b6: {  	v21 =	vld.idx.msk [tilespmem:v57+s14+$0x0], $0xffff;
	v22 =	vor.u32 v6, v15;
	v20 =	vor.u32 v52, v20  }
0x2b7: {  	v23 =	vld.idx.msk [tilespmem:v56+s14+$0x0], $0xffff;
	v22 =	vor.u32 v54, v22  }
0x2b8: {  	v24 =	vor.u32 s24, v36  }
0x2b9: {  	[tilespmem:v16+s19+$0x0] =	vst.idx.msk $0xffff, v17;
	v16 =	vor.u32 s24, v41  }
0x2ba: {  	v17 =	vor.u32 s24, v31;
	[tilespmem:v18+s19+$0x0] =	vst.idx.msk $0xffff, v19  }
0x2bb: {  	v18 =	vor.u32 s24, v33;
	[tilespmem:v20+s19+$0x0] =	vst.idx.msk $0xffff, v21  }
0x2bc: {  	v19 =	vor.u32 v2, v15;
	[tilespmem:v22+s19+$0x0] =	vst.idx.msk $0xffff, v23  }
0x2bd: {  	v20 =	vor.u32 v13, v15;
	v19 =	vor.u32 v49, v19;
	v21 =	vld.idx.msk [tilespmem:v24+s14+$0x0], $0xffff  }
0x2be: {  	v22 =	vor.u32 v9, v15;
	v20 =	vor.u32 v51, v20;
	v16 =	vld.idx.msk [tilespmem:v16+s14+$0x0], $0xffff  }
0x2bf: {  	v23 =	vor.u32 v5, v15;
	v22 =	vor.u32 v52, v22;
	v17 =	vld.idx.msk [tilespmem:v17+s14+$0x0], $0xffff  }
0x2c0: {  	v23 =	vor.u32 v54, v23;
	v18 =	vld.idx.msk [tilespmem:v18+s14+$0x0], $0xffff  }
0x2c1: {  	v24 =	vor.u32 s24, v35  }
0x2c2: {  	[tilespmem:v19+s19+$0x0] =	vst.idx.msk $0xffff, v21;
	v19 =	vor.u32 s24, v39  }
0x2c3: {  	[tilespmem:v20+s19+$0x0] =	vst.idx.msk $0xffff, v16;
	v16 =	vor.u32 s24, v30  }
0x2c4: {  	[tilespmem:v22+s19+$0x0] =	vst.idx.msk $0xffff, v17;
	v17 =	vor.u32 s24, v32  }
0x2c5: {  	v20 =	vor.u32 v1, v15;
	[tilespmem:v23+s19+$0x0] =	vst.idx.msk $0xffff, v18  }
0x2c6: {  	v20 =	vor.u32 v49, v20;
	v18 =	vor.u32 v12, v15;
	v21 =	vld.idx.msk [tilespmem:v24+s14+$0x0], $0xffff  }
0x2c7: {  	v22 =	vor.u32 v8, v15;
	v18 =	vor.u32 v51, v18;
	v19 =	vld.idx.msk [tilespmem:v19+s14+$0x0], $0xffff  }
0x2c8: {  	v23 =	vor.u32 v4, v15;
	v22 =	vor.u32 v52, v22;
	v16 =	vld.idx.msk [tilespmem:v16+s14+$0x0], $0xffff  }
0x2c9: {  	v23 =	vor.u32 v54, v23;
	v17 =	vld.idx.msk [tilespmem:v17+s14+$0x0], $0xffff  }
0x2ca: {  	v24 =	vor.u32 s24, v34  }
0x2cb: {  	[tilespmem:v20+s19+$0x0] =	vst.idx.msk $0xffff, v21;
	v20 =	vor.u32 s24, v42  }
0x2cc: {  	[tilespmem:v18+s19+$0x0] =	vst.idx.msk $0xffff, v19;
	v18 =	vor.u32 s24, v43  }
0x2cd: {  	[tilespmem:v22+s19+$0x0] =	vst.idx.msk $0xffff, v16;
	v16 =	vor.u32 s24, v44  }
0x2ce: {  	v25 =	vld [tilespmem:$0x1FEE0];
	v19 =	vor.u32 v0, v15;
	[tilespmem:v23+s19+$0x0] =	vst.idx.msk $0xffff, v17  }
0x2cf: {  	v19 =	vor.u32 v49, v19;
	v17 =	vor.u32 v11, v15;
	v21 =	vld.idx.msk [tilespmem:v24+s14+$0x0], $0xffff  }
0x2d0: {  	v22 =	vor.u32 v7, v15;
	v17 =	vor.u32 v51, v17;
	v20 =	vld.idx.msk [tilespmem:v20+s14+$0x0], $0xffff  }
0x2d1: {  	v15 =	vor.u32 v3, v15;
	v22 =	vor.u32 v52, v22;
	v18 =	vld.idx.msk [tilespmem:v18+s14+$0x0], $0xffff  }
0x2d2: {  	s22 =	sadd.s32 $0x1, s22;
	v15 =	vor.u32 v54, v15;
	v16 =	vld.idx.msk [tilespmem:v16+s14+$0x0], $0xffff  }
0x2d3: {  	p1 =	sne.s32 s22, $0x7B;
	v39 =	vld [tilespmem:$0x1FF70]  }
.Ltmp7:
0x2d4: {  	[tilespmem:v19+s19+$0x0] =	vst.idx.msk $0xffff, v21;
	v19 =	vld [tilespmem:$0x1FF50];
	(pc) =	sbr.rel @p1 .LBB2_2-.Ltmp7, $4  }
0x2d5: {  	v21 =	vld [tilespmem:$0x1FF60];
	[tilespmem:v17+s19+$0x0] =	vst.idx.msk $0xffff, v20  }
0x2d6: {  	s23 =	sshll.u32 s23, $0x9;
	v17 =	vld [tilespmem:$0x1FF40];
	[tilespmem:v22+s19+$0x0] =	vst.idx.msk $0xffff, v18  }
0x2d7: {  	s23 =	sadd.s32 s6, s23;
	v20 =	vld [tilespmem:$0x1FF00];
	[tilespmem:v15+s19+$0x0] =	vst.idx.msk $0xffff, v16  }
0x2d8: {  	v26 =	vmov v37;
	v15 =	vld [tilespmem:$0x1FF30];
	[hbm4b:s23+s4] =	stream.linear.scatter [tilespmem:s19], [sflag:$0x4], $0x1000, $0x38  }
0x2d9: {  	_ =	swait.ge [sflag:s20], $0x1000  }
0x2da: {  	[sflag:s20] =	ssyncset.done $0x0  }
0x2db: {  	[sflag:s20] =	ssyncadd.s32 $0xFFFFF000  }
0x2dc: {  	_ =	swait.ge [sflag:s18], $0x1000  }
0x2dd: {  	s22 =	simm.s32 @!p0 $0x0;
	[sflag:s18] =	ssyncset.done $0x0  }
0x2de: {  	s23 =	simm.s32 @!p0 $0x4000;
	s24 =	simm.s32 @!p0 $0x5;
	[sflag:s18] =	ssyncadd.s32 $0xFFFFF000  }
0x2df: {  	[tilespmem:s23], [sflag:$0x5] =	stream.linear.gather @!p0 [hbm4b:s2+s22], $0x800, $0x38;
	[tilespmem:$0x4800] =	vst v63  }
0x2e0: {  	s21 =	sadd.s32 $0x1, s21;
	_ =	swait.ge @!p0 [sflag:s24], $0x800  }
0x2e1: {  	p1 =	sne.s32 s21, s11;
	[sflag:s24] =	ssyncset.done @!p0 $0x0  }
.Ltmp8:
0x2e2: {  	[sflag:s24] =	ssyncadd.s32 @!p0 $0xFFFFF800;
	(pc) =	sbr.rel @p1 .LBB2_1-.Ltmp8, $4  }
0x2e3: {  	[hbm4b:s10+s22] =	stream.linear.scatter @!p0 [tilespmem:s23], [sflag:$0x5], $0x800, $0x38;
	[tilespmem:$0x4800] =	vst v63  }
0x2e4: {  	_ =	swait.ge @!p0 [sflag:s24], $0x800  }
0x2e5: {  	[sflag:s24] =	ssyncset.done @!p0 $0x0  }
0x2e6: {  	[sflag:s24] =	ssyncadd.s32 @!p0 $0xFFFFF800  }
0x2e7: {  	_ =	sfence.sel $0x180000  }
0x2e8: {  	[bflag:$0x0] =	sbarrier.arrive $0xFFFF  }
0x2e9: {  	p0 =	sne.s32 s0, $0x0;
	_ =	strace $0x90000047  }
0x2ea: {  	s0 =	sadd.s32 @!p0 $0x100000, s3;
	[bflag:$0x2] =	sbarrier.arrive $0xFFFF  }
0x2eb: {  	[sflag:s0] =	ssyncadd.tile.s32 @!p0 $0x1;
	_ =	shalt  }
.Lfunc_end2:
_tile_overlayer_lowered:
.L_overlay_start_2:
0x2ec: {  	(tag) =	ssettag $0x2  }
0x2ed: {  	s0 =	rddreg [dreg:$0x0];
	s2 =	stileid.u32  }
0x2ee: {  	s1 =	rddreg [dreg:$0x1];
	p0 =	sne.s32 s2, $0x0  }
0x2ef: {  	s3 =	rddreg [dreg:$0x2];
	[bflag:$0x3] =	sbarrier.arrive $0xFFFF;
	s2 =	simm.s32 @!p0 $0x1C05  }
0x2f0: {  	[timem:s3], [sflag:s2] =	dma.local @!p0 [hbm:s0], s1  }
0x2f1: {  	s0 =	simm.s32 @!p0 $0x5  }
0x2f2: {  	_ =	swait.ge @!p0 [sflag:s0], s1  }
0x2f3: {  	s1 =	ssub.s32 @!p0 $0x0, s1;
	[sflag:s0] =	ssyncset.done @!p0 $0x0  }
0x2f4: {  	[sflag:s0] =	ssyncadd.s32 @!p0 s1  }
0x2f5: {  	[bflag:$0x3] =	sbarrier.arrive $0xFFFF  }
0x2f6: {  	_ =	shalt  }

// kernel: kernel.8.cloned.1.call-start
scs
__scs_entry_jumppad:
0x0: {  	(pc) =	sbr.rel $0x88, $3  }
0x1: {  	(tag) =	ssettag $0x0;
	lr =	simm.s32 $0x1  }
0x2: {  	[smem:$0x3F9D] =	sst lr;
	_ =	strace $0xD0000000  }
0x3: {  	_ = 	snop  }
0x4: {  	_ = 	snop  }
0x5: {  	_ = 	snop  }
0x6: {  	_ = 	snop  }
0x7: {  	_ = 	snop  }
__scs_overlays_trampoline_lowered:
0x8: {  	[smem:$0x3FAC] =	sst s0  }
0x9: {  	[smem:$0x3FAD] =	sst s1  }
0xa: {  	[smem:$0x3FAE] =	sst s2  }
0xb: {  	[smem:$0x3FAF] =	sst s3  }
0xc: {  	[smem:$0x3FB0] =	sst s4  }
0xd: {  	[smem:$0x3FB1] =	sst s5  }
0xe: {  	[smem:$0x3FB2] =	sst s6  }
0xf: {  	[smem:$0x3FB3] =	sst s7  }
0x10: {  	[smem:$0x3FB4] =	sst s8  }
0x11: {  	[smem:$0x3FB5] =	sst s9;
	s0 =	simm.s32 @!p0 $0x0  }
0x12: {  	s1 =	sld [smem:$0x3F9B];
	s0 =	simm.s32 @p0 $0x1  }
0x13: {  	[smem:$0x3FB6] =	sst s0;
	s0 =	simm.s32 @!p1 $0x0  }
0x14: {  	s2 =	sld [smem:$0x3F9A];
	s0 =	simm.s32 @p1 $0x1  }
0x15: {  	[smem:$0x3FB7] =	sst s0;
	s0 =	simm.s32 @!p2 $0x0  }
0x16: {  	s3 =	sld [smem:$0x3FDB];
	s0 =	simm.s32 @p2 $0x1  }
0x17: {  	s4 =	simm.s32 $0x1BF5;
	[smem:$0x3FB9] =	sst s0  }
0x18: {  	s0 =	sld [smem:$0x3F9C];
	_ =	swait.ge [sflag:s4], $0x0  }
0x19: {  	s7 =	sld [smem:$0x3F9D]  }
0x1a: {  	s8 =	sadd.s32 $0xFFFFE003, lr  }
0x1b: {  	s9 =	sadd.s32 $0xFFFFFEF7, lr;
	s5 =	simm.s32 $0xFFFFFFFF;
	p2 =	slt.u32 s8, $0xFFFFF086  }
0x1c: {  	p1 =	slt.u32 s9, $0xF7A;
	s5 =	simm.s32 @!p2 $0x0  }
0x1d: {  	s5 =	simm.s32 @p1 $0x1;
	p0 =	seq.s32 s7, s2  }
0x1e: {  	s7 =	smul.u32 @!p0 $0xF7A, s2;
	p2 =	seq.s32 @!p0 s5, $0x0  }
0x1f: {  	s9 =	smul.u32 $0xF7A, s1;
	s8 =	simm.s32 @!p0 $0x1BF5;
	p2 =	por !p2, p0  }
0x20: {  	[sflag:s8] =	ssyncset.s32 @!p0 $0xFFFFF086;
	s6 =	sadd.s32 @!p0 s3, s7;
	s7 =	simm.s32 @!p0 $0x108  }
0x21: {  	s3 =	sadd.s32 s3, s9;
	s6 =	sadd.s32 @!p0 $0x88, s6;
	s7 =	simm.s32 @p2 $0x1082  }
0x22: {  	[simem:s7], [sflag:s8] =	dma.local @!p0 [hbm:s6], $0xF7A  }
0x23: {  	s9 =	sor.u32 $0xD0000000, s2;
	s6 =	simm.s32 $0x108;
	_ =	swait.ge @!p0 [sflag:s8], $0x0  }
0x24: {  	s3 =	sadd.s32 $0x88, s3;
	s6 =	simm.s32 @!p1 $0x1082;
	[sflag:s4] =	ssyncset.s32 $0xFFFFF086  }
0x25: {  	[simem:s6], [sflag:s4] =	dma.local [hbm:s3], $0xF7A  }
0x26: {  	[smem:$0x3F9D] =	sst s1;
	(tag) =	ssettag s2;
	_ =	strace s9  }
0x27: {  	s1 =	sld [smem:$0x3FAD]  }
0x28: {  	s2 =	sld [smem:$0x3FAE]  }
0x29: {  	s4 =	sld [smem:$0x3FB0]  }
0x2a: {  	p0 =	seq.s32 s5, $0x0;
	s5 =	sld [smem:$0x3FB1]  }
0x2b: {  	s6 =	sld [smem:$0x3FB2]  }
0x2c: {  	s7 =	sld [smem:$0x3FB3]  }
0x2d: {  	s3 =	simm.s32 $0x108;
	s8 =	sld [smem:$0x3FB4]  }
0x2e: {  	s3 =	simm.s32 @!p0 $0x1082;
	s9 =	sld [smem:$0x3FB5]  }
0x2f: {  	lr =	sadd.s32 s0, s3;
	s0 =	sld [smem:$0x3FAC]  }
0x30: {  	s3 =	sld [smem:$0x3FAF]  }
0x31: {  	[smem:$0x3FB8] =	sst s10  }
0x32: {  	s10 =	sld [smem:$0x3FB6];
	_ =	sdelay $0x3  }
0x33: {  	p0 =	seq.s32 s10, $0x1;
	s10 =	sld [smem:$0x3FB8];
	_ =	sdelay $0x3  }
0x34: {  	[smem:$0x3FB8] =	sst s10  }
0x35: {  	s10 =	sld [smem:$0x3FB7];
	_ =	sdelay $0x3  }
0x36: {  	p1 =	seq.s32 s10, $0x1;
	s10 =	sld [smem:$0x3FB8];
	_ =	sdelay $0x3  }
0x37: {  	[smem:$0x3FB8] =	sst s10  }
0x38: {  	s10 =	sld [smem:$0x3FB9]  }
0x39: {  	_ = 	snop;
	(pc) =	sbr.ind lr, $3  }
0x3a: {  	_ = 	snop  }
0x3b: {  	_ = 	snop  }
0x3c: {  	p2 =	seq.s32 s10, $0x1;
	s10 =	sld [smem:$0x3FB8]  }
0x3d: {  	_ =	shalt  }
0x3e: {  	_ =	shalt  }
0x3f: {  	_ =	shalt  }
0x40: {  	_ =	shalt  }
0x41: {  	_ =	shalt  }
0x42: {  	_ =	shalt  }
0x43: {  	_ =	shalt  }
0x44: {  	_ =	shalt  }
0x45: {  	_ =	shalt  }
0x46: {  	_ =	shalt  }
0x47: {  	_ =	shalt  }
0x48: {  	_ =	shalt  }
0x49: {  	_ =	shalt  }
0x4a: {  	_ =	shalt  }
0x4b: {  	_ =	shalt  }
0x4c: {  	_ =	shalt  }
0x4d: {  	_ =	shalt  }
0x4e: {  	_ =	shalt  }
0x4f: {  	_ =	shalt  }
0x50: {  	_ =	shalt  }
0x51: {  	_ =	shalt  }
0x52: {  	_ =	shalt  }
0x53: {  	_ =	shalt  }
0x54: {  	_ =	shalt  }
0x55: {  	_ =	shalt  }
0x56: {  	_ =	shalt  }
0x57: {  	_ =	shalt  }
0x58: {  	_ =	shalt  }
0x59: {  	_ =	shalt  }
0x5a: {  	_ =	shalt  }
0x5b: {  	_ =	shalt  }
0x5c: {  	_ =	shalt  }
0x5d: {  	_ =	shalt  }
0x5e: {  	_ =	shalt  }
0x5f: {  	_ =	shalt  }
0x60: {  	_ =	shalt  }
0x61: {  	_ =	shalt  }
0x62: {  	_ =	shalt  }
0x63: {  	_ =	shalt  }
0x64: {  	_ =	shalt  }
0x65: {  	_ =	shalt  }
0x66: {  	_ =	shalt  }
0x67: {  	_ =	shalt  }
0x68: {  	_ =	shalt  }
0x69: {  	_ =	shalt  }
0x6a: {  	_ =	shalt  }
0x6b: {  	_ =	shalt  }
0x6c: {  	_ =	shalt  }
0x6d: {  	_ =	shalt  }
0x6e: {  	_ =	shalt  }
0x6f: {  	_ =	shalt  }
0x70: {  	_ =	shalt  }
0x71: {  	_ =	shalt  }
0x72: {  	_ =	shalt  }
0x73: {  	_ =	shalt  }
0x74: {  	_ =	shalt  }
0x75: {  	_ =	shalt  }
0x76: {  	_ =	shalt  }
0x77: {  	_ =	shalt  }
0x78: {  	_ =	shalt  }
0x79: {  	_ =	shalt  }
0x7a: {  	_ =	shalt  }
0x7b: {  	_ =	shalt  }
0x7c: {  	_ =	shalt  }
0x7d: {  	_ =	shalt  }
0x7e: {  	_ =	shalt  }
0x7f: {  	_ =	shalt  }
0x80: {  	_ =	shalt  }
0x81: {  	_ =	shalt  }
0x82: {  	_ =	shalt  }
0x83: {  	_ =	shalt  }
0x84: {  	_ =	shalt  }
0x85: {  	_ =	shalt  }
0x86: {  	_ =	shalt  }
0x87: {  	_ =	shalt  }
.Lfunc_end0:
.L_simem_size_0:
called_computation.1_lowered:
.L_overlay_start_0:
0x88: {  	s2 =	sld [smem:$0x3FD9]  }
0x89: {  	s3 =	sld [smem:$0x3FFE];
	_ =	sdelay $0x1  }
0x8a: {  	s1 =	srdreg.scid  }
0x8b: {  	s0 =	sand.u32 $0x1, s1  }
0x8c: {  	s16 =	sshll.u32 s0, $0xA;
	s2 =	sadd.s32 s3, s2  }
0x8d: {  	s2 =	sadd.s32 s2, s16  }
0x8e: {  	[smem:$0x3FC4] =	sst s2  }
0x8f: {  	_ = 	snop  }
0x90: {  	(tm) =	ssettm $0x1  }
0x91: {  	s17 =	sld [smem:$0x3FFB];
	_ =	sdelay $0x3  }
0x92: {  	_ =	strace s17  }
0x93: {  	s2 =	sld [smem:$0x3FFC];
	_ =	sdelay $0x3  }
0x94: {  	_ =	strace s2  }
0x95: {  	s2 =	sld [smem:$0x3FFD];
	_ =	sdelay $0x3  }
0x96: {  	_ =	strace s2  }
0x97: {  	_ =	strace $0x8FFFFFFF  }
0x98: {  	s18 =	sld [smem:$0x3FDB];
	_ =	sdelay $0x1  }
0x99: {  	s19 =	simm.s32 $_scs_section_size  }
0x9a: {  	s4 =	simm.s32 $_size__tile_overlayer_lowered;
	s5 =	simm.s32 $_tile_overlayer_lowered  }
0x9b: {  	s22 =	simm.s32 $0x1BFF;
	s21 =	sshll.u32 s5, $0x1;
	s2 =	sadd.s32 s19, s18  }
0x9c: {  	s6 =	simm.s32 $0x0;
	s20 =	sshll.u32 s4, $0x1;
	s4 =	sadd.s32 s21, s2  }
0x9d: {  	[timem:s6], [sflag:s22] =	dma.local [hbm:s4], s20  }
0x9e: {  	_ =	swait.ge [sflag:s22], s20  }
0x9f: {  	s3 =	ssub.s32 $0x0, s20;
	[sflag:s22] =	ssyncset.done $0x0  }
0xa0: {  	[sflag:s22] =	ssyncadd.s32 s3;
	_ =	sdelay $0x1  }
0xa1: {  	s23 =	simm.s32 $0x1B8B  }
0xa2: {  	_ =	swait.ge [sflag:s23], $0x1  }
0xa3: {  	[sflag:s23] =	ssyncset.done $0x0  }
0xa4: {  	s25 =	simm.s32 $0x1B8E;
	s24 =	sld [smem:$0x3FFE];
	[sflag:s23] =	ssyncadd.s32 $0xFFFFFFFF  }
0xa5: {  	s26 =	simm.s32 $execute0_lowered;
	[smem:$0x3FD2] =	sst s25  }
0xa6: {  	s4 =	sshll.u32 s26, $0x1;
	_ =	strace $0x80000049;
	[dreg:$0x1] =	wrdreg $0xFFFFFFFF  }
0xa7: {  	s28 =	simm.s32 $_size_execute0_lowered;
	s2 =	sadd.s32 s2, s4;
	[dreg:$0x0] =	wrdreg $0x0  }
0xa8: {  	s4 =	sshll.u32 s28, $0x1;
	[dreg:$0x2] =	wrdreg s2  }
0xa9: {  	[dreg:$0x3] =	wrdreg s4  }
0xaa: {  	[dreg:$0x4] =	wrdreg $0xC0  }
0xab: {  	_ =	task [dreg:s6], $0x5FFFF  }
0xac: {  	[dreg:$0x1] =	wrdreg $0xFFFFFFFF  }
0xad: {  	[dreg:$0x0] =	wrdreg $0x60  }
0xae: {  	[dreg:$0x2] =	wrdreg s24  }
0xaf: {  	[dreg:$0x3] =	wrdreg $0x9  }
0xb0: {  	_ =	task.clear_ibuf [dreg:s6], $0x4FFFF;
	_ =	strace $0x90000049  }
0xb1: {  	s29 =	simm.s32 $0x9;
	_ =	strace $0x8000004B  }
0xb2: {  	_ =	swait.ge [sflag:s29], $0x1  }
0xb3: {  	[sflag:s29] =	ssyncadd.s32 $0xFFFFFFFF  }
0xb4: {  	_ =	strace $0x9000004B  }
0xb5: {  	_ =	sfence  }
0xb6: {  	s30 =	sld [smem:$0x0];
	_ =	sdelay $0x2  }
0xb7: {  	s31 =	sshll.u32 s1, $0xD;
	s1 =	sshrl.u32 s1, $0x2  }
0xb8: {  	s3 =	sand.u32 $0x4000, s31;
	s1 =	sadd.s32 s1, s30  }
0xb9: {  	s0 =	sor.u32 s3, s0;
	s1 =	sshll.u32 s1, $0x11  }
0xba: {  	s0 =	sor.u32 s1, s0  }
0xbb: {  	s0 =	sadd.s32 $0x8F2B, s0  }
0xbc: {  	[sflag:s0] =	ssyncadd.remote.s32 $0x1  }
0xbd: {  	_ =	sfence.sel $0xFFFF  }
0xbe: {  	[dreg:$0x0] =	wrdreg $0xFFFFFFFF;
	(pc) =	sbr.abs _section_cstart, $3  }
0xbf: {  	[dreg:$0x1] =	wrdreg $0xFFFFFFFF  }
0xc0: {  	_ =	task.clear_ibuf [dreg:s6], $0x2FFFF;
	_ =	strace $0x9FFFFFFF  }
0xc1: {  	(tm) =	ssettm $0x7FFFFFFF  }
tec
execute0_lowered:
.L_overlay_start_1:
0x0: {  	(tag) =	ssettag $0x1  }
0x1: {  	s0 =	srdreg.scid;
	s1 =	stileid.u32  }
0x2: {  	s4 =	rddreg [dreg:$0x0];
	s2 =	simm.s32 $0x0;
	s7 =	simm.s32 $0x9  }
0x3: {  	s8 =	simm.s32 $0x64;
	s9 =	simm.s32 $0xFE00;
	s10 =	simm.s32 $0x548  }
0x4: {  	s11 =	simm.s32 $0x10A80;
	s12 =	simm.s32 $0x5B0;
	s13 =	simm.s32 $0x11700  }
0x5: {  	s14 =	simm.s32 $0x618;
	s15 =	simm.s32 $0x12380;
	s16 =	simm.s32 $0x1  }
0x6: {  	s17 =	simm.s32 $0x2;
	s18 =	simm.s32 $0x3;
	s19 =	simm.s32 $0x4  }
0x7: {  	s20 =	simm.s32 $0x5;
	s0 =	sand.u32 $0x1, s0;
	s1 =	sshll.u32 s1, $0x1  }
0x8: {  	s21 =	simm.s32 $0x6;
	s22 =	simm.s32 $0x7;
	s1 =	sor.u32 s0, s1  }
0x9: {  	s23 =	simm.s32 $0x8;
	s24 =	simm.s32 $0x13000;
	s3 =	smul.u32 $0xD00, s1  }
.Ltmp0:
0xa: {  	[smem:$0x7FF] =	sst s2;
	s0 =	ssub.s32 $0x2, s0;
	(pc) =	sbr.rel .LBB2_1-.Ltmp0, $4  }
0xb: {  	_ =	strace $0x8000004A;
	s1 =	sshll.u32 s1, $0x9;
	s6 =	sshrl.u32 s0, $0x1  }
0xc: {  	s1 =	sadd.s32 s1, s4;
	s0 =	ssub.s32 s0, s6;
	s5 =	sadd.s32 s3, s4  }
0xd: {  	s3 =	sadd.s32 $0xE00, s4;
	s6 =	smax.u32 s0, $0x1;
	s0 =	simm.s32 $0x4E0  }
0xe: {  	s25 =	simm.s32 $0x0;
	s4 =	sadd.s32 $0x3D1800, s5;
	s5 =	sadd.s32 $0x3EB800, s1  }
.LBB2_20:
0xf: {  	s25 =	sadd.s32 $0x1, s25  }
0x10: {  	[tilespmem:s28+$0x130E0] =	vst v1;
	p0 =	sne.s32 s25, s6  }
.Ltmp1:
0x11: {  	[tilespmem:s28+$0x130F0] =	vst v0;
	(pc) =	sbr.rel @!p0 .LBB2_21-.Ltmp1, $4  }
0x12: {  	[hbm4b:s5+s2] =	stream.linear.scatter [tilespmem:s24], [sflag:$0x9], $0x1000, $0x38;
	[tilespmem:$0x14000] =	vst v63  }
0x13: {  	_ =	swait.ge [sflag:s7], $0x1000  }
0x14: {  	[sflag:s7] =	ssyncset.done $0x0  }
0x15: {  	[sflag:s7] =	ssyncadd.s32 $0xFFFFF000  }
.LBB2_1:
0x16: {  	[tilespmem:s2], [sflag:$0x9] =	stream.linear.gather [hbm4b:s4+s2], $0x6800, $0x38;
	[tilespmem:$0x14000] =	vst v63  }
0x17: {  	_ =	swait.ge [sflag:s7], $0x6800  }
0x18: {  	[sflag:s7] =	ssyncset.done $0x0  }
0x19: {  	s1 =	simm.s32 $0x6800;
	[sflag:s7] =	ssyncadd.s32 $0xFFFF9800  }
0x1a: {  	[tilespmem:s1], [sflag:$0x1] =	stream.indirect.gather [hbm4b:s3+s8], $0x20, s2, s8, $0xb8;
	[tilespmem:$0x14000] =	vst v63  }
0x1b: {  	s31 =	simm.s32 $0x68;
	s26 =	simm.s32 $0x7480  }
0x1c: {  	[tilespmem:s26], [sflag:$0x1] =	stream.indirect.gather [hbm4b:s3+s8], $0x20, s31, s8, $0xb8;
	[tilespmem:$0x14000] =	vst v63  }
0x1d: {  	s28 =	simm.s32 $0xD0;
	s29 =	simm.s32 $0x8100  }
0x1e: {  	[tilespmem:s29], [sflag:$0x2] =	stream.indirect.gather [hbm4b:s3+s8], $0x20, s28, s8, $0xb8;
	[tilespmem:$0x14000] =	vst v63  }
0x1f: {  	s30 =	simm.s32 $0x138;
	s31 =	simm.s32 $0x8D80  }
0x20: {  	[tilespmem:s31], [sflag:$0x2] =	stream.indirect.gather [hbm4b:s3+s8], $0x20, s30, s8, $0xb8;
	[tilespmem:$0x14000] =	vst v63  }
0x21: {  	s28 =	simm.s32 $0x1A0;
	s29 =	simm.s32 $0x9A00  }
0x22: {  	[tilespmem:s29], [sflag:$0x3] =	stream.indirect.gather [hbm4b:s3+s8], $0x20, s28, s8, $0xb8;
	[tilespmem:$0x14000] =	vst v63  }
0x23: {  	s30 =	simm.s32 $0x208;
	s31 =	simm.s32 $0xA680  }
0x24: {  	[tilespmem:s31], [sflag:$0x3] =	stream.indirect.gather [hbm4b:s3+s8], $0x20, s30, s8, $0xb8;
	[tilespmem:$0x14000] =	vst v63  }
0x25: {  	s28 =	simm.s32 $0x270;
	s29 =	simm.s32 $0xB300  }
0x26: {  	[tilespmem:s29], [sflag:$0x4] =	stream.indirect.gather [hbm4b:s3+s8], $0x20, s28, s8, $0xb8;
	[tilespmem:$0x14000] =	vst v63  }
0x27: {  	s30 =	simm.s32 $0x2D8;
	s31 =	simm.s32 $0xBF80  }
0x28: {  	[tilespmem:s31], [sflag:$0x4] =	stream.indirect.gather [hbm4b:s3+s8], $0x20, s30, s8, $0xb8;
	[tilespmem:$0x14000] =	vst v63  }
0x29: {  	s28 =	simm.s32 $0x340;
	s29 =	simm.s32 $0xCC00  }
0x2a: {  	[tilespmem:s29], [sflag:$0x5] =	stream.indirect.gather [hbm4b:s3+s8], $0x20, s28, s8, $0xb8;
	[tilespmem:$0x14000] =	vst v63  }
0x2b: {  	s30 =	simm.s32 $0x3A8;
	s31 =	simm.s32 $0xD880  }
0x2c: {  	[tilespmem:s31], [sflag:$0x5] =	stream.indirect.gather [hbm4b:s3+s8], $0x20, s30, s8, $0xb8;
	[tilespmem:$0x14000] =	vst v63  }
0x2d: {  	s28 =	simm.s32 $0x410;
	s29 =	simm.s32 $0xE500  }
0x2e: {  	[tilespmem:s29], [sflag:$0x6] =	stream.indirect.gather [hbm4b:s3+s8], $0x20, s28, s8, $0xb8;
	[tilespmem:$0x14000] =	vst v63  }
0x2f: {  	s30 =	simm.s32 $0x478;
	s31 =	simm.s32 $0xF180  }
0x30: {  	[tilespmem:s31], [sflag:$0x6] =	stream.indirect.gather [hbm4b:s3+s8], $0x20, s30, s8, $0xb8;
	[tilespmem:$0x14000] =	vst v63  }
0x31: {  	_ = 	snop  }
0x32: {  	[tilespmem:s9], [sflag:$0x7] =	stream.indirect.gather [hbm4b:s3+s8], $0x20, s0, s8, $0xb8;
	[tilespmem:$0x14000] =	vst v63  }
0x33: {  	_ = 	snop  }
0x34: {  	[tilespmem:s11], [sflag:$0x7] =	stream.indirect.gather [hbm4b:s3+s8], $0x20, s10, s8, $0xb8;
	[tilespmem:$0x14000] =	vst v63  }
0x35: {  	_ = 	snop  }
0x36: {  	[tilespmem:s13], [sflag:$0x8] =	stream.indirect.gather [hbm4b:s3+s8], $0x20, s12, s8, $0xb8;
	[tilespmem:$0x14000] =	vst v63  }
0x37: {  	s26 =	simm.s32 $0x0  }
0x38: {  	[tilespmem:s15], [sflag:$0x8] =	stream.indirect.gather [hbm4b:s3+s8], $0x20, s14, s8, $0xb8;
	[tilespmem:$0x14000] =	vst v63  }
.LBB2_2:
0x39: {  	_ =	swait.ge [sflag:s16], $0x1900  }
0x3a: {  	[sflag:s16] =	ssyncset.done $0x0  }
0x3b: {  	s28 =	simm.s32 $0x0;
	[sflag:s16] =	ssyncadd.s32 $0xFFFFE700  }
0x3c: {  	v1 =	vld [tilespmem:s28+$0x6840]  }
0x3d: {  	v0 =	vld [tilespmem:s28+$0x6850]  }
0x3e: {  	v2 =	vld [tilespmem:s28+$0x6800]  }
0x3f: {  	v5 =	vimm.f32 $0.0e+00;
	v3 =	vld [tilespmem:s28+$0x6810]  }
0x40: {  	s29 =	simm.s32 $0x200;
	v4 =	vimm.f32 $0.0e+00;
	v8 =	vimm.f32 $0.0e+00;
	v7 =	vimm.f32 $0.0e+00;
	v6 =	vld [tilespmem:s28+$0x6820]  }
.LBB2_3:
0x41: {  	p0 =	sne.s32 s29, $0x6200;
	v9 =	vld [tilespmem:s28+$0x6830];
	v10 =	vmov v1  }
0x42: {  	v11 =	vld [tilespmem:s28+$0x6860];
	v12 =	vmov v0  }
0x43: {  	v13 =	vld [tilespmem:s28+$0x6870];
	s28 =	sshra.s32 s29, $0x2  }
.Ltmp2:
0x44: {  	v1 =	vld [tilespmem:s28+$0x6840];
	(pc) =	sbr.rel @p0 .LBB2_3-.Ltmp2, $4  }
0x45: {  	v5 =	vadd.f32 v2, v5;
	v4 =	vadd.f32 v3, v4;
	v0 =	vld [tilespmem:s28+$0x6850]  }
0x46: {  	v8 =	vadd.f32 v6, v8;
	v2 =	vld [tilespmem:s28+$0x6800];
	v7 =	vadd.f32 v9, v7  }
0x47: {  	v5 =	vadd.f32 v10, v5;
	v4 =	vadd.f32 v12, v4;
	v3 =	vld [tilespmem:s28+$0x6810]  }
0x48: {  	s29 =	sadd.s32 $0x200, s29;
	v8 =	vadd.f32 v11, v8;
	v6 =	vld [tilespmem:s28+$0x6820];
	v7 =	vadd.f32 v13, v7  }
0x49: {  	v9 =	vld [tilespmem:s28+$0x6830];
	p0 =	seq.s32 s26, $0xF  }
0x4a: {  	v10 =	vld [tilespmem:s28+$0x6860];
	s29 =	smul.u32 @!p0 $0x1A00, s26  }
0x4b: {  	v11 =	vld [tilespmem:s28+$0x6870]  }
0x4c: {  	s29 =	sshra.s32 @!p0 s29, $0x2  }
0x4d: {  	s30 =	simm.s32 @!p0 $0x64;
	s31 =	simm.s32 @!p0 $0x6800;
	v2 =	vadd.f32 v2, v5;
	v5 =	vadd.f32 v6, v8;
	s28 =	sadd.s32 @!p0 $0x680, s29  }
0x4e: {  	v3 =	vadd.f32 v3, v4;
	v4 =	vadd.f32 v9, v7;
	[tilespmem:s31], [sflag:$0x1] =	stream.indirect.gather @!p0 [hbm4b:s3+s30], $0x20, s28, s30, $0xb8;
	[tilespmem:$0x14000] =	vst v63  }
0x4f: {  	v1 =	vadd.f32 v1, v2;
	s28 =	sadd.s32 @!p0 $0x6E8, s29;
	s31 =	simm.s32 @!p0 $0x7480;
	v2 =	vadd.f32 v10, v5  }
0x50: {  	v0 =	vadd.f32 v0, v3;
	v3 =	vadd.f32 v11, v4;
	[tilespmem:s31], [sflag:$0x1] =	stream.indirect.gather @!p0 [hbm4b:s3+s30], $0x20, s28, s30, $0xb8;
	[tilespmem:$0x14000] =	vst v63  }
0x51: {  	s28 =	sshll.u32 s26, $0x8;
	v1 =	vadd.f32 v2, v1  }
0x52: {  	s28 =	sand.u32 $0x3FFFFF00, s28;
	v0 =	vadd.f32 v3, v0  }
0x53: {  	[tilespmem:s28+$0x13000] =	vst v1  }
0x54: {  	[tilespmem:s28+$0x13010] =	vst v0  }
0x55: {  	_ =	swait.ge [sflag:s17], $0x1900  }
0x56: {  	[sflag:s17] =	ssyncset.done $0x0  }
0x57: {  	s30 =	simm.s32 $0x0;
	[sflag:s17] =	ssyncadd.s32 $0xFFFFE700  }
0x58: {  	v1 =	vld [tilespmem:s30+$0x8140]  }
0x59: {  	v0 =	vld [tilespmem:s30+$0x8150]  }
0x5a: {  	v2 =	vld [tilespmem:s30+$0x8100]  }
0x5b: {  	v6 =	vimm.f32 $0.0e+00;
	v3 =	vld [tilespmem:s30+$0x8110]  }
0x5c: {  	v8 =	vimm.f32 $0.0e+00;
	v7 =	vimm.f32 $0.0e+00;
	v4 =	vimm.f32 $0.0e+00;
	s31 =	simm.s32 $0x200;
	v5 =	vld [tilespmem:s30+$0x8120]  }
.LBB2_5:
0x5d: {  	p1 =	sne.s32 s31, $0x6200;
	v9 =	vld [tilespmem:s30+$0x8130];
	v10 =	vmov v1  }
0x5e: {  	v11 =	vld [tilespmem:s30+$0x8160];
	v12 =	vmov v0  }
0x5f: {  	v13 =	vld [tilespmem:s30+$0x8170];
	s30 =	sshra.s32 s31, $0x2  }
.Ltmp3:
0x60: {  	v1 =	vld [tilespmem:s30+$0x8140];
	(pc) =	sbr.rel @p1 .LBB2_5-.Ltmp3, $4  }
0x61: {  	v4 =	vadd.f32 v2, v4;
	v6 =	vadd.f32 v3, v6;
	v0 =	vld [tilespmem:s30+$0x8150]  }
0x62: {  	v8 =	vadd.f32 v5, v8;
	v2 =	vld [tilespmem:s30+$0x8100];
	v7 =	vadd.f32 v9, v7  }
0x63: {  	v4 =	vadd.f32 v10, v4;
	v6 =	vadd.f32 v12, v6;
	v3 =	vld [tilespmem:s30+$0x8110]  }
0x64: {  	s31 =	sadd.s32 $0x200, s31;
	v8 =	vadd.f32 v11, v8;
	v5 =	vld [tilespmem:s30+$0x8120];
	v7 =	vadd.f32 v13, v7  }
0x65: {  	v9 =	vld [tilespmem:s30+$0x8130]  }
0x66: {  	v10 =	vld [tilespmem:s30+$0x8160]  }
0x67: {  	v11 =	vld [tilespmem:s30+$0x8170];
	_ =	sdelay $0x1  }
0x68: {  	v2 =	vadd.f32 v2, v4;
	v4 =	vadd.f32 v5, v8  }
0x69: {  	v3 =	vadd.f32 v3, v6;
	v5 =	vadd.f32 v9, v7  }
0x6a: {  	s30 =	sadd.s32 @!p0 $0x750, s29;
	s31 =	simm.s32 @!p0 $0x64;
	s1 =	simm.s32 @!p0 $0x8100;
	v1 =	vadd.f32 v1, v2;
	v2 =	vadd.f32 v10, v4  }
0x6b: {  	[tilespmem:s1], [sflag:$0x2] =	stream.indirect.gather @!p0 [hbm4b:s3+s31], $0x20, s30, s31, $0xb8;
	v0 =	vadd.f32 v0, v3;
	v3 =	vadd.f32 v11, v5;
	[tilespmem:$0x14000] =	vst v63  }
0x6c: {  	s1 =	sadd.s32 @!p0 $0x7B8, s29;
	s30 =	simm.s32 @!p0 $0x8D80;
	v1 =	vadd.f32 v2, v1  }
0x6d: {  	[tilespmem:s30], [sflag:$0x2] =	stream.indirect.gather @!p0 [hbm4b:s3+s31], $0x20, s1, s31, $0xb8;
	v0 =	vadd.f32 v3, v0;
	[tilespmem:$0x14000] =	vst v63  }
0x6e: {  	[tilespmem:s28+$0x13020] =	vst v1  }
0x6f: {  	[tilespmem:s28+$0x13030] =	vst v0  }
0x70: {  	_ =	swait.ge [sflag:s18], $0x1900  }
0x71: {  	[sflag:s18] =	ssyncset.done $0x0  }
0x72: {  	s30 =	simm.s32 $0x0;
	[sflag:s18] =	ssyncadd.s32 $0xFFFFE700  }
0x73: {  	v1 =	vld [tilespmem:s30+$0x9A40]  }
0x74: {  	v0 =	vld [tilespmem:s30+$0x9A50]  }
0x75: {  	v2 =	vld [tilespmem:s30+$0x9A00]  }
0x76: {  	v6 =	vimm.f32 $0.0e+00;
	v3 =	vld [tilespmem:s30+$0x9A10]  }
0x77: {  	s31 =	simm.s32 $0x200;
	v8 =	vimm.f32 $0.0e+00;
	v7 =	vimm.f32 $0.0e+00;
	v4 =	vimm.f32 $0.0e+00;
	v5 =	vld [tilespmem:s30+$0x9A20]  }
.LBB2_7:
0x78: {  	p1 =	sne.s32 s31, $0x6200;
	v9 =	vld [tilespmem:s30+$0x9A30];
	v10 =	vmov v1  }
0x79: {  	v11 =	vld [tilespmem:s30+$0x9A60];
	v12 =	vmov v0  }
0x7a: {  	v13 =	vld [tilespmem:s30+$0x9A70];
	s30 =	sshra.s32 s31, $0x2  }
.Ltmp4:
0x7b: {  	v1 =	vld [tilespmem:s30+$0x9A40];
	(pc) =	sbr.rel @p1 .LBB2_7-.Ltmp4, $4  }
0x7c: {  	v4 =	vadd.f32 v2, v4;
	v6 =	vadd.f32 v3, v6;
	v0 =	vld [tilespmem:s30+$0x9A50]  }
0x7d: {  	v8 =	vadd.f32 v5, v8;
	v2 =	vld [tilespmem:s30+$0x9A00];
	v7 =	vadd.f32 v9, v7  }
0x7e: {  	v4 =	vadd.f32 v10, v4;
	v6 =	vadd.f32 v12, v6;
	v3 =	vld [tilespmem:s30+$0x9A10]  }
0x7f: {  	s31 =	sadd.s32 $0x200, s31;
	v8 =	vadd.f32 v11, v8;
	v5 =	vld [tilespmem:s30+$0x9A20];
	v7 =	vadd.f32 v13, v7  }
0x80: {  	v9 =	vld [tilespmem:s30+$0x9A30]  }
0x81: {  	v10 =	vld [tilespmem:s30+$0x9A60]  }
0x82: {  	v11 =	vld [tilespmem:s30+$0x9A70];
	_ =	sdelay $0x1  }
0x83: {  	v2 =	vadd.f32 v2, v4;
	v4 =	vadd.f32 v5, v8  }
0x84: {  	v3 =	vadd.f32 v3, v6;
	v5 =	vadd.f32 v9, v7  }
0x85: {  	s1 =	sadd.s32 @!p0 $0x820, s29;
	s30 =	simm.s32 @!p0 $0x64;
	s31 =	simm.s32 @!p0 $0x9A00;
	v1 =	vadd.f32 v1, v2;
	v2 =	vadd.f32 v10, v4  }
0x86: {  	[tilespmem:s31], [sflag:$0x3] =	stream.indirect.gather @!p0 [hbm4b:s3+s30], $0x20, s1, s30, $0xb8;
	v0 =	vadd.f32 v0, v3;
	v3 =	vadd.f32 v11, v5;
	[tilespmem:$0x14000] =	vst v63  }
0x87: {  	s1 =	sadd.s32 @!p0 $0x888, s29;
	s31 =	simm.s32 @!p0 $0xA680;
	v1 =	vadd.f32 v2, v1  }
0x88: {  	[tilespmem:s31], [sflag:$0x3] =	stream.indirect.gather @!p0 [hbm4b:s3+s30], $0x20, s1, s30, $0xb8;
	v0 =	vadd.f32 v3, v0;
	[tilespmem:$0x14000] =	vst v63  }
0x89: {  	[tilespmem:s28+$0x13040] =	vst v1  }
0x8a: {  	[tilespmem:s28+$0x13050] =	vst v0  }
0x8b: {  	_ =	swait.ge [sflag:s19], $0x1900  }
0x8c: {  	[sflag:s19] =	ssyncset.done $0x0  }
0x8d: {  	s30 =	simm.s32 $0x0;
	[sflag:s19] =	ssyncadd.s32 $0xFFFFE700  }
0x8e: {  	v1 =	vld [tilespmem:s30+$0xB340]  }
0x8f: {  	v0 =	vld [tilespmem:s30+$0xB350]  }
0x90: {  	v2 =	vld [tilespmem:s30+$0xB300]  }
0x91: {  	v6 =	vimm.f32 $0.0e+00;
	v3 =	vld [tilespmem:s30+$0xB310]  }
0x92: {  	s31 =	simm.s32 $0x200;
	v8 =	vimm.f32 $0.0e+00;
	v7 =	vimm.f32 $0.0e+00;
	v4 =	vimm.f32 $0.0e+00;
	v5 =	vld [tilespmem:s30+$0xB320]  }
.LBB2_9:
0x93: {  	p1 =	sne.s32 s31, $0x6200;
	v9 =	vld [tilespmem:s30+$0xB330];
	v10 =	vmov v1  }
0x94: {  	v11 =	vld [tilespmem:s30+$0xB360];
	v12 =	vmov v0  }
0x95: {  	v13 =	vld [tilespmem:s30+$0xB370];
	s30 =	sshra.s32 s31, $0x2  }
.Ltmp5:
0x96: {  	v1 =	vld [tilespmem:s30+$0xB340];
	(pc) =	sbr.rel @p1 .LBB2_9-.Ltmp5, $4  }
0x97: {  	v4 =	vadd.f32 v2, v4;
	v6 =	vadd.f32 v3, v6;
	v0 =	vld [tilespmem:s30+$0xB350]  }
0x98: {  	v8 =	vadd.f32 v5, v8;
	v2 =	vld [tilespmem:s30+$0xB300];
	v7 =	vadd.f32 v9, v7  }
0x99: {  	v4 =	vadd.f32 v10, v4;
	v6 =	vadd.f32 v12, v6;
	v3 =	vld [tilespmem:s30+$0xB310]  }
0x9a: {  	s31 =	sadd.s32 $0x200, s31;
	v8 =	vadd.f32 v11, v8;
	v5 =	vld [tilespmem:s30+$0xB320];
	v7 =	vadd.f32 v13, v7  }
0x9b: {  	v9 =	vld [tilespmem:s30+$0xB330]  }
0x9c: {  	v10 =	vld [tilespmem:s30+$0xB360]  }
0x9d: {  	v11 =	vld [tilespmem:s30+$0xB370];
	_ =	sdelay $0x1  }
0x9e: {  	v2 =	vadd.f32 v2, v4;
	v4 =	vadd.f32 v5, v8  }
0x9f: {  	v3 =	vadd.f32 v3, v6;
	v5 =	vadd.f32 v9, v7  }
0xa0: {  	s1 =	sadd.s32 @!p0 $0x8F0, s29;
	s30 =	simm.s32 @!p0 $0x64;
	s31 =	simm.s32 @!p0 $0xB300;
	v1 =	vadd.f32 v1, v2;
	v2 =	vadd.f32 v10, v4  }
0xa1: {  	[tilespmem:s31], [sflag:$0x4] =	stream.indirect.gather @!p0 [hbm4b:s3+s30], $0x20, s1, s30, $0xb8;
	v0 =	vadd.f32 v0, v3;
	v3 =	vadd.f32 v11, v5;
	[tilespmem:$0x14000] =	vst v63  }
0xa2: {  	s1 =	sadd.s32 @!p0 $0x958, s29;
	s31 =	simm.s32 @!p0 $0xBF80;
	v1 =	vadd.f32 v2, v1  }
0xa3: {  	[tilespmem:s31], [sflag:$0x4] =	stream.indirect.gather @!p0 [hbm4b:s3+s30], $0x20, s1, s30, $0xb8;
	v0 =	vadd.f32 v3, v0;
	[tilespmem:$0x14000] =	vst v63  }
0xa4: {  	[tilespmem:s28+$0x13060] =	vst v1  }
0xa5: {  	[tilespmem:s28+$0x13070] =	vst v0  }
0xa6: {  	_ =	swait.ge [sflag:s20], $0x1900  }
0xa7: {  	[sflag:s20] =	ssyncset.done $0x0  }
0xa8: {  	s30 =	simm.s32 $0x0;
	[sflag:s20] =	ssyncadd.s32 $0xFFFFE700  }
0xa9: {  	v1 =	vld [tilespmem:s30+$0xCC40]  }
0xaa: {  	v0 =	vld [tilespmem:s30+$0xCC50]  }
0xab: {  	v2 =	vld [tilespmem:s30+$0xCC00]  }
0xac: {  	v6 =	vimm.f32 $0.0e+00;
	v3 =	vld [tilespmem:s30+$0xCC10]  }
0xad: {  	s31 =	simm.s32 $0x200;
	v8 =	vimm.f32 $0.0e+00;
	v7 =	vimm.f32 $0.0e+00;
	v4 =	vimm.f32 $0.0e+00;
	v5 =	vld [tilespmem:s30+$0xCC20]  }
.LBB2_11:
0xae: {  	p1 =	sne.s32 s31, $0x6200;
	v9 =	vld [tilespmem:s30+$0xCC30];
	v10 =	vmov v1  }
0xaf: {  	v11 =	vld [tilespmem:s30+$0xCC60];
	v12 =	vmov v0  }
0xb0: {  	v13 =	vld [tilespmem:s30+$0xCC70];
	s30 =	sshra.s32 s31, $0x2  }
.Ltmp6:
0xb1: {  	v1 =	vld [tilespmem:s30+$0xCC40];
	(pc) =	sbr.rel @p1 .LBB2_11-.Ltmp6, $4  }
0xb2: {  	v4 =	vadd.f32 v2, v4;
	v6 =	vadd.f32 v3, v6;
	v0 =	vld [tilespmem:s30+$0xCC50]  }
0xb3: {  	v8 =	vadd.f32 v5, v8;
	v2 =	vld [tilespmem:s30+$0xCC00];
	v7 =	vadd.f32 v9, v7  }
0xb4: {  	v4 =	vadd.f32 v10, v4;
	v6 =	vadd.f32 v12, v6;
	v3 =	vld [tilespmem:s30+$0xCC10]  }
0xb5: {  	s31 =	sadd.s32 $0x200, s31;
	v8 =	vadd.f32 v11, v8;
	v5 =	vld [tilespmem:s30+$0xCC20];
	v7 =	vadd.f32 v13, v7  }
0xb6: {  	v9 =	vld [tilespmem:s30+$0xCC30]  }
0xb7: {  	v10 =	vld [tilespmem:s30+$0xCC60]  }
0xb8: {  	v11 =	vld [tilespmem:s30+$0xCC70];
	_ =	sdelay $0x1  }
0xb9: {  	v2 =	vadd.f32 v2, v4;
	v4 =	vadd.f32 v5, v8  }
0xba: {  	v3 =	vadd.f32 v3, v6;
	v5 =	vadd.f32 v9, v7  }
0xbb: {  	s1 =	sadd.s32 @!p0 $0x9C0, s29;
	s30 =	simm.s32 @!p0 $0x64;
	s31 =	simm.s32 @!p0 $0xCC00;
	v1 =	vadd.f32 v1, v2;
	v2 =	vadd.f32 v10, v4  }
0xbc: {  	[tilespmem:s31], [sflag:$0x5] =	stream.indirect.gather @!p0 [hbm4b:s3+s30], $0x20, s1, s30, $0xb8;
	v0 =	vadd.f32 v0, v3;
	v3 =	vadd.f32 v11, v5;
	[tilespmem:$0x14000] =	vst v63  }
0xbd: {  	s1 =	sadd.s32 @!p0 $0xA28, s29;
	s31 =	simm.s32 @!p0 $0xD880;
	v1 =	vadd.f32 v2, v1  }
0xbe: {  	[tilespmem:s31], [sflag:$0x5] =	stream.indirect.gather @!p0 [hbm4b:s3+s30], $0x20, s1, s30, $0xb8;
	v0 =	vadd.f32 v3, v0;
	[tilespmem:$0x14000] =	vst v63  }
0xbf: {  	[tilespmem:s28+$0x13080] =	vst v1  }
0xc0: {  	[tilespmem:s28+$0x13090] =	vst v0  }
0xc1: {  	_ =	swait.ge [sflag:s21], $0x1900  }
0xc2: {  	[sflag:s21] =	ssyncset.done $0x0  }
0xc3: {  	s30 =	simm.s32 $0x0;
	[sflag:s21] =	ssyncadd.s32 $0xFFFFE700  }
0xc4: {  	v1 =	vld [tilespmem:s30+$0xE540]  }
0xc5: {  	v0 =	vld [tilespmem:s30+$0xE550]  }
0xc6: {  	v2 =	vld [tilespmem:s30+$0xE500]  }
0xc7: {  	v6 =	vimm.f32 $0.0e+00;
	v3 =	vld [tilespmem:s30+$0xE510]  }
0xc8: {  	s31 =	simm.s32 $0x200;
	v8 =	vimm.f32 $0.0e+00;
	v7 =	vimm.f32 $0.0e+00;
	v4 =	vimm.f32 $0.0e+00;
	v5 =	vld [tilespmem:s30+$0xE520]  }
.LBB2_13:
0xc9: {  	p1 =	sne.s32 s31, $0x6200;
	v9 =	vld [tilespmem:s30+$0xE530];
	v10 =	vmov v1  }
0xca: {  	v11 =	vld [tilespmem:s30+$0xE560];
	v12 =	vmov v0  }
0xcb: {  	v13 =	vld [tilespmem:s30+$0xE570];
	s30 =	sshra.s32 s31, $0x2  }
.Ltmp7:
0xcc: {  	v1 =	vld [tilespmem:s30+$0xE540];
	(pc) =	sbr.rel @p1 .LBB2_13-.Ltmp7, $4  }
0xcd: {  	v4 =	vadd.f32 v2, v4;
	v6 =	vadd.f32 v3, v6;
	v0 =	vld [tilespmem:s30+$0xE550]  }
0xce: {  	v8 =	vadd.f32 v5, v8;
	v2 =	vld [tilespmem:s30+$0xE500];
	v7 =	vadd.f32 v9, v7  }
0xcf: {  	v4 =	vadd.f32 v10, v4;
	v6 =	vadd.f32 v12, v6;
	v3 =	vld [tilespmem:s30+$0xE510]  }
0xd0: {  	s31 =	sadd.s32 $0x200, s31;
	v8 =	vadd.f32 v11, v8;
	v5 =	vld [tilespmem:s30+$0xE520];
	v7 =	vadd.f32 v13, v7  }
0xd1: {  	v9 =	vld [tilespmem:s30+$0xE530]  }
0xd2: {  	v10 =	vld [tilespmem:s30+$0xE560]  }
0xd3: {  	v11 =	vld [tilespmem:s30+$0xE570];
	_ =	sdelay $0x1  }
0xd4: {  	v2 =	vadd.f32 v2, v4;
	v4 =	vadd.f32 v5, v8  }
0xd5: {  	v3 =	vadd.f32 v3, v6;
	v5 =	vadd.f32 v9, v7  }
0xd6: {  	s1 =	sadd.s32 @!p0 $0xA90, s29;
	s30 =	simm.s32 @!p0 $0x64;
	s31 =	simm.s32 @!p0 $0xE500;
	v1 =	vadd.f32 v1, v2;
	v2 =	vadd.f32 v10, v4  }
0xd7: {  	[tilespmem:s31], [sflag:$0x6] =	stream.indirect.gather @!p0 [hbm4b:s3+s30], $0x20, s1, s30, $0xb8;
	v0 =	vadd.f32 v0, v3;
	v3 =	vadd.f32 v11, v5;
	[tilespmem:$0x14000] =	vst v63  }
0xd8: {  	s1 =	sadd.s32 @!p0 $0xAF8, s29;
	s31 =	simm.s32 @!p0 $0xF180;
	v1 =	vadd.f32 v2, v1  }
0xd9: {  	[tilespmem:s31], [sflag:$0x6] =	stream.indirect.gather @!p0 [hbm4b:s3+s30], $0x20, s1, s30, $0xb8;
	v0 =	vadd.f32 v3, v0;
	[tilespmem:$0x14000] =	vst v63  }
0xda: {  	[tilespmem:s28+$0x130A0] =	vst v1  }
0xdb: {  	[tilespmem:s28+$0x130B0] =	vst v0  }
0xdc: {  	_ =	swait.ge [sflag:s22], $0x1900  }
0xdd: {  	[sflag:s22] =	ssyncset.done $0x0  }
0xde: {  	s30 =	simm.s32 $0x0;
	[sflag:s22] =	ssyncadd.s32 $0xFFFFE700  }
0xdf: {  	v1 =	vld [tilespmem:s30+$0xFE40]  }
0xe0: {  	v0 =	vld [tilespmem:s30+$0xFE50]  }
0xe1: {  	v2 =	vld [tilespmem:s30+$0xFE00]  }
0xe2: {  	v6 =	vimm.f32 $0.0e+00;
	v3 =	vld [tilespmem:s30+$0xFE10]  }
0xe3: {  	s31 =	simm.s32 $0x200;
	v8 =	vimm.f32 $0.0e+00;
	v7 =	vimm.f32 $0.0e+00;
	v4 =	vimm.f32 $0.0e+00;
	v5 =	vld [tilespmem:s30+$0xFE20]  }
.LBB2_15:
0xe4: {  	p1 =	sne.s32 s31, $0x6200;
	v9 =	vld [tilespmem:s30+$0xFE30];
	v10 =	vmov v1  }
0xe5: {  	v11 =	vld [tilespmem:s30+$0xFE60];
	v12 =	vmov v0  }
0xe6: {  	v13 =	vld [tilespmem:s30+$0xFE70];
	s30 =	sshra.s32 s31, $0x2  }
.Ltmp8:
0xe7: {  	v1 =	vld [tilespmem:s30+$0xFE40];
	(pc) =	sbr.rel @p1 .LBB2_15-.Ltmp8, $4  }
0xe8: {  	v4 =	vadd.f32 v2, v4;
	v6 =	vadd.f32 v3, v6;
	v0 =	vld [tilespmem:s30+$0xFE50]  }
0xe9: {  	v8 =	vadd.f32 v5, v8;
	v2 =	vld [tilespmem:s30+$0xFE00];
	v7 =	vadd.f32 v9, v7  }
0xea: {  	v4 =	vadd.f32 v10, v4;
	v6 =	vadd.f32 v12, v6;
	v3 =	vld [tilespmem:s30+$0xFE10]  }
0xeb: {  	s31 =	sadd.s32 $0x200, s31;
	v8 =	vadd.f32 v11, v8;
	v5 =	vld [tilespmem:s30+$0xFE20];
	v7 =	vadd.f32 v13, v7  }
0xec: {  	v9 =	vld [tilespmem:s30+$0xFE30]  }
0xed: {  	v10 =	vld [tilespmem:s30+$0xFE60]  }
0xee: {  	v11 =	vld [tilespmem:s30+$0xFE70];
	_ =	sdelay $0x1  }
0xef: {  	v2 =	vadd.f32 v2, v4;
	v4 =	vadd.f32 v5, v8  }
0xf0: {  	v3 =	vadd.f32 v3, v6;
	v5 =	vadd.f32 v9, v7  }
0xf1: {  	s1 =	sadd.s32 @!p0 $0xB60, s29;
	s30 =	simm.s32 @!p0 $0x64;
	s31 =	simm.s32 @!p0 $0xFE00;
	v1 =	vadd.f32 v1, v2;
	v2 =	vadd.f32 v10, v4  }
0xf2: {  	[tilespmem:s31], [sflag:$0x7] =	stream.indirect.gather @!p0 [hbm4b:s3+s30], $0x20, s1, s30, $0xb8;
	v0 =	vadd.f32 v0, v3;
	v3 =	vadd.f32 v11, v5;
	[tilespmem:$0x14000] =	vst v63  }
0xf3: {  	s1 =	sadd.s32 @!p0 $0xBC8, s29;
	s29 =	simm.s32 @!p0 $0x10A80;
	v1 =	vadd.f32 v2, v1  }
0xf4: {  	[tilespmem:s29], [sflag:$0x7] =	stream.indirect.gather @!p0 [hbm4b:s3+s30], $0x20, s1, s30, $0xb8;
	v0 =	vadd.f32 v3, v0;
	[tilespmem:$0x14000] =	vst v63  }
0xf5: {  	[tilespmem:s28+$0x130C0] =	vst v1  }
0xf6: {  	[tilespmem:s28+$0x130D0] =	vst v0  }
0xf7: {  	_ =	swait.ge [sflag:s23], $0x1900  }
0xf8: {  	[sflag:s23] =	ssyncset.done $0x0  }
0xf9: {  	s29 =	simm.s32 $0x0;
	[sflag:s23] =	ssyncadd.s32 $0xFFFFE700  }
0xfa: {  	v1 =	vld [tilespmem:s29+$0x11740]  }
0xfb: {  	v0 =	vld [tilespmem:s29+$0x11750]  }
0xfc: {  	v2 =	vld [tilespmem:s29+$0x11700]  }
0xfd: {  	v6 =	vimm.f32 $0.0e+00;
	v3 =	vld [tilespmem:s29+$0x11710]  }
0xfe: {  	s30 =	simm.s32 $0x200;
	v8 =	vimm.f32 $0.0e+00;
	v7 =	vimm.f32 $0.0e+00;
	v5 =	vimm.f32 $0.0e+00;
	v4 =	vld [tilespmem:s29+$0x11720]  }
.LBB2_17:
0xff: {  	p1 =	sne.s32 s30, $0x6200;
	v9 =	vld [tilespmem:s29+$0x11730];
	v10 =	vmov v1  }
0x100: {  	v11 =	vld [tilespmem:s29+$0x11760];
	v12 =	vmov v0  }
0x101: {  	v13 =	vld [tilespmem:s29+$0x11770];
	s29 =	sshra.s32 s30, $0x2  }
.Ltmp9:
0x102: {  	v1 =	vld [tilespmem:s29+$0x11740];
	(pc) =	sbr.rel @p1 .LBB2_17-.Ltmp9, $4  }
0x103: {  	v5 =	vadd.f32 v2, v5;
	v6 =	vadd.f32 v3, v6;
	v0 =	vld [tilespmem:s29+$0x11750]  }
0x104: {  	v7 =	vadd.f32 v4, v7;
	v2 =	vld [tilespmem:s29+$0x11700];
	v8 =	vadd.f32 v9, v8  }
0x105: {  	v5 =	vadd.f32 v10, v5;
	v6 =	vadd.f32 v12, v6;
	v3 =	vld [tilespmem:s29+$0x11710]  }
0x106: {  	s30 =	sadd.s32 $0x200, s30;
	v7 =	vadd.f32 v11, v7;
	v4 =	vld [tilespmem:s29+$0x11720];
	v8 =	vadd.f32 v13, v8  }
0x107: {  	v9 =	vld [tilespmem:s29+$0x11730]  }
0x108: {  	v10 =	vld [tilespmem:s29+$0x11760]  }
0x109: {  	v11 =	vld [tilespmem:s29+$0x11770];
	_ =	sdelay $0x1  }
0x10a: {  	v2 =	vadd.f32 v2, v5;
	v3 =	vadd.f32 v3, v6  }
.Ltmp10:
0x10b: {  	v4 =	vadd.f32 v4, v7;
	v63 =	vadd.f32 v9, v8;
	(pc) =	sbr.rel @p0 .LBB2_20-.Ltmp10, $3  }
0x10c: {  	v1 =	vadd.f32 v1, v2;
	v0 =	vadd.f32 v0, v3  }
0x10d: {  	v2 =	vadd.f32 v10, v4;
	v3 =	vadd.f32 v11, v63;
	_ =	sdelay $0x1  }
0x10e: {  	v1 =	vadd.f32 v2, v1;
	v0 =	vadd.f32 v3, v0  }
0x10f: {  	s1 =	smul.u32 $0x1A00, s26;
	_ =	sdelay $0x1  }
0x110: {  	s1 =	sshra.s32 s1, $0x2  }
0x111: {  	s29 =	sadd.s32 $0xC30, s1  }
0x112: {  	[tilespmem:s13], [sflag:$0x8] =	stream.indirect.gather [hbm4b:s3+s8], $0x20, s29, s8, $0xb8;
	[tilespmem:$0x14000] =	vst v63  }
.Ltmp11:
0x113: {  	_ = 	snop;
	(pc) =	sbr.rel .LBB2_2-.Ltmp11, $4  }
0x114: {  	s1 =	sadd.s32 $0xC98, s1  }
0x115: {  	[tilespmem:s15], [sflag:$0x8] =	stream.indirect.gather [hbm4b:s3+s8], $0x20, s1, s8, $0xb8;
	[tilespmem:$0x14000] =	vst v63  }
0x116: {  	[tilespmem:s28+$0x130E0] =	vst v1  }
0x117: {  	s26 =	sadd.s32 $0x1, s26;
	[tilespmem:s28+$0x130F0] =	vst v0  }
.LBB2_21:
0x118: {  	_ =	sfence.sel $0x180000  }
0x119: {  	[bflag:$0x0] =	sbarrier.arrive $0xFFFF  }
0x11a: {  	_ =	strace $0x9000004A  }
0x11b: {  	s0 =	stileid.u32;
	[bflag:$0x2] =	sbarrier.arrive $0xFFFF  }
0x11c: {  	p0 =	sne.s32 s0, $0x0;
	s0 =	rddreg [dreg:$0x1]  }
0x11d: {  	s0 =	sadd.s32 @!p0 $0x100000, s0  }
0x11e: {  	[sflag:s0] =	ssyncadd.tile.s32 @!p0 $0x1;
	_ =	shalt  }
.Lfunc_end2:
_tile_overlayer_lowered:
.L_overlay_start_2:
0x11f: {  	(tag) =	ssettag $0x2  }
0x120: {  	s0 =	rddreg [dreg:$0x0];
	s2 =	stileid.u32  }
0x121: {  	s1 =	rddreg [dreg:$0x1];
	p0 =	sne.s32 s2, $0x0  }
0x122: {  	s3 =	rddreg [dreg:$0x2];
	[bflag:$0x3] =	sbarrier.arrive $0xFFFF;
	s2 =	simm.s32 @!p0 $0x1C09  }
0x123: {  	[timem:s3], [sflag:s2] =	dma.local @!p0 [hbm:s0], s1  }
0x124: {  	s0 =	simm.s32 @!p0 $0x9  }
0x125: {  	_ =	swait.ge @!p0 [sflag:s0], s1  }
0x126: {  	s1 =	ssub.s32 @!p0 $0x0, s1;
	[sflag:s0] =	ssyncset.done @!p0 $0x0  }
0x127: {  	[sflag:s0] =	ssyncadd.s32 @!p0 s1  }
0x128: {  	[bflag:$0x3] =	sbarrier.arrive $0xFFFF  }
0x129: {  	_ =	shalt  }

</sc_bundles>
